<compile_context>
chip_gen: v7x
topology: tpu7x:2x2x1
jax: 0.10.2.dev20260603
libtpu: 0.0.44.dev20260713+nightly
codegen_flags: <defaults>
</compile_context>

<pallas_src>
import functools

import jax
import jax.numpy as jnp
from jax import lax
from jax.experimental import pallas as pl
from jax.experimental.pallas import tpu as pltpu
from jax.experimental.pallas import tpu_sc as plsc

N_ROWS = 16384
N_COLS = 4096
NUM_CORES = 2
NUM_SUBCORES = 16
NW = NUM_CORES * NUM_SUBCORES
ROWS_PER_W = N_ROWS // NW
LANES = 16
PERIOD = 128
CHUNK_ROWS = 4
N_CHUNKS = ROWS_PER_W // CHUNK_ROWS
N_RING = N_CHUNKS - 2
N_GROUPS = N_RING // 3


def _apply_acts(src, dst):

    for r in range(CHUNK_ROWS):

        def body(q, carry, r=r):
            base = q * PERIOD
            for v in range(4):
                s = base + v * LANES
                x = src[r, pl.ds(s, LANES)]
                dst[r, pl.ds(s, LANES)] = jnp.maximum(x, 0.0)
            for v in range(4):
                s = base + 64 + v * LANES
                x = src[r, pl.ds(s, LANES)]
                dst[r, pl.ds(s, LANES)] = x / (1.0 + jnp.exp(x * -1.0))
            return carry

        lax.fori_loop(0, N_COLS // PERIOD, body, 0)


_MESH = plsc.VectorSubcoreMesh(core_axis_name="c", subcore_axis_name="s")


@functools.partial(
    pl.kernel,
    mesh=_MESH,
    out_type=jax.ShapeDtypeStruct((N_ROWS, N_COLS), jnp.float32),
    scratch_types=[
        pltpu.VMEM((CHUNK_ROWS, N_COLS), jnp.float32),
        pltpu.VMEM((CHUNK_ROWS, N_COLS), jnp.float32),
        pltpu.VMEM((CHUNK_ROWS, N_COLS), jnp.float32),
        pltpu.VMEM((CHUNK_ROWS, N_COLS), jnp.float32),
        pltpu.VMEM((CHUNK_ROWS, N_COLS), jnp.float32),
        pltpu.VMEM((CHUNK_ROWS, N_COLS), jnp.float32),
        pltpu.SemaphoreType.DMA,
        pltpu.SemaphoreType.DMA,
        pltpu.SemaphoreType.DMA,
        pltpu.SemaphoreType.DMA,
        pltpu.SemaphoreType.DMA,
        pltpu.SemaphoreType.DMA,
    ],
)
def _mixed_act_sc(
    x_hbm, out_hbm, ib0, ib1, ib2, ob0, ob1, ob2, is0, is1, is2, os0, os1, os2
):
    wid = lax.axis_index("s") * NUM_CORES + lax.axis_index("c")
    base_row = wid * ROWS_PER_W
    ibufs = (ib0, ib1, ib2)
    obufs = (ob0, ob1, ob2)
    isems = (is0, is1, is2)
    osems = (os0, os1, os2)

    def _src(j):
        return x_hbm.at[pl.ds(base_row + j * CHUNK_ROWS, CHUNK_ROWS), :]

    def _dst(j):
        return out_hbm.at[pl.ds(base_row + j * CHUNK_ROWS, CHUNK_ROWS), :]

    pltpu.async_copy(_src(0), ib0, is0)
    pltpu.async_copy(_src(1), ib1, is1)
    pltpu.async_copy(_src(2), ib2, is2)

    def group(g, carry):
        for b in range(3):
            j = 3 * g + b
            ib, ob, isem, osem = ibufs[b], obufs[b], isems[b], osems[b]
            pltpu.make_async_copy(_src(j), ib, isem).wait()
            @pl.when(g > 0)
            def _wait_store():
                pltpu.make_async_copy(ob, _dst(j), osem).wait()

            _apply_acts(ib, ob)
            pltpu.async_copy(ob, _dst(j), osem)

            @pl.when(j + 3 <= N_CHUNKS - 1)
            def _next_load():
                pltpu.async_copy(_src(j + 3), ib, isem)

        return carry

    lax.fori_loop(0, N_GROUPS, group, 0)

    for j, b in ((N_CHUNKS - 2, 0), (N_CHUNKS - 1, 1)):
        pltpu.make_async_copy(_src(j), ibufs[b], isems[b]).wait()
        pltpu.make_async_copy(obufs[b], _dst(j), osems[b]).wait()
        _apply_acts(ibufs[b], obufs[b])
        pltpu.async_copy(obufs[b], _dst(j), osems[b])

    pltpu.make_async_copy(ob2, _dst(N_CHUNKS - 3), os2).wait()
    pltpu.make_async_copy(ob0, _dst(N_CHUNKS - 2), os0).wait()
    pltpu.make_async_copy(ob1, _dst(N_CHUNKS - 1), os1).wait()


def kernel(input_tensor):
    return _mixed_act_sc(input_tensor)

# --- scband reference (transcript-rebuilt; emitter-appended) ---
"""Pipeline reference for scband-mixed-activation-layer-79053168050556 (READ-ONLY COPY).

The authoritative reference and input builder live on the scoring server;
editing this copy changes nothing except your own understanding.
"""

import math
import jax, jax.numpy as jnp
import numpy as np

N_FEATURES = 4096
N_REPEAT = 64

def _relu(x):
    return jnp.maximum(x, 0.0)

def _swish(x):
    return x * jax.nn.sigmoid(x)

ACT_FNS = [_relu, _swish]

def generate_masks(n_features, n_fns, n_repeat):
    masks = [[] for _ in range(n_fns)]
    for i in range(n_features):
        mask_idx = math.floor(i / n_repeat) % n_fns
        masks[mask_idx].append(i)
    return masks

MASKS = generate_masks(N_FEATURES, len(ACT_FNS), N_REPEAT)


def setup_inputs(seed: int = 0) -> dict:
    key = jax.random.key(seed)
    input_tensor = jax.random.normal(key, (16384, N_FEATURES), dtype=jnp.float32)
    return {"input_tensor": input_tensor}


def reference(input_tensor):
    # Faithful translation of MixedActivationLayer.forward:
    # output[:, mask] = act_fn(input_tensor[:, mask]) for each (act_fn, mask)
    output = jnp.zeros_like(input_tensor)
    for act_fn, mask in zip(ACT_FNS, MASKS):
        m = jnp.asarray(np.array(mask, dtype=np.int32))
        gathered = jnp.take(input_tensor, m, axis=1)
        output = output.at[:, m].set(act_fn(gathered))
    return output

if __name__ == "__main__":
    import jax
    _d = setup_inputs()
    print(jax.jit(kernel)(*tuple(_d.values())))

</pallas_src>

<mosaic_0001>
#map = affine_map<(d0, d1) -> (0, 0)>
module attributes {stable_mosaic.version = 14 : i64} {
  func.func @_mixed_act_sc(%arg0: i32, %arg1: i32, %arg2: memref<16384x4096xf32, #tpu.memory_space<hbm>>, %arg3: memref<16384x4096xf32, #tpu.memory_space<hbm>>, %arg4: memref<4x4096xf32, #tpu.memory_space<vmem>>, %arg5: memref<4x4096xf32, #tpu.memory_space<vmem>>, %arg6: memref<4x4096xf32, #tpu.memory_space<vmem>>, %arg7: memref<4x4096xf32, #tpu.memory_space<vmem>>, %arg8: memref<4x4096xf32, #tpu.memory_space<vmem>>, %arg9: memref<4x4096xf32, #tpu.memory_space<vmem>>, %arg10: memref<!tpu.dma_semaphore, #tpu.memory_space<semaphore_mem>>, %arg11: memref<!tpu.dma_semaphore, #tpu.memory_space<semaphore_mem>>, %arg12: memref<!tpu.dma_semaphore, #tpu.memory_space<semaphore_mem>>, %arg13: memref<!tpu.dma_semaphore, #tpu.memory_space<semaphore_mem>>, %arg14: memref<!tpu.dma_semaphore, #tpu.memory_space<semaphore_mem>>, %arg15: memref<!tpu.dma_semaphore, #tpu.memory_space<semaphore_mem>>) attributes {dimension_semantics = [#tpu.dimension_semantics<core_parallel>, #tpu.dimension_semantics<subcore_parallel>], iteration_bounds = array<i64: 2, 16>, scalar_prefetch = 0 : i64, scratch_operands = 12 : i64, tpu.core_type = #tpu.core_type<sc_vector_subcore>, window_params = [{transform_indices = #map}, {transform_indices = #map}]} {
    %mul3A = arith.constant 2 : i32
    %mul3A_0 = arith.muli %arg1, %mul3A : i32
    %add3A = arith.addi %mul3A_0, %arg0 : i32
    %mul3A_1 = arith.constant 512 : i32
    %mul3A_2 = arith.muli %add3A, %mul3A_1 : i32
    %add3A_3 = arith.constant 0 : i32
    %add3A_4 = arith.addi %mul3A_2, %add3A_3 : i32
    %dma_start3A = arith.constant 0 : i32
    %dma_start3A_5 = tpu.memref_slice %arg2[%add3A_4, %dma_start3A] : memref<16384x4096xf32, #tpu.memory_space<hbm>> -> memref<4x4096xf32, #tpu.memory_space<hbm>>
    %dma_start3A_6 = arith.constant 0 : i32
    %dma_start3A_7 = tpu.memref_slice %arg2[%add3A_4, %dma_start3A_6] : memref<16384x4096xf32, #tpu.memory_space<hbm>> -> memref<4x4096xf32, #tpu.memory_space<hbm>>
    tpu.enqueue_dma source(%dma_start3A_7 : memref<4x4096xf32, #tpu.memory_space<hbm>>) target(%arg4 : memref<4x4096xf32, #tpu.memory_space<vmem>>) target_semaphore(%arg10 : memref<!tpu.dma_semaphore, #tpu.memory_space<semaphore_mem>>)
    %add3A_8 = arith.constant 4 : i32
    %add3A_9 = arith.addi %mul3A_2, %add3A_8 : i32
    %dma_start3A_10 = arith.constant 0 : i32
    %dma_start3A_11 = tpu.memref_slice %arg2[%add3A_9, %dma_start3A_10] : memref<16384x4096xf32, #tpu.memory_space<hbm>> -> memref<4x4096xf32, #tpu.memory_space<hbm>>
    %dma_start3A_12 = arith.constant 0 : i32
    %dma_start3A_13 = tpu.memref_slice %arg2[%add3A_9, %dma_start3A_12] : memref<16384x4096xf32, #tpu.memory_space<hbm>> -> memref<4x4096xf32, #tpu.memory_space<hbm>>
    tpu.enqueue_dma source(%dma_start3A_13 : memref<4x4096xf32, #tpu.memory_space<hbm>>) target(%arg5 : memref<4x4096xf32, #tpu.memory_space<vmem>>) target_semaphore(%arg11 : memref<!tpu.dma_semaphore, #tpu.memory_space<semaphore_mem>>)
    %add3A_14 = arith.constant 8 : i32
    %add3A_15 = arith.addi %mul3A_2, %add3A_14 : i32
    %dma_start3A_16 = arith.constant 0 : i32
    %dma_start3A_17 = tpu.memref_slice %arg2[%add3A_15, %dma_start3A_16] : memref<16384x4096xf32, #tpu.memory_space<hbm>> -> memref<4x4096xf32, #tpu.memory_space<hbm>>
    %dma_start3A_18 = arith.constant 0 : i32
    %dma_start3A_19 = tpu.memref_slice %arg2[%add3A_15, %dma_start3A_18] : memref<16384x4096xf32, #tpu.memory_space<hbm>> -> memref<4x4096xf32, #tpu.memory_space<hbm>>
    tpu.enqueue_dma source(%dma_start3A_19 : memref<4x4096xf32, #tpu.memory_space<hbm>>) target(%arg6 : memref<4x4096xf32, #tpu.memory_space<vmem>>) target_semaphore(%arg12 : memref<!tpu.dma_semaphore, #tpu.memory_space<semaphore_mem>>)
    %scan3A = arith.constant 0 : i32
    %scan3A_20 = arith.constant 0 : i32
    %scan3A_21 = arith.constant 42 : i32
    %scan3A_22 = arith.addi %scan3A_20, %scan3A_21 : i32
    %scan3A_23 = arith.constant 1 : i32
    scf.for %scan3A_126 = %scan3A_20 to %scan3A_22 step %scan3A_23  : i32 {
      %mul3A_127 = arith.constant 3 : i32
      %mul3A_128 = arith.muli %mul3A_127, %scan3A_126 : i32
      %add3A_129 = arith.constant 0 : i32
      %add3A_130 = arith.addi %mul3A_128, %add3A_129 : i32
      %mul3A_131 = arith.constant 4 : i32
      %mul3A_132 = arith.muli %add3A_130, %mul3A_131 : i32
      %add3A_133 = arith.addi %mul3A_2, %mul3A_132 : i32
      %dma_wait3A_134 = arith.constant 0 : i32
      %dma_wait3A_135 = tpu.memref_slice %arg2[%add3A_133, %dma_wait3A_134] : memref<16384x4096xf32, #tpu.memory_space<hbm>> -> memref<4x4096xf32, #tpu.memory_space<hbm>>
      %dma_wait3A_136 = arith.constant 0 : i32
      %dma_wait3A_137 = tpu.memref_slice %arg2[%add3A_133, %dma_wait3A_136] : memref<16384x4096xf32, #tpu.memory_space<hbm>> -> memref<4x4096xf32, #tpu.memory_space<hbm>>
      tpu.wait_dma2 semaphore(%arg10 : memref<!tpu.dma_semaphore, #tpu.memory_space<semaphore_mem>>) src(%dma_wait3A_137 : memref<4x4096xf32, #tpu.memory_space<hbm>>) dst(%arg4 : memref<4x4096xf32, #tpu.memory_space<vmem>>)
      %gt3A = arith.constant 0 : i32
      %gt3A_138 = arith.cmpi sgt, %scan3A_126, %gt3A : i32
      %convert_element_type3A = arith.extui %gt3A_138 : i1 to i32
      %cond3A = arith.constant 0 : i32
      %cond3A_139 = arith.cmpi ne, %convert_element_type3A, %cond3A : i32
      scf.if %cond3A_139 {
        %mul3A_285 = arith.constant 4 : i32
        %mul3A_286 = arith.muli %add3A_130, %mul3A_285 : i32
        %add3A_287 = arith.addi %mul3A_2, %mul3A_286 : i32
        %dma_wait3A_288 = arith.constant 0 : i32
        %dma_wait3A_289 = tpu.memref_slice %arg3[%add3A_287, %dma_wait3A_288] : memref<16384x4096xf32, #tpu.memory_space<hbm>> -> memref<4x4096xf32, #tpu.memory_space<hbm>>
        %dma_wait3A_290 = arith.constant 0 : i32
        %dma_wait3A_291 = tpu.memref_slice %arg3[%add3A_287, %dma_wait3A_290] : memref<16384x4096xf32, #tpu.memory_space<hbm>> -> memref<4x4096xf32, #tpu.memory_space<hbm>>
        tpu.wait_dma2 semaphore(%arg13 : memref<!tpu.dma_semaphore, #tpu.memory_space<semaphore_mem>>) src(%arg7 : memref<4x4096xf32, #tpu.memory_space<vmem>>) dst(%dma_wait3A_291 : memref<4x4096xf32, #tpu.memory_space<hbm>>)
      } else {
      }
      %scan3A_140 = arith.constant 0 : i32
      %scan3A_141 = arith.constant 0 : i32
      %scan3A_142 = arith.constant 32 : i32
      %scan3A_143 = arith.addi %scan3A_141, %scan3A_142 : i32
      %scan3A_144 = arith.constant 1 : i32
      scf.for %scan3A_285 = %scan3A_141 to %scan3A_143 step %scan3A_144  : i32 {
        %mul3A_286 = arith.constant 128 : i32
        %mul3A_287 = arith.muli %scan3A_285, %mul3A_286 : i32
        %add3A_288 = arith.constant 0 : i32
        %add3A_289 = arith.addi %mul3A_287, %add3A_288 : i32
        %get3A = arith.constant 0 : i32
        %get3A_290 = arith.index_cast %get3A : i32 to index
        %get3A_291 = arith.index_cast %add3A_289 : i32 to index
        %get3A_292 = tpu.vector_load %arg4[%get3A_290, %get3A_291] {strides = array<i32>} : memref<4x4096xf32, #tpu.memory_space<vmem>>, vector<1x16xf32>,
        %get3A_293 = vector.shape_cast %get3A_292 : vector<1x16xf32> to vector<16xf32>
        %max3A = arith.constant 0.000000e+00 : f32
        %max3A_294 = vector.broadcast %max3A : f32 to vector<16xf32>
        %max3A_295 = arith.maximumf %get3A_293, %max3A_294 : vector<16xf32>
        %swap3A = arith.constant 0 : i32
        %swap3A_296 = arith.index_cast %swap3A : i32 to index
        %swap3A_297 = arith.index_cast %add3A_289 : i32 to index
        %swap3A_298 = tpu.vector_load %arg7[%swap3A_296, %swap3A_297] {strides = array<i32>} : memref<4x4096xf32, #tpu.memory_space<vmem>>, vector<1x16xf32>,
        %swap3A_299 = vector.shape_cast %swap3A_298 : vector<1x16xf32> to vector<16xf32>
        %swap3A_300 = vector.shape_cast %max3A_295 : vector<16xf32> to vector<1x16xf32>
        tpu.vector_store %arg7[%swap3A_296, %swap3A_297], %swap3A_300 {strides = array<i32>} : memref<4x4096xf32, #tpu.memory_space<vmem>>, vector<1x16xf32>,
        %add3A_301 = arith.constant 16 : i32
        %add3A_302 = arith.addi %mul3A_287, %add3A_301 : i32
        %get3A_303 = arith.constant 0 : i32
        %get3A_304 = arith.index_cast %get3A_303 : i32 to index
        %get3A_305 = arith.index_cast %add3A_302 : i32 to index
        %get3A_306 = tpu.vector_load %arg4[%get3A_304, %get3A_305] {strides = array<i32>} : memref<4x4096xf32, #tpu.memory_space<vmem>>, vector<1x16xf32>,
        %get3A_307 = vector.shape_cast %get3A_306 : vector<1x16xf32> to vector<16xf32>
        %max3A_308 = arith.constant 0.000000e+00 : f32
        %max3A_309 = vector.broadcast %max3A_308 : f32 to vector<16xf32>
        %max3A_310 = arith.maximumf %get3A_307, %max3A_309 : vector<16xf32>
        %swap3A_311 = arith.constant 0 : i32
        %swap3A_312 = arith.index_cast %swap3A_311 : i32 to index
        %swap3A_313 = arith.index_cast %add3A_302 : i32 to index
        %swap3A_314 = tpu.vector_load %arg7[%swap3A_312, %swap3A_313] {strides = array<i32>} : memref<4x4096xf32, #tpu.memory_space<vmem>>, vector<1x16xf32>,
        %swap3A_315 = vector.shape_cast %swap3A_314 : vector<1x16xf32> to vector<16xf32>
        %swap3A_316 = vector.shape_cast %max3A_310 : vector<16xf32> to vector<1x16xf32>
        tpu.vector_store %arg7[%swap3A_312, %swap3A_313], %swap3A_316 {strides = array<i32>} : memref<4x4096xf32, #tpu.memory_space<vmem>>, vector<1x16xf32>,
        %add3A_317 = arith.constant 32 : i32
        %add3A_318 = arith.addi %mul3A_287, %add3A_317 : i32
        %get3A_319 = arith.constant 0 : i32
        %get3A_320 = arith.index_cast %get3A_319 : i32 to index
        %get3A_321 = arith.index_cast %add3A_318 : i32 to index
        %get3A_322 = tpu.vector_load %arg4[%get3A_320, %get3A_321] {strides = array<i32>} : memref<4x4096xf32, #tpu.memory_space<vmem>>, vector<1x16xf32>,
        %get3A_323 = vector.shape_cast %get3A_322 : vector<1x16xf32> to vector<16xf32>
        %max3A_324 = arith.constant 0.000000e+00 : f32
        %max3A_325 = vector.broadcast %max3A_324 : f32 to vector<16xf32>
        %max3A_326 = arith.maximumf %get3A_323, %max3A_325 : vector<16xf32>
        %swap3A_327 = arith.constant 0 : i32
        %swap3A_328 = arith.index_cast %swap3A_327 : i32 to index
        %swap3A_329 = arith.index_cast %add3A_318 : i32 to index
        %swap3A_330 = tpu.vector_load %arg7[%swap3A_328, %swap3A_329] {strides = array<i32>} : memref<4x4096xf32, #tpu.memory_space<vmem>>, vector<1x16xf32>,
        %swap3A_331 = vector.shape_cast %swap3A_330 : vector<1x16xf32> to vector<16xf32>
        %swap3A_332 = vector.shape_cast %max3A_326 : vector<16xf32> to vector<1x16xf32>
        tpu.vector_store %arg7[%swap3A_328, %swap3A_329], %swap3A_332 {strides = array<i32>} : memref<4x4096xf32, #tpu.memory_space<vmem>>, vector<1x16xf32>,
        %add3A_333 = arith.constant 48 : i32
        %add3A_334 = arith.addi %mul3A_287, %add3A_333 : i32
        %get3A_335 = arith.constant 0 : i32
        %get3A_336 = arith.index_cast %get3A_335 : i32 to index
        %get3A_337 = arith.index_cast %add3A_334 : i32 to index
        %get3A_338 = tpu.vector_load %arg4[%get3A_336, %get3A_337] {strides = array<i32>} : memref<4x4096xf32, #tpu.memory_space<vmem>>, vector<1x16xf32>,
        %get3A_339 = vector.shape_cast %get3A_338 : vector<1x16xf32> to vector<16xf32>
        %max3A_340 = arith.constant 0.000000e+00 : f32
        %max3A_341 = vector.broadcast %max3A_340 : f32 to vector<16xf32>
        %max3A_342 = arith.maximumf %get3A_339, %max3A_341 : vector<16xf32>
        %swap3A_343 = arith.constant 0 : i32
        %swap3A_344 = arith.index_cast %swap3A_343 : i32 to index
        %swap3A_345 = arith.index_cast %add3A_334 : i32 to index
        %swap3A_346 = tpu.vector_load %arg7[%swap3A_344, %swap3A_345] {strides = array<i32>} : memref<4x4096xf32, #tpu.memory_space<vmem>>, vector<1x16xf32>,
        %swap3A_347 = vector.shape_cast %swap3A_346 : vector<1x16xf32> to vector<16xf32>
        %swap3A_348 = vector.shape_cast %max3A_342 : vector<16xf32> to vector<1x16xf32>
        tpu.vector_store %arg7[%swap3A_344, %swap3A_345], %swap3A_348 {strides = array<i32>} : memref<4x4096xf32, #tpu.memory_space<vmem>>, vector<1x16xf32>,
        %add3A_349 = arith.constant 64 : i32
        %add3A_350 = arith.addi %mul3A_287, %add3A_349 : i32
        %add3A_351 = arith.constant 0 : i32
        %add3A_352 = arith.addi %add3A_350, %add3A_351 : i32
        %get3A_353 = arith.constant 0 : i32
        %get3A_354 = arith.index_cast %get3A_353 : i32 to index
        %get3A_355 = arith.index_cast %add3A_352 : i32 to index
        %get3A_356 = tpu.vector_load %arg4[%get3A_354, %get3A_355] {strides = array<i32>} : memref<4x4096xf32, #tpu.memory_space<vmem>>, vector<1x16xf32>,
        %get3A_357 = vector.shape_cast %get3A_356 : vector<1x16xf32> to vector<16xf32>
        %mul3A_358 = arith.constant -1.000000e+00 : f32
        %mul3A_359 = vector.broadcast %mul3A_358 : f32 to vector<16xf32>
        %mul3A_360 = arith.mulf %get3A_357, %mul3A_359 : vector<16xf32>
        %exp3A = math.exp %mul3A_360 : vector<16xf32>
        %add3A_361 = arith.constant 1.000000e+00 : f32
        %add3A_362 = vector.broadcast %add3A_361 : f32 to vector<16xf32>
        %add3A_363 = arith.addf %add3A_362, %exp3A : vector<16xf32>
        %div3A = arith.divf %get3A_357, %add3A_363 : vector<16xf32>
        %swap3A_364 = arith.constant 0 : i32
        %swap3A_365 = arith.index_cast %swap3A_364 : i32 to index
        %swap3A_366 = arith.index_cast %add3A_352 : i32 to index
        %swap3A_367 = tpu.vector_load %arg7[%swap3A_365, %swap3A_366] {strides = array<i32>} : memref<4x4096xf32, #tpu.memory_space<vmem>>, vector<1x16xf32>,
        %swap3A_368 = vector.shape_cast %swap3A_367 : vector<1x16xf32> to vector<16xf32>
        %swap3A_369 = vector.shape_cast %div3A : vector<16xf32> to vector<1x16xf32>
        tpu.vector_store %arg7[%swap3A_365, %swap3A_366], %swap3A_369 {strides = array<i32>} : memref<4x4096xf32, #tpu.memory_space<vmem>>, vector<1x16xf32>,
        %add3A_370 = arith.constant 64 : i32
        %add3A_371 = arith.addi %mul3A_287, %add3A_370 : i32
        %add3A_372 = arith.constant 16 : i32
        %add3A_373 = arith.addi %add3A_371, %add3A_372 : i32
        %get3A_374 = arith.constant 0 : i32
        %get3A_375 = arith.index_cast %get3A_374 : i32 to index
        %get3A_376 = arith.index_cast %add3A_373 : i32 to index
        %get3A_377 = tpu.vector_load %arg4[%get3A_375, %get3A_376] {strides = array<i32>} : memref<4x4096xf32, #tpu.memory_space<vmem>>, vector<1x16xf32>,
        %get3A_378 = vector.shape_cast %get3A_377 : vector<1x16xf32> to vector<16xf32>
        %mul3A_379 = arith.constant -1.000000e+00 : f32
        %mul3A_380 = vector.broadcast %mul3A_379 : f32 to vector<16xf32>
        %mul3A_381 = arith.mulf %get3A_378, %mul3A_380 : vector<16xf32>
        %exp3A_382 = math.exp %mul3A_381 : vector<16xf32>
        %add3A_383 = arith.constant 1.000000e+00 : f32
        %add3A_384 = vector.broadcast %add3A_383 : f32 to vector<16xf32>
        %add3A_385 = arith.addf %add3A_384, %exp3A_382 : vector<16xf32>
        %div3A_386 = arith.divf %get3A_378, %add3A_385 : vector<16xf32>
        %swap3A_387 = arith.constant 0 : i32
        %swap3A_388 = arith.index_cast %swap3A_387 : i32 to index
        %swap3A_389 = arith.index_cast %add3A_373 : i32 to index
        %swap3A_390 = tpu.vector_load %arg7[%swap3A_388, %swap3A_389] {strides = array<i32>} : memref<4x4096xf32, #tpu.memory_space<vmem>>, vector<1x16xf32>,
        %swap3A_391 = vector.shape_cast %swap3A_390 : vector<1x16xf32> to vector<16xf32>
        %swap3A_392 = vector.shape_cast %div3A_386 : vector<16xf32> to vector<1x16xf32>
        tpu.vector_store %arg7[%swap3A_388, %swap3A_389], %swap3A_392 {strides = array<i32>} : memref<4x4096xf32, #tpu.memory_space<vmem>>, vector<1x16xf32>,
        %add3A_393 = arith.constant 64 : i32
        %add3A_394 = arith.addi %mul3A_287, %add3A_393 : i32
        %add3A_395 = arith.constant 32 : i32
        %add3A_396 = arith.addi %add3A_394, %add3A_395 : i32
        %get3A_397 = arith.constant 0 : i32
        %get3A_398 = arith.index_cast %get3A_397 : i32 to index
        %get3A_399 = arith.index_cast %add3A_396 : i32 to index
        %get3A_400 = tpu.vector_load %arg4[%get3A_398, %get3A_399] {strides = array<i32>} : memref<4x4096xf32, #tpu.memory_space<vmem>>, vector<1x16xf32>,
        %get3A_401 = vector.shape_cast %get3A_400 : vector<1x16xf32> to vector<16xf32>
        %mul3A_402 = arith.constant -1.000000e+00 : f32
        %mul3A_403 = vector.broadcast %mul3A_402 : f32 to vector<16xf32>
        %mul3A_404 = arith.mulf %get3A_401, %mul3A_403 : vector<16xf32>
        %exp3A_405 = math.exp %mul3A_404 : vector<16xf32>
        %add3A_406 = arith.constant 1.000000e+00 : f32
        %add3A_407 = vector.broadcast %add3A_406 : f32 to vector<16xf32>
        %add3A_408 = arith.addf %add3A_407, %exp3A_405 : vector<16xf32>
        %div3A_409 = arith.divf %get3A_401, %add3A_408 : vector<16xf32>
        %swap3A_410 = arith.constant 0 : i32
        %swap3A_411 = arith.index_cast %swap3A_410 : i32 to index
        %swap3A_412 = arith.index_cast %add3A_396 : i32 to index
        %swap3A_413 = tpu.vector_load %arg7[%swap3A_411, %swap3A_412] {strides = array<i32>} : memref<4x4096xf32, #tpu.memory_space<vmem>>, vector<1x16xf32>,
        %swap3A_414 = vector.shape_cast %swap3A_413 : vector<1x16xf32> to vector<16xf32>
        %swap3A_415 = vector.shape_cast %div3A_409 : vector<16xf32> to vector<1x16xf32>
        tpu.vector_store %arg7[%swap3A_411, %swap3A_412], %swap3A_415 {strides = array<i32>} : memref<4x4096xf32, #tpu.memory_space<vmem>>, vector<1x16xf32>,
        %add3A_416 = arith.constant 64 : i32
        %add3A_417 = arith.addi %mul3A_287, %add3A_416 : i32
        %add3A_418 = arith.constant 48 : i32
        %add3A_419 = arith.addi %add3A_417, %add3A_418 : i32
        %get3A_420 = arith.constant 0 : i32
        %get3A_421 = arith.index_cast %get3A_420 : i32 to index
        %get3A_422 = arith.index_cast %add3A_419 : i32 to index
        %get3A_423 = tpu.vector_load %arg4[%get3A_421, %get3A_422] {strides = array<i32>} : memref<4x4096xf32, #tpu.memory_space<vmem>>, vector<1x16xf32>,
        %get3A_424 = vector.shape_cast %get3A_423 : vector<1x16xf32> to vector<16xf32>
        %mul3A_425 = arith.constant -1.000000e+00 : f32
        %mul3A_426 = vector.broadcast %mul3A_425 : f32 to vector<16xf32>
        %mul3A_427 = arith.mulf %get3A_424, %mul3A_426 : vector<16xf32>
        %exp3A_428 = math.exp %mul3A_427 : vector<16xf32>
        %add3A_429 = arith.constant 1.000000e+00 : f32
        %add3A_430 = vector.broadcast %add3A_429 : f32 to vector<16xf32>
        %add3A_431 = arith.addf %add3A_430, %exp3A_428 : vector<16xf32>
        %div3A_432 = arith.divf %get3A_424, %add3A_431 : vector<16xf32>
        %swap3A_433 = arith.constant 0 : i32
        %swap3A_434 = arith.index_cast %swap3A_433 : i32 to index
        %swap3A_435 = arith.index_cast %add3A_419 : i32 to index
        %swap3A_436 = tpu.vector_load %arg7[%swap3A_434, %swap3A_435] {strides = array<i32>} : memref<4x4096xf32, #tpu.memory_space<vmem>>, vector<1x16xf32>,
        %swap3A_437 = vector.shape_cast %swap3A_436 : vector<1x16xf32> to vector<16xf32>
        %swap3A_438 = vector.shape_cast %div3A_432 : vector<16xf32> to vector<1x16xf32>
        tpu.vector_store %arg7[%swap3A_434, %swap3A_435], %swap3A_438 {strides = array<i32>} : memref<4x4096xf32, #tpu.memory_space<vmem>>, vector<1x16xf32>,
      }
      %scan3A_145 = arith.constant 32 : i32
      %scan3A_146 = arith.constant 0 : i32
      %scan3A_147 = arith.constant 0 : i32
      %scan3A_148 = arith.constant 32 : i32
      %scan3A_149 = arith.addi %scan3A_147, %scan3A_148 : i32
      %scan3A_150 = arith.constant 1 : i32
      scf.for %scan3A_285 = %scan3A_147 to %scan3A_149 step %scan3A_150  : i32 {
        %mul3A_286 = arith.constant 128 : i32
        %mul3A_287 = arith.muli %scan3A_285, %mul3A_286 : i32
        %add3A_288 = arith.constant 0 : i32
        %add3A_289 = arith.addi %mul3A_287, %add3A_288 : i32
        %get3A = arith.constant 1 : i32
        %get3A_290 = arith.index_cast %get3A : i32 to index
        %get3A_291 = arith.index_cast %add3A_289 : i32 to index
        %get3A_292 = tpu.vector_load %arg4[%get3A_290, %get3A_291] {strides = array<i32>} : memref<4x4096xf32, #tpu.memory_space<vmem>>, vector<1x16xf32>,
        %get3A_293 = vector.shape_cast %get3A_292 : vector<1x16xf32> to vector<16xf32>
        %max3A = arith.constant 0.000000e+00 : f32
        %max3A_294 = vector.broadcast %max3A : f32 to vector<16xf32>
        %max3A_295 = arith.maximumf %get3A_293, %max3A_294 : vector<16xf32>
        %swap3A = arith.constant 1 : i32
        %swap3A_296 = arith.index_cast %swap3A : i32 to index
        %swap3A_297 = arith.index_cast %add3A_289 : i32 to index
        %swap3A_298 = tpu.vector_load %arg7[%swap3A_296, %swap3A_297] {strides = array<i32>} : memref<4x4096xf32, #tpu.memory_space<vmem>>, vector<1x16xf32>,
        %swap3A_299 = vector.shape_cast %swap3A_298 : vector<1x16xf32> to vector<16xf32>
        %swap3A_300 = vector.shape_cast %max3A_295 : vector<16xf32> to vector<1x16xf32>
        tpu.vector_store %arg7[%swap3A_296, %swap3A_297], %swap3A_300 {strides = array<i32>} : memref<4x4096xf32, #tpu.memory_space<vmem>>, vector<1x16xf32>,
        %add3A_301 = arith.constant 16 : i32
        %add3A_302 = arith.addi %mul3A_287, %add3A_301 : i32
        %get3A_303 = arith.constant 1 : i32
        %get3A_304 = arith.index_cast %get3A_303 : i32 to index
        %get3A_305 = arith.index_cast %add3A_302 : i32 to index
        %get3A_306 = tpu.vector_load %arg4[%get3A_304, %get3A_305] {strides = array<i32>} : memref<4x4096xf32, #tpu.memory_space<vmem>>, vector<1x16xf32>,
        %get3A_307 = vector.shape_cast %get3A_306 : vector<1x16xf32> to vector<16xf32>
        %max3A_308 = arith.constant 0.000000e+00 : f32
        %max3A_309 = vector.broadcast %max3A_308 : f32 to vector<16xf32>
        %max3A_310 = arith.maximumf %get3A_307, %max3A_309 : vector<16xf32>
        %swap3A_311 = arith.constant 1 : i32
        %swap3A_312 = arith.index_cast %swap3A_311 : i32 to index
        %swap3A_313 = arith.index_cast %add3A_302 : i32 to index
        %swap3A_314 = tpu.vector_load %arg7[%swap3A_312, %swap3A_313] {strides = array<i32>} : memref<4x4096xf32, #tpu.memory_space<vmem>>, vector<1x16xf32>,
        %swap3A_315 = vector.shape_cast %swap3A_314 : vector<1x16xf32> to vector<16xf32>
        %swap3A_316 = vector.shape_cast %max3A_310 : vector<16xf32> to vector<1x16xf32>
        tpu.vector_store %arg7[%swap3A_312, %swap3A_313], %swap3A_316 {strides = array<i32>} : memref<4x4096xf32, #tpu.memory_space<vmem>>, vector<1x16xf32>,
        %add3A_317 = arith.constant 32 : i32
        %add3A_318 = arith.addi %mul3A_287, %add3A_317 : i32
        %get3A_319 = arith.constant 1 : i32
        %get3A_320 = arith.index_cast %get3A_319 : i32 to index
        %get3A_321 = arith.index_cast %add3A_318 : i32 to index
        %get3A_322 = tpu.vector_load %arg4[%get3A_320, %get3A_321] {strides = array<i32>} : memref<4x4096xf32, #tpu.memory_space<vmem>>, vector<1x16xf32>,
        %get3A_323 = vector.shape_cast %get3A_322 : vector<1x16xf32> to vector<16xf32>
        %max3A_324 = arith.constant 0.000000e+00 : f32
        %max3A_325 = vector.broadcast %max3A_324 : f32 to vector<16xf32>
        %max3A_326 = arith.maximumf %get3A_323, %max3A_325 : vector<16xf32>
        %swap3A_327 = arith.constant 1 : i32
        %swap3A_328 = arith.index_cast %swap3A_327 : i32 to index
        %swap3A_329 = arith.index_cast %add3A_318 : i32 to index
        %swap3A_330 = tpu.vector_load %arg7[%swap3A_328, %swap3A_329] {strides = array<i32>} : memref<4x4096xf32, #tpu.memory_space<vmem>>, vector<1x16xf32>,
        %swap3A_331 = vector.shape_cast %swap3A_330 : vector<1x16xf32> to vector<16xf32>
        %swap3A_332 = vector.shape_cast %max3A_326 : vector<16xf32> to vector<1x16xf32>
        tpu.vector_store %arg7[%swap3A_328, %swap3A_329], %swap3A_332 {strides = array<i32>} : memref<4x4096xf32, #tpu.memory_space<vmem>>, vector<1x16xf32>,
        %add3A_333 = arith.constant 48 : i32
        %add3A_334 = arith.addi %mul3A_287, %add3A_333 : i32
        %get3A_335 = arith.constant 1 : i32
        %get3A_336 = arith.index_cast %get3A_335 : i32 to index
        %get3A_337 = arith.index_cast %add3A_334 : i32 to index
        %get3A_338 = tpu.vector_load %arg4[%get3A_336, %get3A_337] {strides = array<i32>} : memref<4x4096xf32, #tpu.memory_space<vmem>>, vector<1x16xf32>,
        %get3A_339 = vector.shape_cast %get3A_338 : vector<1x16xf32> to vector<16xf32>
        %max3A_340 = arith.constant 0.000000e+00 : f32
        %max3A_341 = vector.broadcast %max3A_340 : f32 to vector<16xf32>
        %max3A_342 = arith.maximumf %get3A_339, %max3A_341 : vector<16xf32>
        %swap3A_343 = arith.constant 1 : i32
        %swap3A_344 = arith.index_cast %swap3A_343 : i32 to index
        %swap3A_345 = arith.index_cast %add3A_334 : i32 to index
        %swap3A_346 = tpu.vector_load %arg7[%swap3A_344, %swap3A_345] {strides = array<i32>} : memref<4x4096xf32, #tpu.memory_space<vmem>>, vector<1x16xf32>,
        %swap3A_347 = vector.shape_cast %swap3A_346 : vector<1x16xf32> to vector<16xf32>
        %swap3A_348 = vector.shape_cast %max3A_342 : vector<16xf32> to vector<1x16xf32>
        tpu.vector_store %arg7[%swap3A_344, %swap3A_345], %swap3A_348 {strides = array<i32>} : memref<4x4096xf32, #tpu.memory_space<vmem>>, vector<1x16xf32>,
        %add3A_349 = arith.constant 64 : i32
        %add3A_350 = arith.addi %mul3A_287, %add3A_349 : i32
        %add3A_351 = arith.constant 0 : i32
        %add3A_352 = arith.addi %add3A_350, %add3A_351 : i32
        %get3A_353 = arith.constant 1 : i32
        %get3A_354 = arith.index_cast %get3A_353 : i32 to index
        %get3A_355 = arith.index_cast %add3A_352 : i32 to index
        %get3A_356 = tpu.vector_load %arg4[%get3A_354, %get3A_355] {strides = array<i32>} : memref<4x4096xf32, #tpu.memory_space<vmem>>, vector<1x16xf32>,
        %get3A_357 = vector.shape_cast %get3A_356 : vector<1x16xf32> to vector<16xf32>
        %mul3A_358 = arith.constant -1.000000e+00 : f32
        %mul3A_359 = vector.broadcast %mul3A_358 : f32 to vector<16xf32>
        %mul3A_360 = arith.mulf %get3A_357, %mul3A_359 : vector<16xf32>
        %exp3A = math.exp %mul3A_360 : vector<16xf32>
        %add3A_361 = arith.constant 1.000000e+00 : f32
        %add3A_362 = vector.broadcast %add3A_361 : f32 to vector<16xf32>
        %add3A_363 = arith.addf %add3A_362, %exp3A : vector<16xf32>
        %div3A = arith.divf %get3A_357, %add3A_363 : vector<16xf32>
        %swap3A_364 = arith.constant 1 : i32
        %swap3A_365 = arith.index_cast %swap3A_364 : i32 to index
        %swap3A_366 = arith.index_cast %add3A_352 : i32 to index
        %swap3A_367 = tpu.vector_load %arg7[%swap3A_365, %swap3A_366] {strides = array<i32>} : memref<4x4096xf32, #tpu.memory_space<vmem>>, vector<1x16xf32>,
        %swap3A_368 = vector.shape_cast %swap3A_367 : vector<1x16xf32> to vector<16xf32>
        %swap3A_369 = vector.shape_cast %div3A : vector<16xf32> to vector<1x16xf32>
        tpu.vector_store %arg7[%swap3A_365, %swap3A_366], %swap3A_369 {strides = array<i32>} : memref<4x4096xf32, #tpu.memory_space<vmem>>, vector<1x16xf32>,
        %add3A_370 = arith.constant 64 : i32
        %add3A_371 = arith.addi %mul3A_287, %add3A_370 : i32
        %add3A_372 = arith.constant 16 : i32
        %add3A_373 = arith.addi %add3A_371, %add3A_372 : i32
        %get3A_374 = arith.constant 1 : i32
        %get3A_375 = arith.index_cast %get3A_374 : i32 to index
        %get3A_376 = arith.index_cast %add3A_373 : i32 to index
        %get3A_377 = tpu.vector_load %arg4[%get3A_375, %get3A_376] {strides = array<i32>} : memref<4x4096xf32, #tpu.memory_space<vmem>>, vector<1x16xf32>,
        %get3A_378 = vector.shape_cast %get3A_377 : vector<1x16xf32> to vector<16xf32>
        %mul3A_379 = arith.constant -1.000000e+00 : f32
        %mul3A_380 = vector.broadcast %mul3A_379 : f32 to vector<16xf32>
        %mul3A_381 = arith.mulf %get3A_378, %mul3A_380 : vector<16xf32>
        %exp3A_382 = math.exp %mul3A_381 : vector<16xf32>
        %add3A_383 = arith.constant 1.000000e+00 : f32
        %add3A_384 = vector.broadcast %add3A_383 : f32 to vector<16xf32>
        %add3A_385 = arith.addf %add3A_384, %exp3A_382 : vector<16xf32>
        %div3A_386 = arith.divf %get3A_378, %add3A_385 : vector<16xf32>
        %swap3A_387 = arith.constant 1 : i32
        %swap3A_388 = arith.index_cast %swap3A_387 : i32 to index
        %swap3A_389 = arith.index_cast %add3A_373 : i32 to index
        %swap3A_390 = tpu.vector_load %arg7[%swap3A_388, %swap3A_389] {strides = array<i32>} : memref<4x4096xf32, #tpu.memory_space<vmem>>, vector<1x16xf32>,
        %swap3A_391 = vector.shape_cast %swap3A_390 : vector<1x16xf32> to vector<16xf32>
        %swap3A_392 = vector.shape_cast %div3A_386 : vector<16xf32> to vector<1x16xf32>
        tpu.vector_store %arg7[%swap3A_388, %swap3A_389], %swap3A_392 {strides = array<i32>} : memref<4x4096xf32, #tpu.memory_space<vmem>>, vector<1x16xf32>,
        %add3A_393 = arith.constant 64 : i32
        %add3A_394 = arith.addi %mul3A_287, %add3A_393 : i32
        %add3A_395 = arith.constant 32 : i32
        %add3A_396 = arith.addi %add3A_394, %add3A_395 : i32
        %get3A_397 = arith.constant 1 : i32
        %get3A_398 = arith.index_cast %get3A_397 : i32 to index
        %get3A_399 = arith.index_cast %add3A_396 : i32 to index
        %get3A_400 = tpu.vector_load %arg4[%get3A_398, %get3A_399] {strides = array<i32>} : memref<4x4096xf32, #tpu.memory_space<vmem>>, vector<1x16xf32>,
        %get3A_401 = vector.shape_cast %get3A_400 : vector<1x16xf32> to vector<16xf32>
        %mul3A_402 = arith.constant -1.000000e+00 : f32
        %mul3A_403 = vector.broadcast %mul3A_402 : f32 to vector<16xf32>
        %mul3A_404 = arith.mulf %get3A_401, %mul3A_403 : vector<16xf32>
        %exp3A_405 = math.exp %mul3A_404 : vector<16xf32>
        %add3A_406 = arith.constant 1.000000e+00 : f32
        %add3A_407 = vector.broadcast %add3A_406 : f32 to vector<16xf32>
        %add3A_408 = arith.addf %add3A_407, %exp3A_405 : vector<16xf32>
        %div3A_409 = arith.divf %get3A_401, %add3A_408 : vector<16xf32>
        %swap3A_410 = arith.constant 1 : i32
        %swap3A_411 = arith.index_cast %swap3A_410 : i32 to index
        %swap3A_412 = arith.index_cast %add3A_396 : i32 to index
        %swap3A_413 = tpu.vector_load %arg7[%swap3A_411, %swap3A_412] {strides = array<i32>} : memref<4x4096xf32, #tpu.memory_space<vmem>>, vector<1x16xf32>,
        %swap3A_414 = vector.shape_cast %swap3A_413 : vector<1x16xf32> to vector<16xf32>
        %swap3A_415 = vector.shape_cast %div3A_409 : vector<16xf32> to vector<1x16xf32>
        tpu.vector_store %arg7[%swap3A_411, %swap3A_412], %swap3A_415 {strides = array<i32>} : memref<4x4096xf32, #tpu.memory_space<vmem>>, vector<1x16xf32>,
        %add3A_416 = arith.constant 64 : i32
        %add3A_417 = arith.addi %mul3A_287, %add3A_416 : i32
        %add3A_418 = arith.constant 48 : i32
        %add3A_419 = arith.addi %add3A_417, %add3A_418 : i32
        %get3A_420 = arith.constant 1 : i32
        %get3A_421 = arith.index_cast %get3A_420 : i32 to index
        %get3A_422 = arith.index_cast %add3A_419 : i32 to index
        %get3A_423 = tpu.vector_load %arg4[%get3A_421, %get3A_422] {strides = array<i32>} : memref<4x4096xf32, #tpu.memory_space<vmem>>, vector<1x16xf32>,
        %get3A_424 = vector.shape_cast %get3A_423 : vector<1x16xf32> to vector<16xf32>
        %mul3A_425 = arith.constant -1.000000e+00 : f32
        %mul3A_426 = vector.broadcast %mul3A_425 : f32 to vector<16xf32>
        %mul3A_427 = arith.mulf %get3A_424, %mul3A_426 : vector<16xf32>
        %exp3A_428 = math.exp %mul3A_427 : vector<16xf32>
        %add3A_429 = arith.constant 1.000000e+00 : f32
        %add3A_430 = vector.broadcast %add3A_429 : f32 to vector<16xf32>
        %add3A_431 = arith.addf %add3A_430, %exp3A_428 : vector<16xf32>
        %div3A_432 = arith.divf %get3A_424, %add3A_431 : vector<16xf32>
        %swap3A_433 = arith.constant 1 : i32
        %swap3A_434 = arith.index_cast %swap3A_433 : i32 to index
        %swap3A_435 = arith.index_cast %add3A_419 : i32 to index
        %swap3A_436 = tpu.vector_load %arg7[%swap3A_434, %swap3A_435] {strides = array<i32>} : memref<4x4096xf32, #tpu.memory_space<vmem>>, vector<1x16xf32>,
        %swap3A_437 = vector.shape_cast %swap3A_436 : vector<1x16xf32> to vector<16xf32>
        %swap3A_438 = vector.shape_cast %div3A_432 : vector<16xf32> to vector<1x16xf32>
        tpu.vector_store %arg7[%swap3A_434, %swap3A_435], %swap3A_438 {strides = array<i32>} : memref<4x4096xf32, #tpu.memory_space<vmem>>, vector<1x16xf32>,
      }
      %scan3A_151 = arith.constant 32 : i32
      %scan3A_152 = arith.constant 0 : i32
      %scan3A_153 = arith.constant 0 : i32
      %scan3A_154 = arith.constant 32 : i32
      %scan3A_155 = arith.addi %scan3A_153, %scan3A_154 : i32
      %scan3A_156 = arith.constant 1 : i32
      scf.for %scan3A_285 = %scan3A_153 to %scan3A_155 step %scan3A_156  : i32 {
        %mul3A_286 = arith.constant 128 : i32
        %mul3A_287 = arith.muli %scan3A_285, %mul3A_286 : i32
        %add3A_288 = arith.constant 0 : i32
        %add3A_289 = arith.addi %mul3A_287, %add3A_288 : i32
        %get3A = arith.constant 2 : i32
        %get3A_290 = arith.index_cast %get3A : i32 to index
        %get3A_291 = arith.index_cast %add3A_289 : i32 to index
        %get3A_292 = tpu.vector_load %arg4[%get3A_290, %get3A_291] {strides = array<i32>} : memref<4x4096xf32, #tpu.memory_space<vmem>>, vector<1x16xf32>,
        %get3A_293 = vector.shape_cast %get3A_292 : vector<1x16xf32> to vector<16xf32>
        %max3A = arith.constant 0.000000e+00 : f32
        %max3A_294 = vector.broadcast %max3A : f32 to vector<16xf32>
        %max3A_295 = arith.maximumf %get3A_293, %max3A_294 : vector<16xf32>
        %swap3A = arith.constant 2 : i32
        %swap3A_296 = arith.index_cast %swap3A : i32 to index
        %swap3A_297 = arith.index_cast %add3A_289 : i32 to index
        %swap3A_298 = tpu.vector_load %arg7[%swap3A_296, %swap3A_297] {strides = array<i32>} : memref<4x4096xf32, #tpu.memory_space<vmem>>, vector<1x16xf32>,
        %swap3A_299 = vector.shape_cast %swap3A_298 : vector<1x16xf32> to vector<16xf32>
        %swap3A_300 = vector.shape_cast %max3A_295 : vector<16xf32> to vector<1x16xf32>
        tpu.vector_store %arg7[%swap3A_296, %swap3A_297], %swap3A_300 {strides = array<i32>} : memref<4x4096xf32, #tpu.memory_space<vmem>>, vector<1x16xf32>,
        %add3A_301 = arith.constant 16 : i32
        %add3A_302 = arith.addi %mul3A_287, %add3A_301 : i32
        %get3A_303 = arith.constant 2 : i32
        %get3A_304 = arith.index_cast %get3A_303 : i32 to index
        %get3A_305 = arith.index_cast %add3A_302 : i32 to index
        %get3A_306 = tpu.vector_load %arg4[%get3A_304, %get3A_305] {strides = array<i32>} : memref<4x4096xf32, #tpu.memory_space<vmem>>, vector<1x16xf32>,
        %get3A_307 = vector.shape_cast %get3A_306 : vector<1x16xf32> to vector<16xf32>
        %max3A_308 = arith.constant 0.000000e+00 : f32
        %max3A_309 = vector.broadcast %max3A_308 : f32 to vector<16xf32>
        %max3A_310 = arith.maximumf %get3A_307, %max3A_309 : vector<16xf32>
        %swap3A_311 = arith.constant 2 : i32
        %swap3A_312 = arith.index_cast %swap3A_311 : i32 to index
        %swap3A_313 = arith.index_cast %add3A_302 : i32 to index
        %swap3A_314 = tpu.vector_load %arg7[%swap3A_312, %swap3A_313] {strides = array<i32>} : memref<4x4096xf32, #tpu.memory_space<vmem>>, vector<1x16xf32>,
        %swap3A_315 = vector.shape_cast %swap3A_314 : vector<1x16xf32> to vector<16xf32>
        %swap3A_316 = vector.shape_cast %max3A_310 : vector<16xf32> to vector<1x16xf32>
        tpu.vector_store %arg7[%swap3A_312, %swap3A_313], %swap3A_316 {strides = array<i32>} : memref<4x4096xf32, #tpu.memory_space<vmem>>, vector<1x16xf32>,
        %add3A_317 = arith.constant 32 : i32
        %add3A_318 = arith.addi %mul3A_287, %add3A_317 : i32
        %get3A_319 = arith.constant 2 : i32
        %get3A_320 = arith.index_cast %get3A_319 : i32 to index
        %get3A_321 = arith.index_cast %add3A_318 : i32 to index
        %get3A_322 = tpu.vector_load %arg4[%get3A_320, %get3A_321] {strides = array<i32>} : memref<4x4096xf32, #tpu.memory_space<vmem>>, vector<1x16xf32>,
        %get3A_323 = vector.shape_cast %get3A_322 : vector<1x16xf32> to vector<16xf32>
        %max3A_324 = arith.constant 0.000000e+00 : f32
        %max3A_325 = vector.broadcast %max3A_324 : f32 to vector<16xf32>
        %max3A_326 = arith.maximumf %get3A_323, %max3A_325 : vector<16xf32>
        %swap3A_327 = arith.constant 2 : i32
        %swap3A_328 = arith.index_cast %swap3A_327 : i32 to index
        %swap3A_329 = arith.index_cast %add3A_318 : i32 to index
        %swap3A_330 = tpu.vector_load %arg7[%swap3A_328, %swap3A_329] {strides = array<i32>} : memref<4x4096xf32, #tpu.memory_space<vmem>>, vector<1x16xf32>,
        %swap3A_331 = vector.shape_cast %swap3A_330 : vector<1x16xf32> to vector<16xf32>
        %swap3A_332 = vector.shape_cast %max3A_326 : vector<16xf32> to vector<1x16xf32>
        tpu.vector_store %arg7[%swap3A_328, %swap3A_329], %swap3A_332 {strides = array<i32>} : memref<4x4096xf32, #tpu.memory_space<vmem>>, vector<1x16xf32>,
        %add3A_333 = arith.constant 48 : i32
        %add3A_334 = arith.addi %mul3A_287, %add3A_333 : i32
        %get3A_335 = arith.constant 2 : i32
        %get3A_336 = arith.index_cast %get3A_335 : i32 to index
        %get3A_337 = arith.index_cast %add3A_334 : i32 to index
        %get3A_338 = tpu.vector_load %arg4[%get3A_336, %get3A_337] {strides = array<i32>} : memref<4x4096xf32, #tpu.memory_space<vmem>>, vector<1x16xf32>,
        %get3A_339 = vector.shape_cast %get3A_338 : vector<1x16xf32> to vector<16xf32>
        %max3A_340 = arith.constant 0.000000e+00 : f32
        %max3A_341 = vector.broadcast %max3A_340 : f32 to vector<16xf32>
        %max3A_342 = arith.maximumf %get3A_339, %max3A_341 : vector<16xf32>
        %swap3A_343 = arith.constant 2 : i32
        %swap3A_344 = arith.index_cast %swap3A_343 : i32 to index
        %swap3A_345 = arith.index_cast %add3A_334 : i32 to index
        %swap3A_346 = tpu.vector_load %arg7[%swap3A_344, %swap3A_345] {strides = array<i32>} : memref<4x4096xf32, #tpu.memory_space<vmem>>, vector<1x16xf32>,
        %swap3A_347 = vector.shape_cast %swap3A_346 : vector<1x16xf32> to vector<16xf32>
        %swap3A_348 = vector.shape_cast %max3A_342 : vector<16xf32> to vector<1x16xf32>
        tpu.vector_store %arg7[%swap3A_344, %swap3A_345], %swap3A_348 {strides = array<i32>} : memref<4x4096xf32, #tpu.memory_space<vmem>>, vector<1x16xf32>,
        %add3A_349 = arith.constant 64 : i32
        %add3A_350 = arith.addi %mul3A_287, %add3A_349 : i32
        %add3A_351 = arith.constant 0 : i32
        %add3A_352 = arith.addi %add3A_350, %add3A_351 : i32
        %get3A_353 = arith.constant 2 : i32
        %get3A_354 = arith.index_cast %get3A_353 : i32 to index
        %get3A_355 = arith.index_cast %add3A_352 : i32 to index
        %get3A_356 = tpu.vector_load %arg4[%get3A_354, %get3A_355] {strides = array<i32>} : memref<4x4096xf32, #tpu.memory_space<vmem>>, vector<1x16xf32>,
        %get3A_357 = vector.shape_cast %get3A_356 : vector<1x16xf32> to vector<16xf32>
        %mul3A_358 = arith.constant -1.000000e+00 : f32
        %mul3A_359 = vector.broadcast %mul3A_358 : f32 to vector<16xf32>
        %mul3A_360 = arith.mulf %get3A_357, %mul3A_359 : vector<16xf32>
        %exp3A = math.exp %mul3A_360 : vector<16xf32>
        %add3A_361 = arith.constant 1.000000e+00 : f32
        %add3A_362 = vector.broadcast %add3A_361 : f32 to vector<16xf32>
        %add3A_363 = arith.addf %add3A_362, %exp3A : vector<16xf32>
        %div3A = arith.divf %get3A_357, %add3A_363 : vector<16xf32>
        %swap3A_364 = arith.constant 2 : i32
        %swap3A_365 = arith.index_cast %swap3A_364 : i32 to index
        %swap3A_366 = arith.index_cast %add3A_352 : i32 to index
        %swap3A_367 = tpu.vector_load %arg7[%swap3A_365, %swap3A_366] {strides = array<i32>} : memref<4x4096xf32, #tpu.memory_space<vmem>>, vector<1x16xf32>,
        %swap3A_368 = vector.shape_cast %swap3A_367 : vector<1x16xf32> to vector<16xf32>
        %swap3A_369 = vector.shape_cast %div3A : vector<16xf32> to vector<1x16xf32>
        tpu.vector_store %arg7[%swap3A_365, %swap3A_366], %swap3A_369 {strides = array<i32>} : memref<4x4096xf32, #tpu.memory_space<vmem>>, vector<1x16xf32>,
        %add3A_370 = arith.constant 64 : i32
        %add3A_371 = arith.addi %mul3A_287, %add3A_370 : i32
        %add3A_372 = arith.constant 16 : i32
        %add3A_373 = arith.addi %add3A_371, %add3A_372 : i32
        %get3A_374 = arith.constant 2 : i32
        %get3A_375 = arith.index_cast %get3A_374 : i32 to index
        %get3A_376 = arith.index_cast %add3A_373 : i32 to index
        %get3A_377 = tpu.vector_load %arg4[%get3A_375, %get3A_376] {strides = array<i32>} : memref<4x4096xf32, #tpu.memory_space<vmem>>, vector<1x16xf32>,
        %get3A_378 = vector.shape_cast %get3A_377 : vector<1x16xf32> to vector<16xf32>
        %mul3A_379 = arith.constant -1.000000e+00 : f32
        %mul3A_380 = vector.broadcast %mul3A_379 : f32 to vector<16xf32>
        %mul3A_381 = arith.mulf %get3A_378, %mul3A_380 : vector<16xf32>
        %exp3A_382 = math.exp %mul3A_381 : vector<16xf32>
        %add3A_383 = arith.constant 1.000000e+00 : f32
        %add3A_384 = vector.broadcast %add3A_383 : f32 to vector<16xf32>
        %add3A_385 = arith.addf %add3A_384, %exp3A_382 : vector<16xf32>
        %div3A_386 = arith.divf %get3A_378, %add3A_385 : vector<16xf32>
        %swap3A_387 = arith.constant 2 : i32
        %swap3A_388 = arith.index_cast %swap3A_387 : i32 to index
        %swap3A_389 = arith.index_cast %add3A_373 : i32 to index
        %swap3A_390 = tpu.vector_load %arg7[%swap3A_388, %swap3A_389] {strides = array<i32>} : memref<4x4096xf32, #tpu.memory_space<vmem>>, vector<1x16xf32>,
        %swap3A_391 = vector.shape_cast %swap3A_390 : vector<1x16xf32> to vector<16xf32>
        %swap3A_392 = vector.shape_cast %div3A_386 : vector<16xf32> to vector<1x16xf32>
        tpu.vector_store %arg7[%swap3A_388, %swap3A_389], %swap3A_392 {strides = array<i32>} : memref<4x4096xf32, #tpu.memory_space<vmem>>, vector<1x16xf32>,
        %add3A_393 = arith.constant 64 : i32
        %add3A_394 = arith.addi %mul3A_287, %add3A_393 : i32
        %add3A_395 = arith.constant 32 : i32
        %add3A_396 = arith.addi %add3A_394, %add3A_395 : i32
        %get3A_397 = arith.constant 2 : i32
        %get3A_398 = arith.index_cast %get3A_397 : i32 to index
        %get3A_399 = arith.index_cast %add3A_396 : i32 to index
        %get3A_400 = tpu.vector_load %arg4[%get3A_398, %get3A_399] {strides = array<i32>} : memref<4x4096xf32, #tpu.memory_space<vmem>>, vector<1x16xf32>,
        %get3A_401 = vector.shape_cast %get3A_400 : vector<1x16xf32> to vector<16xf32>
        %mul3A_402 = arith.constant -1.000000e+00 : f32
        %mul3A_403 = vector.broadcast %mul3A_402 : f32 to vector<16xf32>
        %mul3A_404 = arith.mulf %get3A_401, %mul3A_403 : vector<16xf32>
        %exp3A_405 = math.exp %mul3A_404 : vector<16xf32>
        %add3A_406 = arith.constant 1.000000e+00 : f32
        %add3A_407 = vector.broadcast %add3A_406 : f32 to vector<16xf32>
        %add3A_408 = arith.addf %add3A_407, %exp3A_405 : vector<16xf32>
        %div3A_409 = arith.divf %get3A_401, %add3A_408 : vector<16xf32>
        %swap3A_410 = arith.constant 2 : i32
        %swap3A_411 = arith.index_cast %swap3A_410 : i32 to index
        %swap3A_412 = arith.index_cast %add3A_396 : i32 to index
        %swap3A_413 = tpu.vector_load %arg7[%swap3A_411, %swap3A_412] {strides = array<i32>} : memref<4x4096xf32, #tpu.memory_space<vmem>>, vector<1x16xf32>,
        %swap3A_414 = vector.shape_cast %swap3A_413 : vector<1x16xf32> to vector<16xf32>
        %swap3A_415 = vector.shape_cast %div3A_409 : vector<16xf32> to vector<1x16xf32>
        tpu.vector_store %arg7[%swap3A_411, %swap3A_412], %swap3A_415 {strides = array<i32>} : memref<4x4096xf32, #tpu.memory_space<vmem>>, vector<1x16xf32>,
        %add3A_416 = arith.constant 64 : i32
        %add3A_417 = arith.addi %mul3A_287, %add3A_416 : i32
        %add3A_418 = arith.constant 48 : i32
        %add3A_419 = arith.addi %add3A_417, %add3A_418 : i32
        %get3A_420 = arith.constant 2 : i32
        %get3A_421 = arith.index_cast %get3A_420 : i32 to index
        %get3A_422 = arith.index_cast %add3A_419 : i32 to index
        %get3A_423 = tpu.vector_load %arg4[%get3A_421, %get3A_422] {strides = array<i32>} : memref<4x4096xf32, #tpu.memory_space<vmem>>, vector<1x16xf32>,
        %get3A_424 = vector.shape_cast %get3A_423 : vector<1x16xf32> to vector<16xf32>
        %mul3A_425 = arith.constant -1.000000e+00 : f32
        %mul3A_426 = vector.broadcast %mul3A_425 : f32 to vector<16xf32>
        %mul3A_427 = arith.mulf %get3A_424, %mul3A_426 : vector<16xf32>
        %exp3A_428 = math.exp %mul3A_427 : vector<16xf32>
        %add3A_429 = arith.constant 1.000000e+00 : f32
        %add3A_430 = vector.broadcast %add3A_429 : f32 to vector<16xf32>
        %add3A_431 = arith.addf %add3A_430, %exp3A_428 : vector<16xf32>
        %div3A_432 = arith.divf %get3A_424, %add3A_431 : vector<16xf32>
        %swap3A_433 = arith.constant 2 : i32
        %swap3A_434 = arith.index_cast %swap3A_433 : i32 to index
        %swap3A_435 = arith.index_cast %add3A_419 : i32 to index
        %swap3A_436 = tpu.vector_load %arg7[%swap3A_434, %swap3A_435] {strides = array<i32>} : memref<4x4096xf32, #tpu.memory_space<vmem>>, vector<1x16xf32>,
        %swap3A_437 = vector.shape_cast %swap3A_436 : vector<1x16xf32> to vector<16xf32>
        %swap3A_438 = vector.shape_cast %div3A_432 : vector<16xf32> to vector<1x16xf32>
        tpu.vector_store %arg7[%swap3A_434, %swap3A_435], %swap3A_438 {strides = array<i32>} : memref<4x4096xf32, #tpu.memory_space<vmem>>, vector<1x16xf32>,
      }
      %scan3A_157 = arith.constant 32 : i32
      %scan3A_158 = arith.constant 0 : i32
      %scan3A_159 = arith.constant 0 : i32
      %scan3A_160 = arith.constant 32 : i32
      %scan3A_161 = arith.addi %scan3A_159, %scan3A_160 : i32
      %scan3A_162 = arith.constant 1 : i32
      scf.for %scan3A_285 = %scan3A_159 to %scan3A_161 step %scan3A_162  : i32 {
        %mul3A_286 = arith.constant 128 : i32
        %mul3A_287 = arith.muli %scan3A_285, %mul3A_286 : i32
        %add3A_288 = arith.constant 0 : i32
        %add3A_289 = arith.addi %mul3A_287, %add3A_288 : i32
        %get3A = arith.constant 3 : i32
        %get3A_290 = arith.index_cast %get3A : i32 to index
        %get3A_291 = arith.index_cast %add3A_289 : i32 to index
        %get3A_292 = tpu.vector_load %arg4[%get3A_290, %get3A_291] {strides = array<i32>} : memref<4x4096xf32, #tpu.memory_space<vmem>>, vector<1x16xf32>,
        %get3A_293 = vector.shape_cast %get3A_292 : vector<1x16xf32> to vector<16xf32>
        %max3A = arith.constant 0.000000e+00 : f32
        %max3A_294 = vector.broadcast %max3A : f32 to vector<16xf32>
        %max3A_295 = arith.maximumf %get3A_293, %max3A_294 : vector<16xf32>
        %swap3A = arith.constant 3 : i32
        %swap3A_296 = arith.index_cast %swap3A : i32 to index
        %swap3A_297 = arith.index_cast %add3A_289 : i32 to index
        %swap3A_298 = tpu.vector_load %arg7[%swap3A_296, %swap3A_297] {strides = array<i32>} : memref<4x4096xf32, #tpu.memory_space<vmem>>, vector<1x16xf32>,
        %swap3A_299 = vector.shape_cast %swap3A_298 : vector<1x16xf32> to vector<16xf32>
        %swap3A_300 = vector.shape_cast %max3A_295 : vector<16xf32> to vector<1x16xf32>
        tpu.vector_store %arg7[%swap3A_296, %swap3A_297], %swap3A_300 {strides = array<i32>} : memref<4x4096xf32, #tpu.memory_space<vmem>>, vector<1x16xf32>,
        %add3A_301 = arith.constant 16 : i32
        %add3A_302 = arith.addi %mul3A_287, %add3A_301 : i32
        %get3A_303 = arith.constant 3 : i32
        %get3A_304 = arith.index_cast %get3A_303 : i32 to index
        %get3A_305 = arith.index_cast %add3A_302 : i32 to index
        %get3A_306 = tpu.vector_load %arg4[%get3A_304, %get3A_305] {strides = array<i32>} : memref<4x4096xf32, #tpu.memory_space<vmem>>, vector<1x16xf32>,
        %get3A_307 = vector.shape_cast %get3A_306 : vector<1x16xf32> to vector<16xf32>
        %max3A_308 = arith.constant 0.000000e+00 : f32
        %max3A_309 = vector.broadcast %max3A_308 : f32 to vector<16xf32>
        %max3A_310 = arith.maximumf %get3A_307, %max3A_309 : vector<16xf32>
        %swap3A_311 = arith.constant 3 : i32
        %swap3A_312 = arith.index_cast %swap3A_311 : i32 to index
        %swap3A_313 = arith.index_cast %add3A_302 : i32 to index
        %swap3A_314 = tpu.vector_load %arg7[%swap3A_312, %swap3A_313] {strides = array<i32>} : memref<4x4096xf32, #tpu.memory_space<vmem>>, vector<1x16xf32>,
        %swap3A_315 = vector.shape_cast %swap3A_314 : vector<1x16xf32> to vector<16xf32>
        %swap3A_316 = vector.shape_cast %max3A_310 : vector<16xf32> to vector<1x16xf32>
        tpu.vector_store %arg7[%swap3A_312, %swap3A_313], %swap3A_316 {strides = array<i32>} : memref<4x4096xf32, #tpu.memory_space<vmem>>, vector<1x16xf32>,
        %add3A_317 = arith.constant 32 : i32
        %add3A_318 = arith.addi %mul3A_287, %add3A_317 : i32
        %get3A_319 = arith.constant 3 : i32
        %get3A_320 = arith.index_cast %get3A_319 : i32 to index
        %get3A_321 = arith.index_cast %add3A_318 : i32 to index
        %get3A_322 = tpu.vector_load %arg4[%get3A_320, %get3A_321] {strides = array<i32>} : memref<4x4096xf32, #tpu.memory_space<vmem>>, vector<1x16xf32>,
        %get3A_323 = vector.shape_cast %get3A_322 : vector<1x16xf32> to vector<16xf32>
        %max3A_324 = arith.constant 0.000000e+00 : f32
        %max3A_325 = vector.broadcast %max3A_324 : f32 to vector<16xf32>
        %max3A_326 = arith.maximumf %get3A_323, %max3A_325 : vector<16xf32>
        %swap3A_327 = arith.constant 3 : i32
        %swap3A_328 = arith.index_cast %swap3A_327 : i32 to index
        %swap3A_329 = arith.index_cast %add3A_318 : i32 to index
        %swap3A_330 = tpu.vector_load %arg7[%swap3A_328, %swap3A_329] {strides = array<i32>} : memref<4x4096xf32, #tpu.memory_space<vmem>>, vector<1x16xf32>,
        %swap3A_331 = vector.shape_cast %swap3A_330 : vector<1x16xf32> to vector<16xf32>
        %swap3A_332 = vector.shape_cast %max3A_326 : vector<16xf32> to vector<1x16xf32>
        tpu.vector_store %arg7[%swap3A_328, %swap3A_329], %swap3A_332 {strides = array<i32>} : memref<4x4096xf32, #tpu.memory_space<vmem>>, vector<1x16xf32>,
        %add3A_333 = arith.constant 48 : i32
        %add3A_334 = arith.addi %mul3A_287, %add3A_333 : i32
        %get3A_335 = arith.constant 3 : i32
        %get3A_336 = arith.index_cast %get3A_335 : i32 to index
        %get3A_337 = arith.index_cast %add3A_334 : i32 to index
        %get3A_338 = tpu.vector_load %arg4[%get3A_336, %get3A_337] {strides = array<i32>} : memref<4x4096xf32, #tpu.memory_space<vmem>>, vector<1x16xf32>,
        %get3A_339 = vector.shape_cast %get3A_338 : vector<1x16xf32> to vector<16xf32>
        %max3A_340 = arith.constant 0.000000e+00 : f32
        %max3A_341 = vector.broadcast %max3A_340 : f32 to vector<16xf32>
        %max3A_342 = arith.maximumf %get3A_339, %max3A_341 : vector<16xf32>
        %swap3A_343 = arith.constant 3 : i32
        %swap3A_344 = arith.index_cast %swap3A_343 : i32 to index
        %swap3A_345 = arith.index_cast %add3A_334 : i32 to index
        %swap3A_346 = tpu.vector_load %arg7[%swap3A_344, %swap3A_345] {strides = array<i32>} : memref<4x4096xf32, #tpu.memory_space<vmem>>, vector<1x16xf32>,
        %swap3A_347 = vector.shape_cast %swap3A_346 : vector<1x16xf32> to vector<16xf32>
        %swap3A_348 = vector.shape_cast %max3A_342 : vector<16xf32> to vector<1x16xf32>
        tpu.vector_store %arg7[%swap3A_344, %swap3A_345], %swap3A_348 {strides = array<i32>} : memref<4x4096xf32, #tpu.memory_space<vmem>>, vector<1x16xf32>,
        %add3A_349 = arith.constant 64 : i32
        %add3A_350 = arith.addi %mul3A_287, %add3A_349 : i32
        %add3A_351 = arith.constant 0 : i32
        %add3A_352 = arith.addi %add3A_350, %add3A_351 : i32
        %get3A_353 = arith.constant 3 : i32
        %get3A_354 = arith.index_cast %get3A_353 : i32 to index
        %get3A_355 = arith.index_cast %add3A_352 : i32 to index
        %get3A_356 = tpu.vector_load %arg4[%get3A_354, %get3A_355] {strides = array<i32>} : memref<4x4096xf32, #tpu.memory_space<vmem>>, vector<1x16xf32>,
        %get3A_357 = vector.shape_cast %get3A_356 : vector<1x16xf32> to vector<16xf32>
        %mul3A_358 = arith.constant -1.000000e+00 : f32
        %mul3A_359 = vector.broadcast %mul3A_358 : f32 to vector<16xf32>
        %mul3A_360 = arith.mulf %get3A_357, %mul3A_359 : vector<16xf32>
        %exp3A = math.exp %mul3A_360 : vector<16xf32>
        %add3A_361 = arith.constant 1.000000e+00 : f32
        %add3A_362 = vector.broadcast %add3A_361 : f32 to vector<16xf32>
        %add3A_363 = arith.addf %add3A_362, %exp3A : vector<16xf32>
        %div3A = arith.divf %get3A_357, %add3A_363 : vector<16xf32>
        %swap3A_364 = arith.constant 3 : i32
        %swap3A_365 = arith.index_cast %swap3A_364 : i32 to index
        %swap3A_366 = arith.index_cast %add3A_352 : i32 to index
        %swap3A_367 = tpu.vector_load %arg7[%swap3A_365, %swap3A_366] {strides = array<i32>} : memref<4x4096xf32, #tpu.memory_space<vmem>>, vector<1x16xf32>,
        %swap3A_368 = vector.shape_cast %swap3A_367 : vector<1x16xf32> to vector<16xf32>
        %swap3A_369 = vector.shape_cast %div3A : vector<16xf32> to vector<1x16xf32>
        tpu.vector_store %arg7[%swap3A_365, %swap3A_366], %swap3A_369 {strides = array<i32>} : memref<4x4096xf32, #tpu.memory_space<vmem>>, vector<1x16xf32>,
        %add3A_370 = arith.constant 64 : i32
        %add3A_371 = arith.addi %mul3A_287, %add3A_370 : i32
        %add3A_372 = arith.constant 16 : i32
        %add3A_373 = arith.addi %add3A_371, %add3A_372 : i32
        %get3A_374 = arith.constant 3 : i32
        %get3A_375 = arith.index_cast %get3A_374 : i32 to index
        %get3A_376 = arith.index_cast %add3A_373 : i32 to index
        %get3A_377 = tpu.vector_load %arg4[%get3A_375, %get3A_376] {strides = array<i32>} : memref<4x4096xf32, #tpu.memory_space<vmem>>, vector<1x16xf32>,
        %get3A_378 = vector.shape_cast %get3A_377 : vector<1x16xf32> to vector<16xf32>
        %mul3A_379 = arith.constant -1.000000e+00 : f32
        %mul3A_380 = vector.broadcast %mul3A_379 : f32 to vector<16xf32>
        %mul3A_381 = arith.mulf %get3A_378, %mul3A_380 : vector<16xf32>
        %exp3A_382 = math.exp %mul3A_381 : vector<16xf32>
        %add3A_383 = arith.constant 1.000000e+00 : f32
        %add3A_384 = vector.broadcast %add3A_383 : f32 to vector<16xf32>
        %add3A_385 = arith.addf %add3A_384, %exp3A_382 : vector<16xf32>
        %div3A_386 = arith.divf %get3A_378, %add3A_385 : vector<16xf32>
        %swap3A_387 = arith.constant 3 : i32
        %swap3A_388 = arith.index_cast %swap3A_387 : i32 to index
        %swap3A_389 = arith.index_cast %add3A_373 : i32 to index
        %swap3A_390 = tpu.vector_load %arg7[%swap3A_388, %swap3A_389] {strides = array<i32>} : memref<4x4096xf32, #tpu.memory_space<vmem>>, vector<1x16xf32>,
        %swap3A_391 = vector.shape_cast %swap3A_390 : vector<1x16xf32> to vector<16xf32>
        %swap3A_392 = vector.shape_cast %div3A_386 : vector<16xf32> to vector<1x16xf32>
        tpu.vector_store %arg7[%swap3A_388, %swap3A_389], %swap3A_392 {strides = array<i32>} : memref<4x4096xf32, #tpu.memory_space<vmem>>, vector<1x16xf32>,
        %add3A_393 = arith.constant 64 : i32
        %add3A_394 = arith.addi %mul3A_287, %add3A_393 : i32
        %add3A_395 = arith.constant 32 : i32
        %add3A_396 = arith.addi %add3A_394, %add3A_395 : i32
        %get3A_397 = arith.constant 3 : i32
        %get3A_398 = arith.index_cast %get3A_397 : i32 to index
        %get3A_399 = arith.index_cast %add3A_396 : i32 to index
        %get3A_400 = tpu.vector_load %arg4[%get3A_398, %get3A_399] {strides = array<i32>} : memref<4x4096xf32, #tpu.memory_space<vmem>>, vector<1x16xf32>,
        %get3A_401 = vector.shape_cast %get3A_400 : vector<1x16xf32> to vector<16xf32>
        %mul3A_402 = arith.constant -1.000000e+00 : f32
        %mul3A_403 = vector.broadcast %mul3A_402 : f32 to vector<16xf32>
        %mul3A_404 = arith.mulf %get3A_401, %mul3A_403 : vector<16xf32>
        %exp3A_405 = math.exp %mul3A_404 : vector<16xf32>
        %add3A_406 = arith.constant 1.000000e+00 : f32
        %add3A_407 = vector.broadcast %add3A_406 : f32 to vector<16xf32>
        %add3A_408 = arith.addf %add3A_407, %exp3A_405 : vector<16xf32>
        %div3A_409 = arith.divf %get3A_401, %add3A_408 : vector<16xf32>
        %swap3A_410 = arith.constant 3 : i32
        %swap3A_411 = arith.index_cast %swap3A_410 : i32 to index
        %swap3A_412 = arith.index_cast %add3A_396 : i32 to index
        %swap3A_413 = tpu.vector_load %arg7[%swap3A_411, %swap3A_412] {strides = array<i32>} : memref<4x4096xf32, #tpu.memory_space<vmem>>, vector<1x16xf32>,
        %swap3A_414 = vector.shape_cast %swap3A_413 : vector<1x16xf32> to vector<16xf32>
        %swap3A_415 = vector.shape_cast %div3A_409 : vector<16xf32> to vector<1x16xf32>
        tpu.vector_store %arg7[%swap3A_411, %swap3A_412], %swap3A_415 {strides = array<i32>} : memref<4x4096xf32, #tpu.memory_space<vmem>>, vector<1x16xf32>,
        %add3A_416 = arith.constant 64 : i32
        %add3A_417 = arith.addi %mul3A_287, %add3A_416 : i32
        %add3A_418 = arith.constant 48 : i32
        %add3A_419 = arith.addi %add3A_417, %add3A_418 : i32
        %get3A_420 = arith.constant 3 : i32
        %get3A_421 = arith.index_cast %get3A_420 : i32 to index
        %get3A_422 = arith.index_cast %add3A_419 : i32 to index
        %get3A_423 = tpu.vector_load %arg4[%get3A_421, %get3A_422] {strides = array<i32>} : memref<4x4096xf32, #tpu.memory_space<vmem>>, vector<1x16xf32>,
        %get3A_424 = vector.shape_cast %get3A_423 : vector<1x16xf32> to vector<16xf32>
        %mul3A_425 = arith.constant -1.000000e+00 : f32
        %mul3A_426 = vector.broadcast %mul3A_425 : f32 to vector<16xf32>
        %mul3A_427 = arith.mulf %get3A_424, %mul3A_426 : vector<16xf32>
        %exp3A_428 = math.exp %mul3A_427 : vector<16xf32>
        %add3A_429 = arith.constant 1.000000e+00 : f32
        %add3A_430 = vector.broadcast %add3A_429 : f32 to vector<16xf32>
        %add3A_431 = arith.addf %add3A_430, %exp3A_428 : vector<16xf32>
        %div3A_432 = arith.divf %get3A_424, %add3A_431 : vector<16xf32>
        %swap3A_433 = arith.constant 3 : i32
        %swap3A_434 = arith.index_cast %swap3A_433 : i32 to index
        %swap3A_435 = arith.index_cast %add3A_419 : i32 to index
        %swap3A_436 = tpu.vector_load %arg7[%swap3A_434, %swap3A_435] {strides = array<i32>} : memref<4x4096xf32, #tpu.memory_space<vmem>>, vector<1x16xf32>,
        %swap3A_437 = vector.shape_cast %swap3A_436 : vector<1x16xf32> to vector<16xf32>
        %swap3A_438 = vector.shape_cast %div3A_432 : vector<16xf32> to vector<1x16xf32>
        tpu.vector_store %arg7[%swap3A_434, %swap3A_435], %swap3A_438 {strides = array<i32>} : memref<4x4096xf32, #tpu.memory_space<vmem>>, vector<1x16xf32>,
      }
      %scan3A_163 = arith.constant 32 : i32
      %mul3A_164 = arith.constant 4 : i32
      %mul3A_165 = arith.muli %add3A_130, %mul3A_164 : i32
      %add3A_166 = arith.addi %mul3A_2, %mul3A_165 : i32
      %dma_start3A_167 = arith.constant 0 : i32
      %dma_start3A_168 = tpu.memref_slice %arg3[%add3A_166, %dma_start3A_167] : memref<16384x4096xf32, #tpu.memory_space<hbm>> -> memref<4x4096xf32, #tpu.memory_space<hbm>>
      %dma_start3A_169 = arith.constant 0 : i32
      %dma_start3A_170 = tpu.memref_slice %arg3[%add3A_166, %dma_start3A_169] : memref<16384x4096xf32, #tpu.memory_space<hbm>> -> memref<4x4096xf32, #tpu.memory_space<hbm>>
      tpu.enqueue_dma source(%arg7 : memref<4x4096xf32, #tpu.memory_space<vmem>>) target(%dma_start3A_170 : memref<4x4096xf32, #tpu.memory_space<hbm>>) target_semaphore(%arg13 : memref<!tpu.dma_semaphore, #tpu.memory_space<semaphore_mem>>)
      %add3A_171 = arith.constant 3 : i32
      %add3A_172 = arith.addi %add3A_130, %add3A_171 : i32
      %le3A = arith.constant 127 : i32
      %le3A_173 = arith.cmpi sle, %add3A_172, %le3A : i32
      %convert_element_type3A_174 = arith.extui %le3A_173 : i1 to i32
      %cond3A_175 = arith.constant 0 : i32
      %cond3A_176 = arith.cmpi ne, %convert_element_type3A_174, %cond3A_175 : i32
      scf.if %cond3A_176 {
        %add3A_285 = arith.constant 3 : i32
        %add3A_286 = arith.addi %add3A_130, %add3A_285 : i32
        %mul3A_287 = arith.constant 4 : i32
        %mul3A_288 = arith.muli %add3A_286, %mul3A_287 : i32
        %add3A_289 = arith.addi %mul3A_2, %mul3A_288 : i32
        %dma_start3A_290 = arith.constant 0 : i32
        %dma_start3A_291 = tpu.memref_slice %arg2[%add3A_289, %dma_start3A_290] : memref<16384x4096xf32, #tpu.memory_space<hbm>> -> memref<4x4096xf32, #tpu.memory_space<hbm>>
        %dma_start3A_292 = arith.constant 0 : i32
        %dma_start3A_293 = tpu.memref_slice %arg2[%add3A_289, %dma_start3A_292] : memref<16384x4096xf32, #tpu.memory_space<hbm>> -> memref<4x4096xf32, #tpu.memory_space<hbm>>
        tpu.enqueue_dma source(%dma_start3A_293 : memref<4x4096xf32, #tpu.memory_space<hbm>>) target(%arg4 : memref<4x4096xf32, #tpu.memory_space<vmem>>) target_semaphore(%arg10 : memref<!tpu.dma_semaphore, #tpu.memory_space<semaphore_mem>>)
      } else {
      }
      %mul3A_177 = arith.constant 3 : i32
      %mul3A_178 = arith.muli %mul3A_177, %scan3A_126 : i32
      %add3A_179 = arith.constant 1 : i32
      %add3A_180 = arith.addi %mul3A_178, %add3A_179 : i32
      %mul3A_181 = arith.constant 4 : i32
      %mul3A_182 = arith.muli %add3A_180, %mul3A_181 : i32
      %add3A_183 = arith.addi %mul3A_2, %mul3A_182 : i32
      %dma_wait3A_184 = arith.constant 0 : i32
      %dma_wait3A_185 = tpu.memref_slice %arg2[%add3A_183, %dma_wait3A_184] : memref<16384x4096xf32, #tpu.memory_space<hbm>> -> memref<4x4096xf32, #tpu.memory_space<hbm>>
      %dma_wait3A_186 = arith.constant 0 : i32
      %dma_wait3A_187 = tpu.memref_slice %arg2[%add3A_183, %dma_wait3A_186] : memref<16384x4096xf32, #tpu.memory_space<hbm>> -> memref<4x4096xf32, #tpu.memory_space<hbm>>
      tpu.wait_dma2 semaphore(%arg11 : memref<!tpu.dma_semaphore, #tpu.memory_space<semaphore_mem>>) src(%dma_wait3A_187 : memref<4x4096xf32, #tpu.memory_space<hbm>>) dst(%arg5 : memref<4x4096xf32, #tpu.memory_space<vmem>>)
      %gt3A_188 = arith.constant 0 : i32
      %gt3A_189 = arith.cmpi sgt, %scan3A_126, %gt3A_188 : i32
      %convert_element_type3A_190 = arith.extui %gt3A_189 : i1 to i32
      %cond3A_191 = arith.constant 0 : i32
      %cond3A_192 = arith.cmpi ne, %convert_element_type3A_190, %cond3A_191 : i32
      scf.if %cond3A_192 {
        %mul3A_285 = arith.constant 4 : i32
        %mul3A_286 = arith.muli %add3A_180, %mul3A_285 : i32
        %add3A_287 = arith.addi %mul3A_2, %mul3A_286 : i32
        %dma_wait3A_288 = arith.constant 0 : i32
        %dma_wait3A_289 = tpu.memref_slice %arg3[%add3A_287, %dma_wait3A_288] : memref<16384x4096xf32, #tpu.memory_space<hbm>> -> memref<4x4096xf32, #tpu.memory_space<hbm>>
        %dma_wait3A_290 = arith.constant 0 : i32
        %dma_wait3A_291 = tpu.memref_slice %arg3[%add3A_287, %dma_wait3A_290] : memref<16384x4096xf32, #tpu.memory_space<hbm>> -> memref<4x4096xf32, #tpu.memory_space<hbm>>
        tpu.wait_dma2 semaphore(%arg14 : memref<!tpu.dma_semaphore, #tpu.memory_space<semaphore_mem>>) src(%arg8 : memref<4x4096xf32, #tpu.memory_space<vmem>>) dst(%dma_wait3A_291 : memref<4x4096xf32, #tpu.memory_space<hbm>>)
      } else {
      }
      %scan3A_193 = arith.constant 0 : i32
      %scan3A_194 = arith.constant 0 : i32
      %scan3A_195 = arith.constant 32 : i32
      %scan3A_196 = arith.addi %scan3A_194, %scan3A_195 : i32
      %scan3A_197 = arith.constant 1 : i32
      scf.for %scan3A_285 = %scan3A_194 to %scan3A_196 step %scan3A_197  : i32 {
        %mul3A_286 = arith.constant 128 : i32
        %mul3A_287 = arith.muli %scan3A_285, %mul3A_286 : i32
        %add3A_288 = arith.constant 0 : i32
        %add3A_289 = arith.addi %mul3A_287, %add3A_288 : i32
        %get3A = arith.constant 0 : i32
        %get3A_290 = arith.index_cast %get3A : i32 to index
        %get3A_291 = arith.index_cast %add3A_289 : i32 to index
        %get3A_292 = tpu.vector_load %arg5[%get3A_290, %get3A_291] {strides = array<i32>} : memref<4x4096xf32, #tpu.memory_space<vmem>>, vector<1x16xf32>,
        %get3A_293 = vector.shape_cast %get3A_292 : vector<1x16xf32> to vector<16xf32>
        %max3A = arith.constant 0.000000e+00 : f32
        %max3A_294 = vector.broadcast %max3A : f32 to vector<16xf32>
        %max3A_295 = arith.maximumf %get3A_293, %max3A_294 : vector<16xf32>
        %swap3A = arith.constant 0 : i32
        %swap3A_296 = arith.index_cast %swap3A : i32 to index
        %swap3A_297 = arith.index_cast %add3A_289 : i32 to index
        %swap3A_298 = tpu.vector_load %arg8[%swap3A_296, %swap3A_297] {strides = array<i32>} : memref<4x4096xf32, #tpu.memory_space<vmem>>, vector<1x16xf32>,
        %swap3A_299 = vector.shape_cast %swap3A_298 : vector<1x16xf32> to vector<16xf32>
        %swap3A_300 = vector.shape_cast %max3A_295 : vector<16xf32> to vector<1x16xf32>
        tpu.vector_store %arg8[%swap3A_296, %swap3A_297], %swap3A_300 {strides = array<i32>} : memref<4x4096xf32, #tpu.memory_space<vmem>>, vector<1x16xf32>,
        %add3A_301 = arith.constant 16 : i32
        %add3A_302 = arith.addi %mul3A_287, %add3A_301 : i32
        %get3A_303 = arith.constant 0 : i32
        %get3A_304 = arith.index_cast %get3A_303 : i32 to index
        %get3A_305 = arith.index_cast %add3A_302 : i32 to index
        %get3A_306 = tpu.vector_load %arg5[%get3A_304, %get3A_305] {strides = array<i32>} : memref<4x4096xf32, #tpu.memory_space<vmem>>, vector<1x16xf32>,
        %get3A_307 = vector.shape_cast %get3A_306 : vector<1x16xf32> to vector<16xf32>
        %max3A_308 = arith.constant 0.000000e+00 : f32
        %max3A_309 = vector.broadcast %max3A_308 : f32 to vector<16xf32>
        %max3A_310 = arith.maximumf %get3A_307, %max3A_309 : vector<16xf32>
        %swap3A_311 = arith.constant 0 : i32
        %swap3A_312 = arith.index_cast %swap3A_311 : i32 to index
        %swap3A_313 = arith.index_cast %add3A_302 : i32 to index
        %swap3A_314 = tpu.vector_load %arg8[%swap3A_312, %swap3A_313] {strides = array<i32>} : memref<4x4096xf32, #tpu.memory_space<vmem>>, vector<1x16xf32>,
        %swap3A_315 = vector.shape_cast %swap3A_314 : vector<1x16xf32> to vector<16xf32>
        %swap3A_316 = vector.shape_cast %max3A_310 : vector<16xf32> to vector<1x16xf32>
        tpu.vector_store %arg8[%swap3A_312, %swap3A_313], %swap3A_316 {strides = array<i32>} : memref<4x4096xf32, #tpu.memory_space<vmem>>, vector<1x16xf32>,
        %add3A_317 = arith.constant 32 : i32
        %add3A_318 = arith.addi %mul3A_287, %add3A_317 : i32
        %get3A_319 = arith.constant 0 : i32
        %get3A_320 = arith.index_cast %get3A_319 : i32 to index
        %get3A_321 = arith.index_cast %add3A_318 : i32 to index
        %get3A_322 = tpu.vector_load %arg5[%get3A_320, %get3A_321] {strides = array<i32>} : memref<4x4096xf32, #tpu.memory_space<vmem>>, vector<1x16xf32>,
        %get3A_323 = vector.shape_cast %get3A_322 : vector<1x16xf32> to vector<16xf32>
        %max3A_324 = arith.constant 0.000000e+00 : f32
        %max3A_325 = vector.broadcast %max3A_324 : f32 to vector<16xf32>
        %max3A_326 = arith.maximumf %get3A_323, %max3A_325 : vector<16xf32>
        %swap3A_327 = arith.constant 0 : i32
        %swap3A_328 = arith.index_cast %swap3A_327 : i32 to index
        %swap3A_329 = arith.index_cast %add3A_318 : i32 to index
        %swap3A_330 = tpu.vector_load %arg8[%swap3A_328, %swap3A_329] {strides = array<i32>} : memref<4x4096xf32, #tpu.memory_space<vmem>>, vector<1x16xf32>,
        %swap3A_331 = vector.shape_cast %swap3A_330 : vector<1x16xf32> to vector<16xf32>
        %swap3A_332 = vector.shape_cast %max3A_326 : vector<16xf32> to vector<1x16xf32>
        tpu.vector_store %arg8[%swap3A_328, %swap3A_329], %swap3A_332 {strides = array<i32>} : memref<4x4096xf32, #tpu.memory_space<vmem>>, vector<1x16xf32>,
        %add3A_333 = arith.constant 48 : i32
        %add3A_334 = arith.addi %mul3A_287, %add3A_333 : i32
        %get3A_335 = arith.constant 0 : i32
        %get3A_336 = arith.index_cast %get3A_335 : i32 to index
        %get3A_337 = arith.index_cast %add3A_334 : i32 to index
        %get3A_338 = tpu.vector_load %arg5[%get3A_336, %get3A_337] {strides = array<i32>} : memref<4x4096xf32, #tpu.memory_space<vmem>>, vector<1x16xf32>,
        %get3A_339 = vector.shape_cast %get3A_338 : vector<1x16xf32> to vector<16xf32>
        %max3A_340 = arith.constant 0.000000e+00 : f32
        %max3A_341 = vector.broadcast %max3A_340 : f32 to vector<16xf32>
        %max3A_342 = arith.maximumf %get3A_339, %max3A_341 : vector<16xf32>
        %swap3A_343 = arith.constant 0 : i32
        %swap3A_344 = arith.index_cast %swap3A_343 : i32 to index
        %swap3A_345 = arith.index_cast %add3A_334 : i32 to index
        %swap3A_346 = tpu.vector_load %arg8[%swap3A_344, %swap3A_345] {strides = array<i32>} : memref<4x4096xf32, #tpu.memory_space<vmem>>, vector<1x16xf32>,
        %swap3A_347 = vector.shape_cast %swap3A_346 : vector<1x16xf32> to vector<16xf32>
        %swap3A_348 = vector.shape_cast %max3A_342 : vector<16xf32> to vector<1x16xf32>
        tpu.vector_store %arg8[%swap3A_344, %swap3A_345], %swap3A_348 {strides = array<i32>} : memref<4x4096xf32, #tpu.memory_space<vmem>>, vector<1x16xf32>,
        %add3A_349 = arith.constant 64 : i32
        %add3A_350 = arith.addi %mul3A_287, %add3A_349 : i32
        %add3A_351 = arith.constant 0 : i32
        %add3A_352 = arith.addi %add3A_350, %add3A_351 : i32
        %get3A_353 = arith.constant 0 : i32
        %get3A_354 = arith.index_cast %get3A_353 : i32 to index
        %get3A_355 = arith.index_cast %add3A_352 : i32 to index
        %get3A_356 = tpu.vector_load %arg5[%get3A_354, %get3A_355] {strides = array<i32>} : memref<4x4096xf32, #tpu.memory_space<vmem>>, vector<1x16xf32>,
        %get3A_357 = vector.shape_cast %get3A_356 : vector<1x16xf32> to vector<16xf32>
        %mul3A_358 = arith.constant -1.000000e+00 : f32
        %mul3A_359 = vector.broadcast %mul3A_358 : f32 to vector<16xf32>
        %mul3A_360 = arith.mulf %get3A_357, %mul3A_359 : vector<16xf32>
        %exp3A = math.exp %mul3A_360 : vector<16xf32>
        %add3A_361 = arith.constant 1.000000e+00 : f32
        %add3A_362 = vector.broadcast %add3A_361 : f32 to vector<16xf32>
        %add3A_363 = arith.addf %add3A_362, %exp3A : vector<16xf32>
        %div3A = arith.divf %get3A_357, %add3A_363 : vector<16xf32>
        %swap3A_364 = arith.constant 0 : i32
        %swap3A_365 = arith.index_cast %swap3A_364 : i32 to index
        %swap3A_366 = arith.index_cast %add3A_352 : i32 to index
        %swap3A_367 = tpu.vector_load %arg8[%swap3A_365, %swap3A_366] {strides = array<i32>} : memref<4x4096xf32, #tpu.memory_space<vmem>>, vector<1x16xf32>,
        %swap3A_368 = vector.shape_cast %swap3A_367 : vector<1x16xf32> to vector<16xf32>
        %swap3A_369 = vector.shape_cast %div3A : vector<16xf32> to vector<1x16xf32>
        tpu.vector_store %arg8[%swap3A_365, %swap3A_366], %swap3A_369 {strides = array<i32>} : memref<4x4096xf32, #tpu.memory_space<vmem>>, vector<1x16xf32>,
        %add3A_370 = arith.constant 64 : i32
        %add3A_371 = arith.addi %mul3A_287, %add3A_370 : i32
        %add3A_372 = arith.constant 16 : i32
        %add3A_373 = arith.addi %add3A_371, %add3A_372 : i32
        %get3A_374 = arith.constant 0 : i32
        %get3A_375 = arith.index_cast %get3A_374 : i32 to index
        %get3A_376 = arith.index_cast %add3A_373 : i32 to index
        %get3A_377 = tpu.vector_load %arg5[%get3A_375, %get3A_376] {strides = array<i32>} : memref<4x4096xf32, #tpu.memory_space<vmem>>, vector<1x16xf32>,
        %get3A_378 = vector.shape_cast %get3A_377 : vector<1x16xf32> to vector<16xf32>
        %mul3A_379 = arith.constant -1.000000e+00 : f32
        %mul3A_380 = vector.broadcast %mul3A_379 : f32 to vector<16xf32>
        %mul3A_381 = arith.mulf %get3A_378, %mul3A_380 : vector<16xf32>
        %exp3A_382 = math.exp %mul3A_381 : vector<16xf32>
        %add3A_383 = arith.constant 1.000000e+00 : f32
        %add3A_384 = vector.broadcast %add3A_383 : f32 to vector<16xf32>
        %add3A_385 = arith.addf %add3A_384, %exp3A_382 : vector<16xf32>
        %div3A_386 = arith.divf %get3A_378, %add3A_385 : vector<16xf32>
        %swap3A_387 = arith.constant 0 : i32
        %swap3A_388 = arith.index_cast %swap3A_387 : i32 to index
        %swap3A_389 = arith.index_cast %add3A_373 : i32 to index
        %swap3A_390 = tpu.vector_load %arg8[%swap3A_388, %swap3A_389] {strides = array<i32>} : memref<4x4096xf32, #tpu.memory_space<vmem>>, vector<1x16xf32>,
        %swap3A_391 = vector.shape_cast %swap3A_390 : vector<1x16xf32> to vector<16xf32>
        %swap3A_392 = vector.shape_cast %div3A_386 : vector<16xf32> to vector<1x16xf32>
        tpu.vector_store %arg8[%swap3A_388, %swap3A_389], %swap3A_392 {strides = array<i32>} : memref<4x4096xf32, #tpu.memory_space<vmem>>, vector<1x16xf32>,
        %add3A_393 = arith.constant 64 : i32
        %add3A_394 = arith.addi %mul3A_287, %add3A_393 : i32
        %add3A_395 = arith.constant 32 : i32
        %add3A_396 = arith.addi %add3A_394, %add3A_395 : i32
        %get3A_397 = arith.constant 0 : i32
        %get3A_398 = arith.index_cast %get3A_397 : i32 to index
        %get3A_399 = arith.index_cast %add3A_396 : i32 to index
        %get3A_400 = tpu.vector_load %arg5[%get3A_398, %get3A_399] {strides = array<i32>} : memref<4x4096xf32, #tpu.memory_space<vmem>>, vector<1x16xf32>,
        %get3A_401 = vector.shape_cast %get3A_400 : vector<1x16xf32> to vector<16xf32>
        %mul3A_402 = arith.constant -1.000000e+00 : f32
        %mul3A_403 = vector.broadcast %mul3A_402 : f32 to vector<16xf32>
        %mul3A_404 = arith.mulf %get3A_401, %mul3A_403 : vector<16xf32>
        %exp3A_405 = math.exp %mul3A_404 : vector<16xf32>
        %add3A_406 = arith.constant 1.000000e+00 : f32
        %add3A_407 = vector.broadcast %add3A_406 : f32 to vector<16xf32>
        %add3A_408 = arith.addf %add3A_407, %exp3A_405 : vector<16xf32>
        %div3A_409 = arith.divf %get3A_401, %add3A_408 : vector<16xf32>
        %swap3A_410 = arith.constant 0 : i32
        %swap3A_411 = arith.index_cast %swap3A_410 : i32 to index
        %swap3A_412 = arith.index_cast %add3A_396 : i32 to index
        %swap3A_413 = tpu.vector_load %arg8[%swap3A_411, %swap3A_412] {strides = array<i32>} : memref<4x4096xf32, #tpu.memory_space<vmem>>, vector<1x16xf32>,
        %swap3A_414 = vector.shape_cast %swap3A_413 : vector<1x16xf32> to vector<16xf32>
        %swap3A_415 = vector.shape_cast %div3A_409 : vector<16xf32> to vector<1x16xf32>
        tpu.vector_store %arg8[%swap3A_411, %swap3A_412], %swap3A_415 {strides = array<i32>} : memref<4x4096xf32, #tpu.memory_space<vmem>>, vector<1x16xf32>,
        %add3A_416 = arith.constant 64 : i32
        %add3A_417 = arith.addi %mul3A_287, %add3A_416 : i32
        %add3A_418 = arith.constant 48 : i32
        %add3A_419 = arith.addi %add3A_417, %add3A_418 : i32
        %get3A_420 = arith.constant 0 : i32
        %get3A_421 = arith.index_cast %get3A_420 : i32 to index
        %get3A_422 = arith.index_cast %add3A_419 : i32 to index
        %get3A_423 = tpu.vector_load %arg5[%get3A_421, %get3A_422] {strides = array<i32>} : memref<4x4096xf32, #tpu.memory_space<vmem>>, vector<1x16xf32>,
        %get3A_424 = vector.shape_cast %get3A_423 : vector<1x16xf32> to vector<16xf32>
        %mul3A_425 = arith.constant -1.000000e+00 : f32
        %mul3A_426 = vector.broadcast %mul3A_425 : f32 to vector<16xf32>
        %mul3A_427 = arith.mulf %get3A_424, %mul3A_426 : vector<16xf32>
        %exp3A_428 = math.exp %mul3A_427 : vector<16xf32>
        %add3A_429 = arith.constant 1.000000e+00 : f32
        %add3A_430 = vector.broadcast %add3A_429 : f32 to vector<16xf32>
        %add3A_431 = arith.addf %add3A_430, %exp3A_428 : vector<16xf32>
        %div3A_432 = arith.divf %get3A_424, %add3A_431 : vector<16xf32>
        %swap3A_433 = arith.constant 0 : i32
        %swap3A_434 = arith.index_cast %swap3A_433 : i32 to index
        %swap3A_435 = arith.index_cast %add3A_419 : i32 to index
        %swap3A_436 = tpu.vector_load %arg8[%swap3A_434, %swap3A_435] {strides = array<i32>} : memref<4x4096xf32, #tpu.memory_space<vmem>>, vector<1x16xf32>,
        %swap3A_437 = vector.shape_cast %swap3A_436 : vector<1x16xf32> to vector<16xf32>
        %swap3A_438 = vector.shape_cast %div3A_432 : vector<16xf32> to vector<1x16xf32>
        tpu.vector_store %arg8[%swap3A_434, %swap3A_435], %swap3A_438 {strides = array<i32>} : memref<4x4096xf32, #tpu.memory_space<vmem>>, vector<1x16xf32>,
      }
      %scan3A_198 = arith.constant 32 : i32
      %scan3A_199 = arith.constant 0 : i32
      %scan3A_200 = arith.constant 0 : i32
      %scan3A_201 = arith.constant 32 : i32
      %scan3A_202 = arith.addi %scan3A_200, %scan3A_201 : i32
      %scan3A_203 = arith.constant 1 : i32
      scf.for %scan3A_285 = %scan3A_200 to %scan3A_202 step %scan3A_203  : i32 {
        %mul3A_286 = arith.constant 128 : i32
        %mul3A_287 = arith.muli %scan3A_285, %mul3A_286 : i32
        %add3A_288 = arith.constant 0 : i32
        %add3A_289 = arith.addi %mul3A_287, %add3A_288 : i32
        %get3A = arith.constant 1 : i32
        %get3A_290 = arith.index_cast %get3A : i32 to index
        %get3A_291 = arith.index_cast %add3A_289 : i32 to index
        %get3A_292 = tpu.vector_load %arg5[%get3A_290, %get3A_291] {strides = array<i32>} : memref<4x4096xf32, #tpu.memory_space<vmem>>, vector<1x16xf32>,
        %get3A_293 = vector.shape_cast %get3A_292 : vector<1x16xf32> to vector<16xf32>
        %max3A = arith.constant 0.000000e+00 : f32
        %max3A_294 = vector.broadcast %max3A : f32 to vector<16xf32>
        %max3A_295 = arith.maximumf %get3A_293, %max3A_294 : vector<16xf32>
        %swap3A = arith.constant 1 : i32
        %swap3A_296 = arith.index_cast %swap3A : i32 to index
        %swap3A_297 = arith.index_cast %add3A_289 : i32 to index
        %swap3A_298 = tpu.vector_load %arg8[%swap3A_296, %swap3A_297] {strides = array<i32>} : memref<4x4096xf32, #tpu.memory_space<vmem>>, vector<1x16xf32>,
        %swap3A_299 = vector.shape_cast %swap3A_298 : vector<1x16xf32> to vector<16xf32>
        %swap3A_300 = vector.shape_cast %max3A_295 : vector<16xf32> to vector<1x16xf32>
        tpu.vector_store %arg8[%swap3A_296, %swap3A_297], %swap3A_300 {strides = array<i32>} : memref<4x4096xf32, #tpu.memory_space<vmem>>, vector<1x16xf32>,
        %add3A_301 = arith.constant 16 : i32
        %add3A_302 = arith.addi %mul3A_287, %add3A_301 : i32
        %get3A_303 = arith.constant 1 : i32
        %get3A_304 = arith.index_cast %get3A_303 : i32 to index
        %get3A_305 = arith.index_cast %add3A_302 : i32 to index
        %get3A_306 = tpu.vector_load %arg5[%get3A_304, %get3A_305] {strides = array<i32>} : memref<4x4096xf32, #tpu.memory_space<vmem>>, vector<1x16xf32>,
        %get3A_307 = vector.shape_cast %get3A_306 : vector<1x16xf32> to vector<16xf32>
        %max3A_308 = arith.constant 0.000000e+00 : f32
        %max3A_309 = vector.broadcast %max3A_308 : f32 to vector<16xf32>
        %max3A_310 = arith.maximumf %get3A_307, %max3A_309 : vector<16xf32>
        %swap3A_311 = arith.constant 1 : i32
        %swap3A_312 = arith.index_cast %swap3A_311 : i32 to index
        %swap3A_313 = arith.index_cast %add3A_302 : i32 to index
        %swap3A_314 = tpu.vector_load %arg8[%swap3A_312, %swap3A_313] {strides = array<i32>} : memref<4x4096xf32, #tpu.memory_space<vmem>>, vector<1x16xf32>,
        %swap3A_315 = vector.shape_cast %swap3A_314 : vector<1x16xf32> to vector<16xf32>
        %swap3A_316 = vector.shape_cast %max3A_310 : vector<16xf32> to vector<1x16xf32>
        tpu.vector_store %arg8[%swap3A_312, %swap3A_313], %swap3A_316 {strides = array<i32>} : memref<4x4096xf32, #tpu.memory_space<vmem>>, vector<1x16xf32>,
        %add3A_317 = arith.constant 32 : i32
        %add3A_318 = arith.addi %mul3A_287, %add3A_317 : i32
        %get3A_319 = arith.constant 1 : i32
        %get3A_320 = arith.index_cast %get3A_319 : i32 to index
        %get3A_321 = arith.index_cast %add3A_318 : i32 to index
        %get3A_322 = tpu.vector_load %arg5[%get3A_320, %get3A_321] {strides = array<i32>} : memref<4x4096xf32, #tpu.memory_space<vmem>>, vector<1x16xf32>,
        %get3A_323 = vector.shape_cast %get3A_322 : vector<1x16xf32> to vector<16xf32>
        %max3A_324 = arith.constant 0.000000e+00 : f32
        %max3A_325 = vector.broadcast %max3A_324 : f32 to vector<16xf32>
        %max3A_326 = arith.maximumf %get3A_323, %max3A_325 : vector<16xf32>
        %swap3A_327 = arith.constant 1 : i32
        %swap3A_328 = arith.index_cast %swap3A_327 : i32 to index
        %swap3A_329 = arith.index_cast %add3A_318 : i32 to index
        %swap3A_330 = tpu.vector_load %arg8[%swap3A_328, %swap3A_329] {strides = array<i32>} : memref<4x4096xf32, #tpu.memory_space<vmem>>, vector<1x16xf32>,
        %swap3A_331 = vector.shape_cast %swap3A_330 : vector<1x16xf32> to vector<16xf32>
        %swap3A_332 = vector.shape_cast %max3A_326 : vector<16xf32> to vector<1x16xf32>
        tpu.vector_store %arg8[%swap3A_328, %swap3A_329], %swap3A_332 {strides = array<i32>} : memref<4x4096xf32, #tpu.memory_space<vmem>>, vector<1x16xf32>,
        %add3A_333 = arith.constant 48 : i32
        %add3A_334 = arith.addi %mul3A_287, %add3A_333 : i32
        %get3A_335 = arith.constant 1 : i32
        %get3A_336 = arith.index_cast %get3A_335 : i32 to index
        %get3A_337 = arith.index_cast %add3A_334 : i32 to index
        %get3A_338 = tpu.vector_load %arg5[%get3A_336, %get3A_337] {strides = array<i32>} : memref<4x4096xf32, #tpu.memory_space<vmem>>, vector<1x16xf32>,
        %get3A_339 = vector.shape_cast %get3A_338 : vector<1x16xf32> to vector<16xf32>
        %max3A_340 = arith.constant 0.000000e+00 : f32
        %max3A_341 = vector.broadcast %max3A_340 : f32 to vector<16xf32>
        %max3A_342 = arith.maximumf %get3A_339, %max3A_341 : vector<16xf32>
        %swap3A_343 = arith.constant 1 : i32
        %swap3A_344 = arith.index_cast %swap3A_343 : i32 to index
        %swap3A_345 = arith.index_cast %add3A_334 : i32 to index
        %swap3A_346 = tpu.vector_load %arg8[%swap3A_344, %swap3A_345] {strides = array<i32>} : memref<4x4096xf32, #tpu.memory_space<vmem>>, vector<1x16xf32>,
        %swap3A_347 = vector.shape_cast %swap3A_346 : vector<1x16xf32> to vector<16xf32>
        %swap3A_348 = vector.shape_cast %max3A_342 : vector<16xf32> to vector<1x16xf32>
        tpu.vector_store %arg8[%swap3A_344, %swap3A_345], %swap3A_348 {strides = array<i32>} : memref<4x4096xf32, #tpu.memory_space<vmem>>, vector<1x16xf32>,
        %add3A_349 = arith.constant 64 : i32
        %add3A_350 = arith.addi %mul3A_287, %add3A_349 : i32
        %add3A_351 = arith.constant 0 : i32
        %add3A_352 = arith.addi %add3A_350, %add3A_351 : i32
        %get3A_353 = arith.constant 1 : i32
        %get3A_354 = arith.index_cast %get3A_353 : i32 to index
        %get3A_355 = arith.index_cast %add3A_352 : i32 to index
        %get3A_356 = tpu.vector_load %arg5[%get3A_354, %get3A_355] {strides = array<i32>} : memref<4x4096xf32, #tpu.memory_space<vmem>>, vector<1x16xf32>,
        %get3A_357 = vector.shape_cast %get3A_356 : vector<1x16xf32> to vector<16xf32>
        %mul3A_358 = arith.constant -1.000000e+00 : f32
        %mul3A_359 = vector.broadcast %mul3A_358 : f32 to vector<16xf32>
        %mul3A_360 = arith.mulf %get3A_357, %mul3A_359 : vector<16xf32>
        %exp3A = math.exp %mul3A_360 : vector<16xf32>
        %add3A_361 = arith.constant 1.000000e+00 : f32
        %add3A_362 = vector.broadcast %add3A_361 : f32 to vector<16xf32>
        %add3A_363 = arith.addf %add3A_362, %exp3A : vector<16xf32>
        %div3A = arith.divf %get3A_357, %add3A_363 : vector<16xf32>
        %swap3A_364 = arith.constant 1 : i32
        %swap3A_365 = arith.index_cast %swap3A_364 : i32 to index
        %swap3A_366 = arith.index_cast %add3A_352 : i32 to index
        %swap3A_367 = tpu.vector_load %arg8[%swap3A_365, %swap3A_366] {strides = array<i32>} : memref<4x4096xf32, #tpu.memory_space<vmem>>, vector<1x16xf32>,
        %swap3A_368 = vector.shape_cast %swap3A_367 : vector<1x16xf32> to vector<16xf32>
        %swap3A_369 = vector.shape_cast %div3A : vector<16xf32> to vector<1x16xf32>
        tpu.vector_store %arg8[%swap3A_365, %swap3A_366], %swap3A_369 {strides = array<i32>} : memref<4x4096xf32, #tpu.memory_space<vmem>>, vector<1x16xf32>,
        %add3A_370 = arith.constant 64 : i32
        %add3A_371 = arith.addi %mul3A_287, %add3A_370 : i32
        %add3A_372 = arith.constant 16 : i32
        %add3A_373 = arith.addi %add3A_371, %add3A_372 : i32
        %get3A_374 = arith.constant 1 : i32
        %get3A_375 = arith.index_cast %get3A_374 : i32 to index
        %get3A_376 = arith.index_cast %add3A_373 : i32 to index
        %get3A_377 = tpu.vector_load %arg5[%get3A_375, %get3A_376] {strides = array<i32>} : memref<4x4096xf32, #tpu.memory_space<vmem>>, vector<1x16xf32>,
        %get3A_378 = vector.shape_cast %get3A_377 : vector<1x16xf32> to vector<16xf32>
        %mul3A_379 = arith.constant -1.000000e+00 : f32
        %mul3A_380 = vector.broadcast %mul3A_379 : f32 to vector<16xf32>
        %mul3A_381 = arith.mulf %get3A_378, %mul3A_380 : vector<16xf32>
        %exp3A_382 = math.exp %mul3A_381 : vector<16xf32>
        %add3A_383 = arith.constant 1.000000e+00 : f32
        %add3A_384 = vector.broadcast %add3A_383 : f32 to vector<16xf32>
        %add3A_385 = arith.addf %add3A_384, %exp3A_382 : vector<16xf32>
        %div3A_386 = arith.divf %get3A_378, %add3A_385 : vector<16xf32>
        %swap3A_387 = arith.constant 1 : i32
        %swap3A_388 = arith.index_cast %swap3A_387 : i32 to index
        %swap3A_389 = arith.index_cast %add3A_373 : i32 to index
        %swap3A_390 = tpu.vector_load %arg8[%swap3A_388, %swap3A_389] {strides = array<i32>} : memref<4x4096xf32, #tpu.memory_space<vmem>>, vector<1x16xf32>,
        %swap3A_391 = vector.shape_cast %swap3A_390 : vector<1x16xf32> to vector<16xf32>
        %swap3A_392 = vector.shape_cast %div3A_386 : vector<16xf32> to vector<1x16xf32>
        tpu.vector_store %arg8[%swap3A_388, %swap3A_389], %swap3A_392 {strides = array<i32>} : memref<4x4096xf32, #tpu.memory_space<vmem>>, vector<1x16xf32>,
        %add3A_393 = arith.constant 64 : i32
        %add3A_394 = arith.addi %mul3A_287, %add3A_393 : i32
        %add3A_395 = arith.constant 32 : i32
        %add3A_396 = arith.addi %add3A_394, %add3A_395 : i32
        %get3A_397 = arith.constant 1 : i32
        %get3A_398 = arith.index_cast %get3A_397 : i32 to index
        %get3A_399 = arith.index_cast %add3A_396 : i32 to index
        %get3A_400 = tpu.vector_load %arg5[%get3A_398, %get3A_399] {strides = array<i32>} : memref<4x4096xf32, #tpu.memory_space<vmem>>, vector<1x16xf32>,
        %get3A_401 = vector.shape_cast %get3A_400 : vector<1x16xf32> to vector<16xf32>
        %mul3A_402 = arith.constant -1.000000e+00 : f32
        %mul3A_403 = vector.broadcast %mul3A_402 : f32 to vector<16xf32>
        %mul3A_404 = arith.mulf %get3A_401, %mul3A_403 : vector<16xf32>
        %exp3A_405 = math.exp %mul3A_404 : vector<16xf32>
        %add3A_406 = arith.constant 1.000000e+00 : f32
        %add3A_407 = vector.broadcast %add3A_406 : f32 to vector<16xf32>
        %add3A_408 = arith.addf %add3A_407, %exp3A_405 : vector<16xf32>
        %div3A_409 = arith.divf %get3A_401, %add3A_408 : vector<16xf32>
        %swap3A_410 = arith.constant 1 : i32
        %swap3A_411 = arith.index_cast %swap3A_410 : i32 to index
        %swap3A_412 = arith.index_cast %add3A_396 : i32 to index
        %swap3A_413 = tpu.vector_load %arg8[%swap3A_411, %swap3A_412] {strides = array<i32>} : memref<4x4096xf32, #tpu.memory_space<vmem>>, vector<1x16xf32>,
        %swap3A_414 = vector.shape_cast %swap3A_413 : vector<1x16xf32> to vector<16xf32>
        %swap3A_415 = vector.shape_cast %div3A_409 : vector<16xf32> to vector<1x16xf32>
        tpu.vector_store %arg8[%swap3A_411, %swap3A_412], %swap3A_415 {strides = array<i32>} : memref<4x4096xf32, #tpu.memory_space<vmem>>, vector<1x16xf32>,
        %add3A_416 = arith.constant 64 : i32
        %add3A_417 = arith.addi %mul3A_287, %add3A_416 : i32
        %add3A_418 = arith.constant 48 : i32
        %add3A_419 = arith.addi %add3A_417, %add3A_418 : i32
        %get3A_420 = arith.constant 1 : i32
        %get3A_421 = arith.index_cast %get3A_420 : i32 to index
        %get3A_422 = arith.index_cast %add3A_419 : i32 to index
        %get3A_423 = tpu.vector_load %arg5[%get3A_421, %get3A_422] {strides = array<i32>} : memref<4x4096xf32, #tpu.memory_space<vmem>>, vector<1x16xf32>,
        %get3A_424 = vector.shape_cast %get3A_423 : vector<1x16xf32> to vector<16xf32>
        %mul3A_425 = arith.constant -1.000000e+00 : f32
        %mul3A_426 = vector.broadcast %mul3A_425 : f32 to vector<16xf32>
        %mul3A_427 = arith.mulf %get3A_424, %mul3A_426 : vector<16xf32>
        %exp3A_428 = math.exp %mul3A_427 : vector<16xf32>
        %add3A_429 = arith.constant 1.000000e+00 : f32
        %add3A_430 = vector.broadcast %add3A_429 : f32 to vector<16xf32>
        %add3A_431 = arith.addf %add3A_430, %exp3A_428 : vector<16xf32>
        %div3A_432 = arith.divf %get3A_424, %add3A_431 : vector<16xf32>
        %swap3A_433 = arith.constant 1 : i32
        %swap3A_434 = arith.index_cast %swap3A_433 : i32 to index
        %swap3A_435 = arith.index_cast %add3A_419 : i32 to index
        %swap3A_436 = tpu.vector_load %arg8[%swap3A_434, %swap3A_435] {strides = array<i32>} : memref<4x4096xf32, #tpu.memory_space<vmem>>, vector<1x16xf32>,
        %swap3A_437 = vector.shape_cast %swap3A_436 : vector<1x16xf32> to vector<16xf32>
        %swap3A_438 = vector.shape_cast %div3A_432 : vector<16xf32> to vector<1x16xf32>
        tpu.vector_store %arg8[%swap3A_434, %swap3A_435], %swap3A_438 {strides = array<i32>} : memref<4x4096xf32, #tpu.memory_space<vmem>>, vector<1x16xf32>,
      }
      %scan3A_204 = arith.constant 32 : i32
      %scan3A_205 = arith.constant 0 : i32
      %scan3A_206 = arith.constant 0 : i32
      %scan3A_207 = arith.constant 32 : i32
      %scan3A_208 = arith.addi %scan3A_206, %scan3A_207 : i32
      %scan3A_209 = arith.constant 1 : i32
      scf.for %scan3A_285 = %scan3A_206 to %scan3A_208 step %scan3A_209  : i32 {
        %mul3A_286 = arith.constant 128 : i32
        %mul3A_287 = arith.muli %scan3A_285, %mul3A_286 : i32
        %add3A_288 = arith.constant 0 : i32
        %add3A_289 = arith.addi %mul3A_287, %add3A_288 : i32
        %get3A = arith.constant 2 : i32
        %get3A_290 = arith.index_cast %get3A : i32 to index
        %get3A_291 = arith.index_cast %add3A_289 : i32 to index
        %get3A_292 = tpu.vector_load %arg5[%get3A_290, %get3A_291] {strides = array<i32>} : memref<4x4096xf32, #tpu.memory_space<vmem>>, vector<1x16xf32>,
        %get3A_293 = vector.shape_cast %get3A_292 : vector<1x16xf32> to vector<16xf32>
        %max3A = arith.constant 0.000000e+00 : f32
        %max3A_294 = vector.broadcast %max3A : f32 to vector<16xf32>
        %max3A_295 = arith.maximumf %get3A_293, %max3A_294 : vector<16xf32>
        %swap3A = arith.constant 2 : i32
        %swap3A_296 = arith.index_cast %swap3A : i32 to index
        %swap3A_297 = arith.index_cast %add3A_289 : i32 to index
        %swap3A_298 = tpu.vector_load %arg8[%swap3A_296, %swap3A_297] {strides = array<i32>} : memref<4x4096xf32, #tpu.memory_space<vmem>>, vector<1x16xf32>,
        %swap3A_299 = vector.shape_cast %swap3A_298 : vector<1x16xf32> to vector<16xf32>
        %swap3A_300 = vector.shape_cast %max3A_295 : vector<16xf32> to vector<1x16xf32>
        tpu.vector_store %arg8[%swap3A_296, %swap3A_297], %swap3A_300 {strides = array<i32>} : memref<4x4096xf32, #tpu.memory_space<vmem>>, vector<1x16xf32>,
        %add3A_301 = arith.constant 16 : i32
        %add3A_302 = arith.addi %mul3A_287, %add3A_301 : i32
        %get3A_303 = arith.constant 2 : i32
        %get3A_304 = arith.index_cast %get3A_303 : i32 to index
        %get3A_305 = arith.index_cast %add3A_302 : i32 to index
        %get3A_306 = tpu.vector_load %arg5[%get3A_304, %get3A_305] {strides = array<i32>} : memref<4x4096xf32, #tpu.memory_space<vmem>>, vector<1x16xf32>,
        %get3A_307 = vector.shape_cast %get3A_306 : vector<1x16xf32> to vector<16xf32>
        %max3A_308 = arith.constant 0.000000e+00 : f32
        %max3A_309 = vector.broadcast %max3A_308 : f32 to vector<16xf32>
        %max3A_310 = arith.maximumf %get3A_307, %max3A_309 : vector<16xf32>
        %swap3A_311 = arith.constant 2 : i32
        %swap3A_312 = arith.index_cast %swap3A_311 : i32 to index
        %swap3A_313 = arith.index_cast %add3A_302 : i32 to index
        %swap3A_314 = tpu.vector_load %arg8[%swap3A_312, %swap3A_313] {strides = array<i32>} : memref<4x4096xf32, #tpu.memory_space<vmem>>, vector<1x16xf32>,
        %swap3A_315 = vector.shape_cast %swap3A_314 : vector<1x16xf32> to vector<16xf32>
        %swap3A_316 = vector.shape_cast %max3A_310 : vector<16xf32> to vector<1x16xf32>
        tpu.vector_store %arg8[%swap3A_312, %swap3A_313], %swap3A_316 {strides = array<i32>} : memref<4x4096xf32, #tpu.memory_space<vmem>>, vector<1x16xf32>,
        %add3A_317 = arith.constant 32 : i32
        %add3A_318 = arith.addi %mul3A_287, %add3A_317 : i32
        %get3A_319 = arith.constant 2 : i32
        %get3A_320 = arith.index_cast %get3A_319 : i32 to index
        %get3A_321 = arith.index_cast %add3A_318 : i32 to index
        %get3A_322 = tpu.vector_load %arg5[%get3A_320, %get3A_321] {strides = array<i32>} : memref<4x4096xf32, #tpu.memory_space<vmem>>, vector<1x16xf32>,
        %get3A_323 = vector.shape_cast %get3A_322 : vector<1x16xf32> to vector<16xf32>
        %max3A_324 = arith.constant 0.000000e+00 : f32
        %max3A_325 = vector.broadcast %max3A_324 : f32 to vector<16xf32>
        %max3A_326 = arith.maximumf %get3A_323, %max3A_325 : vector<16xf32>
        %swap3A_327 = arith.constant 2 : i32
        %swap3A_328 = arith.index_cast %swap3A_327 : i32 to index
        %swap3A_329 = arith.index_cast %add3A_318 : i32 to index
        %swap3A_330 = tpu.vector_load %arg8[%swap3A_328, %swap3A_329] {strides = array<i32>} : memref<4x4096xf32, #tpu.memory_space<vmem>>, vector<1x16xf32>,
        %swap3A_331 = vector.shape_cast %swap3A_330 : vector<1x16xf32> to vector<16xf32>
        %swap3A_332 = vector.shape_cast %max3A_326 : vector<16xf32> to vector<1x16xf32>
        tpu.vector_store %arg8[%swap3A_328, %swap3A_329], %swap3A_332 {strides = array<i32>} : memref<4x4096xf32, #tpu.memory_space<vmem>>, vector<1x16xf32>,
        %add3A_333 = arith.constant 48 : i32
        %add3A_334 = arith.addi %mul3A_287, %add3A_333 : i32
        %get3A_335 = arith.constant 2 : i32
        %get3A_336 = arith.index_cast %get3A_335 : i32 to index
        %get3A_337 = arith.index_cast %add3A_334 : i32 to index
        %get3A_338 = tpu.vector_load %arg5[%get3A_336, %get3A_337] {strides = array<i32>} : memref<4x4096xf32, #tpu.memory_space<vmem>>, vector<1x16xf32>,
        %get3A_339 = vector.shape_cast %get3A_338 : vector<1x16xf32> to vector<16xf32>
        %max3A_340 = arith.constant 0.000000e+00 : f32
        %max3A_341 = vector.broadcast %max3A_340 : f32 to vector<16xf32>
        %max3A_342 = arith.maximumf %get3A_339, %max3A_341 : vector<16xf32>
        %swap3A_343 = arith.constant 2 : i32
        %swap3A_344 = arith.index_cast %swap3A_343 : i32 to index
        %swap3A_345 = arith.index_cast %add3A_334 : i32 to index
        %swap3A_346 = tpu.vector_load %arg8[%swap3A_344, %swap3A_345] {strides = array<i32>} : memref<4x4096xf32, #tpu.memory_space<vmem>>, vector<1x16xf32>,
        %swap3A_347 = vector.shape_cast %swap3A_346 : vector<1x16xf32> to vector<16xf32>
        %swap3A_348 = vector.shape_cast %max3A_342 : vector<16xf32> to vector<1x16xf32>
        tpu.vector_store %arg8[%swap3A_344, %swap3A_345], %swap3A_348 {strides = array<i32>} : memref<4x4096xf32, #tpu.memory_space<vmem>>, vector<1x16xf32>,
        %add3A_349 = arith.constant 64 : i32
        %add3A_350 = arith.addi %mul3A_287, %add3A_349 : i32
        %add3A_351 = arith.constant 0 : i32
        %add3A_352 = arith.addi %add3A_350, %add3A_351 : i32
        %get3A_353 = arith.constant 2 : i32
        %get3A_354 = arith.index_cast %get3A_353 : i32 to index
        %get3A_355 = arith.index_cast %add3A_352 : i32 to index
        %get3A_356 = tpu.vector_load %arg5[%get3A_354, %get3A_355] {strides = array<i32>} : memref<4x4096xf32, #tpu.memory_space<vmem>>, vector<1x16xf32>,
        %get3A_357 = vector.shape_cast %get3A_356 : vector<1x16xf32> to vector<16xf32>
        %mul3A_358 = arith.constant -1.000000e+00 : f32
        %mul3A_359 = vector.broadcast %mul3A_358 : f32 to vector<16xf32>
        %mul3A_360 = arith.mulf %get3A_357, %mul3A_359 : vector<16xf32>
        %exp3A = math.exp %mul3A_360 : vector<16xf32>
        %add3A_361 = arith.constant 1.000000e+00 : f32
        %add3A_362 = vector.broadcast %add3A_361 : f32 to vector<16xf32>
        %add3A_363 = arith.addf %add3A_362, %exp3A : vector<16xf32>
        %div3A = arith.divf %get3A_357, %add3A_363 : vector<16xf32>
        %swap3A_364 = arith.constant 2 : i32
        %swap3A_365 = arith.index_cast %swap3A_364 : i32 to index
        %swap3A_366 = arith.index_cast %add3A_352 : i32 to index
        %swap3A_367 = tpu.vector_load %arg8[%swap3A_365, %swap3A_366] {strides = array<i32>} : memref<4x4096xf32, #tpu.memory_space<vmem>>, vector<1x16xf32>,
        %swap3A_368 = vector.shape_cast %swap3A_367 : vector<1x16xf32> to vector<16xf32>
        %swap3A_369 = vector.shape_cast %div3A : vector<16xf32> to vector<1x16xf32>
        tpu.vector_store %arg8[%swap3A_365, %swap3A_366], %swap3A_369 {strides = array<i32>} : memref<4x4096xf32, #tpu.memory_space<vmem>>, vector<1x16xf32>,
        %add3A_370 = arith.constant 64 : i32
        %add3A_371 = arith.addi %mul3A_287, %add3A_370 : i32
        %add3A_372 = arith.constant 16 : i32
        %add3A_373 = arith.addi %add3A_371, %add3A_372 : i32
        %get3A_374 = arith.constant 2 : i32
        %get3A_375 = arith.index_cast %get3A_374 : i32 to index
        %get3A_376 = arith.index_cast %add3A_373 : i32 to index
        %get3A_377 = tpu.vector_load %arg5[%get3A_375, %get3A_376] {strides = array<i32>} : memref<4x4096xf32, #tpu.memory_space<vmem>>, vector<1x16xf32>,
        %get3A_378 = vector.shape_cast %get3A_377 : vector<1x16xf32> to vector<16xf32>
        %mul3A_379 = arith.constant -1.000000e+00 : f32
        %mul3A_380 = vector.broadcast %mul3A_379 : f32 to vector<16xf32>
        %mul3A_381 = arith.mulf %get3A_378, %mul3A_380 : vector<16xf32>
        %exp3A_382 = math.exp %mul3A_381 : vector<16xf32>
        %add3A_383 = arith.constant 1.000000e+00 : f32
        %add3A_384 = vector.broadcast %add3A_383 : f32 to vector<16xf32>
        %add3A_385 = arith.addf %add3A_384, %exp3A_382 : vector<16xf32>
        %div3A_386 = arith.divf %get3A_378, %add3A_385 : vector<16xf32>
        %swap3A_387 = arith.constant 2 : i32
        %swap3A_388 = arith.index_cast %swap3A_387 : i32 to index
        %swap3A_389 = arith.index_cast %add3A_373 : i32 to index
        %swap3A_390 = tpu.vector_load %arg8[%swap3A_388, %swap3A_389] {strides = array<i32>} : memref<4x4096xf32, #tpu.memory_space<vmem>>, vector<1x16xf32>,
        %swap3A_391 = vector.shape_cast %swap3A_390 : vector<1x16xf32> to vector<16xf32>
        %swap3A_392 = vector.shape_cast %div3A_386 : vector<16xf32> to vector<1x16xf32>
        tpu.vector_store %arg8[%swap3A_388, %swap3A_389], %swap3A_392 {strides = array<i32>} : memref<4x4096xf32, #tpu.memory_space<vmem>>, vector<1x16xf32>,
        %add3A_393 = arith.constant 64 : i32
        %add3A_394 = arith.addi %mul3A_287, %add3A_393 : i32
        %add3A_395 = arith.constant 32 : i32
        %add3A_396 = arith.addi %add3A_394, %add3A_395 : i32
        %get3A_397 = arith.constant 2 : i32
        %get3A_398 = arith.index_cast %get3A_397 : i32 to index
        %get3A_399 = arith.index_cast %add3A_396 : i32 to index
        %get3A_400 = tpu.vector_load %arg5[%get3A_398, %get3A_399] {strides = array<i32>} : memref<4x4096xf32, #tpu.memory_space<vmem>>, vector<1x16xf32>,
        %get3A_401 = vector.shape_cast %get3A_400 : vector<1x16xf32> to vector<16xf32>
        %mul3A_402 = arith.constant -1.000000e+00 : f32
        %mul3A_403 = vector.broadcast %mul3A_402 : f32 to vector<16xf32>
        %mul3A_404 = arith.mulf %get3A_401, %mul3A_403 : vector<16xf32>
        %exp3A_405 = math.exp %mul3A_404 : vector<16xf32>
        %add3A_406 = arith.constant 1.000000e+00 : f32
        %add3A_407 = vector.broadcast %add3A_406 : f32 to vector<16xf32>
        %add3A_408 = arith.addf %add3A_407, %exp3A_405 : vector<16xf32>
        %div3A_409 = arith.divf %get3A_401, %add3A_408 : vector<16xf32>
        %swap3A_410 = arith.constant 2 : i32
        %swap3A_411 = arith.index_cast %swap3A_410 : i32 to index
        %swap3A_412 = arith.index_cast %add3A_396 : i32 to index
        %swap3A_413 = tpu.vector_load %arg8[%swap3A_411, %swap3A_412] {strides = array<i32>} : memref<4x4096xf32, #tpu.memory_space<vmem>>, vector<1x16xf32>,
        %swap3A_414 = vector.shape_cast %swap3A_413 : vector<1x16xf32> to vector<16xf32>
        %swap3A_415 = vector.shape_cast %div3A_409 : vector<16xf32> to vector<1x16xf32>
        tpu.vector_store %arg8[%swap3A_411, %swap3A_412], %swap3A_415 {strides = array<i32>} : memref<4x4096xf32, #tpu.memory_space<vmem>>, vector<1x16xf32>,
        %add3A_416 = arith.constant 64 : i32
        %add3A_417 = arith.addi %mul3A_287, %add3A_416 : i32
        %add3A_418 = arith.constant 48 : i32
        %add3A_419 = arith.addi %add3A_417, %add3A_418 : i32
        %get3A_420 = arith.constant 2 : i32
        %get3A_421 = arith.index_cast %get3A_420 : i32 to index
        %get3A_422 = arith.index_cast %add3A_419 : i32 to index
        %get3A_423 = tpu.vector_load %arg5[%get3A_421, %get3A_422] {strides = array<i32>} : memref<4x4096xf32, #tpu.memory_space<vmem>>, vector<1x16xf32>,
        %get3A_424 = vector.shape_cast %get3A_423 : vector<1x16xf32> to vector<16xf32>
        %mul3A_425 = arith.constant -1.000000e+00 : f32
        %mul3A_426 = vector.broadcast %mul3A_425 : f32 to vector<16xf32>
        %mul3A_427 = arith.mulf %get3A_424, %mul3A_426 : vector<16xf32>
        %exp3A_428 = math.exp %mul3A_427 : vector<16xf32>
        %add3A_429 = arith.constant 1.000000e+00 : f32
        %add3A_430 = vector.broadcast %add3A_429 : f32 to vector<16xf32>
        %add3A_431 = arith.addf %add3A_430, %exp3A_428 : vector<16xf32>
        %div3A_432 = arith.divf %get3A_424, %add3A_431 : vector<16xf32>
        %swap3A_433 = arith.constant 2 : i32
        %swap3A_434 = arith.index_cast %swap3A_433 : i32 to index
        %swap3A_435 = arith.index_cast %add3A_419 : i32 to index
        %swap3A_436 = tpu.vector_load %arg8[%swap3A_434, %swap3A_435] {strides = array<i32>} : memref<4x4096xf32, #tpu.memory_space<vmem>>, vector<1x16xf32>,
        %swap3A_437 = vector.shape_cast %swap3A_436 : vector<1x16xf32> to vector<16xf32>
        %swap3A_438 = vector.shape_cast %div3A_432 : vector<16xf32> to vector<1x16xf32>
        tpu.vector_store %arg8[%swap3A_434, %swap3A_435], %swap3A_438 {strides = array<i32>} : memref<4x4096xf32, #tpu.memory_space<vmem>>, vector<1x16xf32>,
      }
      %scan3A_210 = arith.constant 32 : i32
      %scan3A_211 = arith.constant 0 : i32
      %scan3A_212 = arith.constant 0 : i32
      %scan3A_213 = arith.constant 32 : i32
      %scan3A_214 = arith.addi %scan3A_212, %scan3A_213 : i32
      %scan3A_215 = arith.constant 1 : i32
      scf.for %scan3A_285 = %scan3A_212 to %scan3A_214 step %scan3A_215  : i32 {
        %mul3A_286 = arith.constant 128 : i32
        %mul3A_287 = arith.muli %scan3A_285, %mul3A_286 : i32
        %add3A_288 = arith.constant 0 : i32
        %add3A_289 = arith.addi %mul3A_287, %add3A_288 : i32
        %get3A = arith.constant 3 : i32
        %get3A_290 = arith.index_cast %get3A : i32 to index
        %get3A_291 = arith.index_cast %add3A_289 : i32 to index
        %get3A_292 = tpu.vector_load %arg5[%get3A_290, %get3A_291] {strides = array<i32>} : memref<4x4096xf32, #tpu.memory_space<vmem>>, vector<1x16xf32>,
        %get3A_293 = vector.shape_cast %get3A_292 : vector<1x16xf32> to vector<16xf32>
        %max3A = arith.constant 0.000000e+00 : f32
        %max3A_294 = vector.broadcast %max3A : f32 to vector<16xf32>
        %max3A_295 = arith.maximumf %get3A_293, %max3A_294 : vector<16xf32>
        %swap3A = arith.constant 3 : i32
        %swap3A_296 = arith.index_cast %swap3A : i32 to index
        %swap3A_297 = arith.index_cast %add3A_289 : i32 to index
        %swap3A_298 = tpu.vector_load %arg8[%swap3A_296, %swap3A_297] {strides = array<i32>} : memref<4x4096xf32, #tpu.memory_space<vmem>>, vector<1x16xf32>,
        %swap3A_299 = vector.shape_cast %swap3A_298 : vector<1x16xf32> to vector<16xf32>
        %swap3A_300 = vector.shape_cast %max3A_295 : vector<16xf32> to vector<1x16xf32>
        tpu.vector_store %arg8[%swap3A_296, %swap3A_297], %swap3A_300 {strides = array<i32>} : memref<4x4096xf32, #tpu.memory_space<vmem>>, vector<1x16xf32>,
        %add3A_301 = arith.constant 16 : i32
        %add3A_302 = arith.addi %mul3A_287, %add3A_301 : i32
        %get3A_303 = arith.constant 3 : i32
        %get3A_304 = arith.index_cast %get3A_303 : i32 to index
        %get3A_305 = arith.index_cast %add3A_302 : i32 to index
        %get3A_306 = tpu.vector_load %arg5[%get3A_304, %get3A_305] {strides = array<i32>} : memref<4x4096xf32, #tpu.memory_space<vmem>>, vector<1x16xf32>,
        %get3A_307 = vector.shape_cast %get3A_306 : vector<1x16xf32> to vector<16xf32>
        %max3A_308 = arith.constant 0.000000e+00 : f32
        %max3A_309 = vector.broadcast %max3A_308 : f32 to vector<16xf32>
        %max3A_310 = arith.maximumf %get3A_307, %max3A_309 : vector<16xf32>
        %swap3A_311 = arith.constant 3 : i32
        %swap3A_312 = arith.index_cast %swap3A_311 : i32 to index
        %swap3A_313 = arith.index_cast %add3A_302 : i32 to index
        %swap3A_314 = tpu.vector_load %arg8[%swap3A_312, %swap3A_313] {strides = array<i32>} : memref<4x4096xf32, #tpu.memory_space<vmem>>, vector<1x16xf32>,
        %swap3A_315 = vector.shape_cast %swap3A_314 : vector<1x16xf32> to vector<16xf32>
        %swap3A_316 = vector.shape_cast %max3A_310 : vector<16xf32> to vector<1x16xf32>
        tpu.vector_store %arg8[%swap3A_312, %swap3A_313], %swap3A_316 {strides = array<i32>} : memref<4x4096xf32, #tpu.memory_space<vmem>>, vector<1x16xf32>,
        %add3A_317 = arith.constant 32 : i32
        %add3A_318 = arith.addi %mul3A_287, %add3A_317 : i32
        %get3A_319 = arith.constant 3 : i32
        %get3A_320 = arith.index_cast %get3A_319 : i32 to index
        %get3A_321 = arith.index_cast %add3A_318 : i32 to index
        %get3A_322 = tpu.vector_load %arg5[%get3A_320, %get3A_321] {strides = array<i32>} : memref<4x4096xf32, #tpu.memory_space<vmem>>, vector<1x16xf32>,
        %get3A_323 = vector.shape_cast %get3A_322 : vector<1x16xf32> to vector<16xf32>
        %max3A_324 = arith.constant 0.000000e+00 : f32
        %max3A_325 = vector.broadcast %max3A_324 : f32 to vector<16xf32>
        %max3A_326 = arith.maximumf %get3A_323, %max3A_325 : vector<16xf32>
        %swap3A_327 = arith.constant 3 : i32
        %swap3A_328 = arith.index_cast %swap3A_327 : i32 to index
        %swap3A_329 = arith.index_cast %add3A_318 : i32 to index
        %swap3A_330 = tpu.vector_load %arg8[%swap3A_328, %swap3A_329] {strides = array<i32>} : memref<4x4096xf32, #tpu.memory_space<vmem>>, vector<1x16xf32>,
        %swap3A_331 = vector.shape_cast %swap3A_330 : vector<1x16xf32> to vector<16xf32>
        %swap3A_332 = vector.shape_cast %max3A_326 : vector<16xf32> to vector<1x16xf32>
        tpu.vector_store %arg8[%swap3A_328, %swap3A_329], %swap3A_332 {strides = array<i32>} : memref<4x4096xf32, #tpu.memory_space<vmem>>, vector<1x16xf32>,
        %add3A_333 = arith.constant 48 : i32
        %add3A_334 = arith.addi %mul3A_287, %add3A_333 : i32
        %get3A_335 = arith.constant 3 : i32
        %get3A_336 = arith.index_cast %get3A_335 : i32 to index
        %get3A_337 = arith.index_cast %add3A_334 : i32 to index
        %get3A_338 = tpu.vector_load %arg5[%get3A_336, %get3A_337] {strides = array<i32>} : memref<4x4096xf32, #tpu.memory_space<vmem>>, vector<1x16xf32>,
        %get3A_339 = vector.shape_cast %get3A_338 : vector<1x16xf32> to vector<16xf32>
        %max3A_340 = arith.constant 0.000000e+00 : f32
        %max3A_341 = vector.broadcast %max3A_340 : f32 to vector<16xf32>
        %max3A_342 = arith.maximumf %get3A_339, %max3A_341 : vector<16xf32>
        %swap3A_343 = arith.constant 3 : i32
        %swap3A_344 = arith.index_cast %swap3A_343 : i32 to index
        %swap3A_345 = arith.index_cast %add3A_334 : i32 to index
        %swap3A_346 = tpu.vector_load %arg8[%swap3A_344, %swap3A_345] {strides = array<i32>} : memref<4x4096xf32, #tpu.memory_space<vmem>>, vector<1x16xf32>,
        %swap3A_347 = vector.shape_cast %swap3A_346 : vector<1x16xf32> to vector<16xf32>
        %swap3A_348 = vector.shape_cast %max3A_342 : vector<16xf32> to vector<1x16xf32>
        tpu.vector_store %arg8[%swap3A_344, %swap3A_345], %swap3A_348 {strides = array<i32>} : memref<4x4096xf32, #tpu.memory_space<vmem>>, vector<1x16xf32>,
        %add3A_349 = arith.constant 64 : i32
        %add3A_350 = arith.addi %mul3A_287, %add3A_349 : i32
        %add3A_351 = arith.constant 0 : i32
        %add3A_352 = arith.addi %add3A_350, %add3A_351 : i32
        %get3A_353 = arith.constant 3 : i32
        %get3A_354 = arith.index_cast %get3A_353 : i32 to index
        %get3A_355 = arith.index_cast %add3A_352 : i32 to index
        %get3A_356 = tpu.vector_load %arg5[%get3A_354, %get3A_355] {strides = array<i32>} : memref<4x4096xf32, #tpu.memory_space<vmem>>, vector<1x16xf32>,
        %get3A_357 = vector.shape_cast %get3A_356 : vector<1x16xf32> to vector<16xf32>
        %mul3A_358 = arith.constant -1.000000e+00 : f32
        %mul3A_359 = vector.broadcast %mul3A_358 : f32 to vector<16xf32>
        %mul3A_360 = arith.mulf %get3A_357, %mul3A_359 : vector<16xf32>
        %exp3A = math.exp %mul3A_360 : vector<16xf32>
        %add3A_361 = arith.constant 1.000000e+00 : f32
        %add3A_362 = vector.broadcast %add3A_361 : f32 to vector<16xf32>
        %add3A_363 = arith.addf %add3A_362, %exp3A : vector<16xf32>
        %div3A = arith.divf %get3A_357, %add3A_363 : vector<16xf32>
        %swap3A_364 = arith.constant 3 : i32
        %swap3A_365 = arith.index_cast %swap3A_364 : i32 to index
        %swap3A_366 = arith.index_cast %add3A_352 : i32 to index
        %swap3A_367 = tpu.vector_load %arg8[%swap3A_365, %swap3A_366] {strides = array<i32>} : memref<4x4096xf32, #tpu.memory_space<vmem>>, vector<1x16xf32>,
        %swap3A_368 = vector.shape_cast %swap3A_367 : vector<1x16xf32> to vector<16xf32>
        %swap3A_369 = vector.shape_cast %div3A : vector<16xf32> to vector<1x16xf32>
        tpu.vector_store %arg8[%swap3A_365, %swap3A_366], %swap3A_369 {strides = array<i32>} : memref<4x4096xf32, #tpu.memory_space<vmem>>, vector<1x16xf32>,
        %add3A_370 = arith.constant 64 : i32
        %add3A_371 = arith.addi %mul3A_287, %add3A_370 : i32
        %add3A_372 = arith.constant 16 : i32
        %add3A_373 = arith.addi %add3A_371, %add3A_372 : i32
        %get3A_374 = arith.constant 3 : i32
        %get3A_375 = arith.index_cast %get3A_374 : i32 to index
        %get3A_376 = arith.index_cast %add3A_373 : i32 to index
        %get3A_377 = tpu.vector_load %arg5[%get3A_375, %get3A_376] {strides = array<i32>} : memref<4x4096xf32, #tpu.memory_space<vmem>>, vector<1x16xf32>,
        %get3A_378 = vector.shape_cast %get3A_377 : vector<1x16xf32> to vector<16xf32>
        %mul3A_379 = arith.constant -1.000000e+00 : f32
        %mul3A_380 = vector.broadcast %mul3A_379 : f32 to vector<16xf32>
        %mul3A_381 = arith.mulf %get3A_378, %mul3A_380 : vector<16xf32>
        %exp3A_382 = math.exp %mul3A_381 : vector<16xf32>
        %add3A_383 = arith.constant 1.000000e+00 : f32
        %add3A_384 = vector.broadcast %add3A_383 : f32 to vector<16xf32>
        %add3A_385 = arith.addf %add3A_384, %exp3A_382 : vector<16xf32>
        %div3A_386 = arith.divf %get3A_378, %add3A_385 : vector<16xf32>
        %swap3A_387 = arith.constant 3 : i32
        %swap3A_388 = arith.index_cast %swap3A_387 : i32 to index
        %swap3A_389 = arith.index_cast %add3A_373 : i32 to index
        %swap3A_390 = tpu.vector_load %arg8[%swap3A_388, %swap3A_389] {strides = array<i32>} : memref<4x4096xf32, #tpu.memory_space<vmem>>, vector<1x16xf32>,
        %swap3A_391 = vector.shape_cast %swap3A_390 : vector<1x16xf32> to vector<16xf32>
        %swap3A_392 = vector.shape_cast %div3A_386 : vector<16xf32> to vector<1x16xf32>
        tpu.vector_store %arg8[%swap3A_388, %swap3A_389], %swap3A_392 {strides = array<i32>} : memref<4x4096xf32, #tpu.memory_space<vmem>>, vector<1x16xf32>,
        %add3A_393 = arith.constant 64 : i32
        %add3A_394 = arith.addi %mul3A_287, %add3A_393 : i32
        %add3A_395 = arith.constant 32 : i32
        %add3A_396 = arith.addi %add3A_394, %add3A_395 : i32
        %get3A_397 = arith.constant 3 : i32
        %get3A_398 = arith.index_cast %get3A_397 : i32 to index
        %get3A_399 = arith.index_cast %add3A_396 : i32 to index
        %get3A_400 = tpu.vector_load %arg5[%get3A_398, %get3A_399] {strides = array<i32>} : memref<4x4096xf32, #tpu.memory_space<vmem>>, vector<1x16xf32>,
        %get3A_401 = vector.shape_cast %get3A_400 : vector<1x16xf32> to vector<16xf32>
        %mul3A_402 = arith.constant -1.000000e+00 : f32
        %mul3A_403 = vector.broadcast %mul3A_402 : f32 to vector<16xf32>
        %mul3A_404 = arith.mulf %get3A_401, %mul3A_403 : vector<16xf32>
        %exp3A_405 = math.exp %mul3A_404 : vector<16xf32>
        %add3A_406 = arith.constant 1.000000e+00 : f32
        %add3A_407 = vector.broadcast %add3A_406 : f32 to vector<16xf32>
        %add3A_408 = arith.addf %add3A_407, %exp3A_405 : vector<16xf32>
        %div3A_409 = arith.divf %get3A_401, %add3A_408 : vector<16xf32>
        %swap3A_410 = arith.constant 3 : i32
        %swap3A_411 = arith.index_cast %swap3A_410 : i32 to index
        %swap3A_412 = arith.index_cast %add3A_396 : i32 to index
        %swap3A_413 = tpu.vector_load %arg8[%swap3A_411, %swap3A_412] {strides = array<i32>} : memref<4x4096xf32, #tpu.memory_space<vmem>>, vector<1x16xf32>,
        %swap3A_414 = vector.shape_cast %swap3A_413 : vector<1x16xf32> to vector<16xf32>
        %swap3A_415 = vector.shape_cast %div3A_409 : vector<16xf32> to vector<1x16xf32>
        tpu.vector_store %arg8[%swap3A_411, %swap3A_412], %swap3A_415 {strides = array<i32>} : memref<4x4096xf32, #tpu.memory_space<vmem>>, vector<1x16xf32>,
        %add3A_416 = arith.constant 64 : i32
        %add3A_417 = arith.addi %mul3A_287, %add3A_416 : i32
        %add3A_418 = arith.constant 48 : i32
        %add3A_419 = arith.addi %add3A_417, %add3A_418 : i32
        %get3A_420 = arith.constant 3 : i32
        %get3A_421 = arith.index_cast %get3A_420 : i32 to index
        %get3A_422 = arith.index_cast %add3A_419 : i32 to index
        %get3A_423 = tpu.vector_load %arg5[%get3A_421, %get3A_422] {strides = array<i32>} : memref<4x4096xf32, #tpu.memory_space<vmem>>, vector<1x16xf32>,
        %get3A_424 = vector.shape_cast %get3A_423 : vector<1x16xf32> to vector<16xf32>
        %mul3A_425 = arith.constant -1.000000e+00 : f32
        %mul3A_426 = vector.broadcast %mul3A_425 : f32 to vector<16xf32>
        %mul3A_427 = arith.mulf %get3A_424, %mul3A_426 : vector<16xf32>
        %exp3A_428 = math.exp %mul3A_427 : vector<16xf32>
        %add3A_429 = arith.constant 1.000000e+00 : f32
        %add3A_430 = vector.broadcast %add3A_429 : f32 to vector<16xf32>
        %add3A_431 = arith.addf %add3A_430, %exp3A_428 : vector<16xf32>
        %div3A_432 = arith.divf %get3A_424, %add3A_431 : vector<16xf32>
        %swap3A_433 = arith.constant 3 : i32
        %swap3A_434 = arith.index_cast %swap3A_433 : i32 to index
        %swap3A_435 = arith.index_cast %add3A_419 : i32 to index
        %swap3A_436 = tpu.vector_load %arg8[%swap3A_434, %swap3A_435] {strides = array<i32>} : memref<4x4096xf32, #tpu.memory_space<vmem>>, vector<1x16xf32>,
        %swap3A_437 = vector.shape_cast %swap3A_436 : vector<1x16xf32> to vector<16xf32>
        %swap3A_438 = vector.shape_cast %div3A_432 : vector<16xf32> to vector<1x16xf32>
        tpu.vector_store %arg8[%swap3A_434, %swap3A_435], %swap3A_438 {strides = array<i32>} : memref<4x4096xf32, #tpu.memory_space<vmem>>, vector<1x16xf32>,
      }
      %scan3A_216 = arith.constant 32 : i32
      %mul3A_217 = arith.constant 4 : i32
      %mul3A_218 = arith.muli %add3A_180, %mul3A_217 : i32
      %add3A_219 = arith.addi %mul3A_2, %mul3A_218 : i32
      %dma_start3A_220 = arith.constant 0 : i32
      %dma_start3A_221 = tpu.memref_slice %arg3[%add3A_219, %dma_start3A_220] : memref<16384x4096xf32, #tpu.memory_space<hbm>> -> memref<4x4096xf32, #tpu.memory_space<hbm>>
      %dma_start3A_222 = arith.constant 0 : i32
      %dma_start3A_223 = tpu.memref_slice %arg3[%add3A_219, %dma_start3A_222] : memref<16384x4096xf32, #tpu.memory_space<hbm>> -> memref<4x4096xf32, #tpu.memory_space<hbm>>
      tpu.enqueue_dma source(%arg8 : memref<4x4096xf32, #tpu.memory_space<vmem>>) target(%dma_start3A_223 : memref<4x4096xf32, #tpu.memory_space<hbm>>) target_semaphore(%arg14 : memref<!tpu.dma_semaphore, #tpu.memory_space<semaphore_mem>>)
      %add3A_224 = arith.constant 3 : i32
      %add3A_225 = arith.addi %add3A_180, %add3A_224 : i32
      %le3A_226 = arith.constant 127 : i32
      %le3A_227 = arith.cmpi sle, %add3A_225, %le3A_226 : i32
      %convert_element_type3A_228 = arith.extui %le3A_227 : i1 to i32
      %cond3A_229 = arith.constant 0 : i32
      %cond3A_230 = arith.cmpi ne, %convert_element_type3A_228, %cond3A_229 : i32
      scf.if %cond3A_230 {
        %add3A_285 = arith.constant 3 : i32
        %add3A_286 = arith.addi %add3A_180, %add3A_285 : i32
        %mul3A_287 = arith.constant 4 : i32
        %mul3A_288 = arith.muli %add3A_286, %mul3A_287 : i32
        %add3A_289 = arith.addi %mul3A_2, %mul3A_288 : i32
        %dma_start3A_290 = arith.constant 0 : i32
        %dma_start3A_291 = tpu.memref_slice %arg2[%add3A_289, %dma_start3A_290] : memref<16384x4096xf32, #tpu.memory_space<hbm>> -> memref<4x4096xf32, #tpu.memory_space<hbm>>
        %dma_start3A_292 = arith.constant 0 : i32
        %dma_start3A_293 = tpu.memref_slice %arg2[%add3A_289, %dma_start3A_292] : memref<16384x4096xf32, #tpu.memory_space<hbm>> -> memref<4x4096xf32, #tpu.memory_space<hbm>>
        tpu.enqueue_dma source(%dma_start3A_293 : memref<4x4096xf32, #tpu.memory_space<hbm>>) target(%arg5 : memref<4x4096xf32, #tpu.memory_space<vmem>>) target_semaphore(%arg11 : memref<!tpu.dma_semaphore, #tpu.memory_space<semaphore_mem>>)
      } else {
      }
      %mul3A_231 = arith.constant 3 : i32
      %mul3A_232 = arith.muli %mul3A_231, %scan3A_126 : i32
      %add3A_233 = arith.constant 2 : i32
      %add3A_234 = arith.addi %mul3A_232, %add3A_233 : i32
      %mul3A_235 = arith.constant 4 : i32
      %mul3A_236 = arith.muli %add3A_234, %mul3A_235 : i32
      %add3A_237 = arith.addi %mul3A_2, %mul3A_236 : i32
      %dma_wait3A_238 = arith.constant 0 : i32
      %dma_wait3A_239 = tpu.memref_slice %arg2[%add3A_237, %dma_wait3A_238] : memref<16384x4096xf32, #tpu.memory_space<hbm>> -> memref<4x4096xf32, #tpu.memory_space<hbm>>
      %dma_wait3A_240 = arith.constant 0 : i32
      %dma_wait3A_241 = tpu.memref_slice %arg2[%add3A_237, %dma_wait3A_240] : memref<16384x4096xf32, #tpu.memory_space<hbm>> -> memref<4x4096xf32, #tpu.memory_space<hbm>>
      tpu.wait_dma2 semaphore(%arg12 : memref<!tpu.dma_semaphore, #tpu.memory_space<semaphore_mem>>) src(%dma_wait3A_241 : memref<4x4096xf32, #tpu.memory_space<hbm>>) dst(%arg6 : memref<4x4096xf32, #tpu.memory_space<vmem>>)
      %gt3A_242 = arith.constant 0 : i32
      %gt3A_243 = arith.cmpi sgt, %scan3A_126, %gt3A_242 : i32
      %convert_element_type3A_244 = arith.extui %gt3A_243 : i1 to i32
      %cond3A_245 = arith.constant 0 : i32
      %cond3A_246 = arith.cmpi ne, %convert_element_type3A_244, %cond3A_245 : i32
      scf.if %cond3A_246 {
        %mul3A_285 = arith.constant 4 : i32
        %mul3A_286 = arith.muli %add3A_234, %mul3A_285 : i32
        %add3A_287 = arith.addi %mul3A_2, %mul3A_286 : i32
        %dma_wait3A_288 = arith.constant 0 : i32
        %dma_wait3A_289 = tpu.memref_slice %arg3[%add3A_287, %dma_wait3A_288] : memref<16384x4096xf32, #tpu.memory_space<hbm>> -> memref<4x4096xf32, #tpu.memory_space<hbm>>
        %dma_wait3A_290 = arith.constant 0 : i32
        %dma_wait3A_291 = tpu.memref_slice %arg3[%add3A_287, %dma_wait3A_290] : memref<16384x4096xf32, #tpu.memory_space<hbm>> -> memref<4x4096xf32, #tpu.memory_space<hbm>>
        tpu.wait_dma2 semaphore(%arg15 : memref<!tpu.dma_semaphore, #tpu.memory_space<semaphore_mem>>) src(%arg9 : memref<4x4096xf32, #tpu.memory_space<vmem>>) dst(%dma_wait3A_291 : memref<4x4096xf32, #tpu.memory_space<hbm>>)
      } else {
      }
      %scan3A_247 = arith.constant 0 : i32
      %scan3A_248 = arith.constant 0 : i32
      %scan3A_249 = arith.constant 32 : i32
      %scan3A_250 = arith.addi %scan3A_248, %scan3A_249 : i32
      %scan3A_251 = arith.constant 1 : i32
      scf.for %scan3A_285 = %scan3A_248 to %scan3A_250 step %scan3A_251  : i32 {
        %mul3A_286 = arith.constant 128 : i32
        %mul3A_287 = arith.muli %scan3A_285, %mul3A_286 : i32
        %add3A_288 = arith.constant 0 : i32
        %add3A_289 = arith.addi %mul3A_287, %add3A_288 : i32
        %get3A = arith.constant 0 : i32
        %get3A_290 = arith.index_cast %get3A : i32 to index
        %get3A_291 = arith.index_cast %add3A_289 : i32 to index
        %get3A_292 = tpu.vector_load %arg6[%get3A_290, %get3A_291] {strides = array<i32>} : memref<4x4096xf32, #tpu.memory_space<vmem>>, vector<1x16xf32>,
        %get3A_293 = vector.shape_cast %get3A_292 : vector<1x16xf32> to vector<16xf32>
        %max3A = arith.constant 0.000000e+00 : f32
        %max3A_294 = vector.broadcast %max3A : f32 to vector<16xf32>
        %max3A_295 = arith.maximumf %get3A_293, %max3A_294 : vector<16xf32>
        %swap3A = arith.constant 0 : i32
        %swap3A_296 = arith.index_cast %swap3A : i32 to index
        %swap3A_297 = arith.index_cast %add3A_289 : i32 to index
        %swap3A_298 = tpu.vector_load %arg9[%swap3A_296, %swap3A_297] {strides = array<i32>} : memref<4x4096xf32, #tpu.memory_space<vmem>>, vector<1x16xf32>,
        %swap3A_299 = vector.shape_cast %swap3A_298 : vector<1x16xf32> to vector<16xf32>
        %swap3A_300 = vector.shape_cast %max3A_295 : vector<16xf32> to vector<1x16xf32>
        tpu.vector_store %arg9[%swap3A_296, %swap3A_297], %swap3A_300 {strides = array<i32>} : memref<4x4096xf32, #tpu.memory_space<vmem>>, vector<1x16xf32>,
        %add3A_301 = arith.constant 16 : i32
        %add3A_302 = arith.addi %mul3A_287, %add3A_301 : i32
        %get3A_303 = arith.constant 0 : i32
        %get3A_304 = arith.index_cast %get3A_303 : i32 to index
        %get3A_305 = arith.index_cast %add3A_302 : i32 to index
        %get3A_306 = tpu.vector_load %arg6[%get3A_304, %get3A_305] {strides = array<i32>} : memref<4x4096xf32, #tpu.memory_space<vmem>>, vector<1x16xf32>,
        %get3A_307 = vector.shape_cast %get3A_306 : vector<1x16xf32> to vector<16xf32>
        %max3A_308 = arith.constant 0.000000e+00 : f32
        %max3A_309 = vector.broadcast %max3A_308 : f32 to vector<16xf32>
        %max3A_310 = arith.maximumf %get3A_307, %max3A_309 : vector<16xf32>
        %swap3A_311 = arith.constant 0 : i32
        %swap3A_312 = arith.index_cast %swap3A_311 : i32 to index
        %swap3A_313 = arith.index_cast %add3A_302 : i32 to index
        %swap3A_314 = tpu.vector_load %arg9[%swap3A_312, %swap3A_313] {strides = array<i32>} : memref<4x4096xf32, #tpu.memory_space<vmem>>, vector<1x16xf32>,
        %swap3A_315 = vector.shape_cast %swap3A_314 : vector<1x16xf32> to vector<16xf32>
        %swap3A_316 = vector.shape_cast %max3A_310 : vector<16xf32> to vector<1x16xf32>
        tpu.vector_store %arg9[%swap3A_312, %swap3A_313], %swap3A_316 {strides = array<i32>} : memref<4x4096xf32, #tpu.memory_space<vmem>>, vector<1x16xf32>,
        %add3A_317 = arith.constant 32 : i32
        %add3A_318 = arith.addi %mul3A_287, %add3A_317 : i32
        %get3A_319 = arith.constant 0 : i32
        %get3A_320 = arith.index_cast %get3A_319 : i32 to index
        %get3A_321 = arith.index_cast %add3A_318 : i32 to index
        %get3A_322 = tpu.vector_load %arg6[%get3A_320, %get3A_321] {strides = array<i32>} : memref<4x4096xf32, #tpu.memory_space<vmem>>, vector<1x16xf32>,
        %get3A_323 = vector.shape_cast %get3A_322 : vector<1x16xf32> to vector<16xf32>
        %max3A_324 = arith.constant 0.000000e+00 : f32
        %max3A_325 = vector.broadcast %max3A_324 : f32 to vector<16xf32>
        %max3A_326 = arith.maximumf %get3A_323, %max3A_325 : vector<16xf32>
        %swap3A_327 = arith.constant 0 : i32
        %swap3A_328 = arith.index_cast %swap3A_327 : i32 to index
        %swap3A_329 = arith.index_cast %add3A_318 : i32 to index
        %swap3A_330 = tpu.vector_load %arg9[%swap3A_328, %swap3A_329] {strides = array<i32>} : memref<4x4096xf32, #tpu.memory_space<vmem>>, vector<1x16xf32>,
        %swap3A_331 = vector.shape_cast %swap3A_330 : vector<1x16xf32> to vector<16xf32>
        %swap3A_332 = vector.shape_cast %max3A_326 : vector<16xf32> to vector<1x16xf32>
        tpu.vector_store %arg9[%swap3A_328, %swap3A_329], %swap3A_332 {strides = array<i32>} : memref<4x4096xf32, #tpu.memory_space<vmem>>, vector<1x16xf32>,
        %add3A_333 = arith.constant 48 : i32
        %add3A_334 = arith.addi %mul3A_287, %add3A_333 : i32
        %get3A_335 = arith.constant 0 : i32
        %get3A_336 = arith.index_cast %get3A_335 : i32 to index
        %get3A_337 = arith.index_cast %add3A_334 : i32 to index
        %get3A_338 = tpu.vector_load %arg6[%get3A_336, %get3A_337] {strides = array<i32>} : memref<4x4096xf32, #tpu.memory_space<vmem>>, vector<1x16xf32>,
        %get3A_339 = vector.shape_cast %get3A_338 : vector<1x16xf32> to vector<16xf32>
        %max3A_340 = arith.constant 0.000000e+00 : f32
        %max3A_341 = vector.broadcast %max3A_340 : f32 to vector<16xf32>
        %max3A_342 = arith.maximumf %get3A_339, %max3A_341 : vector<16xf32>
        %swap3A_343 = arith.constant 0 : i32
        %swap3A_344 = arith.index_cast %swap3A_343 : i32 to index
        %swap3A_345 = arith.index_cast %add3A_334 : i32 to index
        %swap3A_346 = tpu.vector_load %arg9[%swap3A_344, %swap3A_345] {strides = array<i32>} : memref<4x4096xf32, #tpu.memory_space<vmem>>, vector<1x16xf32>,
        %swap3A_347 = vector.shape_cast %swap3A_346 : vector<1x16xf32> to vector<16xf32>
        %swap3A_348 = vector.shape_cast %max3A_342 : vector<16xf32> to vector<1x16xf32>
        tpu.vector_store %arg9[%swap3A_344, %swap3A_345], %swap3A_348 {strides = array<i32>} : memref<4x4096xf32, #tpu.memory_space<vmem>>, vector<1x16xf32>,
        %add3A_349 = arith.constant 64 : i32
        %add3A_350 = arith.addi %mul3A_287, %add3A_349 : i32
        %add3A_351 = arith.constant 0 : i32
        %add3A_352 = arith.addi %add3A_350, %add3A_351 : i32
        %get3A_353 = arith.constant 0 : i32
        %get3A_354 = arith.index_cast %get3A_353 : i32 to index
        %get3A_355 = arith.index_cast %add3A_352 : i32 to index
        %get3A_356 = tpu.vector_load %arg6[%get3A_354, %get3A_355] {strides = array<i32>} : memref<4x4096xf32, #tpu.memory_space<vmem>>, vector<1x16xf32>,
        %get3A_357 = vector.shape_cast %get3A_356 : vector<1x16xf32> to vector<16xf32>
        %mul3A_358 = arith.constant -1.000000e+00 : f32
        %mul3A_359 = vector.broadcast %mul3A_358 : f32 to vector<16xf32>
        %mul3A_360 = arith.mulf %get3A_357, %mul3A_359 : vector<16xf32>
        %exp3A = math.exp %mul3A_360 : vector<16xf32>
        %add3A_361 = arith.constant 1.000000e+00 : f32
        %add3A_362 = vector.broadcast %add3A_361 : f32 to vector<16xf32>
        %add3A_363 = arith.addf %add3A_362, %exp3A : vector<16xf32>
        %div3A = arith.divf %get3A_357, %add3A_363 : vector<16xf32>
        %swap3A_364 = arith.constant 0 : i32
        %swap3A_365 = arith.index_cast %swap3A_364 : i32 to index
        %swap3A_366 = arith.index_cast %add3A_352 : i32 to index
        %swap3A_367 = tpu.vector_load %arg9[%swap3A_365, %swap3A_366] {strides = array<i32>} : memref<4x4096xf32, #tpu.memory_space<vmem>>, vector<1x16xf32>,
        %swap3A_368 = vector.shape_cast %swap3A_367 : vector<1x16xf32> to vector<16xf32>
        %swap3A_369 = vector.shape_cast %div3A : vector<16xf32> to vector<1x16xf32>
        tpu.vector_store %arg9[%swap3A_365, %swap3A_366], %swap3A_369 {strides = array<i32>} : memref<4x4096xf32, #tpu.memory_space<vmem>>, vector<1x16xf32>,
        %add3A_370 = arith.constant 64 : i32
        %add3A_371 = arith.addi %mul3A_287, %add3A_370 : i32
        %add3A_372 = arith.constant 16 : i32
        %add3A_373 = arith.addi %add3A_371, %add3A_372 : i32
        %get3A_374 = arith.constant 0 : i32
        %get3A_375 = arith.index_cast %get3A_374 : i32 to index
        %get3A_376 = arith.index_cast %add3A_373 : i32 to index
        %get3A_377 = tpu.vector_load %arg6[%get3A_375, %get3A_376] {strides = array<i32>} : memref<4x4096xf32, #tpu.memory_space<vmem>>, vector<1x16xf32>,
        %get3A_378 = vector.shape_cast %get3A_377 : vector<1x16xf32> to vector<16xf32>
        %mul3A_379 = arith.constant -1.000000e+00 : f32
        %mul3A_380 = vector.broadcast %mul3A_379 : f32 to vector<16xf32>
        %mul3A_381 = arith.mulf %get3A_378, %mul3A_380 : vector<16xf32>
        %exp3A_382 = math.exp %mul3A_381 : vector<16xf32>
        %add3A_383 = arith.constant 1.000000e+00 : f32
        %add3A_384 = vector.broadcast %add3A_383 : f32 to vector<16xf32>
        %add3A_385 = arith.addf %add3A_384, %exp3A_382 : vector<16xf32>
        %div3A_386 = arith.divf %get3A_378, %add3A_385 : vector<16xf32>
        %swap3A_387 = arith.constant 0 : i32
        %swap3A_388 = arith.index_cast %swap3A_387 : i32 to index
        %swap3A_389 = arith.index_cast %add3A_373 : i32 to index
        %swap3A_390 = tpu.vector_load %arg9[%swap3A_388, %swap3A_389] {strides = array<i32>} : memref<4x4096xf32, #tpu.memory_space<vmem>>, vector<1x16xf32>,
        %swap3A_391 = vector.shape_cast %swap3A_390 : vector<1x16xf32> to vector<16xf32>
        %swap3A_392 = vector.shape_cast %div3A_386 : vector<16xf32> to vector<1x16xf32>
        tpu.vector_store %arg9[%swap3A_388, %swap3A_389], %swap3A_392 {strides = array<i32>} : memref<4x4096xf32, #tpu.memory_space<vmem>>, vector<1x16xf32>,
        %add3A_393 = arith.constant 64 : i32
        %add3A_394 = arith.addi %mul3A_287, %add3A_393 : i32
        %add3A_395 = arith.constant 32 : i32
        %add3A_396 = arith.addi %add3A_394, %add3A_395 : i32
        %get3A_397 = arith.constant 0 : i32
        %get3A_398 = arith.index_cast %get3A_397 : i32 to index
        %get3A_399 = arith.index_cast %add3A_396 : i32 to index
        %get3A_400 = tpu.vector_load %arg6[%get3A_398, %get3A_399] {strides = array<i32>} : memref<4x4096xf32, #tpu.memory_space<vmem>>, vector<1x16xf32>,
        %get3A_401 = vector.shape_cast %get3A_400 : vector<1x16xf32> to vector<16xf32>
        %mul3A_402 = arith.constant -1.000000e+00 : f32
        %mul3A_403 = vector.broadcast %mul3A_402 : f32 to vector<16xf32>
        %mul3A_404 = arith.mulf %get3A_401, %mul3A_403 : vector<16xf32>
        %exp3A_405 = math.exp %mul3A_404 : vector<16xf32>
        %add3A_406 = arith.constant 1.000000e+00 : f32
        %add3A_407 = vector.broadcast %add3A_406 : f32 to vector<16xf32>
        %add3A_408 = arith.addf %add3A_407, %exp3A_405 : vector<16xf32>
        %div3A_409 = arith.divf %get3A_401, %add3A_408 : vector<16xf32>
        %swap3A_410 = arith.constant 0 : i32
        %swap3A_411 = arith.index_cast %swap3A_410 : i32 to index
        %swap3A_412 = arith.index_cast %add3A_396 : i32 to index
        %swap3A_413 = tpu.vector_load %arg9[%swap3A_411, %swap3A_412] {strides = array<i32>} : memref<4x4096xf32, #tpu.memory_space<vmem>>, vector<1x16xf32>,
        %swap3A_414 = vector.shape_cast %swap3A_413 : vector<1x16xf32> to vector<16xf32>
        %swap3A_415 = vector.shape_cast %div3A_409 : vector<16xf32> to vector<1x16xf32>
        tpu.vector_store %arg9[%swap3A_411, %swap3A_412], %swap3A_415 {strides = array<i32>} : memref<4x4096xf32, #tpu.memory_space<vmem>>, vector<1x16xf32>,
        %add3A_416 = arith.constant 64 : i32
        %add3A_417 = arith.addi %mul3A_287, %add3A_416 : i32
        %add3A_418 = arith.constant 48 : i32
        %add3A_419 = arith.addi %add3A_417, %add3A_418 : i32
        %get3A_420 = arith.constant 0 : i32
        %get3A_421 = arith.index_cast %get3A_420 : i32 to index
        %get3A_422 = arith.index_cast %add3A_419 : i32 to index
        %get3A_423 = tpu.vector_load %arg6[%get3A_421, %get3A_422] {strides = array<i32>} : memref<4x4096xf32, #tpu.memory_space<vmem>>, vector<1x16xf32>,
        %get3A_424 = vector.shape_cast %get3A_423 : vector<1x16xf32> to vector<16xf32>
        %mul3A_425 = arith.constant -1.000000e+00 : f32
        %mul3A_426 = vector.broadcast %mul3A_425 : f32 to vector<16xf32>
        %mul3A_427 = arith.mulf %get3A_424, %mul3A_426 : vector<16xf32>
        %exp3A_428 = math.exp %mul3A_427 : vector<16xf32>
        %add3A_429 = arith.constant 1.000000e+00 : f32
        %add3A_430 = vector.broadcast %add3A_429 : f32 to vector<16xf32>
        %add3A_431 = arith.addf %add3A_430, %exp3A_428 : vector<16xf32>
        %div3A_432 = arith.divf %get3A_424, %add3A_431 : vector<16xf32>
        %swap3A_433 = arith.constant 0 : i32
        %swap3A_434 = arith.index_cast %swap3A_433 : i32 to index
        %swap3A_435 = arith.index_cast %add3A_419 : i32 to index
        %swap3A_436 = tpu.vector_load %arg9[%swap3A_434, %swap3A_435] {strides = array<i32>} : memref<4x4096xf32, #tpu.memory_space<vmem>>, vector<1x16xf32>,
        %swap3A_437 = vector.shape_cast %swap3A_436 : vector<1x16xf32> to vector<16xf32>
        %swap3A_438 = vector.shape_cast %div3A_432 : vector<16xf32> to vector<1x16xf32>
        tpu.vector_store %arg9[%swap3A_434, %swap3A_435], %swap3A_438 {strides = array<i32>} : memref<4x4096xf32, #tpu.memory_space<vmem>>, vector<1x16xf32>,
      }
      %scan3A_252 = arith.constant 32 : i32
      %scan3A_253 = arith.constant 0 : i32
      %scan3A_254 = arith.constant 0 : i32
      %scan3A_255 = arith.constant 32 : i32
      %scan3A_256 = arith.addi %scan3A_254, %scan3A_255 : i32
      %scan3A_257 = arith.constant 1 : i32
      scf.for %scan3A_285 = %scan3A_254 to %scan3A_256 step %scan3A_257  : i32 {
        %mul3A_286 = arith.constant 128 : i32
        %mul3A_287 = arith.muli %scan3A_285, %mul3A_286 : i32
        %add3A_288 = arith.constant 0 : i32
        %add3A_289 = arith.addi %mul3A_287, %add3A_288 : i32
        %get3A = arith.constant 1 : i32
        %get3A_290 = arith.index_cast %get3A : i32 to index
        %get3A_291 = arith.index_cast %add3A_289 : i32 to index
        %get3A_292 = tpu.vector_load %arg6[%get3A_290, %get3A_291] {strides = array<i32>} : memref<4x4096xf32, #tpu.memory_space<vmem>>, vector<1x16xf32>,
        %get3A_293 = vector.shape_cast %get3A_292 : vector<1x16xf32> to vector<16xf32>
        %max3A = arith.constant 0.000000e+00 : f32
        %max3A_294 = vector.broadcast %max3A : f32 to vector<16xf32>
        %max3A_295 = arith.maximumf %get3A_293, %max3A_294 : vector<16xf32>
        %swap3A = arith.constant 1 : i32
        %swap3A_296 = arith.index_cast %swap3A : i32 to index
        %swap3A_297 = arith.index_cast %add3A_289 : i32 to index
        %swap3A_298 = tpu.vector_load %arg9[%swap3A_296, %swap3A_297] {strides = array<i32>} : memref<4x4096xf32, #tpu.memory_space<vmem>>, vector<1x16xf32>,
        %swap3A_299 = vector.shape_cast %swap3A_298 : vector<1x16xf32> to vector<16xf32>
        %swap3A_300 = vector.shape_cast %max3A_295 : vector<16xf32> to vector<1x16xf32>
        tpu.vector_store %arg9[%swap3A_296, %swap3A_297], %swap3A_300 {strides = array<i32>} : memref<4x4096xf32, #tpu.memory_space<vmem>>, vector<1x16xf32>,
        %add3A_301 = arith.constant 16 : i32
        %add3A_302 = arith.addi %mul3A_287, %add3A_301 : i32
        %get3A_303 = arith.constant 1 : i32
        %get3A_304 = arith.index_cast %get3A_303 : i32 to index
        %get3A_305 = arith.index_cast %add3A_302 : i32 to index
        %get3A_306 = tpu.vector_load %arg6[%get3A_304, %get3A_305] {strides = array<i32>} : memref<4x4096xf32, #tpu.memory_space<vmem>>, vector<1x16xf32>,
        %get3A_307 = vector.shape_cast %get3A_306 : vector<1x16xf32> to vector<16xf32>
        %max3A_308 = arith.constant 0.000000e+00 : f32
        %max3A_309 = vector.broadcast %max3A_308 : f32 to vector<16xf32>
        %max3A_310 = arith.maximumf %get3A_307, %max3A_309 : vector<16xf32>
        %swap3A_311 = arith.constant 1 : i32
        %swap3A_312 = arith.index_cast %swap3A_311 : i32 to index
        %swap3A_313 = arith.index_cast %add3A_302 : i32 to index
        %swap3A_314 = tpu.vector_load %arg9[%swap3A_312, %swap3A_313] {strides = array<i32>} : memref<4x4096xf32, #tpu.memory_space<vmem>>, vector<1x16xf32>,
        %swap3A_315 = vector.shape_cast %swap3A_314 : vector<1x16xf32> to vector<16xf32>
        %swap3A_316 = vector.shape_cast %max3A_310 : vector<16xf32> to vector<1x16xf32>
        tpu.vector_store %arg9[%swap3A_312, %swap3A_313], %swap3A_316 {strides = array<i32>} : memref<4x4096xf32, #tpu.memory_space<vmem>>, vector<1x16xf32>,
        %add3A_317 = arith.constant 32 : i32
        %add3A_318 = arith.addi %mul3A_287, %add3A_317 : i32
        %get3A_319 = arith.constant 1 : i32
        %get3A_320 = arith.index_cast %get3A_319 : i32 to index
        %get3A_321 = arith.index_cast %add3A_318 : i32 to index
        %get3A_322 = tpu.vector_load %arg6[%get3A_320, %get3A_321] {strides = array<i32>} : memref<4x4096xf32, #tpu.memory_space<vmem>>, vector<1x16xf32>,
        %get3A_323 = vector.shape_cast %get3A_322 : vector<1x16xf32> to vector<16xf32>
        %max3A_324 = arith.constant 0.000000e+00 : f32
        %max3A_325 = vector.broadcast %max3A_324 : f32 to vector<16xf32>
        %max3A_326 = arith.maximumf %get3A_323, %max3A_325 : vector<16xf32>
        %swap3A_327 = arith.constant 1 : i32
        %swap3A_328 = arith.index_cast %swap3A_327 : i32 to index
        %swap3A_329 = arith.index_cast %add3A_318 : i32 to index
        %swap3A_330 = tpu.vector_load %arg9[%swap3A_328, %swap3A_329] {strides = array<i32>} : memref<4x4096xf32, #tpu.memory_space<vmem>>, vector<1x16xf32>,
        %swap3A_331 = vector.shape_cast %swap3A_330 : vector<1x16xf32> to vector<16xf32>
        %swap3A_332 = vector.shape_cast %max3A_326 : vector<16xf32> to vector<1x16xf32>
        tpu.vector_store %arg9[%swap3A_328, %swap3A_329], %swap3A_332 {strides = array<i32>} : memref<4x4096xf32, #tpu.memory_space<vmem>>, vector<1x16xf32>,
        %add3A_333 = arith.constant 48 : i32
        %add3A_334 = arith.addi %mul3A_287, %add3A_333 : i32
        %get3A_335 = arith.constant 1 : i32
        %get3A_336 = arith.index_cast %get3A_335 : i32 to index
        %get3A_337 = arith.index_cast %add3A_334 : i32 to index
        %get3A_338 = tpu.vector_load %arg6[%get3A_336, %get3A_337] {strides = array<i32>} : memref<4x4096xf32, #tpu.memory_space<vmem>>, vector<1x16xf32>,
        %get3A_339 = vector.shape_cast %get3A_338 : vector<1x16xf32> to vector<16xf32>
        %max3A_340 = arith.constant 0.000000e+00 : f32
        %max3A_341 = vector.broadcast %max3A_340 : f32 to vector<16xf32>
        %max3A_342 = arith.maximumf %get3A_339, %max3A_341 : vector<16xf32>
        %swap3A_343 = arith.constant 1 : i32
        %swap3A_344 = arith.index_cast %swap3A_343 : i32 to index
        %swap3A_345 = arith.index_cast %add3A_334 : i32 to index
        %swap3A_346 = tpu.vector_load %arg9[%swap3A_344, %swap3A_345] {strides = array<i32>} : memref<4x4096xf32, #tpu.memory_space<vmem>>, vector<1x16xf32>,
        %swap3A_347 = vector.shape_cast %swap3A_346 : vector<1x16xf32> to vector<16xf32>
        %swap3A_348 = vector.shape_cast %max3A_342 : vector<16xf32> to vector<1x16xf32>
        tpu.vector_store %arg9[%swap3A_344, %swap3A_345], %swap3A_348 {strides = array<i32>} : memref<4x4096xf32, #tpu.memory_space<vmem>>, vector<1x16xf32>,
        %add3A_349 = arith.constant 64 : i32
        %add3A_350 = arith.addi %mul3A_287, %add3A_349 : i32
        %add3A_351 = arith.constant 0 : i32
        %add3A_352 = arith.addi %add3A_350, %add3A_351 : i32
        %get3A_353 = arith.constant 1 : i32
        %get3A_354 = arith.index_cast %get3A_353 : i32 to index
        %get3A_355 = arith.index_cast %add3A_352 : i32 to index
        %get3A_356 = tpu.vector_load %arg6[%get3A_354, %get3A_355] {strides = array<i32>} : memref<4x4096xf32, #tpu.memory_space<vmem>>, vector<1x16xf32>,
        %get3A_357 = vector.shape_cast %get3A_356 : vector<1x16xf32> to vector<16xf32>
        %mul3A_358 = arith.constant -1.000000e+00 : f32
        %mul3A_359 = vector.broadcast %mul3A_358 : f32 to vector<16xf32>
        %mul3A_360 = arith.mulf %get3A_357, %mul3A_359 : vector<16xf32>
        %exp3A = math.exp %mul3A_360 : vector<16xf32>
        %add3A_361 = arith.constant 1.000000e+00 : f32
        %add3A_362 = vector.broadcast %add3A_361 : f32 to vector<16xf32>
        %add3A_363 = arith.addf %add3A_362, %exp3A : vector<16xf32>
        %div3A = arith.divf %get3A_357, %add3A_363 : vector<16xf32>
        %swap3A_364 = arith.constant 1 : i32
        %swap3A_365 = arith.index_cast %swap3A_364 : i32 to index
        %swap3A_366 = arith.index_cast %add3A_352 : i32 to index
        %swap3A_367 = tpu.vector_load %arg9[%swap3A_365, %swap3A_366] {strides = array<i32>} : memref<4x4096xf32, #tpu.memory_space<vmem>>, vector<1x16xf32>,
        %swap3A_368 = vector.shape_cast %swap3A_367 : vector<1x16xf32> to vector<16xf32>
        %swap3A_369 = vector.shape_cast %div3A : vector<16xf32> to vector<1x16xf32>
        tpu.vector_store %arg9[%swap3A_365, %swap3A_366], %swap3A_369 {strides = array<i32>} : memref<4x4096xf32, #tpu.memory_space<vmem>>, vector<1x16xf32>,
        %add3A_370 = arith.constant 64 : i32
        %add3A_371 = arith.addi %mul3A_287, %add3A_370 : i32
        %add3A_372 = arith.constant 16 : i32
        %add3A_373 = arith.addi %add3A_371, %add3A_372 : i32
        %get3A_374 = arith.constant 1 : i32
        %get3A_375 = arith.index_cast %get3A_374 : i32 to index
        %get3A_376 = arith.index_cast %add3A_373 : i32 to index
        %get3A_377 = tpu.vector_load %arg6[%get3A_375, %get3A_376] {strides = array<i32>} : memref<4x4096xf32, #tpu.memory_space<vmem>>, vector<1x16xf32>,
        %get3A_378 = vector.shape_cast %get3A_377 : vector<1x16xf32> to vector<16xf32>
        %mul3A_379 = arith.constant -1.000000e+00 : f32
        %mul3A_380 = vector.broadcast %mul3A_379 : f32 to vector<16xf32>
        %mul3A_381 = arith.mulf %get3A_378, %mul3A_380 : vector<16xf32>
        %exp3A_382 = math.exp %mul3A_381 : vector<16xf32>
        %add3A_383 = arith.constant 1.000000e+00 : f32
        %add3A_384 = vector.broadcast %add3A_383 : f32 to vector<16xf32>
        %add3A_385 = arith.addf %add3A_384, %exp3A_382 : vector<16xf32>
        %div3A_386 = arith.divf %get3A_378, %add3A_385 : vector<16xf32>
        %swap3A_387 = arith.constant 1 : i32
        %swap3A_388 = arith.index_cast %swap3A_387 : i32 to index
        %swap3A_389 = arith.index_cast %add3A_373 : i32 to index
        %swap3A_390 = tpu.vector_load %arg9[%swap3A_388, %swap3A_389] {strides = array<i32>} : memref<4x4096xf32, #tpu.memory_space<vmem>>, vector<1x16xf32>,
        %swap3A_391 = vector.shape_cast %swap3A_390 : vector<1x16xf32> to vector<16xf32>
        %swap3A_392 = vector.shape_cast %div3A_386 : vector<16xf32> to vector<1x16xf32>
        tpu.vector_store %arg9[%swap3A_388, %swap3A_389], %swap3A_392 {strides = array<i32>} : memref<4x4096xf32, #tpu.memory_space<vmem>>, vector<1x16xf32>,
        %add3A_393 = arith.constant 64 : i32
        %add3A_394 = arith.addi %mul3A_287, %add3A_393 : i32
        %add3A_395 = arith.constant 32 : i32
        %add3A_396 = arith.addi %add3A_394, %add3A_395 : i32
        %get3A_397 = arith.constant 1 : i32
        %get3A_398 = arith.index_cast %get3A_397 : i32 to index
        %get3A_399 = arith.index_cast %add3A_396 : i32 to index
        %get3A_400 = tpu.vector_load %arg6[%get3A_398, %get3A_399] {strides = array<i32>} : memref<4x4096xf32, #tpu.memory_space<vmem>>, vector<1x16xf32>,
        %get3A_401 = vector.shape_cast %get3A_400 : vector<1x16xf32> to vector<16xf32>
        %mul3A_402 = arith.constant -1.000000e+00 : f32
        %mul3A_403 = vector.broadcast %mul3A_402 : f32 to vector<16xf32>
        %mul3A_404 = arith.mulf %get3A_401, %mul3A_403 : vector<16xf32>
        %exp3A_405 = math.exp %mul3A_404 : vector<16xf32>
        %add3A_406 = arith.constant 1.000000e+00 : f32
        %add3A_407 = vector.broadcast %add3A_406 : f32 to vector<16xf32>
        %add3A_408 = arith.addf %add3A_407, %exp3A_405 : vector<16xf32>
        %div3A_409 = arith.divf %get3A_401, %add3A_408 : vector<16xf32>
        %swap3A_410 = arith.constant 1 : i32
        %swap3A_411 = arith.index_cast %swap3A_410 : i32 to index
        %swap3A_412 = arith.index_cast %add3A_396 : i32 to index
        %swap3A_413 = tpu.vector_load %arg9[%swap3A_411, %swap3A_412] {strides = array<i32>} : memref<4x4096xf32, #tpu.memory_space<vmem>>, vector<1x16xf32>,
        %swap3A_414 = vector.shape_cast %swap3A_413 : vector<1x16xf32> to vector<16xf32>
        %swap3A_415 = vector.shape_cast %div3A_409 : vector<16xf32> to vector<1x16xf32>
        tpu.vector_store %arg9[%swap3A_411, %swap3A_412], %swap3A_415 {strides = array<i32>} : memref<4x4096xf32, #tpu.memory_space<vmem>>, vector<1x16xf32>,
        %add3A_416 = arith.constant 64 : i32
        %add3A_417 = arith.addi %mul3A_287, %add3A_416 : i32
        %add3A_418 = arith.constant 48 : i32
        %add3A_419 = arith.addi %add3A_417, %add3A_418 : i32
        %get3A_420 = arith.constant 1 : i32
        %get3A_421 = arith.index_cast %get3A_420 : i32 to index
        %get3A_422 = arith.index_cast %add3A_419 : i32 to index
        %get3A_423 = tpu.vector_load %arg6[%get3A_421, %get3A_422] {strides = array<i32>} : memref<4x4096xf32, #tpu.memory_space<vmem>>, vector<1x16xf32>,
        %get3A_424 = vector.shape_cast %get3A_423 : vector<1x16xf32> to vector<16xf32>
        %mul3A_425 = arith.constant -1.000000e+00 : f32
        %mul3A_426 = vector.broadcast %mul3A_425 : f32 to vector<16xf32>
        %mul3A_427 = arith.mulf %get3A_424, %mul3A_426 : vector<16xf32>
        %exp3A_428 = math.exp %mul3A_427 : vector<16xf32>
        %add3A_429 = arith.constant 1.000000e+00 : f32
        %add3A_430 = vector.broadcast %add3A_429 : f32 to vector<16xf32>
        %add3A_431 = arith.addf %add3A_430, %exp3A_428 : vector<16xf32>
        %div3A_432 = arith.divf %get3A_424, %add3A_431 : vector<16xf32>
        %swap3A_433 = arith.constant 1 : i32
        %swap3A_434 = arith.index_cast %swap3A_433 : i32 to index
        %swap3A_435 = arith.index_cast %add3A_419 : i32 to index
        %swap3A_436 = tpu.vector_load %arg9[%swap3A_434, %swap3A_435] {strides = array<i32>} : memref<4x4096xf32, #tpu.memory_space<vmem>>, vector<1x16xf32>,
        %swap3A_437 = vector.shape_cast %swap3A_436 : vector<1x16xf32> to vector<16xf32>
        %swap3A_438 = vector.shape_cast %div3A_432 : vector<16xf32> to vector<1x16xf32>
        tpu.vector_store %arg9[%swap3A_434, %swap3A_435], %swap3A_438 {strides = array<i32>} : memref<4x4096xf32, #tpu.memory_space<vmem>>, vector<1x16xf32>,
      }
      %scan3A_258 = arith.constant 32 : i32
      %scan3A_259 = arith.constant 0 : i32
      %scan3A_260 = arith.constant 0 : i32
      %scan3A_261 = arith.constant 32 : i32
      %scan3A_262 = arith.addi %scan3A_260, %scan3A_261 : i32
      %scan3A_263 = arith.constant 1 : i32
      scf.for %scan3A_285 = %scan3A_260 to %scan3A_262 step %scan3A_263  : i32 {
        %mul3A_286 = arith.constant 128 : i32
        %mul3A_287 = arith.muli %scan3A_285, %mul3A_286 : i32
        %add3A_288 = arith.constant 0 : i32
        %add3A_289 = arith.addi %mul3A_287, %add3A_288 : i32
        %get3A = arith.constant 2 : i32
        %get3A_290 = arith.index_cast %get3A : i32 to index
        %get3A_291 = arith.index_cast %add3A_289 : i32 to index
        %get3A_292 = tpu.vector_load %arg6[%get3A_290, %get3A_291] {strides = array<i32>} : memref<4x4096xf32, #tpu.memory_space<vmem>>, vector<1x16xf32>,
        %get3A_293 = vector.shape_cast %get3A_292 : vector<1x16xf32> to vector<16xf32>
        %max3A = arith.constant 0.000000e+00 : f32
        %max3A_294 = vector.broadcast %max3A : f32 to vector<16xf32>
        %max3A_295 = arith.maximumf %get3A_293, %max3A_294 : vector<16xf32>
        %swap3A = arith.constant 2 : i32
        %swap3A_296 = arith.index_cast %swap3A : i32 to index
        %swap3A_297 = arith.index_cast %add3A_289 : i32 to index
        %swap3A_298 = tpu.vector_load %arg9[%swap3A_296, %swap3A_297] {strides = array<i32>} : memref<4x4096xf32, #tpu.memory_space<vmem>>, vector<1x16xf32>,
        %swap3A_299 = vector.shape_cast %swap3A_298 : vector<1x16xf32> to vector<16xf32>
        %swap3A_300 = vector.shape_cast %max3A_295 : vector<16xf32> to vector<1x16xf32>
        tpu.vector_store %arg9[%swap3A_296, %swap3A_297], %swap3A_300 {strides = array<i32>} : memref<4x4096xf32, #tpu.memory_space<vmem>>, vector<1x16xf32>,
        %add3A_301 = arith.constant 16 : i32
        %add3A_302 = arith.addi %mul3A_287, %add3A_301 : i32
        %get3A_303 = arith.constant 2 : i32
        %get3A_304 = arith.index_cast %get3A_303 : i32 to index
        %get3A_305 = arith.index_cast %add3A_302 : i32 to index
        %get3A_306 = tpu.vector_load %arg6[%get3A_304, %get3A_305] {strides = array<i32>} : memref<4x4096xf32, #tpu.memory_space<vmem>>, vector<1x16xf32>,
        %get3A_307 = vector.shape_cast %get3A_306 : vector<1x16xf32> to vector<16xf32>
        %max3A_308 = arith.constant 0.000000e+00 : f32
        %max3A_309 = vector.broadcast %max3A_308 : f32 to vector<16xf32>
        %max3A_310 = arith.maximumf %get3A_307, %max3A_309 : vector<16xf32>
        %swap3A_311 = arith.constant 2 : i32
        %swap3A_312 = arith.index_cast %swap3A_311 : i32 to index
        %swap3A_313 = arith.index_cast %add3A_302 : i32 to index
        %swap3A_314 = tpu.vector_load %arg9[%swap3A_312, %swap3A_313] {strides = array<i32>} : memref<4x4096xf32, #tpu.memory_space<vmem>>, vector<1x16xf32>,
        %swap3A_315 = vector.shape_cast %swap3A_314 : vector<1x16xf32> to vector<16xf32>
        %swap3A_316 = vector.shape_cast %max3A_310 : vector<16xf32> to vector<1x16xf32>
        tpu.vector_store %arg9[%swap3A_312, %swap3A_313], %swap3A_316 {strides = array<i32>} : memref<4x4096xf32, #tpu.memory_space<vmem>>, vector<1x16xf32>,
        %add3A_317 = arith.constant 32 : i32
        %add3A_318 = arith.addi %mul3A_287, %add3A_317 : i32
        %get3A_319 = arith.constant 2 : i32
        %get3A_320 = arith.index_cast %get3A_319 : i32 to index
        %get3A_321 = arith.index_cast %add3A_318 : i32 to index
        %get3A_322 = tpu.vector_load %arg6[%get3A_320, %get3A_321] {strides = array<i32>} : memref<4x4096xf32, #tpu.memory_space<vmem>>, vector<1x16xf32>,
        %get3A_323 = vector.shape_cast %get3A_322 : vector<1x16xf32> to vector<16xf32>
        %max3A_324 = arith.constant 0.000000e+00 : f32
        %max3A_325 = vector.broadcast %max3A_324 : f32 to vector<16xf32>
        %max3A_326 = arith.maximumf %get3A_323, %max3A_325 : vector<16xf32>
        %swap3A_327 = arith.constant 2 : i32
        %swap3A_328 = arith.index_cast %swap3A_327 : i32 to index
        %swap3A_329 = arith.index_cast %add3A_318 : i32 to index
        %swap3A_330 = tpu.vector_load %arg9[%swap3A_328, %swap3A_329] {strides = array<i32>} : memref<4x4096xf32, #tpu.memory_space<vmem>>, vector<1x16xf32>,
        %swap3A_331 = vector.shape_cast %swap3A_330 : vector<1x16xf32> to vector<16xf32>
        %swap3A_332 = vector.shape_cast %max3A_326 : vector<16xf32> to vector<1x16xf32>
        tpu.vector_store %arg9[%swap3A_328, %swap3A_329], %swap3A_332 {strides = array<i32>} : memref<4x4096xf32, #tpu.memory_space<vmem>>, vector<1x16xf32>,
        %add3A_333 = arith.constant 48 : i32
        %add3A_334 = arith.addi %mul3A_287, %add3A_333 : i32
        %get3A_335 = arith.constant 2 : i32
        %get3A_336 = arith.index_cast %get3A_335 : i32 to index
        %get3A_337 = arith.index_cast %add3A_334 : i32 to index
        %get3A_338 = tpu.vector_load %arg6[%get3A_336, %get3A_337] {strides = array<i32>} : memref<4x4096xf32, #tpu.memory_space<vmem>>, vector<1x16xf32>,
        %get3A_339 = vector.shape_cast %get3A_338 : vector<1x16xf32> to vector<16xf32>
        %max3A_340 = arith.constant 0.000000e+00 : f32
        %max3A_341 = vector.broadcast %max3A_340 : f32 to vector<16xf32>
        %max3A_342 = arith.maximumf %get3A_339, %max3A_341 : vector<16xf32>
        %swap3A_343 = arith.constant 2 : i32
        %swap3A_344 = arith.index_cast %swap3A_343 : i32 to index
        %swap3A_345 = arith.index_cast %add3A_334 : i32 to index
        %swap3A_346 = tpu.vector_load %arg9[%swap3A_344, %swap3A_345] {strides = array<i32>} : memref<4x4096xf32, #tpu.memory_space<vmem>>, vector<1x16xf32>,
        %swap3A_347 = vector.shape_cast %swap3A_346 : vector<1x16xf32> to vector<16xf32>
        %swap3A_348 = vector.shape_cast %max3A_342 : vector<16xf32> to vector<1x16xf32>
        tpu.vector_store %arg9[%swap3A_344, %swap3A_345], %swap3A_348 {strides = array<i32>} : memref<4x4096xf32, #tpu.memory_space<vmem>>, vector<1x16xf32>,
        %add3A_349 = arith.constant 64 : i32
        %add3A_350 = arith.addi %mul3A_287, %add3A_349 : i32
        %add3A_351 = arith.constant 0 : i32
        %add3A_352 = arith.addi %add3A_350, %add3A_351 : i32
        %get3A_353 = arith.constant 2 : i32
        %get3A_354 = arith.index_cast %get3A_353 : i32 to index
        %get3A_355 = arith.index_cast %add3A_352 : i32 to index
        %get3A_356 = tpu.vector_load %arg6[%get3A_354, %get3A_355] {strides = array<i32>} : memref<4x4096xf32, #tpu.memory_space<vmem>>, vector<1x16xf32>,
        %get3A_357 = vector.shape_cast %get3A_356 : vector<1x16xf32> to vector<16xf32>
        %mul3A_358 = arith.constant -1.000000e+00 : f32
        %mul3A_359 = vector.broadcast %mul3A_358 : f32 to vector<16xf32>
        %mul3A_360 = arith.mulf %get3A_357, %mul3A_359 : vector<16xf32>
        %exp3A = math.exp %mul3A_360 : vector<16xf32>
        %add3A_361 = arith.constant 1.000000e+00 : f32
        %add3A_362 = vector.broadcast %add3A_361 : f32 to vector<16xf32>
        %add3A_363 = arith.addf %add3A_362, %exp3A : vector<16xf32>
        %div3A = arith.divf %get3A_357, %add3A_363 : vector<16xf32>
        %swap3A_364 = arith.constant 2 : i32
        %swap3A_365 = arith.index_cast %swap3A_364 : i32 to index
        %swap3A_366 = arith.index_cast %add3A_352 : i32 to index
        %swap3A_367 = tpu.vector_load %arg9[%swap3A_365, %swap3A_366] {strides = array<i32>} : memref<4x4096xf32, #tpu.memory_space<vmem>>, vector<1x16xf32>,
        %swap3A_368 = vector.shape_cast %swap3A_367 : vector<1x16xf32> to vector<16xf32>
        %swap3A_369 = vector.shape_cast %div3A : vector<16xf32> to vector<1x16xf32>
        tpu.vector_store %arg9[%swap3A_365, %swap3A_366], %swap3A_369 {strides = array<i32>} : memref<4x4096xf32, #tpu.memory_space<vmem>>, vector<1x16xf32>,
        %add3A_370 = arith.constant 64 : i32
        %add3A_371 = arith.addi %mul3A_287, %add3A_370 : i32
        %add3A_372 = arith.constant 16 : i32
        %add3A_373 = arith.addi %add3A_371, %add3A_372 : i32
        %get3A_374 = arith.constant 2 : i32
        %get3A_375 = arith.index_cast %get3A_374 : i32 to index
        %get3A_376 = arith.index_cast %add3A_373 : i32 to index
        %get3A_377 = tpu.vector_load %arg6[%get3A_375, %get3A_376] {strides = array<i32>} : memref<4x4096xf32, #tpu.memory_space<vmem>>, vector<1x16xf32>,
        %get3A_378 = vector.shape_cast %get3A_377 : vector<1x16xf32> to vector<16xf32>
        %mul3A_379 = arith.constant -1.000000e+00 : f32
        %mul3A_380 = vector.broadcast %mul3A_379 : f32 to vector<16xf32>
        %mul3A_381 = arith.mulf %get3A_378, %mul3A_380 : vector<16xf32>
        %exp3A_382 = math.exp %mul3A_381 : vector<16xf32>
        %add3A_383 = arith.constant 1.000000e+00 : f32
        %add3A_384 = vector.broadcast %add3A_383 : f32 to vector<16xf32>
        %add3A_385 = arith.addf %add3A_384, %exp3A_382 : vector<16xf32>
        %div3A_386 = arith.divf %get3A_378, %add3A_385 : vector<16xf32>
        %swap3A_387 = arith.constant 2 : i32
        %swap3A_388 = arith.index_cast %swap3A_387 : i32 to index
        %swap3A_389 = arith.index_cast %add3A_373 : i32 to index
        %swap3A_390 = tpu.vector_load %arg9[%swap3A_388, %swap3A_389] {strides = array<i32>} : memref<4x4096xf32, #tpu.memory_space<vmem>>, vector<1x16xf32>,
        %swap3A_391 = vector.shape_cast %swap3A_390 : vector<1x16xf32> to vector<16xf32>
        %swap3A_392 = vector.shape_cast %div3A_386 : vector<16xf32> to vector<1x16xf32>
        tpu.vector_store %arg9[%swap3A_388, %swap3A_389], %swap3A_392 {strides = array<i32>} : memref<4x4096xf32, #tpu.memory_space<vmem>>, vector<1x16xf32>,
        %add3A_393 = arith.constant 64 : i32
        %add3A_394 = arith.addi %mul3A_287, %add3A_393 : i32
        %add3A_395 = arith.constant 32 : i32
        %add3A_396 = arith.addi %add3A_394, %add3A_395 : i32
        %get3A_397 = arith.constant 2 : i32
        %get3A_398 = arith.index_cast %get3A_397 : i32 to index
        %get3A_399 = arith.index_cast %add3A_396 : i32 to index
        %get3A_400 = tpu.vector_load %arg6[%get3A_398, %get3A_399] {strides = array<i32>} : memref<4x4096xf32, #tpu.memory_space<vmem>>, vector<1x16xf32>,
        %get3A_401 = vector.shape_cast %get3A_400 : vector<1x16xf32> to vector<16xf32>
        %mul3A_402 = arith.constant -1.000000e+00 : f32
        %mul3A_403 = vector.broadcast %mul3A_402 : f32 to vector<16xf32>
        %mul3A_404 = arith.mulf %get3A_401, %mul3A_403 : vector<16xf32>
        %exp3A_405 = math.exp %mul3A_404 : vector<16xf32>
        %add3A_406 = arith.constant 1.000000e+00 : f32
        %add3A_407 = vector.broadcast %add3A_406 : f32 to vector<16xf32>
        %add3A_408 = arith.addf %add3A_407, %exp3A_405 : vector<16xf32>
        %div3A_409 = arith.divf %get3A_401, %add3A_408 : vector<16xf32>
        %swap3A_410 = arith.constant 2 : i32
        %swap3A_411 = arith.index_cast %swap3A_410 : i32 to index
        %swap3A_412 = arith.index_cast %add3A_396 : i32 to index
        %swap3A_413 = tpu.vector_load %arg9[%swap3A_411, %swap3A_412] {strides = array<i32>} : memref<4x4096xf32, #tpu.memory_space<vmem>>, vector<1x16xf32>,
        %swap3A_414 = vector.shape_cast %swap3A_413 : vector<1x16xf32> to vector<16xf32>
        %swap3A_415 = vector.shape_cast %div3A_409 : vector<16xf32> to vector<1x16xf32>
        tpu.vector_store %arg9[%swap3A_411, %swap3A_412], %swap3A_415 {strides = array<i32>} : memref<4x4096xf32, #tpu.memory_space<vmem>>, vector<1x16xf32>,
        %add3A_416 = arith.constant 64 : i32
        %add3A_417 = arith.addi %mul3A_287, %add3A_416 : i32
        %add3A_418 = arith.constant 48 : i32
        %add3A_419 = arith.addi %add3A_417, %add3A_418 : i32
        %get3A_420 = arith.constant 2 : i32
        %get3A_421 = arith.index_cast %get3A_420 : i32 to index
        %get3A_422 = arith.index_cast %add3A_419 : i32 to index
        %get3A_423 = tpu.vector_load %arg6[%get3A_421, %get3A_422] {strides = array<i32>} : memref<4x4096xf32, #tpu.memory_space<vmem>>, vector<1x16xf32>,
        %get3A_424 = vector.shape_cast %get3A_423 : vector<1x16xf32> to vector<16xf32>
        %mul3A_425 = arith.constant -1.000000e+00 : f32
        %mul3A_426 = vector.broadcast %mul3A_425 : f32 to vector<16xf32>
        %mul3A_427 = arith.mulf %get3A_424, %mul3A_426 : vector<16xf32>
        %exp3A_428 = math.exp %mul3A_427 : vector<16xf32>
        %add3A_429 = arith.constant 1.000000e+00 : f32
        %add3A_430 = vector.broadcast %add3A_429 : f32 to vector<16xf32>
        %add3A_431 = arith.addf %add3A_430, %exp3A_428 : vector<16xf32>
        %div3A_432 = arith.divf %get3A_424, %add3A_431 : vector<16xf32>
        %swap3A_433 = arith.constant 2 : i32
        %swap3A_434 = arith.index_cast %swap3A_433 : i32 to index
        %swap3A_435 = arith.index_cast %add3A_419 : i32 to index
        %swap3A_436 = tpu.vector_load %arg9[%swap3A_434, %swap3A_435] {strides = array<i32>} : memref<4x4096xf32, #tpu.memory_space<vmem>>, vector<1x16xf32>,
        %swap3A_437 = vector.shape_cast %swap3A_436 : vector<1x16xf32> to vector<16xf32>
        %swap3A_438 = vector.shape_cast %div3A_432 : vector<16xf32> to vector<1x16xf32>
        tpu.vector_store %arg9[%swap3A_434, %swap3A_435], %swap3A_438 {strides = array<i32>} : memref<4x4096xf32, #tpu.memory_space<vmem>>, vector<1x16xf32>,
      }
      %scan3A_264 = arith.constant 32 : i32
      %scan3A_265 = arith.constant 0 : i32
      %scan3A_266 = arith.constant 0 : i32
      %scan3A_267 = arith.constant 32 : i32
      %scan3A_268 = arith.addi %scan3A_266, %scan3A_267 : i32
      %scan3A_269 = arith.constant 1 : i32
      scf.for %scan3A_285 = %scan3A_266 to %scan3A_268 step %scan3A_269  : i32 {
        %mul3A_286 = arith.constant 128 : i32
        %mul3A_287 = arith.muli %scan3A_285, %mul3A_286 : i32
        %add3A_288 = arith.constant 0 : i32
        %add3A_289 = arith.addi %mul3A_287, %add3A_288 : i32
        %get3A = arith.constant 3 : i32
        %get3A_290 = arith.index_cast %get3A : i32 to index
        %get3A_291 = arith.index_cast %add3A_289 : i32 to index
        %get3A_292 = tpu.vector_load %arg6[%get3A_290, %get3A_291] {strides = array<i32>} : memref<4x4096xf32, #tpu.memory_space<vmem>>, vector<1x16xf32>,
        %get3A_293 = vector.shape_cast %get3A_292 : vector<1x16xf32> to vector<16xf32>
        %max3A = arith.constant 0.000000e+00 : f32
        %max3A_294 = vector.broadcast %max3A : f32 to vector<16xf32>
        %max3A_295 = arith.maximumf %get3A_293, %max3A_294 : vector<16xf32>
        %swap3A = arith.constant 3 : i32
        %swap3A_296 = arith.index_cast %swap3A : i32 to index
        %swap3A_297 = arith.index_cast %add3A_289 : i32 to index
        %swap3A_298 = tpu.vector_load %arg9[%swap3A_296, %swap3A_297] {strides = array<i32>} : memref<4x4096xf32, #tpu.memory_space<vmem>>, vector<1x16xf32>,
        %swap3A_299 = vector.shape_cast %swap3A_298 : vector<1x16xf32> to vector<16xf32>
        %swap3A_300 = vector.shape_cast %max3A_295 : vector<16xf32> to vector<1x16xf32>
        tpu.vector_store %arg9[%swap3A_296, %swap3A_297], %swap3A_300 {strides = array<i32>} : memref<4x4096xf32, #tpu.memory_space<vmem>>, vector<1x16xf32>,
        %add3A_301 = arith.constant 16 : i32
        %add3A_302 = arith.addi %mul3A_287, %add3A_301 : i32
        %get3A_303 = arith.constant 3 : i32
        %get3A_304 = arith.index_cast %get3A_303 : i32 to index
        %get3A_305 = arith.index_cast %add3A_302 : i32 to index
        %get3A_306 = tpu.vector_load %arg6[%get3A_304, %get3A_305] {strides = array<i32>} : memref<4x4096xf32, #tpu.memory_space<vmem>>, vector<1x16xf32>,
        %get3A_307 = vector.shape_cast %get3A_306 : vector<1x16xf32> to vector<16xf32>
        %max3A_308 = arith.constant 0.000000e+00 : f32
        %max3A_309 = vector.broadcast %max3A_308 : f32 to vector<16xf32>
        %max3A_310 = arith.maximumf %get3A_307, %max3A_309 : vector<16xf32>
        %swap3A_311 = arith.constant 3 : i32
        %swap3A_312 = arith.index_cast %swap3A_311 : i32 to index
        %swap3A_313 = arith.index_cast %add3A_302 : i32 to index
        %swap3A_314 = tpu.vector_load %arg9[%swap3A_312, %swap3A_313] {strides = array<i32>} : memref<4x4096xf32, #tpu.memory_space<vmem>>, vector<1x16xf32>,
        %swap3A_315 = vector.shape_cast %swap3A_314 : vector<1x16xf32> to vector<16xf32>
        %swap3A_316 = vector.shape_cast %max3A_310 : vector<16xf32> to vector<1x16xf32>
        tpu.vector_store %arg9[%swap3A_312, %swap3A_313], %swap3A_316 {strides = array<i32>} : memref<4x4096xf32, #tpu.memory_space<vmem>>, vector<1x16xf32>,
        %add3A_317 = arith.constant 32 : i32
        %add3A_318 = arith.addi %mul3A_287, %add3A_317 : i32
        %get3A_319 = arith.constant 3 : i32
        %get3A_320 = arith.index_cast %get3A_319 : i32 to index
        %get3A_321 = arith.index_cast %add3A_318 : i32 to index
        %get3A_322 = tpu.vector_load %arg6[%get3A_320, %get3A_321] {strides = array<i32>} : memref<4x4096xf32, #tpu.memory_space<vmem>>, vector<1x16xf32>,
        %get3A_323 = vector.shape_cast %get3A_322 : vector<1x16xf32> to vector<16xf32>
        %max3A_324 = arith.constant 0.000000e+00 : f32
        %max3A_325 = vector.broadcast %max3A_324 : f32 to vector<16xf32>
        %max3A_326 = arith.maximumf %get3A_323, %max3A_325 : vector<16xf32>
        %swap3A_327 = arith.constant 3 : i32
        %swap3A_328 = arith.index_cast %swap3A_327 : i32 to index
        %swap3A_329 = arith.index_cast %add3A_318 : i32 to index
        %swap3A_330 = tpu.vector_load %arg9[%swap3A_328, %swap3A_329] {strides = array<i32>} : memref<4x4096xf32, #tpu.memory_space<vmem>>, vector<1x16xf32>,
        %swap3A_331 = vector.shape_cast %swap3A_330 : vector<1x16xf32> to vector<16xf32>
        %swap3A_332 = vector.shape_cast %max3A_326 : vector<16xf32> to vector<1x16xf32>
        tpu.vector_store %arg9[%swap3A_328, %swap3A_329], %swap3A_332 {strides = array<i32>} : memref<4x4096xf32, #tpu.memory_space<vmem>>, vector<1x16xf32>,
        %add3A_333 = arith.constant 48 : i32
        %add3A_334 = arith.addi %mul3A_287, %add3A_333 : i32
        %get3A_335 = arith.constant 3 : i32
        %get3A_336 = arith.index_cast %get3A_335 : i32 to index
        %get3A_337 = arith.index_cast %add3A_334 : i32 to index
        %get3A_338 = tpu.vector_load %arg6[%get3A_336, %get3A_337] {strides = array<i32>} : memref<4x4096xf32, #tpu.memory_space<vmem>>, vector<1x16xf32>,
        %get3A_339 = vector.shape_cast %get3A_338 : vector<1x16xf32> to vector<16xf32>
        %max3A_340 = arith.constant 0.000000e+00 : f32
        %max3A_341 = vector.broadcast %max3A_340 : f32 to vector<16xf32>
        %max3A_342 = arith.maximumf %get3A_339, %max3A_341 : vector<16xf32>
        %swap3A_343 = arith.constant 3 : i32
        %swap3A_344 = arith.index_cast %swap3A_343 : i32 to index
        %swap3A_345 = arith.index_cast %add3A_334 : i32 to index
        %swap3A_346 = tpu.vector_load %arg9[%swap3A_344, %swap3A_345] {strides = array<i32>} : memref<4x4096xf32, #tpu.memory_space<vmem>>, vector<1x16xf32>,
        %swap3A_347 = vector.shape_cast %swap3A_346 : vector<1x16xf32> to vector<16xf32>
        %swap3A_348 = vector.shape_cast %max3A_342 : vector<16xf32> to vector<1x16xf32>
        tpu.vector_store %arg9[%swap3A_344, %swap3A_345], %swap3A_348 {strides = array<i32>} : memref<4x4096xf32, #tpu.memory_space<vmem>>, vector<1x16xf32>,
        %add3A_349 = arith.constant 64 : i32
        %add3A_350 = arith.addi %mul3A_287, %add3A_349 : i32
        %add3A_351 = arith.constant 0 : i32
        %add3A_352 = arith.addi %add3A_350, %add3A_351 : i32
        %get3A_353 = arith.constant 3 : i32
        %get3A_354 = arith.index_cast %get3A_353 : i32 to index
        %get3A_355 = arith.index_cast %add3A_352 : i32 to index
        %get3A_356 = tpu.vector_load %arg6[%get3A_354, %get3A_355] {strides = array<i32>} : memref<4x4096xf32, #tpu.memory_space<vmem>>, vector<1x16xf32>,
        %get3A_357 = vector.shape_cast %get3A_356 : vector<1x16xf32> to vector<16xf32>
        %mul3A_358 = arith.constant -1.000000e+00 : f32
        %mul3A_359 = vector.broadcast %mul3A_358 : f32 to vector<16xf32>
        %mul3A_360 = arith.mulf %get3A_357, %mul3A_359 : vector<16xf32>
        %exp3A = math.exp %mul3A_360 : vector<16xf32>
        %add3A_361 = arith.constant 1.000000e+00 : f32
        %add3A_362 = vector.broadcast %add3A_361 : f32 to vector<16xf32>
        %add3A_363 = arith.addf %add3A_362, %exp3A : vector<16xf32>
        %div3A = arith.divf %get3A_357, %add3A_363 : vector<16xf32>
        %swap3A_364 = arith.constant 3 : i32
        %swap3A_365 = arith.index_cast %swap3A_364 : i32 to index
        %swap3A_366 = arith.index_cast %add3A_352 : i32 to index
        %swap3A_367 = tpu.vector_load %arg9[%swap3A_365, %swap3A_366] {strides = array<i32>} : memref<4x4096xf32, #tpu.memory_space<vmem>>, vector<1x16xf32>,
        %swap3A_368 = vector.shape_cast %swap3A_367 : vector<1x16xf32> to vector<16xf32>
        %swap3A_369 = vector.shape_cast %div3A : vector<16xf32> to vector<1x16xf32>
        tpu.vector_store %arg9[%swap3A_365, %swap3A_366], %swap3A_369 {strides = array<i32>} : memref<4x4096xf32, #tpu.memory_space<vmem>>, vector<1x16xf32>,
        %add3A_370 = arith.constant 64 : i32
        %add3A_371 = arith.addi %mul3A_287, %add3A_370 : i32
        %add3A_372 = arith.constant 16 : i32
        %add3A_373 = arith.addi %add3A_371, %add3A_372 : i32
        %get3A_374 = arith.constant 3 : i32
        %get3A_375 = arith.index_cast %get3A_374 : i32 to index
        %get3A_376 = arith.index_cast %add3A_373 : i32 to index
        %get3A_377 = tpu.vector_load %arg6[%get3A_375, %get3A_376] {strides = array<i32>} : memref<4x4096xf32, #tpu.memory_space<vmem>>, vector<1x16xf32>,
        %get3A_378 = vector.shape_cast %get3A_377 : vector<1x16xf32> to vector<16xf32>
        %mul3A_379 = arith.constant -1.000000e+00 : f32
        %mul3A_380 = vector.broadcast %mul3A_379 : f32 to vector<16xf32>
        %mul3A_381 = arith.mulf %get3A_378, %mul3A_380 : vector<16xf32>
        %exp3A_382 = math.exp %mul3A_381 : vector<16xf32>
        %add3A_383 = arith.constant 1.000000e+00 : f32
        %add3A_384 = vector.broadcast %add3A_383 : f32 to vector<16xf32>
        %add3A_385 = arith.addf %add3A_384, %exp3A_382 : vector<16xf32>
        %div3A_386 = arith.divf %get3A_378, %add3A_385 : vector<16xf32>
        %swap3A_387 = arith.constant 3 : i32
        %swap3A_388 = arith.index_cast %swap3A_387 : i32 to index
        %swap3A_389 = arith.index_cast %add3A_373 : i32 to index
        %swap3A_390 = tpu.vector_load %arg9[%swap3A_388, %swap3A_389] {strides = array<i32>} : memref<4x4096xf32, #tpu.memory_space<vmem>>, vector<1x16xf32>,
        %swap3A_391 = vector.shape_cast %swap3A_390 : vector<1x16xf32> to vector<16xf32>
        %swap3A_392 = vector.shape_cast %div3A_386 : vector<16xf32> to vector<1x16xf32>
        tpu.vector_store %arg9[%swap3A_388, %swap3A_389], %swap3A_392 {strides = array<i32>} : memref<4x4096xf32, #tpu.memory_space<vmem>>, vector<1x16xf32>,
        %add3A_393 = arith.constant 64 : i32
        %add3A_394 = arith.addi %mul3A_287, %add3A_393 : i32
        %add3A_395 = arith.constant 32 : i32
        %add3A_396 = arith.addi %add3A_394, %add3A_395 : i32
        %get3A_397 = arith.constant 3 : i32
        %get3A_398 = arith.index_cast %get3A_397 : i32 to index
        %get3A_399 = arith.index_cast %add3A_396 : i32 to index
        %get3A_400 = tpu.vector_load %arg6[%get3A_398, %get3A_399] {strides = array<i32>} : memref<4x4096xf32, #tpu.memory_space<vmem>>, vector<1x16xf32>,
        %get3A_401 = vector.shape_cast %get3A_400 : vector<1x16xf32> to vector<16xf32>
        %mul3A_402 = arith.constant -1.000000e+00 : f32
        %mul3A_403 = vector.broadcast %mul3A_402 : f32 to vector<16xf32>
        %mul3A_404 = arith.mulf %get3A_401, %mul3A_403 : vector<16xf32>
        %exp3A_405 = math.exp %mul3A_404 : vector<16xf32>
        %add3A_406 = arith.constant 1.000000e+00 : f32
        %add3A_407 = vector.broadcast %add3A_406 : f32 to vector<16xf32>
        %add3A_408 = arith.addf %add3A_407, %exp3A_405 : vector<16xf32>
        %div3A_409 = arith.divf %get3A_401, %add3A_408 : vector<16xf32>
        %swap3A_410 = arith.constant 3 : i32
        %swap3A_411 = arith.index_cast %swap3A_410 : i32 to index
        %swap3A_412 = arith.index_cast %add3A_396 : i32 to index
        %swap3A_413 = tpu.vector_load %arg9[%swap3A_411, %swap3A_412] {strides = array<i32>} : memref<4x4096xf32, #tpu.memory_space<vmem>>, vector<1x16xf32>,
        %swap3A_414 = vector.shape_cast %swap3A_413 : vector<1x16xf32> to vector<16xf32>
        %swap3A_415 = vector.shape_cast %div3A_409 : vector<16xf32> to vector<1x16xf32>
        tpu.vector_store %arg9[%swap3A_411, %swap3A_412], %swap3A_415 {strides = array<i32>} : memref<4x4096xf32, #tpu.memory_space<vmem>>, vector<1x16xf32>,
        %add3A_416 = arith.constant 64 : i32
        %add3A_417 = arith.addi %mul3A_287, %add3A_416 : i32
        %add3A_418 = arith.constant 48 : i32
        %add3A_419 = arith.addi %add3A_417, %add3A_418 : i32
        %get3A_420 = arith.constant 3 : i32
        %get3A_421 = arith.index_cast %get3A_420 : i32 to index
        %get3A_422 = arith.index_cast %add3A_419 : i32 to index
        %get3A_423 = tpu.vector_load %arg6[%get3A_421, %get3A_422] {strides = array<i32>} : memref<4x4096xf32, #tpu.memory_space<vmem>>, vector<1x16xf32>,
        %get3A_424 = vector.shape_cast %get3A_423 : vector<1x16xf32> to vector<16xf32>
        %mul3A_425 = arith.constant -1.000000e+00 : f32
        %mul3A_426 = vector.broadcast %mul3A_425 : f32 to vector<16xf32>
        %mul3A_427 = arith.mulf %get3A_424, %mul3A_426 : vector<16xf32>
        %exp3A_428 = math.exp %mul3A_427 : vector<16xf32>
        %add3A_429 = arith.constant 1.000000e+00 : f32
        %add3A_430 = vector.broadcast %add3A_429 : f32 to vector<16xf32>
        %add3A_431 = arith.addf %add3A_430, %exp3A_428 : vector<16xf32>
        %div3A_432 = arith.divf %get3A_424, %add3A_431 : vector<16xf32>
        %swap3A_433 = arith.constant 3 : i32
        %swap3A_434 = arith.index_cast %swap3A_433 : i32 to index
        %swap3A_435 = arith.index_cast %add3A_419 : i32 to index
        %swap3A_436 = tpu.vector_load %arg9[%swap3A_434, %swap3A_435] {strides = array<i32>} : memref<4x4096xf32, #tpu.memory_space<vmem>>, vector<1x16xf32>,
        %swap3A_437 = vector.shape_cast %swap3A_436 : vector<1x16xf32> to vector<16xf32>
        %swap3A_438 = vector.shape_cast %div3A_432 : vector<16xf32> to vector<1x16xf32>
        tpu.vector_store %arg9[%swap3A_434, %swap3A_435], %swap3A_438 {strides = array<i32>} : memref<4x4096xf32, #tpu.memory_space<vmem>>, vector<1x16xf32>,
      }
      %scan3A_270 = arith.constant 32 : i32
      %mul3A_271 = arith.constant 4 : i32
      %mul3A_272 = arith.muli %add3A_234, %mul3A_271 : i32
      %add3A_273 = arith.addi %mul3A_2, %mul3A_272 : i32
      %dma_start3A_274 = arith.constant 0 : i32
      %dma_start3A_275 = tpu.memref_slice %arg3[%add3A_273, %dma_start3A_274] : memref<16384x4096xf32, #tpu.memory_space<hbm>> -> memref<4x4096xf32, #tpu.memory_space<hbm>>
      %dma_start3A_276 = arith.constant 0 : i32
      %dma_start3A_277 = tpu.memref_slice %arg3[%add3A_273, %dma_start3A_276] : memref<16384x4096xf32, #tpu.memory_space<hbm>> -> memref<4x4096xf32, #tpu.memory_space<hbm>>
      tpu.enqueue_dma source(%arg9 : memref<4x4096xf32, #tpu.memory_space<vmem>>) target(%dma_start3A_277 : memref<4x4096xf32, #tpu.memory_space<hbm>>) target_semaphore(%arg15 : memref<!tpu.dma_semaphore, #tpu.memory_space<semaphore_mem>>)
      %add3A_278 = arith.constant 3 : i32
      %add3A_279 = arith.addi %add3A_234, %add3A_278 : i32
      %le3A_280 = arith.constant 127 : i32
      %le3A_281 = arith.cmpi sle, %add3A_279, %le3A_280 : i32
      %convert_element_type3A_282 = arith.extui %le3A_281 : i1 to i32
      %cond3A_283 = arith.constant 0 : i32
      %cond3A_284 = arith.cmpi ne, %convert_element_type3A_282, %cond3A_283 : i32
      scf.if %cond3A_284 {
        %add3A_285 = arith.constant 3 : i32
        %add3A_286 = arith.addi %add3A_234, %add3A_285 : i32
        %mul3A_287 = arith.constant 4 : i32
        %mul3A_288 = arith.muli %add3A_286, %mul3A_287 : i32
        %add3A_289 = arith.addi %mul3A_2, %mul3A_288 : i32
        %dma_start3A_290 = arith.constant 0 : i32
        %dma_start3A_291 = tpu.memref_slice %arg2[%add3A_289, %dma_start3A_290] : memref<16384x4096xf32, #tpu.memory_space<hbm>> -> memref<4x4096xf32, #tpu.memory_space<hbm>>
        %dma_start3A_292 = arith.constant 0 : i32
        %dma_start3A_293 = tpu.memref_slice %arg2[%add3A_289, %dma_start3A_292] : memref<16384x4096xf32, #tpu.memory_space<hbm>> -> memref<4x4096xf32, #tpu.memory_space<hbm>>
        tpu.enqueue_dma source(%dma_start3A_293 : memref<4x4096xf32, #tpu.memory_space<hbm>>) target(%arg6 : memref<4x4096xf32, #tpu.memory_space<vmem>>) target_semaphore(%arg12 : memref<!tpu.dma_semaphore, #tpu.memory_space<semaphore_mem>>)
      } else {
      }
    }
    %scan3A_24 = arith.constant 42 : i32
    %add3A_25 = arith.constant 504 : i32
    %add3A_26 = arith.addi %mul3A_2, %add3A_25 : i32
    %dma_wait3A = arith.constant 0 : i32
    %dma_wait3A_27 = tpu.memref_slice %arg2[%add3A_26, %dma_wait3A] : memref<16384x4096xf32, #tpu.memory_space<hbm>> -> memref<4x4096xf32, #tpu.memory_space<hbm>>
    %dma_wait3A_28 = arith.constant 0 : i32
    %dma_wait3A_29 = tpu.memref_slice %arg2[%add3A_26, %dma_wait3A_28] : memref<16384x4096xf32, #tpu.memory_space<hbm>> -> memref<4x4096xf32, #tpu.memory_space<hbm>>
    tpu.wait_dma2 semaphore(%arg10 : memref<!tpu.dma_semaphore, #tpu.memory_space<semaphore_mem>>) src(%dma_wait3A_29 : memref<4x4096xf32, #tpu.memory_space<hbm>>) dst(%arg4 : memref<4x4096xf32, #tpu.memory_space<vmem>>)
    %add3A_30 = arith.constant 504 : i32
    %add3A_31 = arith.addi %mul3A_2, %add3A_30 : i32
    %dma_wait3A_32 = arith.constant 0 : i32
    %dma_wait3A_33 = tpu.memref_slice %arg3[%add3A_31, %dma_wait3A_32] : memref<16384x4096xf32, #tpu.memory_space<hbm>> -> memref<4x4096xf32, #tpu.memory_space<hbm>>
    %dma_wait3A_34 = arith.constant 0 : i32
    %dma_wait3A_35 = tpu.memref_slice %arg3[%add3A_31, %dma_wait3A_34] : memref<16384x4096xf32, #tpu.memory_space<hbm>> -> memref<4x4096xf32, #tpu.memory_space<hbm>>
    tpu.wait_dma2 semaphore(%arg13 : memref<!tpu.dma_semaphore, #tpu.memory_space<semaphore_mem>>) src(%arg7 : memref<4x4096xf32, #tpu.memory_space<vmem>>) dst(%dma_wait3A_35 : memref<4x4096xf32, #tpu.memory_space<hbm>>)
    %scan3A_36 = arith.constant 0 : i32
    %scan3A_37 = arith.constant 0 : i32
    %scan3A_38 = arith.constant 32 : i32
    %scan3A_39 = arith.addi %scan3A_37, %scan3A_38 : i32
    %scan3A_40 = arith.constant 1 : i32
    scf.for %scan3A_126 = %scan3A_37 to %scan3A_39 step %scan3A_40  : i32 {
      %mul3A_127 = arith.constant 128 : i32
      %mul3A_128 = arith.muli %scan3A_126, %mul3A_127 : i32
      %add3A_129 = arith.constant 0 : i32
      %add3A_130 = arith.addi %mul3A_128, %add3A_129 : i32
      %get3A = arith.constant 0 : i32
      %get3A_131 = arith.index_cast %get3A : i32 to index
      %get3A_132 = arith.index_cast %add3A_130 : i32 to index
      %get3A_133 = tpu.vector_load %arg4[%get3A_131, %get3A_132] {strides = array<i32>} : memref<4x4096xf32, #tpu.memory_space<vmem>>, vector<1x16xf32>,
      %get3A_134 = vector.shape_cast %get3A_133 : vector<1x16xf32> to vector<16xf32>
      %max3A = arith.constant 0.000000e+00 : f32
      %max3A_135 = vector.broadcast %max3A : f32 to vector<16xf32>
      %max3A_136 = arith.maximumf %get3A_134, %max3A_135 : vector<16xf32>
      %swap3A = arith.constant 0 : i32
      %swap3A_137 = arith.index_cast %swap3A : i32 to index
      %swap3A_138 = arith.index_cast %add3A_130 : i32 to index
      %swap3A_139 = tpu.vector_load %arg7[%swap3A_137, %swap3A_138] {strides = array<i32>} : memref<4x4096xf32, #tpu.memory_space<vmem>>, vector<1x16xf32>,
      %swap3A_140 = vector.shape_cast %swap3A_139 : vector<1x16xf32> to vector<16xf32>
      %swap3A_141 = vector.shape_cast %max3A_136 : vector<16xf32> to vector<1x16xf32>
      tpu.vector_store %arg7[%swap3A_137, %swap3A_138], %swap3A_141 {strides = array<i32>} : memref<4x4096xf32, #tpu.memory_space<vmem>>, vector<1x16xf32>,
      %add3A_142 = arith.constant 16 : i32
      %add3A_143 = arith.addi %mul3A_128, %add3A_142 : i32
      %get3A_144 = arith.constant 0 : i32
      %get3A_145 = arith.index_cast %get3A_144 : i32 to index
      %get3A_146 = arith.index_cast %add3A_143 : i32 to index
      %get3A_147 = tpu.vector_load %arg4[%get3A_145, %get3A_146] {strides = array<i32>} : memref<4x4096xf32, #tpu.memory_space<vmem>>, vector<1x16xf32>,
      %get3A_148 = vector.shape_cast %get3A_147 : vector<1x16xf32> to vector<16xf32>
      %max3A_149 = arith.constant 0.000000e+00 : f32
      %max3A_150 = vector.broadcast %max3A_149 : f32 to vector<16xf32>
      %max3A_151 = arith.maximumf %get3A_148, %max3A_150 : vector<16xf32>
      %swap3A_152 = arith.constant 0 : i32
      %swap3A_153 = arith.index_cast %swap3A_152 : i32 to index
      %swap3A_154 = arith.index_cast %add3A_143 : i32 to index
      %swap3A_155 = tpu.vector_load %arg7[%swap3A_153, %swap3A_154] {strides = array<i32>} : memref<4x4096xf32, #tpu.memory_space<vmem>>, vector<1x16xf32>,
      %swap3A_156 = vector.shape_cast %swap3A_155 : vector<1x16xf32> to vector<16xf32>
      %swap3A_157 = vector.shape_cast %max3A_151 : vector<16xf32> to vector<1x16xf32>
      tpu.vector_store %arg7[%swap3A_153, %swap3A_154], %swap3A_157 {strides = array<i32>} : memref<4x4096xf32, #tpu.memory_space<vmem>>, vector<1x16xf32>,
      %add3A_158 = arith.constant 32 : i32
      %add3A_159 = arith.addi %mul3A_128, %add3A_158 : i32
      %get3A_160 = arith.constant 0 : i32
      %get3A_161 = arith.index_cast %get3A_160 : i32 to index
      %get3A_162 = arith.index_cast %add3A_159 : i32 to index
      %get3A_163 = tpu.vector_load %arg4[%get3A_161, %get3A_162] {strides = array<i32>} : memref<4x4096xf32, #tpu.memory_space<vmem>>, vector<1x16xf32>,
      %get3A_164 = vector.shape_cast %get3A_163 : vector<1x16xf32> to vector<16xf32>
      %max3A_165 = arith.constant 0.000000e+00 : f32
      %max3A_166 = vector.broadcast %max3A_165 : f32 to vector<16xf32>
      %max3A_167 = arith.maximumf %get3A_164, %max3A_166 : vector<16xf32>
      %swap3A_168 = arith.constant 0 : i32
      %swap3A_169 = arith.index_cast %swap3A_168 : i32 to index
      %swap3A_170 = arith.index_cast %add3A_159 : i32 to index
      %swap3A_171 = tpu.vector_load %arg7[%swap3A_169, %swap3A_170] {strides = array<i32>} : memref<4x4096xf32, #tpu.memory_space<vmem>>, vector<1x16xf32>,
      %swap3A_172 = vector.shape_cast %swap3A_171 : vector<1x16xf32> to vector<16xf32>
      %swap3A_173 = vector.shape_cast %max3A_167 : vector<16xf32> to vector<1x16xf32>
      tpu.vector_store %arg7[%swap3A_169, %swap3A_170], %swap3A_173 {strides = array<i32>} : memref<4x4096xf32, #tpu.memory_space<vmem>>, vector<1x16xf32>,
      %add3A_174 = arith.constant 48 : i32
      %add3A_175 = arith.addi %mul3A_128, %add3A_174 : i32
      %get3A_176 = arith.constant 0 : i32
      %get3A_177 = arith.index_cast %get3A_176 : i32 to index
      %get3A_178 = arith.index_cast %add3A_175 : i32 to index
      %get3A_179 = tpu.vector_load %arg4[%get3A_177, %get3A_178] {strides = array<i32>} : memref<4x4096xf32, #tpu.memory_space<vmem>>, vector<1x16xf32>,
      %get3A_180 = vector.shape_cast %get3A_179 : vector<1x16xf32> to vector<16xf32>
      %max3A_181 = arith.constant 0.000000e+00 : f32
      %max3A_182 = vector.broadcast %max3A_181 : f32 to vector<16xf32>
      %max3A_183 = arith.maximumf %get3A_180, %max3A_182 : vector<16xf32>
      %swap3A_184 = arith.constant 0 : i32
      %swap3A_185 = arith.index_cast %swap3A_184 : i32 to index
      %swap3A_186 = arith.index_cast %add3A_175 : i32 to index
      %swap3A_187 = tpu.vector_load %arg7[%swap3A_185, %swap3A_186] {strides = array<i32>} : memref<4x4096xf32, #tpu.memory_space<vmem>>, vector<1x16xf32>,
      %swap3A_188 = vector.shape_cast %swap3A_187 : vector<1x16xf32> to vector<16xf32>
      %swap3A_189 = vector.shape_cast %max3A_183 : vector<16xf32> to vector<1x16xf32>
      tpu.vector_store %arg7[%swap3A_185, %swap3A_186], %swap3A_189 {strides = array<i32>} : memref<4x4096xf32, #tpu.memory_space<vmem>>, vector<1x16xf32>,
      %add3A_190 = arith.constant 64 : i32
      %add3A_191 = arith.addi %mul3A_128, %add3A_190 : i32
      %add3A_192 = arith.constant 0 : i32
      %add3A_193 = arith.addi %add3A_191, %add3A_192 : i32
      %get3A_194 = arith.constant 0 : i32
      %get3A_195 = arith.index_cast %get3A_194 : i32 to index
      %get3A_196 = arith.index_cast %add3A_193 : i32 to index
      %get3A_197 = tpu.vector_load %arg4[%get3A_195, %get3A_196] {strides = array<i32>} : memref<4x4096xf32, #tpu.memory_space<vmem>>, vector<1x16xf32>,
      %get3A_198 = vector.shape_cast %get3A_197 : vector<1x16xf32> to vector<16xf32>
      %mul3A_199 = arith.constant -1.000000e+00 : f32
      %mul3A_200 = vector.broadcast %mul3A_199 : f32 to vector<16xf32>
      %mul3A_201 = arith.mulf %get3A_198, %mul3A_200 : vector<16xf32>
      %exp3A = math.exp %mul3A_201 : vector<16xf32>
      %add3A_202 = arith.constant 1.000000e+00 : f32
      %add3A_203 = vector.broadcast %add3A_202 : f32 to vector<16xf32>
      %add3A_204 = arith.addf %add3A_203, %exp3A : vector<16xf32>
      %div3A = arith.divf %get3A_198, %add3A_204 : vector<16xf32>
      %swap3A_205 = arith.constant 0 : i32
      %swap3A_206 = arith.index_cast %swap3A_205 : i32 to index
      %swap3A_207 = arith.index_cast %add3A_193 : i32 to index
      %swap3A_208 = tpu.vector_load %arg7[%swap3A_206, %swap3A_207] {strides = array<i32>} : memref<4x4096xf32, #tpu.memory_space<vmem>>, vector<1x16xf32>,
      %swap3A_209 = vector.shape_cast %swap3A_208 : vector<1x16xf32> to vector<16xf32>
      %swap3A_210 = vector.shape_cast %div3A : vector<16xf32> to vector<1x16xf32>
      tpu.vector_store %arg7[%swap3A_206, %swap3A_207], %swap3A_210 {strides = array<i32>} : memref<4x4096xf32, #tpu.memory_space<vmem>>, vector<1x16xf32>,
      %add3A_211 = arith.constant 64 : i32
      %add3A_212 = arith.addi %mul3A_128, %add3A_211 : i32
      %add3A_213 = arith.constant 16 : i32
      %add3A_214 = arith.addi %add3A_212, %add3A_213 : i32
      %get3A_215 = arith.constant 0 : i32
      %get3A_216 = arith.index_cast %get3A_215 : i32 to index
      %get3A_217 = arith.index_cast %add3A_214 : i32 to index
      %get3A_218 = tpu.vector_load %arg4[%get3A_216, %get3A_217] {strides = array<i32>} : memref<4x4096xf32, #tpu.memory_space<vmem>>, vector<1x16xf32>,
      %get3A_219 = vector.shape_cast %get3A_218 : vector<1x16xf32> to vector<16xf32>
      %mul3A_220 = arith.constant -1.000000e+00 : f32
      %mul3A_221 = vector.broadcast %mul3A_220 : f32 to vector<16xf32>
      %mul3A_222 = arith.mulf %get3A_219, %mul3A_221 : vector<16xf32>
      %exp3A_223 = math.exp %mul3A_222 : vector<16xf32>
      %add3A_224 = arith.constant 1.000000e+00 : f32
      %add3A_225 = vector.broadcast %add3A_224 : f32 to vector<16xf32>
      %add3A_226 = arith.addf %add3A_225, %exp3A_223 : vector<16xf32>
      %div3A_227 = arith.divf %get3A_219, %add3A_226 : vector<16xf32>
      %swap3A_228 = arith.constant 0 : i32
      %swap3A_229 = arith.index_cast %swap3A_228 : i32 to index
      %swap3A_230 = arith.index_cast %add3A_214 : i32 to index
      %swap3A_231 = tpu.vector_load %arg7[%swap3A_229, %swap3A_230] {strides = array<i32>} : memref<4x4096xf32, #tpu.memory_space<vmem>>, vector<1x16xf32>,
      %swap3A_232 = vector.shape_cast %swap3A_231 : vector<1x16xf32> to vector<16xf32>
      %swap3A_233 = vector.shape_cast %div3A_227 : vector<16xf32> to vector<1x16xf32>
      tpu.vector_store %arg7[%swap3A_229, %swap3A_230], %swap3A_233 {strides = array<i32>} : memref<4x4096xf32, #tpu.memory_space<vmem>>, vector<1x16xf32>,
      %add3A_234 = arith.constant 64 : i32
      %add3A_235 = arith.addi %mul3A_128, %add3A_234 : i32
      %add3A_236 = arith.constant 32 : i32
      %add3A_237 = arith.addi %add3A_235, %add3A_236 : i32
      %get3A_238 = arith.constant 0 : i32
      %get3A_239 = arith.index_cast %get3A_238 : i32 to index
      %get3A_240 = arith.index_cast %add3A_237 : i32 to index
      %get3A_241 = tpu.vector_load %arg4[%get3A_239, %get3A_240] {strides = array<i32>} : memref<4x4096xf32, #tpu.memory_space<vmem>>, vector<1x16xf32>,
      %get3A_242 = vector.shape_cast %get3A_241 : vector<1x16xf32> to vector<16xf32>
      %mul3A_243 = arith.constant -1.000000e+00 : f32
      %mul3A_244 = vector.broadcast %mul3A_243 : f32 to vector<16xf32>
      %mul3A_245 = arith.mulf %get3A_242, %mul3A_244 : vector<16xf32>
      %exp3A_246 = math.exp %mul3A_245 : vector<16xf32>
      %add3A_247 = arith.constant 1.000000e+00 : f32
      %add3A_248 = vector.broadcast %add3A_247 : f32 to vector<16xf32>
      %add3A_249 = arith.addf %add3A_248, %exp3A_246 : vector<16xf32>
      %div3A_250 = arith.divf %get3A_242, %add3A_249 : vector<16xf32>
      %swap3A_251 = arith.constant 0 : i32
      %swap3A_252 = arith.index_cast %swap3A_251 : i32 to index
      %swap3A_253 = arith.index_cast %add3A_237 : i32 to index
      %swap3A_254 = tpu.vector_load %arg7[%swap3A_252, %swap3A_253] {strides = array<i32>} : memref<4x4096xf32, #tpu.memory_space<vmem>>, vector<1x16xf32>,
      %swap3A_255 = vector.shape_cast %swap3A_254 : vector<1x16xf32> to vector<16xf32>
      %swap3A_256 = vector.shape_cast %div3A_250 : vector<16xf32> to vector<1x16xf32>
      tpu.vector_store %arg7[%swap3A_252, %swap3A_253], %swap3A_256 {strides = array<i32>} : memref<4x4096xf32, #tpu.memory_space<vmem>>, vector<1x16xf32>,
      %add3A_257 = arith.constant 64 : i32
      %add3A_258 = arith.addi %mul3A_128, %add3A_257 : i32
      %add3A_259 = arith.constant 48 : i32
      %add3A_260 = arith.addi %add3A_258, %add3A_259 : i32
      %get3A_261 = arith.constant 0 : i32
      %get3A_262 = arith.index_cast %get3A_261 : i32 to index
      %get3A_263 = arith.index_cast %add3A_260 : i32 to index
      %get3A_264 = tpu.vector_load %arg4[%get3A_262, %get3A_263] {strides = array<i32>} : memref<4x4096xf32, #tpu.memory_space<vmem>>, vector<1x16xf32>,
      %get3A_265 = vector.shape_cast %get3A_264 : vector<1x16xf32> to vector<16xf32>
      %mul3A_266 = arith.constant -1.000000e+00 : f32
      %mul3A_267 = vector.broadcast %mul3A_266 : f32 to vector<16xf32>
      %mul3A_268 = arith.mulf %get3A_265, %mul3A_267 : vector<16xf32>
      %exp3A_269 = math.exp %mul3A_268 : vector<16xf32>
      %add3A_270 = arith.constant 1.000000e+00 : f32
      %add3A_271 = vector.broadcast %add3A_270 : f32 to vector<16xf32>
      %add3A_272 = arith.addf %add3A_271, %exp3A_269 : vector<16xf32>
      %div3A_273 = arith.divf %get3A_265, %add3A_272 : vector<16xf32>
      %swap3A_274 = arith.constant 0 : i32
      %swap3A_275 = arith.index_cast %swap3A_274 : i32 to index
      %swap3A_276 = arith.index_cast %add3A_260 : i32 to index
      %swap3A_277 = tpu.vector_load %arg7[%swap3A_275, %swap3A_276] {strides = array<i32>} : memref<4x4096xf32, #tpu.memory_space<vmem>>, vector<1x16xf32>,
      %swap3A_278 = vector.shape_cast %swap3A_277 : vector<1x16xf32> to vector<16xf32>
      %swap3A_279 = vector.shape_cast %div3A_273 : vector<16xf32> to vector<1x16xf32>
      tpu.vector_store %arg7[%swap3A_275, %swap3A_276], %swap3A_279 {strides = array<i32>} : memref<4x4096xf32, #tpu.memory_space<vmem>>, vector<1x16xf32>,
    }
    %scan3A_41 = arith.constant 32 : i32
    %scan3A_42 = arith.constant 0 : i32
    %scan3A_43 = arith.constant 0 : i32
    %scan3A_44 = arith.constant 32 : i32
    %scan3A_45 = arith.addi %scan3A_43, %scan3A_44 : i32
    %scan3A_46 = arith.constant 1 : i32
    scf.for %scan3A_126 = %scan3A_43 to %scan3A_45 step %scan3A_46  : i32 {
      %mul3A_127 = arith.constant 128 : i32
      %mul3A_128 = arith.muli %scan3A_126, %mul3A_127 : i32
      %add3A_129 = arith.constant 0 : i32
      %add3A_130 = arith.addi %mul3A_128, %add3A_129 : i32
      %get3A = arith.constant 1 : i32
      %get3A_131 = arith.index_cast %get3A : i32 to index
      %get3A_132 = arith.index_cast %add3A_130 : i32 to index
      %get3A_133 = tpu.vector_load %arg4[%get3A_131, %get3A_132] {strides = array<i32>} : memref<4x4096xf32, #tpu.memory_space<vmem>>, vector<1x16xf32>,
      %get3A_134 = vector.shape_cast %get3A_133 : vector<1x16xf32> to vector<16xf32>
      %max3A = arith.constant 0.000000e+00 : f32
      %max3A_135 = vector.broadcast %max3A : f32 to vector<16xf32>
      %max3A_136 = arith.maximumf %get3A_134, %max3A_135 : vector<16xf32>
      %swap3A = arith.constant 1 : i32
      %swap3A_137 = arith.index_cast %swap3A : i32 to index
      %swap3A_138 = arith.index_cast %add3A_130 : i32 to index
      %swap3A_139 = tpu.vector_load %arg7[%swap3A_137, %swap3A_138] {strides = array<i32>} : memref<4x4096xf32, #tpu.memory_space<vmem>>, vector<1x16xf32>,
      %swap3A_140 = vector.shape_cast %swap3A_139 : vector<1x16xf32> to vector<16xf32>
      %swap3A_141 = vector.shape_cast %max3A_136 : vector<16xf32> to vector<1x16xf32>
      tpu.vector_store %arg7[%swap3A_137, %swap3A_138], %swap3A_141 {strides = array<i32>} : memref<4x4096xf32, #tpu.memory_space<vmem>>, vector<1x16xf32>,
      %add3A_142 = arith.constant 16 : i32
      %add3A_143 = arith.addi %mul3A_128, %add3A_142 : i32
      %get3A_144 = arith.constant 1 : i32
      %get3A_145 = arith.index_cast %get3A_144 : i32 to index
      %get3A_146 = arith.index_cast %add3A_143 : i32 to index
      %get3A_147 = tpu.vector_load %arg4[%get3A_145, %get3A_146] {strides = array<i32>} : memref<4x4096xf32, #tpu.memory_space<vmem>>, vector<1x16xf32>,
      %get3A_148 = vector.shape_cast %get3A_147 : vector<1x16xf32> to vector<16xf32>
      %max3A_149 = arith.constant 0.000000e+00 : f32
      %max3A_150 = vector.broadcast %max3A_149 : f32 to vector<16xf32>
      %max3A_151 = arith.maximumf %get3A_148, %max3A_150 : vector<16xf32>
      %swap3A_152 = arith.constant 1 : i32
      %swap3A_153 = arith.index_cast %swap3A_152 : i32 to index
      %swap3A_154 = arith.index_cast %add3A_143 : i32 to index
      %swap3A_155 = tpu.vector_load %arg7[%swap3A_153, %swap3A_154] {strides = array<i32>} : memref<4x4096xf32, #tpu.memory_space<vmem>>, vector<1x16xf32>,
      %swap3A_156 = vector.shape_cast %swap3A_155 : vector<1x16xf32> to vector<16xf32>
      %swap3A_157 = vector.shape_cast %max3A_151 : vector<16xf32> to vector<1x16xf32>
      tpu.vector_store %arg7[%swap3A_153, %swap3A_154], %swap3A_157 {strides = array<i32>} : memref<4x4096xf32, #tpu.memory_space<vmem>>, vector<1x16xf32>,
      %add3A_158 = arith.constant 32 : i32
      %add3A_159 = arith.addi %mul3A_128, %add3A_158 : i32
      %get3A_160 = arith.constant 1 : i32
      %get3A_161 = arith.index_cast %get3A_160 : i32 to index
      %get3A_162 = arith.index_cast %add3A_159 : i32 to index
      %get3A_163 = tpu.vector_load %arg4[%get3A_161, %get3A_162] {strides = array<i32>} : memref<4x4096xf32, #tpu.memory_space<vmem>>, vector<1x16xf32>,
      %get3A_164 = vector.shape_cast %get3A_163 : vector<1x16xf32> to vector<16xf32>
      %max3A_165 = arith.constant 0.000000e+00 : f32
      %max3A_166 = vector.broadcast %max3A_165 : f32 to vector<16xf32>
      %max3A_167 = arith.maximumf %get3A_164, %max3A_166 : vector<16xf32>
      %swap3A_168 = arith.constant 1 : i32
      %swap3A_169 = arith.index_cast %swap3A_168 : i32 to index
      %swap3A_170 = arith.index_cast %add3A_159 : i32 to index
      %swap3A_171 = tpu.vector_load %arg7[%swap3A_169, %swap3A_170] {strides = array<i32>} : memref<4x4096xf32, #tpu.memory_space<vmem>>, vector<1x16xf32>,
      %swap3A_172 = vector.shape_cast %swap3A_171 : vector<1x16xf32> to vector<16xf32>
      %swap3A_173 = vector.shape_cast %max3A_167 : vector<16xf32> to vector<1x16xf32>
      tpu.vector_store %arg7[%swap3A_169, %swap3A_170], %swap3A_173 {strides = array<i32>} : memref<4x4096xf32, #tpu.memory_space<vmem>>, vector<1x16xf32>,
      %add3A_174 = arith.constant 48 : i32
      %add3A_175 = arith.addi %mul3A_128, %add3A_174 : i32
      %get3A_176 = arith.constant 1 : i32
      %get3A_177 = arith.index_cast %get3A_176 : i32 to index
      %get3A_178 = arith.index_cast %add3A_175 : i32 to index
      %get3A_179 = tpu.vector_load %arg4[%get3A_177, %get3A_178] {strides = array<i32>} : memref<4x4096xf32, #tpu.memory_space<vmem>>, vector<1x16xf32>,
      %get3A_180 = vector.shape_cast %get3A_179 : vector<1x16xf32> to vector<16xf32>
      %max3A_181 = arith.constant 0.000000e+00 : f32
      %max3A_182 = vector.broadcast %max3A_181 : f32 to vector<16xf32>
      %max3A_183 = arith.maximumf %get3A_180, %max3A_182 : vector<16xf32>
      %swap3A_184 = arith.constant 1 : i32
      %swap3A_185 = arith.index_cast %swap3A_184 : i32 to index
      %swap3A_186 = arith.index_cast %add3A_175 : i32 to index
      %swap3A_187 = tpu.vector_load %arg7[%swap3A_185, %swap3A_186] {strides = array<i32>} : memref<4x4096xf32, #tpu.memory_space<vmem>>, vector<1x16xf32>,
      %swap3A_188 = vector.shape_cast %swap3A_187 : vector<1x16xf32> to vector<16xf32>
      %swap3A_189 = vector.shape_cast %max3A_183 : vector<16xf32> to vector<1x16xf32>
      tpu.vector_store %arg7[%swap3A_185, %swap3A_186], %swap3A_189 {strides = array<i32>} : memref<4x4096xf32, #tpu.memory_space<vmem>>, vector<1x16xf32>,
      %add3A_190 = arith.constant 64 : i32
      %add3A_191 = arith.addi %mul3A_128, %add3A_190 : i32
      %add3A_192 = arith.constant 0 : i32
      %add3A_193 = arith.addi %add3A_191, %add3A_192 : i32
      %get3A_194 = arith.constant 1 : i32
      %get3A_195 = arith.index_cast %get3A_194 : i32 to index
      %get3A_196 = arith.index_cast %add3A_193 : i32 to index
      %get3A_197 = tpu.vector_load %arg4[%get3A_195, %get3A_196] {strides = array<i32>} : memref<4x4096xf32, #tpu.memory_space<vmem>>, vector<1x16xf32>,
      %get3A_198 = vector.shape_cast %get3A_197 : vector<1x16xf32> to vector<16xf32>
      %mul3A_199 = arith.constant -1.000000e+00 : f32
      %mul3A_200 = vector.broadcast %mul3A_199 : f32 to vector<16xf32>
      %mul3A_201 = arith.mulf %get3A_198, %mul3A_200 : vector<16xf32>
      %exp3A = math.exp %mul3A_201 : vector<16xf32>
      %add3A_202 = arith.constant 1.000000e+00 : f32
      %add3A_203 = vector.broadcast %add3A_202 : f32 to vector<16xf32>
      %add3A_204 = arith.addf %add3A_203, %exp3A : vector<16xf32>
      %div3A = arith.divf %get3A_198, %add3A_204 : vector<16xf32>
      %swap3A_205 = arith.constant 1 : i32
      %swap3A_206 = arith.index_cast %swap3A_205 : i32 to index
      %swap3A_207 = arith.index_cast %add3A_193 : i32 to index
      %swap3A_208 = tpu.vector_load %arg7[%swap3A_206, %swap3A_207] {strides = array<i32>} : memref<4x4096xf32, #tpu.memory_space<vmem>>, vector<1x16xf32>,
      %swap3A_209 = vector.shape_cast %swap3A_208 : vector<1x16xf32> to vector<16xf32>
      %swap3A_210 = vector.shape_cast %div3A : vector<16xf32> to vector<1x16xf32>
      tpu.vector_store %arg7[%swap3A_206, %swap3A_207], %swap3A_210 {strides = array<i32>} : memref<4x4096xf32, #tpu.memory_space<vmem>>, vector<1x16xf32>,
      %add3A_211 = arith.constant 64 : i32
      %add3A_212 = arith.addi %mul3A_128, %add3A_211 : i32
      %add3A_213 = arith.constant 16 : i32
      %add3A_214 = arith.addi %add3A_212, %add3A_213 : i32
      %get3A_215 = arith.constant 1 : i32
      %get3A_216 = arith.index_cast %get3A_215 : i32 to index
      %get3A_217 = arith.index_cast %add3A_214 : i32 to index
      %get3A_218 = tpu.vector_load %arg4[%get3A_216, %get3A_217] {strides = array<i32>} : memref<4x4096xf32, #tpu.memory_space<vmem>>, vector<1x16xf32>,
      %get3A_219 = vector.shape_cast %get3A_218 : vector<1x16xf32> to vector<16xf32>
      %mul3A_220 = arith.constant -1.000000e+00 : f32
      %mul3A_221 = vector.broadcast %mul3A_220 : f32 to vector<16xf32>
      %mul3A_222 = arith.mulf %get3A_219, %mul3A_221 : vector<16xf32>
      %exp3A_223 = math.exp %mul3A_222 : vector<16xf32>
      %add3A_224 = arith.constant 1.000000e+00 : f32
      %add3A_225 = vector.broadcast %add3A_224 : f32 to vector<16xf32>
      %add3A_226 = arith.addf %add3A_225, %exp3A_223 : vector<16xf32>
      %div3A_227 = arith.divf %get3A_219, %add3A_226 : vector<16xf32>
      %swap3A_228 = arith.constant 1 : i32
      %swap3A_229 = arith.index_cast %swap3A_228 : i32 to index
      %swap3A_230 = arith.index_cast %add3A_214 : i32 to index
      %swap3A_231 = tpu.vector_load %arg7[%swap3A_229, %swap3A_230] {strides = array<i32>} : memref<4x4096xf32, #tpu.memory_space<vmem>>, vector<1x16xf32>,
      %swap3A_232 = vector.shape_cast %swap3A_231 : vector<1x16xf32> to vector<16xf32>
      %swap3A_233 = vector.shape_cast %div3A_227 : vector<16xf32> to vector<1x16xf32>
      tpu.vector_store %arg7[%swap3A_229, %swap3A_230], %swap3A_233 {strides = array<i32>} : memref<4x4096xf32, #tpu.memory_space<vmem>>, vector<1x16xf32>,
      %add3A_234 = arith.constant 64 : i32
      %add3A_235 = arith.addi %mul3A_128, %add3A_234 : i32
      %add3A_236 = arith.constant 32 : i32
      %add3A_237 = arith.addi %add3A_235, %add3A_236 : i32
      %get3A_238 = arith.constant 1 : i32
      %get3A_239 = arith.index_cast %get3A_238 : i32 to index
      %get3A_240 = arith.index_cast %add3A_237 : i32 to index
      %get3A_241 = tpu.vector_load %arg4[%get3A_239, %get3A_240] {strides = array<i32>} : memref<4x4096xf32, #tpu.memory_space<vmem>>, vector<1x16xf32>,
      %get3A_242 = vector.shape_cast %get3A_241 : vector<1x16xf32> to vector<16xf32>
      %mul3A_243 = arith.constant -1.000000e+00 : f32
      %mul3A_244 = vector.broadcast %mul3A_243 : f32 to vector<16xf32>
      %mul3A_245 = arith.mulf %get3A_242, %mul3A_244 : vector<16xf32>
      %exp3A_246 = math.exp %mul3A_245 : vector<16xf32>
      %add3A_247 = arith.constant 1.000000e+00 : f32
      %add3A_248 = vector.broadcast %add3A_247 : f32 to vector<16xf32>
      %add3A_249 = arith.addf %add3A_248, %exp3A_246 : vector<16xf32>
      %div3A_250 = arith.divf %get3A_242, %add3A_249 : vector<16xf32>
      %swap3A_251 = arith.constant 1 : i32
      %swap3A_252 = arith.index_cast %swap3A_251 : i32 to index
      %swap3A_253 = arith.index_cast %add3A_237 : i32 to index
      %swap3A_254 = tpu.vector_load %arg7[%swap3A_252, %swap3A_253] {strides = array<i32>} : memref<4x4096xf32, #tpu.memory_space<vmem>>, vector<1x16xf32>,
      %swap3A_255 = vector.shape_cast %swap3A_254 : vector<1x16xf32> to vector<16xf32>
      %swap3A_256 = vector.shape_cast %div3A_250 : vector<16xf32> to vector<1x16xf32>
      tpu.vector_store %arg7[%swap3A_252, %swap3A_253], %swap3A_256 {strides = array<i32>} : memref<4x4096xf32, #tpu.memory_space<vmem>>, vector<1x16xf32>,
      %add3A_257 = arith.constant 64 : i32
      %add3A_258 = arith.addi %mul3A_128, %add3A_257 : i32
      %add3A_259 = arith.constant 48 : i32
      %add3A_260 = arith.addi %add3A_258, %add3A_259 : i32
      %get3A_261 = arith.constant 1 : i32
      %get3A_262 = arith.index_cast %get3A_261 : i32 to index
      %get3A_263 = arith.index_cast %add3A_260 : i32 to index
      %get3A_264 = tpu.vector_load %arg4[%get3A_262, %get3A_263] {strides = array<i32>} : memref<4x4096xf32, #tpu.memory_space<vmem>>, vector<1x16xf32>,
      %get3A_265 = vector.shape_cast %get3A_264 : vector<1x16xf32> to vector<16xf32>
      %mul3A_266 = arith.constant -1.000000e+00 : f32
      %mul3A_267 = vector.broadcast %mul3A_266 : f32 to vector<16xf32>
      %mul3A_268 = arith.mulf %get3A_265, %mul3A_267 : vector<16xf32>
      %exp3A_269 = math.exp %mul3A_268 : vector<16xf32>
      %add3A_270 = arith.constant 1.000000e+00 : f32
      %add3A_271 = vector.broadcast %add3A_270 : f32 to vector<16xf32>
      %add3A_272 = arith.addf %add3A_271, %exp3A_269 : vector<16xf32>
      %div3A_273 = arith.divf %get3A_265, %add3A_272 : vector<16xf32>
      %swap3A_274 = arith.constant 1 : i32
      %swap3A_275 = arith.index_cast %swap3A_274 : i32 to index
      %swap3A_276 = arith.index_cast %add3A_260 : i32 to index
      %swap3A_277 = tpu.vector_load %arg7[%swap3A_275, %swap3A_276] {strides = array<i32>} : memref<4x4096xf32, #tpu.memory_space<vmem>>, vector<1x16xf32>,
      %swap3A_278 = vector.shape_cast %swap3A_277 : vector<1x16xf32> to vector<16xf32>
      %swap3A_279 = vector.shape_cast %div3A_273 : vector<16xf32> to vector<1x16xf32>
      tpu.vector_store %arg7[%swap3A_275, %swap3A_276], %swap3A_279 {strides = array<i32>} : memref<4x4096xf32, #tpu.memory_space<vmem>>, vector<1x16xf32>,
    }
    %scan3A_47 = arith.constant 32 : i32
    %scan3A_48 = arith.constant 0 : i32
    %scan3A_49 = arith.constant 0 : i32
    %scan3A_50 = arith.constant 32 : i32
    %scan3A_51 = arith.addi %scan3A_49, %scan3A_50 : i32
    %scan3A_52 = arith.constant 1 : i32
    scf.for %scan3A_126 = %scan3A_49 to %scan3A_51 step %scan3A_52  : i32 {
      %mul3A_127 = arith.constant 128 : i32
      %mul3A_128 = arith.muli %scan3A_126, %mul3A_127 : i32
      %add3A_129 = arith.constant 0 : i32
      %add3A_130 = arith.addi %mul3A_128, %add3A_129 : i32
      %get3A = arith.constant 2 : i32
      %get3A_131 = arith.index_cast %get3A : i32 to index
      %get3A_132 = arith.index_cast %add3A_130 : i32 to index
      %get3A_133 = tpu.vector_load %arg4[%get3A_131, %get3A_132] {strides = array<i32>} : memref<4x4096xf32, #tpu.memory_space<vmem>>, vector<1x16xf32>,
      %get3A_134 = vector.shape_cast %get3A_133 : vector<1x16xf32> to vector<16xf32>
      %max3A = arith.constant 0.000000e+00 : f32
      %max3A_135 = vector.broadcast %max3A : f32 to vector<16xf32>
      %max3A_136 = arith.maximumf %get3A_134, %max3A_135 : vector<16xf32>
      %swap3A = arith.constant 2 : i32
      %swap3A_137 = arith.index_cast %swap3A : i32 to index
      %swap3A_138 = arith.index_cast %add3A_130 : i32 to index
      %swap3A_139 = tpu.vector_load %arg7[%swap3A_137, %swap3A_138] {strides = array<i32>} : memref<4x4096xf32, #tpu.memory_space<vmem>>, vector<1x16xf32>,
      %swap3A_140 = vector.shape_cast %swap3A_139 : vector<1x16xf32> to vector<16xf32>
      %swap3A_141 = vector.shape_cast %max3A_136 : vector<16xf32> to vector<1x16xf32>
      tpu.vector_store %arg7[%swap3A_137, %swap3A_138], %swap3A_141 {strides = array<i32>} : memref<4x4096xf32, #tpu.memory_space<vmem>>, vector<1x16xf32>,
      %add3A_142 = arith.constant 16 : i32
      %add3A_143 = arith.addi %mul3A_128, %add3A_142 : i32
      %get3A_144 = arith.constant 2 : i32
      %get3A_145 = arith.index_cast %get3A_144 : i32 to index
      %get3A_146 = arith.index_cast %add3A_143 : i32 to index
      %get3A_147 = tpu.vector_load %arg4[%get3A_145, %get3A_146] {strides = array<i32>} : memref<4x4096xf32, #tpu.memory_space<vmem>>, vector<1x16xf32>,
      %get3A_148 = vector.shape_cast %get3A_147 : vector<1x16xf32> to vector<16xf32>
      %max3A_149 = arith.constant 0.000000e+00 : f32
      %max3A_150 = vector.broadcast %max3A_149 : f32 to vector<16xf32>
      %max3A_151 = arith.maximumf %get3A_148, %max3A_150 : vector<16xf32>
      %swap3A_152 = arith.constant 2 : i32
      %swap3A_153 = arith.index_cast %swap3A_152 : i32 to index
      %swap3A_154 = arith.index_cast %add3A_143 : i32 to index
      %swap3A_155 = tpu.vector_load %arg7[%swap3A_153, %swap3A_154] {strides = array<i32>} : memref<4x4096xf32, #tpu.memory_space<vmem>>, vector<1x16xf32>,
      %swap3A_156 = vector.shape_cast %swap3A_155 : vector<1x16xf32> to vector<16xf32>
      %swap3A_157 = vector.shape_cast %max3A_151 : vector<16xf32> to vector<1x16xf32>
      tpu.vector_store %arg7[%swap3A_153, %swap3A_154], %swap3A_157 {strides = array<i32>} : memref<4x4096xf32, #tpu.memory_space<vmem>>, vector<1x16xf32>,
      %add3A_158 = arith.constant 32 : i32
      %add3A_159 = arith.addi %mul3A_128, %add3A_158 : i32
      %get3A_160 = arith.constant 2 : i32
      %get3A_161 = arith.index_cast %get3A_160 : i32 to index
      %get3A_162 = arith.index_cast %add3A_159 : i32 to index
      %get3A_163 = tpu.vector_load %arg4[%get3A_161, %get3A_162] {strides = array<i32>} : memref<4x4096xf32, #tpu.memory_space<vmem>>, vector<1x16xf32>,
      %get3A_164 = vector.shape_cast %get3A_163 : vector<1x16xf32> to vector<16xf32>
      %max3A_165 = arith.constant 0.000000e+00 : f32
      %max3A_166 = vector.broadcast %max3A_165 : f32 to vector<16xf32>
      %max3A_167 = arith.maximumf %get3A_164, %max3A_166 : vector<16xf32>
      %swap3A_168 = arith.constant 2 : i32
      %swap3A_169 = arith.index_cast %swap3A_168 : i32 to index
      %swap3A_170 = arith.index_cast %add3A_159 : i32 to index
      %swap3A_171 = tpu.vector_load %arg7[%swap3A_169, %swap3A_170] {strides = array<i32>} : memref<4x4096xf32, #tpu.memory_space<vmem>>, vector<1x16xf32>,
      %swap3A_172 = vector.shape_cast %swap3A_171 : vector<1x16xf32> to vector<16xf32>
      %swap3A_173 = vector.shape_cast %max3A_167 : vector<16xf32> to vector<1x16xf32>
      tpu.vector_store %arg7[%swap3A_169, %swap3A_170], %swap3A_173 {strides = array<i32>} : memref<4x4096xf32, #tpu.memory_space<vmem>>, vector<1x16xf32>,
      %add3A_174 = arith.constant 48 : i32
      %add3A_175 = arith.addi %mul3A_128, %add3A_174 : i32
      %get3A_176 = arith.constant 2 : i32
      %get3A_177 = arith.index_cast %get3A_176 : i32 to index
      %get3A_178 = arith.index_cast %add3A_175 : i32 to index
      %get3A_179 = tpu.vector_load %arg4[%get3A_177, %get3A_178] {strides = array<i32>} : memref<4x4096xf32, #tpu.memory_space<vmem>>, vector<1x16xf32>,
      %get3A_180 = vector.shape_cast %get3A_179 : vector<1x16xf32> to vector<16xf32>
      %max3A_181 = arith.constant 0.000000e+00 : f32
      %max3A_182 = vector.broadcast %max3A_181 : f32 to vector<16xf32>
      %max3A_183 = arith.maximumf %get3A_180, %max3A_182 : vector<16xf32>
      %swap3A_184 = arith.constant 2 : i32
      %swap3A_185 = arith.index_cast %swap3A_184 : i32 to index
      %swap3A_186 = arith.index_cast %add3A_175 : i32 to index
      %swap3A_187 = tpu.vector_load %arg7[%swap3A_185, %swap3A_186] {strides = array<i32>} : memref<4x4096xf32, #tpu.memory_space<vmem>>, vector<1x16xf32>,
      %swap3A_188 = vector.shape_cast %swap3A_187 : vector<1x16xf32> to vector<16xf32>
      %swap3A_189 = vector.shape_cast %max3A_183 : vector<16xf32> to vector<1x16xf32>
      tpu.vector_store %arg7[%swap3A_185, %swap3A_186], %swap3A_189 {strides = array<i32>} : memref<4x4096xf32, #tpu.memory_space<vmem>>, vector<1x16xf32>,
      %add3A_190 = arith.constant 64 : i32
      %add3A_191 = arith.addi %mul3A_128, %add3A_190 : i32
      %add3A_192 = arith.constant 0 : i32
      %add3A_193 = arith.addi %add3A_191, %add3A_192 : i32
      %get3A_194 = arith.constant 2 : i32
      %get3A_195 = arith.index_cast %get3A_194 : i32 to index
      %get3A_196 = arith.index_cast %add3A_193 : i32 to index
      %get3A_197 = tpu.vector_load %arg4[%get3A_195, %get3A_196] {strides = array<i32>} : memref<4x4096xf32, #tpu.memory_space<vmem>>, vector<1x16xf32>,
      %get3A_198 = vector.shape_cast %get3A_197 : vector<1x16xf32> to vector<16xf32>
      %mul3A_199 = arith.constant -1.000000e+00 : f32
      %mul3A_200 = vector.broadcast %mul3A_199 : f32 to vector<16xf32>
      %mul3A_201 = arith.mulf %get3A_198, %mul3A_200 : vector<16xf32>
      %exp3A = math.exp %mul3A_201 : vector<16xf32>
      %add3A_202 = arith.constant 1.000000e+00 : f32
      %add3A_203 = vector.broadcast %add3A_202 : f32 to vector<16xf32>
      %add3A_204 = arith.addf %add3A_203, %exp3A : vector<16xf32>
      %div3A = arith.divf %get3A_198, %add3A_204 : vector<16xf32>
      %swap3A_205 = arith.constant 2 : i32
      %swap3A_206 = arith.index_cast %swap3A_205 : i32 to index
      %swap3A_207 = arith.index_cast %add3A_193 : i32 to index
      %swap3A_208 = tpu.vector_load %arg7[%swap3A_206, %swap3A_207] {strides = array<i32>} : memref<4x4096xf32, #tpu.memory_space<vmem>>, vector<1x16xf32>,
      %swap3A_209 = vector.shape_cast %swap3A_208 : vector<1x16xf32> to vector<16xf32>
      %swap3A_210 = vector.shape_cast %div3A : vector<16xf32> to vector<1x16xf32>
      tpu.vector_store %arg7[%swap3A_206, %swap3A_207], %swap3A_210 {strides = array<i32>} : memref<4x4096xf32, #tpu.memory_space<vmem>>, vector<1x16xf32>,
      %add3A_211 = arith.constant 64 : i32
      %add3A_212 = arith.addi %mul3A_128, %add3A_211 : i32
      %add3A_213 = arith.constant 16 : i32
      %add3A_214 = arith.addi %add3A_212, %add3A_213 : i32
      %get3A_215 = arith.constant 2 : i32
      %get3A_216 = arith.index_cast %get3A_215 : i32 to index
      %get3A_217 = arith.index_cast %add3A_214 : i32 to index
      %get3A_218 = tpu.vector_load %arg4[%get3A_216, %get3A_217] {strides = array<i32>} : memref<4x4096xf32, #tpu.memory_space<vmem>>, vector<1x16xf32>,
      %get3A_219 = vector.shape_cast %get3A_218 : vector<1x16xf32> to vector<16xf32>
      %mul3A_220 = arith.constant -1.000000e+00 : f32
      %mul3A_221 = vector.broadcast %mul3A_220 : f32 to vector<16xf32>
      %mul3A_222 = arith.mulf %get3A_219, %mul3A_221 : vector<16xf32>
      %exp3A_223 = math.exp %mul3A_222 : vector<16xf32>
      %add3A_224 = arith.constant 1.000000e+00 : f32
      %add3A_225 = vector.broadcast %add3A_224 : f32 to vector<16xf32>
      %add3A_226 = arith.addf %add3A_225, %exp3A_223 : vector<16xf32>
      %div3A_227 = arith.divf %get3A_219, %add3A_226 : vector<16xf32>
      %swap3A_228 = arith.constant 2 : i32
      %swap3A_229 = arith.index_cast %swap3A_228 : i32 to index
      %swap3A_230 = arith.index_cast %add3A_214 : i32 to index
      %swap3A_231 = tpu.vector_load %arg7[%swap3A_229, %swap3A_230] {strides = array<i32>} : memref<4x4096xf32, #tpu.memory_space<vmem>>, vector<1x16xf32>,
      %swap3A_232 = vector.shape_cast %swap3A_231 : vector<1x16xf32> to vector<16xf32>
      %swap3A_233 = vector.shape_cast %div3A_227 : vector<16xf32> to vector<1x16xf32>
      tpu.vector_store %arg7[%swap3A_229, %swap3A_230], %swap3A_233 {strides = array<i32>} : memref<4x4096xf32, #tpu.memory_space<vmem>>, vector<1x16xf32>,
      %add3A_234 = arith.constant 64 : i32
      %add3A_235 = arith.addi %mul3A_128, %add3A_234 : i32
      %add3A_236 = arith.constant 32 : i32
      %add3A_237 = arith.addi %add3A_235, %add3A_236 : i32
      %get3A_238 = arith.constant 2 : i32
      %get3A_239 = arith.index_cast %get3A_238 : i32 to index
      %get3A_240 = arith.index_cast %add3A_237 : i32 to index
      %get3A_241 = tpu.vector_load %arg4[%get3A_239, %get3A_240] {strides = array<i32>} : memref<4x4096xf32, #tpu.memory_space<vmem>>, vector<1x16xf32>,
      %get3A_242 = vector.shape_cast %get3A_241 : vector<1x16xf32> to vector<16xf32>
      %mul3A_243 = arith.constant -1.000000e+00 : f32
      %mul3A_244 = vector.broadcast %mul3A_243 : f32 to vector<16xf32>
      %mul3A_245 = arith.mulf %get3A_242, %mul3A_244 : vector<16xf32>
      %exp3A_246 = math.exp %mul3A_245 : vector<16xf32>
      %add3A_247 = arith.constant 1.000000e+00 : f32
      %add3A_248 = vector.broadcast %add3A_247 : f32 to vector<16xf32>
      %add3A_249 = arith.addf %add3A_248, %exp3A_246 : vector<16xf32>
      %div3A_250 = arith.divf %get3A_242, %add3A_249 : vector<16xf32>
      %swap3A_251 = arith.constant 2 : i32
      %swap3A_252 = arith.index_cast %swap3A_251 : i32 to index
      %swap3A_253 = arith.index_cast %add3A_237 : i32 to index
      %swap3A_254 = tpu.vector_load %arg7[%swap3A_252, %swap3A_253] {strides = array<i32>} : memref<4x4096xf32, #tpu.memory_space<vmem>>, vector<1x16xf32>,
      %swap3A_255 = vector.shape_cast %swap3A_254 : vector<1x16xf32> to vector<16xf32>
      %swap3A_256 = vector.shape_cast %div3A_250 : vector<16xf32> to vector<1x16xf32>
      tpu.vector_store %arg7[%swap3A_252, %swap3A_253], %swap3A_256 {strides = array<i32>} : memref<4x4096xf32, #tpu.memory_space<vmem>>, vector<1x16xf32>,
      %add3A_257 = arith.constant 64 : i32
      %add3A_258 = arith.addi %mul3A_128, %add3A_257 : i32
      %add3A_259 = arith.constant 48 : i32
      %add3A_260 = arith.addi %add3A_258, %add3A_259 : i32
      %get3A_261 = arith.constant 2 : i32
      %get3A_262 = arith.index_cast %get3A_261 : i32 to index
      %get3A_263 = arith.index_cast %add3A_260 : i32 to index
      %get3A_264 = tpu.vector_load %arg4[%get3A_262, %get3A_263] {strides = array<i32>} : memref<4x4096xf32, #tpu.memory_space<vmem>>, vector<1x16xf32>,
      %get3A_265 = vector.shape_cast %get3A_264 : vector<1x16xf32> to vector<16xf32>
      %mul3A_266 = arith.constant -1.000000e+00 : f32
      %mul3A_267 = vector.broadcast %mul3A_266 : f32 to vector<16xf32>
      %mul3A_268 = arith.mulf %get3A_265, %mul3A_267 : vector<16xf32>
      %exp3A_269 = math.exp %mul3A_268 : vector<16xf32>
      %add3A_270 = arith.constant 1.000000e+00 : f32
      %add3A_271 = vector.broadcast %add3A_270 : f32 to vector<16xf32>
      %add3A_272 = arith.addf %add3A_271, %exp3A_269 : vector<16xf32>
      %div3A_273 = arith.divf %get3A_265, %add3A_272 : vector<16xf32>
      %swap3A_274 = arith.constant 2 : i32
      %swap3A_275 = arith.index_cast %swap3A_274 : i32 to index
      %swap3A_276 = arith.index_cast %add3A_260 : i32 to index
      %swap3A_277 = tpu.vector_load %arg7[%swap3A_275, %swap3A_276] {strides = array<i32>} : memref<4x4096xf32, #tpu.memory_space<vmem>>, vector<1x16xf32>,
      %swap3A_278 = vector.shape_cast %swap3A_277 : vector<1x16xf32> to vector<16xf32>
      %swap3A_279 = vector.shape_cast %div3A_273 : vector<16xf32> to vector<1x16xf32>
      tpu.vector_store %arg7[%swap3A_275, %swap3A_276], %swap3A_279 {strides = array<i32>} : memref<4x4096xf32, #tpu.memory_space<vmem>>, vector<1x16xf32>,
    }
    %scan3A_53 = arith.constant 32 : i32
    %scan3A_54 = arith.constant 0 : i32
    %scan3A_55 = arith.constant 0 : i32
    %scan3A_56 = arith.constant 32 : i32
    %scan3A_57 = arith.addi %scan3A_55, %scan3A_56 : i32
    %scan3A_58 = arith.constant 1 : i32
    scf.for %scan3A_126 = %scan3A_55 to %scan3A_57 step %scan3A_58  : i32 {
      %mul3A_127 = arith.constant 128 : i32
      %mul3A_128 = arith.muli %scan3A_126, %mul3A_127 : i32
      %add3A_129 = arith.constant 0 : i32
      %add3A_130 = arith.addi %mul3A_128, %add3A_129 : i32
      %get3A = arith.constant 3 : i32
      %get3A_131 = arith.index_cast %get3A : i32 to index
      %get3A_132 = arith.index_cast %add3A_130 : i32 to index
      %get3A_133 = tpu.vector_load %arg4[%get3A_131, %get3A_132] {strides = array<i32>} : memref<4x4096xf32, #tpu.memory_space<vmem>>, vector<1x16xf32>,
      %get3A_134 = vector.shape_cast %get3A_133 : vector<1x16xf32> to vector<16xf32>
      %max3A = arith.constant 0.000000e+00 : f32
      %max3A_135 = vector.broadcast %max3A : f32 to vector<16xf32>
      %max3A_136 = arith.maximumf %get3A_134, %max3A_135 : vector<16xf32>
      %swap3A = arith.constant 3 : i32
      %swap3A_137 = arith.index_cast %swap3A : i32 to index
      %swap3A_138 = arith.index_cast %add3A_130 : i32 to index
      %swap3A_139 = tpu.vector_load %arg7[%swap3A_137, %swap3A_138] {strides = array<i32>} : memref<4x4096xf32, #tpu.memory_space<vmem>>, vector<1x16xf32>,
      %swap3A_140 = vector.shape_cast %swap3A_139 : vector<1x16xf32> to vector<16xf32>
      %swap3A_141 = vector.shape_cast %max3A_136 : vector<16xf32> to vector<1x16xf32>
      tpu.vector_store %arg7[%swap3A_137, %swap3A_138], %swap3A_141 {strides = array<i32>} : memref<4x4096xf32, #tpu.memory_space<vmem>>, vector<1x16xf32>,
      %add3A_142 = arith.constant 16 : i32
      %add3A_143 = arith.addi %mul3A_128, %add3A_142 : i32
      %get3A_144 = arith.constant 3 : i32
      %get3A_145 = arith.index_cast %get3A_144 : i32 to index
      %get3A_146 = arith.index_cast %add3A_143 : i32 to index
      %get3A_147 = tpu.vector_load %arg4[%get3A_145, %get3A_146] {strides = array<i32>} : memref<4x4096xf32, #tpu.memory_space<vmem>>, vector<1x16xf32>,
      %get3A_148 = vector.shape_cast %get3A_147 : vector<1x16xf32> to vector<16xf32>
      %max3A_149 = arith.constant 0.000000e+00 : f32
      %max3A_150 = vector.broadcast %max3A_149 : f32 to vector<16xf32>
      %max3A_151 = arith.maximumf %get3A_148, %max3A_150 : vector<16xf32>
      %swap3A_152 = arith.constant 3 : i32
      %swap3A_153 = arith.index_cast %swap3A_152 : i32 to index
      %swap3A_154 = arith.index_cast %add3A_143 : i32 to index
      %swap3A_155 = tpu.vector_load %arg7[%swap3A_153, %swap3A_154] {strides = array<i32>} : memref<4x4096xf32, #tpu.memory_space<vmem>>, vector<1x16xf32>,
      %swap3A_156 = vector.shape_cast %swap3A_155 : vector<1x16xf32> to vector<16xf32>
      %swap3A_157 = vector.shape_cast %max3A_151 : vector<16xf32> to vector<1x16xf32>
      tpu.vector_store %arg7[%swap3A_153, %swap3A_154], %swap3A_157 {strides = array<i32>} : memref<4x4096xf32, #tpu.memory_space<vmem>>, vector<1x16xf32>,
      %add3A_158 = arith.constant 32 : i32
      %add3A_159 = arith.addi %mul3A_128, %add3A_158 : i32
      %get3A_160 = arith.constant 3 : i32
      %get3A_161 = arith.index_cast %get3A_160 : i32 to index
      %get3A_162 = arith.index_cast %add3A_159 : i32 to index
      %get3A_163 = tpu.vector_load %arg4[%get3A_161, %get3A_162] {strides = array<i32>} : memref<4x4096xf32, #tpu.memory_space<vmem>>, vector<1x16xf32>,
      %get3A_164 = vector.shape_cast %get3A_163 : vector<1x16xf32> to vector<16xf32>
      %max3A_165 = arith.constant 0.000000e+00 : f32
      %max3A_166 = vector.broadcast %max3A_165 : f32 to vector<16xf32>
      %max3A_167 = arith.maximumf %get3A_164, %max3A_166 : vector<16xf32>
      %swap3A_168 = arith.constant 3 : i32
      %swap3A_169 = arith.index_cast %swap3A_168 : i32 to index
      %swap3A_170 = arith.index_cast %add3A_159 : i32 to index
      %swap3A_171 = tpu.vector_load %arg7[%swap3A_169, %swap3A_170] {strides = array<i32>} : memref<4x4096xf32, #tpu.memory_space<vmem>>, vector<1x16xf32>,
      %swap3A_172 = vector.shape_cast %swap3A_171 : vector<1x16xf32> to vector<16xf32>
      %swap3A_173 = vector.shape_cast %max3A_167 : vector<16xf32> to vector<1x16xf32>
      tpu.vector_store %arg7[%swap3A_169, %swap3A_170], %swap3A_173 {strides = array<i32>} : memref<4x4096xf32, #tpu.memory_space<vmem>>, vector<1x16xf32>,
      %add3A_174 = arith.constant 48 : i32
      %add3A_175 = arith.addi %mul3A_128, %add3A_174 : i32
      %get3A_176 = arith.constant 3 : i32
      %get3A_177 = arith.index_cast %get3A_176 : i32 to index
      %get3A_178 = arith.index_cast %add3A_175 : i32 to index
      %get3A_179 = tpu.vector_load %arg4[%get3A_177, %get3A_178] {strides = array<i32>} : memref<4x4096xf32, #tpu.memory_space<vmem>>, vector<1x16xf32>,
      %get3A_180 = vector.shape_cast %get3A_179 : vector<1x16xf32> to vector<16xf32>
      %max3A_181 = arith.constant 0.000000e+00 : f32
      %max3A_182 = vector.broadcast %max3A_181 : f32 to vector<16xf32>
      %max3A_183 = arith.maximumf %get3A_180, %max3A_182 : vector<16xf32>
      %swap3A_184 = arith.constant 3 : i32
      %swap3A_185 = arith.index_cast %swap3A_184 : i32 to index
      %swap3A_186 = arith.index_cast %add3A_175 : i32 to index
      %swap3A_187 = tpu.vector_load %arg7[%swap3A_185, %swap3A_186] {strides = array<i32>} : memref<4x4096xf32, #tpu.memory_space<vmem>>, vector<1x16xf32>,
      %swap3A_188 = vector.shape_cast %swap3A_187 : vector<1x16xf32> to vector<16xf32>
      %swap3A_189 = vector.shape_cast %max3A_183 : vector<16xf32> to vector<1x16xf32>
      tpu.vector_store %arg7[%swap3A_185, %swap3A_186], %swap3A_189 {strides = array<i32>} : memref<4x4096xf32, #tpu.memory_space<vmem>>, vector<1x16xf32>,
      %add3A_190 = arith.constant 64 : i32
      %add3A_191 = arith.addi %mul3A_128, %add3A_190 : i32
      %add3A_192 = arith.constant 0 : i32
      %add3A_193 = arith.addi %add3A_191, %add3A_192 : i32
      %get3A_194 = arith.constant 3 : i32
      %get3A_195 = arith.index_cast %get3A_194 : i32 to index
      %get3A_196 = arith.index_cast %add3A_193 : i32 to index
      %get3A_197 = tpu.vector_load %arg4[%get3A_195, %get3A_196] {strides = array<i32>} : memref<4x4096xf32, #tpu.memory_space<vmem>>, vector<1x16xf32>,
      %get3A_198 = vector.shape_cast %get3A_197 : vector<1x16xf32> to vector<16xf32>
      %mul3A_199 = arith.constant -1.000000e+00 : f32
      %mul3A_200 = vector.broadcast %mul3A_199 : f32 to vector<16xf32>
      %mul3A_201 = arith.mulf %get3A_198, %mul3A_200 : vector<16xf32>
      %exp3A = math.exp %mul3A_201 : vector<16xf32>
      %add3A_202 = arith.constant 1.000000e+00 : f32
      %add3A_203 = vector.broadcast %add3A_202 : f32 to vector<16xf32>
      %add3A_204 = arith.addf %add3A_203, %exp3A : vector<16xf32>
      %div3A = arith.divf %get3A_198, %add3A_204 : vector<16xf32>
      %swap3A_205 = arith.constant 3 : i32
      %swap3A_206 = arith.index_cast %swap3A_205 : i32 to index
      %swap3A_207 = arith.index_cast %add3A_193 : i32 to index
      %swap3A_208 = tpu.vector_load %arg7[%swap3A_206, %swap3A_207] {strides = array<i32>} : memref<4x4096xf32, #tpu.memory_space<vmem>>, vector<1x16xf32>,
      %swap3A_209 = vector.shape_cast %swap3A_208 : vector<1x16xf32> to vector<16xf32>
      %swap3A_210 = vector.shape_cast %div3A : vector<16xf32> to vector<1x16xf32>
      tpu.vector_store %arg7[%swap3A_206, %swap3A_207], %swap3A_210 {strides = array<i32>} : memref<4x4096xf32, #tpu.memory_space<vmem>>, vector<1x16xf32>,
      %add3A_211 = arith.constant 64 : i32
      %add3A_212 = arith.addi %mul3A_128, %add3A_211 : i32
      %add3A_213 = arith.constant 16 : i32
      %add3A_214 = arith.addi %add3A_212, %add3A_213 : i32
      %get3A_215 = arith.constant 3 : i32
      %get3A_216 = arith.index_cast %get3A_215 : i32 to index
      %get3A_217 = arith.index_cast %add3A_214 : i32 to index
      %get3A_218 = tpu.vector_load %arg4[%get3A_216, %get3A_217] {strides = array<i32>} : memref<4x4096xf32, #tpu.memory_space<vmem>>, vector<1x16xf32>,
      %get3A_219 = vector.shape_cast %get3A_218 : vector<1x16xf32> to vector<16xf32>
      %mul3A_220 = arith.constant -1.000000e+00 : f32
      %mul3A_221 = vector.broadcast %mul3A_220 : f32 to vector<16xf32>
      %mul3A_222 = arith.mulf %get3A_219, %mul3A_221 : vector<16xf32>
      %exp3A_223 = math.exp %mul3A_222 : vector<16xf32>
      %add3A_224 = arith.constant 1.000000e+00 : f32
      %add3A_225 = vector.broadcast %add3A_224 : f32 to vector<16xf32>
      %add3A_226 = arith.addf %add3A_225, %exp3A_223 : vector<16xf32>
      %div3A_227 = arith.divf %get3A_219, %add3A_226 : vector<16xf32>
      %swap3A_228 = arith.constant 3 : i32
      %swap3A_229 = arith.index_cast %swap3A_228 : i32 to index
      %swap3A_230 = arith.index_cast %add3A_214 : i32 to index
      %swap3A_231 = tpu.vector_load %arg7[%swap3A_229, %swap3A_230] {strides = array<i32>} : memref<4x4096xf32, #tpu.memory_space<vmem>>, vector<1x16xf32>,
      %swap3A_232 = vector.shape_cast %swap3A_231 : vector<1x16xf32> to vector<16xf32>
      %swap3A_233 = vector.shape_cast %div3A_227 : vector<16xf32> to vector<1x16xf32>
      tpu.vector_store %arg7[%swap3A_229, %swap3A_230], %swap3A_233 {strides = array<i32>} : memref<4x4096xf32, #tpu.memory_space<vmem>>, vector<1x16xf32>,
      %add3A_234 = arith.constant 64 : i32
      %add3A_235 = arith.addi %mul3A_128, %add3A_234 : i32
      %add3A_236 = arith.constant 32 : i32
      %add3A_237 = arith.addi %add3A_235, %add3A_236 : i32
      %get3A_238 = arith.constant 3 : i32
      %get3A_239 = arith.index_cast %get3A_238 : i32 to index
      %get3A_240 = arith.index_cast %add3A_237 : i32 to index
      %get3A_241 = tpu.vector_load %arg4[%get3A_239, %get3A_240] {strides = array<i32>} : memref<4x4096xf32, #tpu.memory_space<vmem>>, vector<1x16xf32>,
      %get3A_242 = vector.shape_cast %get3A_241 : vector<1x16xf32> to vector<16xf32>
      %mul3A_243 = arith.constant -1.000000e+00 : f32
      %mul3A_244 = vector.broadcast %mul3A_243 : f32 to vector<16xf32>
      %mul3A_245 = arith.mulf %get3A_242, %mul3A_244 : vector<16xf32>
      %exp3A_246 = math.exp %mul3A_245 : vector<16xf32>
      %add3A_247 = arith.constant 1.000000e+00 : f32
      %add3A_248 = vector.broadcast %add3A_247 : f32 to vector<16xf32>
      %add3A_249 = arith.addf %add3A_248, %exp3A_246 : vector<16xf32>
      %div3A_250 = arith.divf %get3A_242, %add3A_249 : vector<16xf32>
      %swap3A_251 = arith.constant 3 : i32
      %swap3A_252 = arith.index_cast %swap3A_251 : i32 to index
      %swap3A_253 = arith.index_cast %add3A_237 : i32 to index
      %swap3A_254 = tpu.vector_load %arg7[%swap3A_252, %swap3A_253] {strides = array<i32>} : memref<4x4096xf32, #tpu.memory_space<vmem>>, vector<1x16xf32>,
      %swap3A_255 = vector.shape_cast %swap3A_254 : vector<1x16xf32> to vector<16xf32>
      %swap3A_256 = vector.shape_cast %div3A_250 : vector<16xf32> to vector<1x16xf32>
      tpu.vector_store %arg7[%swap3A_252, %swap3A_253], %swap3A_256 {strides = array<i32>} : memref<4x4096xf32, #tpu.memory_space<vmem>>, vector<1x16xf32>,
      %add3A_257 = arith.constant 64 : i32
      %add3A_258 = arith.addi %mul3A_128, %add3A_257 : i32
      %add3A_259 = arith.constant 48 : i32
      %add3A_260 = arith.addi %add3A_258, %add3A_259 : i32
      %get3A_261 = arith.constant 3 : i32
      %get3A_262 = arith.index_cast %get3A_261 : i32 to index
      %get3A_263 = arith.index_cast %add3A_260 : i32 to index
      %get3A_264 = tpu.vector_load %arg4[%get3A_262, %get3A_263] {strides = array<i32>} : memref<4x4096xf32, #tpu.memory_space<vmem>>, vector<1x16xf32>,
      %get3A_265 = vector.shape_cast %get3A_264 : vector<1x16xf32> to vector<16xf32>
      %mul3A_266 = arith.constant -1.000000e+00 : f32
      %mul3A_267 = vector.broadcast %mul3A_266 : f32 to vector<16xf32>
      %mul3A_268 = arith.mulf %get3A_265, %mul3A_267 : vector<16xf32>
      %exp3A_269 = math.exp %mul3A_268 : vector<16xf32>
      %add3A_270 = arith.constant 1.000000e+00 : f32
      %add3A_271 = vector.broadcast %add3A_270 : f32 to vector<16xf32>
      %add3A_272 = arith.addf %add3A_271, %exp3A_269 : vector<16xf32>
      %div3A_273 = arith.divf %get3A_265, %add3A_272 : vector<16xf32>
      %swap3A_274 = arith.constant 3 : i32
      %swap3A_275 = arith.index_cast %swap3A_274 : i32 to index
      %swap3A_276 = arith.index_cast %add3A_260 : i32 to index
      %swap3A_277 = tpu.vector_load %arg7[%swap3A_275, %swap3A_276] {strides = array<i32>} : memref<4x4096xf32, #tpu.memory_space<vmem>>, vector<1x16xf32>,
      %swap3A_278 = vector.shape_cast %swap3A_277 : vector<1x16xf32> to vector<16xf32>
      %swap3A_279 = vector.shape_cast %div3A_273 : vector<16xf32> to vector<1x16xf32>
      tpu.vector_store %arg7[%swap3A_275, %swap3A_276], %swap3A_279 {strides = array<i32>} : memref<4x4096xf32, #tpu.memory_space<vmem>>, vector<1x16xf32>,
    }
    %scan3A_59 = arith.constant 32 : i32
    %add3A_60 = arith.constant 504 : i32
    %add3A_61 = arith.addi %mul3A_2, %add3A_60 : i32
    %dma_start3A_62 = arith.constant 0 : i32
    %dma_start3A_63 = tpu.memref_slice %arg3[%add3A_61, %dma_start3A_62] : memref<16384x4096xf32, #tpu.memory_space<hbm>> -> memref<4x4096xf32, #tpu.memory_space<hbm>>
    %dma_start3A_64 = arith.constant 0 : i32
    %dma_start3A_65 = tpu.memref_slice %arg3[%add3A_61, %dma_start3A_64] : memref<16384x4096xf32, #tpu.memory_space<hbm>> -> memref<4x4096xf32, #tpu.memory_space<hbm>>
    tpu.enqueue_dma source(%arg7 : memref<4x4096xf32, #tpu.memory_space<vmem>>) target(%dma_start3A_65 : memref<4x4096xf32, #tpu.memory_space<hbm>>) target_semaphore(%arg13 : memref<!tpu.dma_semaphore, #tpu.memory_space<semaphore_mem>>)
    %add3A_66 = arith.constant 508 : i32
    %add3A_67 = arith.addi %mul3A_2, %add3A_66 : i32
    %dma_wait3A_68 = arith.constant 0 : i32
    %dma_wait3A_69 = tpu.memref_slice %arg2[%add3A_67, %dma_wait3A_68] : memref<16384x4096xf32, #tpu.memory_space<hbm>> -> memref<4x4096xf32, #tpu.memory_space<hbm>>
    %dma_wait3A_70 = arith.constant 0 : i32
    %dma_wait3A_71 = tpu.memref_slice %arg2[%add3A_67, %dma_wait3A_70] : memref<16384x4096xf32, #tpu.memory_space<hbm>> -> memref<4x4096xf32, #tpu.memory_space<hbm>>
    tpu.wait_dma2 semaphore(%arg11 : memref<!tpu.dma_semaphore, #tpu.memory_space<semaphore_mem>>) src(%dma_wait3A_71 : memref<4x4096xf32, #tpu.memory_space<hbm>>) dst(%arg5 : memref<4x4096xf32, #tpu.memory_space<vmem>>)
    %add3A_72 = arith.constant 508 : i32
    %add3A_73 = arith.addi %mul3A_2, %add3A_72 : i32
    %dma_wait3A_74 = arith.constant 0 : i32
    %dma_wait3A_75 = tpu.memref_slice %arg3[%add3A_73, %dma_wait3A_74] : memref<16384x4096xf32, #tpu.memory_space<hbm>> -> memref<4x4096xf32, #tpu.memory_space<hbm>>
    %dma_wait3A_76 = arith.constant 0 : i32
    %dma_wait3A_77 = tpu.memref_slice %arg3[%add3A_73, %dma_wait3A_76] : memref<16384x4096xf32, #tpu.memory_space<hbm>> -> memref<4x4096xf32, #tpu.memory_space<hbm>>
    tpu.wait_dma2 semaphore(%arg14 : memref<!tpu.dma_semaphore, #tpu.memory_space<semaphore_mem>>) src(%arg8 : memref<4x4096xf32, #tpu.memory_space<vmem>>) dst(%dma_wait3A_77 : memref<4x4096xf32, #tpu.memory_space<hbm>>)
    %scan3A_78 = arith.constant 0 : i32
    %scan3A_79 = arith.constant 0 : i32
    %scan3A_80 = arith.constant 32 : i32
    %scan3A_81 = arith.addi %scan3A_79, %scan3A_80 : i32
    %scan3A_82 = arith.constant 1 : i32
    scf.for %scan3A_126 = %scan3A_79 to %scan3A_81 step %scan3A_82  : i32 {
      %mul3A_127 = arith.constant 128 : i32
      %mul3A_128 = arith.muli %scan3A_126, %mul3A_127 : i32
      %add3A_129 = arith.constant 0 : i32
      %add3A_130 = arith.addi %mul3A_128, %add3A_129 : i32
      %get3A = arith.constant 0 : i32
      %get3A_131 = arith.index_cast %get3A : i32 to index
      %get3A_132 = arith.index_cast %add3A_130 : i32 to index
      %get3A_133 = tpu.vector_load %arg5[%get3A_131, %get3A_132] {strides = array<i32>} : memref<4x4096xf32, #tpu.memory_space<vmem>>, vector<1x16xf32>,
      %get3A_134 = vector.shape_cast %get3A_133 : vector<1x16xf32> to vector<16xf32>
      %max3A = arith.constant 0.000000e+00 : f32
      %max3A_135 = vector.broadcast %max3A : f32 to vector<16xf32>
      %max3A_136 = arith.maximumf %get3A_134, %max3A_135 : vector<16xf32>
      %swap3A = arith.constant 0 : i32
      %swap3A_137 = arith.index_cast %swap3A : i32 to index
      %swap3A_138 = arith.index_cast %add3A_130 : i32 to index
      %swap3A_139 = tpu.vector_load %arg8[%swap3A_137, %swap3A_138] {strides = array<i32>} : memref<4x4096xf32, #tpu.memory_space<vmem>>, vector<1x16xf32>,
      %swap3A_140 = vector.shape_cast %swap3A_139 : vector<1x16xf32> to vector<16xf32>
      %swap3A_141 = vector.shape_cast %max3A_136 : vector<16xf32> to vector<1x16xf32>
      tpu.vector_store %arg8[%swap3A_137, %swap3A_138], %swap3A_141 {strides = array<i32>} : memref<4x4096xf32, #tpu.memory_space<vmem>>, vector<1x16xf32>,
      %add3A_142 = arith.constant 16 : i32
      %add3A_143 = arith.addi %mul3A_128, %add3A_142 : i32
      %get3A_144 = arith.constant 0 : i32
      %get3A_145 = arith.index_cast %get3A_144 : i32 to index
      %get3A_146 = arith.index_cast %add3A_143 : i32 to index
      %get3A_147 = tpu.vector_load %arg5[%get3A_145, %get3A_146] {strides = array<i32>} : memref<4x4096xf32, #tpu.memory_space<vmem>>, vector<1x16xf32>,
      %get3A_148 = vector.shape_cast %get3A_147 : vector<1x16xf32> to vector<16xf32>
      %max3A_149 = arith.constant 0.000000e+00 : f32
      %max3A_150 = vector.broadcast %max3A_149 : f32 to vector<16xf32>
      %max3A_151 = arith.maximumf %get3A_148, %max3A_150 : vector<16xf32>
      %swap3A_152 = arith.constant 0 : i32
      %swap3A_153 = arith.index_cast %swap3A_152 : i32 to index
      %swap3A_154 = arith.index_cast %add3A_143 : i32 to index
      %swap3A_155 = tpu.vector_load %arg8[%swap3A_153, %swap3A_154] {strides = array<i32>} : memref<4x4096xf32, #tpu.memory_space<vmem>>, vector<1x16xf32>,
      %swap3A_156 = vector.shape_cast %swap3A_155 : vector<1x16xf32> to vector<16xf32>
      %swap3A_157 = vector.shape_cast %max3A_151 : vector<16xf32> to vector<1x16xf32>
      tpu.vector_store %arg8[%swap3A_153, %swap3A_154], %swap3A_157 {strides = array<i32>} : memref<4x4096xf32, #tpu.memory_space<vmem>>, vector<1x16xf32>,
      %add3A_158 = arith.constant 32 : i32
      %add3A_159 = arith.addi %mul3A_128, %add3A_158 : i32
      %get3A_160 = arith.constant 0 : i32
      %get3A_161 = arith.index_cast %get3A_160 : i32 to index
      %get3A_162 = arith.index_cast %add3A_159 : i32 to index
      %get3A_163 = tpu.vector_load %arg5[%get3A_161, %get3A_162] {strides = array<i32>} : memref<4x4096xf32, #tpu.memory_space<vmem>>, vector<1x16xf32>,
      %get3A_164 = vector.shape_cast %get3A_163 : vector<1x16xf32> to vector<16xf32>
      %max3A_165 = arith.constant 0.000000e+00 : f32
      %max3A_166 = vector.broadcast %max3A_165 : f32 to vector<16xf32>
      %max3A_167 = arith.maximumf %get3A_164, %max3A_166 : vector<16xf32>
      %swap3A_168 = arith.constant 0 : i32
      %swap3A_169 = arith.index_cast %swap3A_168 : i32 to index
      %swap3A_170 = arith.index_cast %add3A_159 : i32 to index
      %swap3A_171 = tpu.vector_load %arg8[%swap3A_169, %swap3A_170] {strides = array<i32>} : memref<4x4096xf32, #tpu.memory_space<vmem>>, vector<1x16xf32>,
      %swap3A_172 = vector.shape_cast %swap3A_171 : vector<1x16xf32> to vector<16xf32>
      %swap3A_173 = vector.shape_cast %max3A_167 : vector<16xf32> to vector<1x16xf32>
      tpu.vector_store %arg8[%swap3A_169, %swap3A_170], %swap3A_173 {strides = array<i32>} : memref<4x4096xf32, #tpu.memory_space<vmem>>, vector<1x16xf32>,
      %add3A_174 = arith.constant 48 : i32
      %add3A_175 = arith.addi %mul3A_128, %add3A_174 : i32
      %get3A_176 = arith.constant 0 : i32
      %get3A_177 = arith.index_cast %get3A_176 : i32 to index
      %get3A_178 = arith.index_cast %add3A_175 : i32 to index
      %get3A_179 = tpu.vector_load %arg5[%get3A_177, %get3A_178] {strides = array<i32>} : memref<4x4096xf32, #tpu.memory_space<vmem>>, vector<1x16xf32>,
      %get3A_180 = vector.shape_cast %get3A_179 : vector<1x16xf32> to vector<16xf32>
      %max3A_181 = arith.constant 0.000000e+00 : f32
      %max3A_182 = vector.broadcast %max3A_181 : f32 to vector<16xf32>
      %max3A_183 = arith.maximumf %get3A_180, %max3A_182 : vector<16xf32>
      %swap3A_184 = arith.constant 0 : i32
      %swap3A_185 = arith.index_cast %swap3A_184 : i32 to index
      %swap3A_186 = arith.index_cast %add3A_175 : i32 to index
      %swap3A_187 = tpu.vector_load %arg8[%swap3A_185, %swap3A_186] {strides = array<i32>} : memref<4x4096xf32, #tpu.memory_space<vmem>>, vector<1x16xf32>,
      %swap3A_188 = vector.shape_cast %swap3A_187 : vector<1x16xf32> to vector<16xf32>
      %swap3A_189 = vector.shape_cast %max3A_183 : vector<16xf32> to vector<1x16xf32>
      tpu.vector_store %arg8[%swap3A_185, %swap3A_186], %swap3A_189 {strides = array<i32>} : memref<4x4096xf32, #tpu.memory_space<vmem>>, vector<1x16xf32>,
      %add3A_190 = arith.constant 64 : i32
      %add3A_191 = arith.addi %mul3A_128, %add3A_190 : i32
      %add3A_192 = arith.constant 0 : i32
      %add3A_193 = arith.addi %add3A_191, %add3A_192 : i32
      %get3A_194 = arith.constant 0 : i32
      %get3A_195 = arith.index_cast %get3A_194 : i32 to index
      %get3A_196 = arith.index_cast %add3A_193 : i32 to index
      %get3A_197 = tpu.vector_load %arg5[%get3A_195, %get3A_196] {strides = array<i32>} : memref<4x4096xf32, #tpu.memory_space<vmem>>, vector<1x16xf32>,
      %get3A_198 = vector.shape_cast %get3A_197 : vector<1x16xf32> to vector<16xf32>
      %mul3A_199 = arith.constant -1.000000e+00 : f32
      %mul3A_200 = vector.broadcast %mul3A_199 : f32 to vector<16xf32>
      %mul3A_201 = arith.mulf %get3A_198, %mul3A_200 : vector<16xf32>
      %exp3A = math.exp %mul3A_201 : vector<16xf32>
      %add3A_202 = arith.constant 1.000000e+00 : f32
      %add3A_203 = vector.broadcast %add3A_202 : f32 to vector<16xf32>
      %add3A_204 = arith.addf %add3A_203, %exp3A : vector<16xf32>
      %div3A = arith.divf %get3A_198, %add3A_204 : vector<16xf32>
      %swap3A_205 = arith.constant 0 : i32
      %swap3A_206 = arith.index_cast %swap3A_205 : i32 to index
      %swap3A_207 = arith.index_cast %add3A_193 : i32 to index
      %swap3A_208 = tpu.vector_load %arg8[%swap3A_206, %swap3A_207] {strides = array<i32>} : memref<4x4096xf32, #tpu.memory_space<vmem>>, vector<1x16xf32>,
      %swap3A_209 = vector.shape_cast %swap3A_208 : vector<1x16xf32> to vector<16xf32>
      %swap3A_210 = vector.shape_cast %div3A : vector<16xf32> to vector<1x16xf32>
      tpu.vector_store %arg8[%swap3A_206, %swap3A_207], %swap3A_210 {strides = array<i32>} : memref<4x4096xf32, #tpu.memory_space<vmem>>, vector<1x16xf32>,
      %add3A_211 = arith.constant 64 : i32
      %add3A_212 = arith.addi %mul3A_128, %add3A_211 : i32
      %add3A_213 = arith.constant 16 : i32
      %add3A_214 = arith.addi %add3A_212, %add3A_213 : i32
      %get3A_215 = arith.constant 0 : i32
      %get3A_216 = arith.index_cast %get3A_215 : i32 to index
      %get3A_217 = arith.index_cast %add3A_214 : i32 to index
      %get3A_218 = tpu.vector_load %arg5[%get3A_216, %get3A_217] {strides = array<i32>} : memref<4x4096xf32, #tpu.memory_space<vmem>>, vector<1x16xf32>,
      %get3A_219 = vector.shape_cast %get3A_218 : vector<1x16xf32> to vector<16xf32>
      %mul3A_220 = arith.constant -1.000000e+00 : f32
      %mul3A_221 = vector.broadcast %mul3A_220 : f32 to vector<16xf32>
      %mul3A_222 = arith.mulf %get3A_219, %mul3A_221 : vector<16xf32>
      %exp3A_223 = math.exp %mul3A_222 : vector<16xf32>
      %add3A_224 = arith.constant 1.000000e+00 : f32
      %add3A_225 = vector.broadcast %add3A_224 : f32 to vector<16xf32>
      %add3A_226 = arith.addf %add3A_225, %exp3A_223 : vector<16xf32>
      %div3A_227 = arith.divf %get3A_219, %add3A_226 : vector<16xf32>
      %swap3A_228 = arith.constant 0 : i32
      %swap3A_229 = arith.index_cast %swap3A_228 : i32 to index
      %swap3A_230 = arith.index_cast %add3A_214 : i32 to index
      %swap3A_231 = tpu.vector_load %arg8[%swap3A_229, %swap3A_230] {strides = array<i32>} : memref<4x4096xf32, #tpu.memory_space<vmem>>, vector<1x16xf32>,
      %swap3A_232 = vector.shape_cast %swap3A_231 : vector<1x16xf32> to vector<16xf32>
      %swap3A_233 = vector.shape_cast %div3A_227 : vector<16xf32> to vector<1x16xf32>
      tpu.vector_store %arg8[%swap3A_229, %swap3A_230], %swap3A_233 {strides = array<i32>} : memref<4x4096xf32, #tpu.memory_space<vmem>>, vector<1x16xf32>,
      %add3A_234 = arith.constant 64 : i32
      %add3A_235 = arith.addi %mul3A_128, %add3A_234 : i32
      %add3A_236 = arith.constant 32 : i32
      %add3A_237 = arith.addi %add3A_235, %add3A_236 : i32
      %get3A_238 = arith.constant 0 : i32
      %get3A_239 = arith.index_cast %get3A_238 : i32 to index
      %get3A_240 = arith.index_cast %add3A_237 : i32 to index
      %get3A_241 = tpu.vector_load %arg5[%get3A_239, %get3A_240] {strides = array<i32>} : memref<4x4096xf32, #tpu.memory_space<vmem>>, vector<1x16xf32>,
      %get3A_242 = vector.shape_cast %get3A_241 : vector<1x16xf32> to vector<16xf32>
      %mul3A_243 = arith.constant -1.000000e+00 : f32
      %mul3A_244 = vector.broadcast %mul3A_243 : f32 to vector<16xf32>
      %mul3A_245 = arith.mulf %get3A_242, %mul3A_244 : vector<16xf32>
      %exp3A_246 = math.exp %mul3A_245 : vector<16xf32>
      %add3A_247 = arith.constant 1.000000e+00 : f32
      %add3A_248 = vector.broadcast %add3A_247 : f32 to vector<16xf32>
      %add3A_249 = arith.addf %add3A_248, %exp3A_246 : vector<16xf32>
      %div3A_250 = arith.divf %get3A_242, %add3A_249 : vector<16xf32>
      %swap3A_251 = arith.constant 0 : i32
      %swap3A_252 = arith.index_cast %swap3A_251 : i32 to index
      %swap3A_253 = arith.index_cast %add3A_237 : i32 to index
      %swap3A_254 = tpu.vector_load %arg8[%swap3A_252, %swap3A_253] {strides = array<i32>} : memref<4x4096xf32, #tpu.memory_space<vmem>>, vector<1x16xf32>,
      %swap3A_255 = vector.shape_cast %swap3A_254 : vector<1x16xf32> to vector<16xf32>
      %swap3A_256 = vector.shape_cast %div3A_250 : vector<16xf32> to vector<1x16xf32>
      tpu.vector_store %arg8[%swap3A_252, %swap3A_253], %swap3A_256 {strides = array<i32>} : memref<4x4096xf32, #tpu.memory_space<vmem>>, vector<1x16xf32>,
      %add3A_257 = arith.constant 64 : i32
      %add3A_258 = arith.addi %mul3A_128, %add3A_257 : i32
      %add3A_259 = arith.constant 48 : i32
      %add3A_260 = arith.addi %add3A_258, %add3A_259 : i32
      %get3A_261 = arith.constant 0 : i32
      %get3A_262 = arith.index_cast %get3A_261 : i32 to index
      %get3A_263 = arith.index_cast %add3A_260 : i32 to index
      %get3A_264 = tpu.vector_load %arg5[%get3A_262, %get3A_263] {strides = array<i32>} : memref<4x4096xf32, #tpu.memory_space<vmem>>, vector<1x16xf32>,
      %get3A_265 = vector.shape_cast %get3A_264 : vector<1x16xf32> to vector<16xf32>
      %mul3A_266 = arith.constant -1.000000e+00 : f32
      %mul3A_267 = vector.broadcast %mul3A_266 : f32 to vector<16xf32>
      %mul3A_268 = arith.mulf %get3A_265, %mul3A_267 : vector<16xf32>
      %exp3A_269 = math.exp %mul3A_268 : vector<16xf32>
      %add3A_270 = arith.constant 1.000000e+00 : f32
      %add3A_271 = vector.broadcast %add3A_270 : f32 to vector<16xf32>
      %add3A_272 = arith.addf %add3A_271, %exp3A_269 : vector<16xf32>
      %div3A_273 = arith.divf %get3A_265, %add3A_272 : vector<16xf32>
      %swap3A_274 = arith.constant 0 : i32
      %swap3A_275 = arith.index_cast %swap3A_274 : i32 to index
      %swap3A_276 = arith.index_cast %add3A_260 : i32 to index
      %swap3A_277 = tpu.vector_load %arg8[%swap3A_275, %swap3A_276] {strides = array<i32>} : memref<4x4096xf32, #tpu.memory_space<vmem>>, vector<1x16xf32>,
      %swap3A_278 = vector.shape_cast %swap3A_277 : vector<1x16xf32> to vector<16xf32>
      %swap3A_279 = vector.shape_cast %div3A_273 : vector<16xf32> to vector<1x16xf32>
      tpu.vector_store %arg8[%swap3A_275, %swap3A_276], %swap3A_279 {strides = array<i32>} : memref<4x4096xf32, #tpu.memory_space<vmem>>, vector<1x16xf32>,
    }
    %scan3A_83 = arith.constant 32 : i32
    %scan3A_84 = arith.constant 0 : i32
    %scan3A_85 = arith.constant 0 : i32
    %scan3A_86 = arith.constant 32 : i32
    %scan3A_87 = arith.addi %scan3A_85, %scan3A_86 : i32
    %scan3A_88 = arith.constant 1 : i32
    scf.for %scan3A_126 = %scan3A_85 to %scan3A_87 step %scan3A_88  : i32 {
      %mul3A_127 = arith.constant 128 : i32
      %mul3A_128 = arith.muli %scan3A_126, %mul3A_127 : i32
      %add3A_129 = arith.constant 0 : i32
      %add3A_130 = arith.addi %mul3A_128, %add3A_129 : i32
      %get3A = arith.constant 1 : i32
      %get3A_131 = arith.index_cast %get3A : i32 to index
      %get3A_132 = arith.index_cast %add3A_130 : i32 to index
      %get3A_133 = tpu.vector_load %arg5[%get3A_131, %get3A_132] {strides = array<i32>} : memref<4x4096xf32, #tpu.memory_space<vmem>>, vector<1x16xf32>,
      %get3A_134 = vector.shape_cast %get3A_133 : vector<1x16xf32> to vector<16xf32>
      %max3A = arith.constant 0.000000e+00 : f32
      %max3A_135 = vector.broadcast %max3A : f32 to vector<16xf32>
      %max3A_136 = arith.maximumf %get3A_134, %max3A_135 : vector<16xf32>
      %swap3A = arith.constant 1 : i32
      %swap3A_137 = arith.index_cast %swap3A : i32 to index
      %swap3A_138 = arith.index_cast %add3A_130 : i32 to index
      %swap3A_139 = tpu.vector_load %arg8[%swap3A_137, %swap3A_138] {strides = array<i32>} : memref<4x4096xf32, #tpu.memory_space<vmem>>, vector<1x16xf32>,
      %swap3A_140 = vector.shape_cast %swap3A_139 : vector<1x16xf32> to vector<16xf32>
      %swap3A_141 = vector.shape_cast %max3A_136 : vector<16xf32> to vector<1x16xf32>
      tpu.vector_store %arg8[%swap3A_137, %swap3A_138], %swap3A_141 {strides = array<i32>} : memref<4x4096xf32, #tpu.memory_space<vmem>>, vector<1x16xf32>,
      %add3A_142 = arith.constant 16 : i32
      %add3A_143 = arith.addi %mul3A_128, %add3A_142 : i32
      %get3A_144 = arith.constant 1 : i32
      %get3A_145 = arith.index_cast %get3A_144 : i32 to index
      %get3A_146 = arith.index_cast %add3A_143 : i32 to index
      %get3A_147 = tpu.vector_load %arg5[%get3A_145, %get3A_146] {strides = array<i32>} : memref<4x4096xf32, #tpu.memory_space<vmem>>, vector<1x16xf32>,
      %get3A_148 = vector.shape_cast %get3A_147 : vector<1x16xf32> to vector<16xf32>
      %max3A_149 = arith.constant 0.000000e+00 : f32
      %max3A_150 = vector.broadcast %max3A_149 : f32 to vector<16xf32>
      %max3A_151 = arith.maximumf %get3A_148, %max3A_150 : vector<16xf32>
      %swap3A_152 = arith.constant 1 : i32
      %swap3A_153 = arith.index_cast %swap3A_152 : i32 to index
      %swap3A_154 = arith.index_cast %add3A_143 : i32 to index
      %swap3A_155 = tpu.vector_load %arg8[%swap3A_153, %swap3A_154] {strides = array<i32>} : memref<4x4096xf32, #tpu.memory_space<vmem>>, vector<1x16xf32>,
      %swap3A_156 = vector.shape_cast %swap3A_155 : vector<1x16xf32> to vector<16xf32>
      %swap3A_157 = vector.shape_cast %max3A_151 : vector<16xf32> to vector<1x16xf32>
      tpu.vector_store %arg8[%swap3A_153, %swap3A_154], %swap3A_157 {strides = array<i32>} : memref<4x4096xf32, #tpu.memory_space<vmem>>, vector<1x16xf32>,
      %add3A_158 = arith.constant 32 : i32
      %add3A_159 = arith.addi %mul3A_128, %add3A_158 : i32
      %get3A_160 = arith.constant 1 : i32
      %get3A_161 = arith.index_cast %get3A_160 : i32 to index
      %get3A_162 = arith.index_cast %add3A_159 : i32 to index
      %get3A_163 = tpu.vector_load %arg5[%get3A_161, %get3A_162] {strides = array<i32>} : memref<4x4096xf32, #tpu.memory_space<vmem>>, vector<1x16xf32>,
      %get3A_164 = vector.shape_cast %get3A_163 : vector<1x16xf32> to vector<16xf32>
      %max3A_165 = arith.constant 0.000000e+00 : f32
      %max3A_166 = vector.broadcast %max3A_165 : f32 to vector<16xf32>
      %max3A_167 = arith.maximumf %get3A_164, %max3A_166 : vector<16xf32>
      %swap3A_168 = arith.constant 1 : i32
      %swap3A_169 = arith.index_cast %swap3A_168 : i32 to index
      %swap3A_170 = arith.index_cast %add3A_159 : i32 to index
      %swap3A_171 = tpu.vector_load %arg8[%swap3A_169, %swap3A_170] {strides = array<i32>} : memref<4x4096xf32, #tpu.memory_space<vmem>>, vector<1x16xf32>,
      %swap3A_172 = vector.shape_cast %swap3A_171 : vector<1x16xf32> to vector<16xf32>
      %swap3A_173 = vector.shape_cast %max3A_167 : vector<16xf32> to vector<1x16xf32>
      tpu.vector_store %arg8[%swap3A_169, %swap3A_170], %swap3A_173 {strides = array<i32>} : memref<4x4096xf32, #tpu.memory_space<vmem>>, vector<1x16xf32>,
      %add3A_174 = arith.constant 48 : i32
      %add3A_175 = arith.addi %mul3A_128, %add3A_174 : i32
      %get3A_176 = arith.constant 1 : i32
      %get3A_177 = arith.index_cast %get3A_176 : i32 to index
      %get3A_178 = arith.index_cast %add3A_175 : i32 to index
      %get3A_179 = tpu.vector_load %arg5[%get3A_177, %get3A_178] {strides = array<i32>} : memref<4x4096xf32, #tpu.memory_space<vmem>>, vector<1x16xf32>,
      %get3A_180 = vector.shape_cast %get3A_179 : vector<1x16xf32> to vector<16xf32>
      %max3A_181 = arith.constant 0.000000e+00 : f32
      %max3A_182 = vector.broadcast %max3A_181 : f32 to vector<16xf32>
      %max3A_183 = arith.maximumf %get3A_180, %max3A_182 : vector<16xf32>
      %swap3A_184 = arith.constant 1 : i32
      %swap3A_185 = arith.index_cast %swap3A_184 : i32 to index
      %swap3A_186 = arith.index_cast %add3A_175 : i32 to index
      %swap3A_187 = tpu.vector_load %arg8[%swap3A_185, %swap3A_186] {strides = array<i32>} : memref<4x4096xf32, #tpu.memory_space<vmem>>, vector<1x16xf32>,
      %swap3A_188 = vector.shape_cast %swap3A_187 : vector<1x16xf32> to vector<16xf32>
      %swap3A_189 = vector.shape_cast %max3A_183 : vector<16xf32> to vector<1x16xf32>
      tpu.vector_store %arg8[%swap3A_185, %swap3A_186], %swap3A_189 {strides = array<i32>} : memref<4x4096xf32, #tpu.memory_space<vmem>>, vector<1x16xf32>,
      %add3A_190 = arith.constant 64 : i32
      %add3A_191 = arith.addi %mul3A_128, %add3A_190 : i32
      %add3A_192 = arith.constant 0 : i32
      %add3A_193 = arith.addi %add3A_191, %add3A_192 : i32
      %get3A_194 = arith.constant 1 : i32
      %get3A_195 = arith.index_cast %get3A_194 : i32 to index
      %get3A_196 = arith.index_cast %add3A_193 : i32 to index
      %get3A_197 = tpu.vector_load %arg5[%get3A_195, %get3A_196] {strides = array<i32>} : memref<4x4096xf32, #tpu.memory_space<vmem>>, vector<1x16xf32>,
      %get3A_198 = vector.shape_cast %get3A_197 : vector<1x16xf32> to vector<16xf32>
      %mul3A_199 = arith.constant -1.000000e+00 : f32
      %mul3A_200 = vector.broadcast %mul3A_199 : f32 to vector<16xf32>
      %mul3A_201 = arith.mulf %get3A_198, %mul3A_200 : vector<16xf32>
      %exp3A = math.exp %mul3A_201 : vector<16xf32>
      %add3A_202 = arith.constant 1.000000e+00 : f32
      %add3A_203 = vector.broadcast %add3A_202 : f32 to vector<16xf32>
      %add3A_204 = arith.addf %add3A_203, %exp3A : vector<16xf32>
      %div3A = arith.divf %get3A_198, %add3A_204 : vector<16xf32>
      %swap3A_205 = arith.constant 1 : i32
      %swap3A_206 = arith.index_cast %swap3A_205 : i32 to index
      %swap3A_207 = arith.index_cast %add3A_193 : i32 to index
      %swap3A_208 = tpu.vector_load %arg8[%swap3A_206, %swap3A_207] {strides = array<i32>} : memref<4x4096xf32, #tpu.memory_space<vmem>>, vector<1x16xf32>,
      %swap3A_209 = vector.shape_cast %swap3A_208 : vector<1x16xf32> to vector<16xf32>
      %swap3A_210 = vector.shape_cast %div3A : vector<16xf32> to vector<1x16xf32>
      tpu.vector_store %arg8[%swap3A_206, %swap3A_207], %swap3A_210 {strides = array<i32>} : memref<4x4096xf32, #tpu.memory_space<vmem>>, vector<1x16xf32>,
      %add3A_211 = arith.constant 64 : i32
      %add3A_212 = arith.addi %mul3A_128, %add3A_211 : i32
      %add3A_213 = arith.constant 16 : i32
      %add3A_214 = arith.addi %add3A_212, %add3A_213 : i32
      %get3A_215 = arith.constant 1 : i32
      %get3A_216 = arith.index_cast %get3A_215 : i32 to index
      %get3A_217 = arith.index_cast %add3A_214 : i32 to index
      %get3A_218 = tpu.vector_load %arg5[%get3A_216, %get3A_217] {strides = array<i32>} : memref<4x4096xf32, #tpu.memory_space<vmem>>, vector<1x16xf32>,
      %get3A_219 = vector.shape_cast %get3A_218 : vector<1x16xf32> to vector<16xf32>
      %mul3A_220 = arith.constant -1.000000e+00 : f32
      %mul3A_221 = vector.broadcast %mul3A_220 : f32 to vector<16xf32>
      %mul3A_222 = arith.mulf %get3A_219, %mul3A_221 : vector<16xf32>
      %exp3A_223 = math.exp %mul3A_222 : vector<16xf32>
      %add3A_224 = arith.constant 1.000000e+00 : f32
      %add3A_225 = vector.broadcast %add3A_224 : f32 to vector<16xf32>
      %add3A_226 = arith.addf %add3A_225, %exp3A_223 : vector<16xf32>
      %div3A_227 = arith.divf %get3A_219, %add3A_226 : vector<16xf32>
      %swap3A_228 = arith.constant 1 : i32
      %swap3A_229 = arith.index_cast %swap3A_228 : i32 to index
      %swap3A_230 = arith.index_cast %add3A_214 : i32 to index
      %swap3A_231 = tpu.vector_load %arg8[%swap3A_229, %swap3A_230] {strides = array<i32>} : memref<4x4096xf32, #tpu.memory_space<vmem>>, vector<1x16xf32>,
      %swap3A_232 = vector.shape_cast %swap3A_231 : vector<1x16xf32> to vector<16xf32>
      %swap3A_233 = vector.shape_cast %div3A_227 : vector<16xf32> to vector<1x16xf32>
      tpu.vector_store %arg8[%swap3A_229, %swap3A_230], %swap3A_233 {strides = array<i32>} : memref<4x4096xf32, #tpu.memory_space<vmem>>, vector<1x16xf32>,
      %add3A_234 = arith.constant 64 : i32
      %add3A_235 = arith.addi %mul3A_128, %add3A_234 : i32
      %add3A_236 = arith.constant 32 : i32
      %add3A_237 = arith.addi %add3A_235, %add3A_236 : i32
      %get3A_238 = arith.constant 1 : i32
      %get3A_239 = arith.index_cast %get3A_238 : i32 to index
      %get3A_240 = arith.index_cast %add3A_237 : i32 to index
      %get3A_241 = tpu.vector_load %arg5[%get3A_239, %get3A_240] {strides = array<i32>} : memref<4x4096xf32, #tpu.memory_space<vmem>>, vector<1x16xf32>,
      %get3A_242 = vector.shape_cast %get3A_241 : vector<1x16xf32> to vector<16xf32>
      %mul3A_243 = arith.constant -1.000000e+00 : f32
      %mul3A_244 = vector.broadcast %mul3A_243 : f32 to vector<16xf32>
      %mul3A_245 = arith.mulf %get3A_242, %mul3A_244 : vector<16xf32>
      %exp3A_246 = math.exp %mul3A_245 : vector<16xf32>
      %add3A_247 = arith.constant 1.000000e+00 : f32
      %add3A_248 = vector.broadcast %add3A_247 : f32 to vector<16xf32>
      %add3A_249 = arith.addf %add3A_248, %exp3A_246 : vector<16xf32>
      %div3A_250 = arith.divf %get3A_242, %add3A_249 : vector<16xf32>
      %swap3A_251 = arith.constant 1 : i32
      %swap3A_252 = arith.index_cast %swap3A_251 : i32 to index
      %swap3A_253 = arith.index_cast %add3A_237 : i32 to index
      %swap3A_254 = tpu.vector_load %arg8[%swap3A_252, %swap3A_253] {strides = array<i32>} : memref<4x4096xf32, #tpu.memory_space<vmem>>, vector<1x16xf32>,
      %swap3A_255 = vector.shape_cast %swap3A_254 : vector<1x16xf32> to vector<16xf32>
      %swap3A_256 = vector.shape_cast %div3A_250 : vector<16xf32> to vector<1x16xf32>
      tpu.vector_store %arg8[%swap3A_252, %swap3A_253], %swap3A_256 {strides = array<i32>} : memref<4x4096xf32, #tpu.memory_space<vmem>>, vector<1x16xf32>,
      %add3A_257 = arith.constant 64 : i32
      %add3A_258 = arith.addi %mul3A_128, %add3A_257 : i32
      %add3A_259 = arith.constant 48 : i32
      %add3A_260 = arith.addi %add3A_258, %add3A_259 : i32
      %get3A_261 = arith.constant 1 : i32
      %get3A_262 = arith.index_cast %get3A_261 : i32 to index
      %get3A_263 = arith.index_cast %add3A_260 : i32 to index
      %get3A_264 = tpu.vector_load %arg5[%get3A_262, %get3A_263] {strides = array<i32>} : memref<4x4096xf32, #tpu.memory_space<vmem>>, vector<1x16xf32>,
      %get3A_265 = vector.shape_cast %get3A_264 : vector<1x16xf32> to vector<16xf32>
      %mul3A_266 = arith.constant -1.000000e+00 : f32
      %mul3A_267 = vector.broadcast %mul3A_266 : f32 to vector<16xf32>
      %mul3A_268 = arith.mulf %get3A_265, %mul3A_267 : vector<16xf32>
      %exp3A_269 = math.exp %mul3A_268 : vector<16xf32>
      %add3A_270 = arith.constant 1.000000e+00 : f32
      %add3A_271 = vector.broadcast %add3A_270 : f32 to vector<16xf32>
      %add3A_272 = arith.addf %add3A_271, %exp3A_269 : vector<16xf32>
      %div3A_273 = arith.divf %get3A_265, %add3A_272 : vector<16xf32>
      %swap3A_274 = arith.constant 1 : i32
      %swap3A_275 = arith.index_cast %swap3A_274 : i32 to index
      %swap3A_276 = arith.index_cast %add3A_260 : i32 to index
      %swap3A_277 = tpu.vector_load %arg8[%swap3A_275, %swap3A_276] {strides = array<i32>} : memref<4x4096xf32, #tpu.memory_space<vmem>>, vector<1x16xf32>,
      %swap3A_278 = vector.shape_cast %swap3A_277 : vector<1x16xf32> to vector<16xf32>
      %swap3A_279 = vector.shape_cast %div3A_273 : vector<16xf32> to vector<1x16xf32>
      tpu.vector_store %arg8[%swap3A_275, %swap3A_276], %swap3A_279 {strides = array<i32>} : memref<4x4096xf32, #tpu.memory_space<vmem>>, vector<1x16xf32>,
    }
    %scan3A_89 = arith.constant 32 : i32
    %scan3A_90 = arith.constant 0 : i32
    %scan3A_91 = arith.constant 0 : i32
    %scan3A_92 = arith.constant 32 : i32
    %scan3A_93 = arith.addi %scan3A_91, %scan3A_92 : i32
    %scan3A_94 = arith.constant 1 : i32
    scf.for %scan3A_126 = %scan3A_91 to %scan3A_93 step %scan3A_94  : i32 {
      %mul3A_127 = arith.constant 128 : i32
      %mul3A_128 = arith.muli %scan3A_126, %mul3A_127 : i32
      %add3A_129 = arith.constant 0 : i32
      %add3A_130 = arith.addi %mul3A_128, %add3A_129 : i32
      %get3A = arith.constant 2 : i32
      %get3A_131 = arith.index_cast %get3A : i32 to index
      %get3A_132 = arith.index_cast %add3A_130 : i32 to index
      %get3A_133 = tpu.vector_load %arg5[%get3A_131, %get3A_132] {strides = array<i32>} : memref<4x4096xf32, #tpu.memory_space<vmem>>, vector<1x16xf32>,
      %get3A_134 = vector.shape_cast %get3A_133 : vector<1x16xf32> to vector<16xf32>
      %max3A = arith.constant 0.000000e+00 : f32
      %max3A_135 = vector.broadcast %max3A : f32 to vector<16xf32>
      %max3A_136 = arith.maximumf %get3A_134, %max3A_135 : vector<16xf32>
      %swap3A = arith.constant 2 : i32
      %swap3A_137 = arith.index_cast %swap3A : i32 to index
      %swap3A_138 = arith.index_cast %add3A_130 : i32 to index
      %swap3A_139 = tpu.vector_load %arg8[%swap3A_137, %swap3A_138] {strides = array<i32>} : memref<4x4096xf32, #tpu.memory_space<vmem>>, vector<1x16xf32>,
      %swap3A_140 = vector.shape_cast %swap3A_139 : vector<1x16xf32> to vector<16xf32>
      %swap3A_141 = vector.shape_cast %max3A_136 : vector<16xf32> to vector<1x16xf32>
      tpu.vector_store %arg8[%swap3A_137, %swap3A_138], %swap3A_141 {strides = array<i32>} : memref<4x4096xf32, #tpu.memory_space<vmem>>, vector<1x16xf32>,
      %add3A_142 = arith.constant 16 : i32
      %add3A_143 = arith.addi %mul3A_128, %add3A_142 : i32
      %get3A_144 = arith.constant 2 : i32
      %get3A_145 = arith.index_cast %get3A_144 : i32 to index
      %get3A_146 = arith.index_cast %add3A_143 : i32 to index
      %get3A_147 = tpu.vector_load %arg5[%get3A_145, %get3A_146] {strides = array<i32>} : memref<4x4096xf32, #tpu.memory_space<vmem>>, vector<1x16xf32>,
      %get3A_148 = vector.shape_cast %get3A_147 : vector<1x16xf32> to vector<16xf32>
      %max3A_149 = arith.constant 0.000000e+00 : f32
      %max3A_150 = vector.broadcast %max3A_149 : f32 to vector<16xf32>
      %max3A_151 = arith.maximumf %get3A_148, %max3A_150 : vector<16xf32>
      %swap3A_152 = arith.constant 2 : i32
      %swap3A_153 = arith.index_cast %swap3A_152 : i32 to index
      %swap3A_154 = arith.index_cast %add3A_143 : i32 to index
      %swap3A_155 = tpu.vector_load %arg8[%swap3A_153, %swap3A_154] {strides = array<i32>} : memref<4x4096xf32, #tpu.memory_space<vmem>>, vector<1x16xf32>,
      %swap3A_156 = vector.shape_cast %swap3A_155 : vector<1x16xf32> to vector<16xf32>
      %swap3A_157 = vector.shape_cast %max3A_151 : vector<16xf32> to vector<1x16xf32>
      tpu.vector_store %arg8[%swap3A_153, %swap3A_154], %swap3A_157 {strides = array<i32>} : memref<4x4096xf32, #tpu.memory_space<vmem>>, vector<1x16xf32>,
      %add3A_158 = arith.constant 32 : i32
      %add3A_159 = arith.addi %mul3A_128, %add3A_158 : i32
      %get3A_160 = arith.constant 2 : i32
      %get3A_161 = arith.index_cast %get3A_160 : i32 to index
      %get3A_162 = arith.index_cast %add3A_159 : i32 to index
      %get3A_163 = tpu.vector_load %arg5[%get3A_161, %get3A_162] {strides = array<i32>} : memref<4x4096xf32, #tpu.memory_space<vmem>>, vector<1x16xf32>,
      %get3A_164 = vector.shape_cast %get3A_163 : vector<1x16xf32> to vector<16xf32>
      %max3A_165 = arith.constant 0.000000e+00 : f32
      %max3A_166 = vector.broadcast %max3A_165 : f32 to vector<16xf32>
      %max3A_167 = arith.maximumf %get3A_164, %max3A_166 : vector<16xf32>
      %swap3A_168 = arith.constant 2 : i32
      %swap3A_169 = arith.index_cast %swap3A_168 : i32 to index
      %swap3A_170 = arith.index_cast %add3A_159 : i32 to index
      %swap3A_171 = tpu.vector_load %arg8[%swap3A_169, %swap3A_170] {strides = array<i32>} : memref<4x4096xf32, #tpu.memory_space<vmem>>, vector<1x16xf32>,
      %swap3A_172 = vector.shape_cast %swap3A_171 : vector<1x16xf32> to vector<16xf32>
      %swap3A_173 = vector.shape_cast %max3A_167 : vector<16xf32> to vector<1x16xf32>
      tpu.vector_store %arg8[%swap3A_169, %swap3A_170], %swap3A_173 {strides = array<i32>} : memref<4x4096xf32, #tpu.memory_space<vmem>>, vector<1x16xf32>,
      %add3A_174 = arith.constant 48 : i32
      %add3A_175 = arith.addi %mul3A_128, %add3A_174 : i32
      %get3A_176 = arith.constant 2 : i32
      %get3A_177 = arith.index_cast %get3A_176 : i32 to index
      %get3A_178 = arith.index_cast %add3A_175 : i32 to index
      %get3A_179 = tpu.vector_load %arg5[%get3A_177, %get3A_178] {strides = array<i32>} : memref<4x4096xf32, #tpu.memory_space<vmem>>, vector<1x16xf32>,
      %get3A_180 = vector.shape_cast %get3A_179 : vector<1x16xf32> to vector<16xf32>
      %max3A_181 = arith.constant 0.000000e+00 : f32
      %max3A_182 = vector.broadcast %max3A_181 : f32 to vector<16xf32>
      %max3A_183 = arith.maximumf %get3A_180, %max3A_182 : vector<16xf32>
      %swap3A_184 = arith.constant 2 : i32
      %swap3A_185 = arith.index_cast %swap3A_184 : i32 to index
      %swap3A_186 = arith.index_cast %add3A_175 : i32 to index
      %swap3A_187 = tpu.vector_load %arg8[%swap3A_185, %swap3A_186] {strides = array<i32>} : memref<4x4096xf32, #tpu.memory_space<vmem>>, vector<1x16xf32>,
      %swap3A_188 = vector.shape_cast %swap3A_187 : vector<1x16xf32> to vector<16xf32>
      %swap3A_189 = vector.shape_cast %max3A_183 : vector<16xf32> to vector<1x16xf32>
      tpu.vector_store %arg8[%swap3A_185, %swap3A_186], %swap3A_189 {strides = array<i32>} : memref<4x4096xf32, #tpu.memory_space<vmem>>, vector<1x16xf32>,
      %add3A_190 = arith.constant 64 : i32
      %add3A_191 = arith.addi %mul3A_128, %add3A_190 : i32
      %add3A_192 = arith.constant 0 : i32
      %add3A_193 = arith.addi %add3A_191, %add3A_192 : i32
      %get3A_194 = arith.constant 2 : i32
      %get3A_195 = arith.index_cast %get3A_194 : i32 to index
      %get3A_196 = arith.index_cast %add3A_193 : i32 to index
      %get3A_197 = tpu.vector_load %arg5[%get3A_195, %get3A_196] {strides = array<i32>} : memref<4x4096xf32, #tpu.memory_space<vmem>>, vector<1x16xf32>,
      %get3A_198 = vector.shape_cast %get3A_197 : vector<1x16xf32> to vector<16xf32>
      %mul3A_199 = arith.constant -1.000000e+00 : f32
      %mul3A_200 = vector.broadcast %mul3A_199 : f32 to vector<16xf32>
      %mul3A_201 = arith.mulf %get3A_198, %mul3A_200 : vector<16xf32>
      %exp3A = math.exp %mul3A_201 : vector<16xf32>
      %add3A_202 = arith.constant 1.000000e+00 : f32
      %add3A_203 = vector.broadcast %add3A_202 : f32 to vector<16xf32>
      %add3A_204 = arith.addf %add3A_203, %exp3A : vector<16xf32>
      %div3A = arith.divf %get3A_198, %add3A_204 : vector<16xf32>
      %swap3A_205 = arith.constant 2 : i32
      %swap3A_206 = arith.index_cast %swap3A_205 : i32 to index
      %swap3A_207 = arith.index_cast %add3A_193 : i32 to index
      %swap3A_208 = tpu.vector_load %arg8[%swap3A_206, %swap3A_207] {strides = array<i32>} : memref<4x4096xf32, #tpu.memory_space<vmem>>, vector<1x16xf32>,
      %swap3A_209 = vector.shape_cast %swap3A_208 : vector<1x16xf32> to vector<16xf32>
      %swap3A_210 = vector.shape_cast %div3A : vector<16xf32> to vector<1x16xf32>
      tpu.vector_store %arg8[%swap3A_206, %swap3A_207], %swap3A_210 {strides = array<i32>} : memref<4x4096xf32, #tpu.memory_space<vmem>>, vector<1x16xf32>,
      %add3A_211 = arith.constant 64 : i32
      %add3A_212 = arith.addi %mul3A_128, %add3A_211 : i32
      %add3A_213 = arith.constant 16 : i32
      %add3A_214 = arith.addi %add3A_212, %add3A_213 : i32
      %get3A_215 = arith.constant 2 : i32
      %get3A_216 = arith.index_cast %get3A_215 : i32 to index
      %get3A_217 = arith.index_cast %add3A_214 : i32 to index
      %get3A_218 = tpu.vector_load %arg5[%get3A_216, %get3A_217] {strides = array<i32>} : memref<4x4096xf32, #tpu.memory_space<vmem>>, vector<1x16xf32>,
      %get3A_219 = vector.shape_cast %get3A_218 : vector<1x16xf32> to vector<16xf32>
      %mul3A_220 = arith.constant -1.000000e+00 : f32
      %mul3A_221 = vector.broadcast %mul3A_220 : f32 to vector<16xf32>
      %mul3A_222 = arith.mulf %get3A_219, %mul3A_221 : vector<16xf32>
      %exp3A_223 = math.exp %mul3A_222 : vector<16xf32>
      %add3A_224 = arith.constant 1.000000e+00 : f32
      %add3A_225 = vector.broadcast %add3A_224 : f32 to vector<16xf32>
      %add3A_226 = arith.addf %add3A_225, %exp3A_223 : vector<16xf32>
      %div3A_227 = arith.divf %get3A_219, %add3A_226 : vector<16xf32>
      %swap3A_228 = arith.constant 2 : i32
      %swap3A_229 = arith.index_cast %swap3A_228 : i32 to index
      %swap3A_230 = arith.index_cast %add3A_214 : i32 to index
      %swap3A_231 = tpu.vector_load %arg8[%swap3A_229, %swap3A_230] {strides = array<i32>} : memref<4x4096xf32, #tpu.memory_space<vmem>>, vector<1x16xf32>,
      %swap3A_232 = vector.shape_cast %swap3A_231 : vector<1x16xf32> to vector<16xf32>
      %swap3A_233 = vector.shape_cast %div3A_227 : vector<16xf32> to vector<1x16xf32>
      tpu.vector_store %arg8[%swap3A_229, %swap3A_230], %swap3A_233 {strides = array<i32>} : memref<4x4096xf32, #tpu.memory_space<vmem>>, vector<1x16xf32>,
      %add3A_234 = arith.constant 64 : i32
      %add3A_235 = arith.addi %mul3A_128, %add3A_234 : i32
      %add3A_236 = arith.constant 32 : i32
      %add3A_237 = arith.addi %add3A_235, %add3A_236 : i32
      %get3A_238 = arith.constant 2 : i32
      %get3A_239 = arith.index_cast %get3A_238 : i32 to index
      %get3A_240 = arith.index_cast %add3A_237 : i32 to index
      %get3A_241 = tpu.vector_load %arg5[%get3A_239, %get3A_240] {strides = array<i32>} : memref<4x4096xf32, #tpu.memory_space<vmem>>, vector<1x16xf32>,
      %get3A_242 = vector.shape_cast %get3A_241 : vector<1x16xf32> to vector<16xf32>
      %mul3A_243 = arith.constant -1.000000e+00 : f32
      %mul3A_244 = vector.broadcast %mul3A_243 : f32 to vector<16xf32>
      %mul3A_245 = arith.mulf %get3A_242, %mul3A_244 : vector<16xf32>
      %exp3A_246 = math.exp %mul3A_245 : vector<16xf32>
      %add3A_247 = arith.constant 1.000000e+00 : f32
      %add3A_248 = vector.broadcast %add3A_247 : f32 to vector<16xf32>
      %add3A_249 = arith.addf %add3A_248, %exp3A_246 : vector<16xf32>
      %div3A_250 = arith.divf %get3A_242, %add3A_249 : vector<16xf32>
      %swap3A_251 = arith.constant 2 : i32
      %swap3A_252 = arith.index_cast %swap3A_251 : i32 to index
      %swap3A_253 = arith.index_cast %add3A_237 : i32 to index
      %swap3A_254 = tpu.vector_load %arg8[%swap3A_252, %swap3A_253] {strides = array<i32>} : memref<4x4096xf32, #tpu.memory_space<vmem>>, vector<1x16xf32>,
      %swap3A_255 = vector.shape_cast %swap3A_254 : vector<1x16xf32> to vector<16xf32>
      %swap3A_256 = vector.shape_cast %div3A_250 : vector<16xf32> to vector<1x16xf32>
      tpu.vector_store %arg8[%swap3A_252, %swap3A_253], %swap3A_256 {strides = array<i32>} : memref<4x4096xf32, #tpu.memory_space<vmem>>, vector<1x16xf32>,
      %add3A_257 = arith.constant 64 : i32
      %add3A_258 = arith.addi %mul3A_128, %add3A_257 : i32
      %add3A_259 = arith.constant 48 : i32
      %add3A_260 = arith.addi %add3A_258, %add3A_259 : i32
      %get3A_261 = arith.constant 2 : i32
      %get3A_262 = arith.index_cast %get3A_261 : i32 to index
      %get3A_263 = arith.index_cast %add3A_260 : i32 to index
      %get3A_264 = tpu.vector_load %arg5[%get3A_262, %get3A_263] {strides = array<i32>} : memref<4x4096xf32, #tpu.memory_space<vmem>>, vector<1x16xf32>,
      %get3A_265 = vector.shape_cast %get3A_264 : vector<1x16xf32> to vector<16xf32>
      %mul3A_266 = arith.constant -1.000000e+00 : f32
      %mul3A_267 = vector.broadcast %mul3A_266 : f32 to vector<16xf32>
      %mul3A_268 = arith.mulf %get3A_265, %mul3A_267 : vector<16xf32>
      %exp3A_269 = math.exp %mul3A_268 : vector<16xf32>
      %add3A_270 = arith.constant 1.000000e+00 : f32
      %add3A_271 = vector.broadcast %add3A_270 : f32 to vector<16xf32>
      %add3A_272 = arith.addf %add3A_271, %exp3A_269 : vector<16xf32>
      %div3A_273 = arith.divf %get3A_265, %add3A_272 : vector<16xf32>
      %swap3A_274 = arith.constant 2 : i32
      %swap3A_275 = arith.index_cast %swap3A_274 : i32 to index
      %swap3A_276 = arith.index_cast %add3A_260 : i32 to index
      %swap3A_277 = tpu.vector_load %arg8[%swap3A_275, %swap3A_276] {strides = array<i32>} : memref<4x4096xf32, #tpu.memory_space<vmem>>, vector<1x16xf32>,
      %swap3A_278 = vector.shape_cast %swap3A_277 : vector<1x16xf32> to vector<16xf32>
      %swap3A_279 = vector.shape_cast %div3A_273 : vector<16xf32> to vector<1x16xf32>
      tpu.vector_store %arg8[%swap3A_275, %swap3A_276], %swap3A_279 {strides = array<i32>} : memref<4x4096xf32, #tpu.memory_space<vmem>>, vector<1x16xf32>,
    }
    %scan3A_95 = arith.constant 32 : i32
    %scan3A_96 = arith.constant 0 : i32
    %scan3A_97 = arith.constant 0 : i32
    %scan3A_98 = arith.constant 32 : i32
    %scan3A_99 = arith.addi %scan3A_97, %scan3A_98 : i32
    %scan3A_100 = arith.constant 1 : i32
    scf.for %scan3A_126 = %scan3A_97 to %scan3A_99 step %scan3A_100  : i32 {
      %mul3A_127 = arith.constant 128 : i32
      %mul3A_128 = arith.muli %scan3A_126, %mul3A_127 : i32
      %add3A_129 = arith.constant 0 : i32
      %add3A_130 = arith.addi %mul3A_128, %add3A_129 : i32
      %get3A = arith.constant 3 : i32
      %get3A_131 = arith.index_cast %get3A : i32 to index
      %get3A_132 = arith.index_cast %add3A_130 : i32 to index
      %get3A_133 = tpu.vector_load %arg5[%get3A_131, %get3A_132] {strides = array<i32>} : memref<4x4096xf32, #tpu.memory_space<vmem>>, vector<1x16xf32>,
      %get3A_134 = vector.shape_cast %get3A_133 : vector<1x16xf32> to vector<16xf32>
      %max3A = arith.constant 0.000000e+00 : f32
      %max3A_135 = vector.broadcast %max3A : f32 to vector<16xf32>
      %max3A_136 = arith.maximumf %get3A_134, %max3A_135 : vector<16xf32>
      %swap3A = arith.constant 3 : i32
      %swap3A_137 = arith.index_cast %swap3A : i32 to index
      %swap3A_138 = arith.index_cast %add3A_130 : i32 to index
      %swap3A_139 = tpu.vector_load %arg8[%swap3A_137, %swap3A_138] {strides = array<i32>} : memref<4x4096xf32, #tpu.memory_space<vmem>>, vector<1x16xf32>,
      %swap3A_140 = vector.shape_cast %swap3A_139 : vector<1x16xf32> to vector<16xf32>
      %swap3A_141 = vector.shape_cast %max3A_136 : vector<16xf32> to vector<1x16xf32>
      tpu.vector_store %arg8[%swap3A_137, %swap3A_138], %swap3A_141 {strides = array<i32>} : memref<4x4096xf32, #tpu.memory_space<vmem>>, vector<1x16xf32>,
      %add3A_142 = arith.constant 16 : i32
      %add3A_143 = arith.addi %mul3A_128, %add3A_142 : i32
      %get3A_144 = arith.constant 3 : i32
      %get3A_145 = arith.index_cast %get3A_144 : i32 to index
      %get3A_146 = arith.index_cast %add3A_143 : i32 to index
      %get3A_147 = tpu.vector_load %arg5[%get3A_145, %get3A_146] {strides = array<i32>} : memref<4x4096xf32, #tpu.memory_space<vmem>>, vector<1x16xf32>,
      %get3A_148 = vector.shape_cast %get3A_147 : vector<1x16xf32> to vector<16xf32>
      %max3A_149 = arith.constant 0.000000e+00 : f32
      %max3A_150 = vector.broadcast %max3A_149 : f32 to vector<16xf32>
      %max3A_151 = arith.maximumf %get3A_148, %max3A_150 : vector<16xf32>
      %swap3A_152 = arith.constant 3 : i32
      %swap3A_153 = arith.index_cast %swap3A_152 : i32 to index
      %swap3A_154 = arith.index_cast %add3A_143 : i32 to index
      %swap3A_155 = tpu.vector_load %arg8[%swap3A_153, %swap3A_154] {strides = array<i32>} : memref<4x4096xf32, #tpu.memory_space<vmem>>, vector<1x16xf32>,
      %swap3A_156 = vector.shape_cast %swap3A_155 : vector<1x16xf32> to vector<16xf32>
      %swap3A_157 = vector.shape_cast %max3A_151 : vector<16xf32> to vector<1x16xf32>
      tpu.vector_store %arg8[%swap3A_153, %swap3A_154], %swap3A_157 {strides = array<i32>} : memref<4x4096xf32, #tpu.memory_space<vmem>>, vector<1x16xf32>,
      %add3A_158 = arith.constant 32 : i32
      %add3A_159 = arith.addi %mul3A_128, %add3A_158 : i32
      %get3A_160 = arith.constant 3 : i32
      %get3A_161 = arith.index_cast %get3A_160 : i32 to index
      %get3A_162 = arith.index_cast %add3A_159 : i32 to index
      %get3A_163 = tpu.vector_load %arg5[%get3A_161, %get3A_162] {strides = array<i32>} : memref<4x4096xf32, #tpu.memory_space<vmem>>, vector<1x16xf32>,
      %get3A_164 = vector.shape_cast %get3A_163 : vector<1x16xf32> to vector<16xf32>
      %max3A_165 = arith.constant 0.000000e+00 : f32
      %max3A_166 = vector.broadcast %max3A_165 : f32 to vector<16xf32>
      %max3A_167 = arith.maximumf %get3A_164, %max3A_166 : vector<16xf32>
      %swap3A_168 = arith.constant 3 : i32
      %swap3A_169 = arith.index_cast %swap3A_168 : i32 to index
      %swap3A_170 = arith.index_cast %add3A_159 : i32 to index
      %swap3A_171 = tpu.vector_load %arg8[%swap3A_169, %swap3A_170] {strides = array<i32>} : memref<4x4096xf32, #tpu.memory_space<vmem>>, vector<1x16xf32>,
      %swap3A_172 = vector.shape_cast %swap3A_171 : vector<1x16xf32> to vector<16xf32>
      %swap3A_173 = vector.shape_cast %max3A_167 : vector<16xf32> to vector<1x16xf32>
      tpu.vector_store %arg8[%swap3A_169, %swap3A_170], %swap3A_173 {strides = array<i32>} : memref<4x4096xf32, #tpu.memory_space<vmem>>, vector<1x16xf32>,
      %add3A_174 = arith.constant 48 : i32
      %add3A_175 = arith.addi %mul3A_128, %add3A_174 : i32
      %get3A_176 = arith.constant 3 : i32
      %get3A_177 = arith.index_cast %get3A_176 : i32 to index
      %get3A_178 = arith.index_cast %add3A_175 : i32 to index
      %get3A_179 = tpu.vector_load %arg5[%get3A_177, %get3A_178] {strides = array<i32>} : memref<4x4096xf32, #tpu.memory_space<vmem>>, vector<1x16xf32>,
      %get3A_180 = vector.shape_cast %get3A_179 : vector<1x16xf32> to vector<16xf32>
      %max3A_181 = arith.constant 0.000000e+00 : f32
      %max3A_182 = vector.broadcast %max3A_181 : f32 to vector<16xf32>
      %max3A_183 = arith.maximumf %get3A_180, %max3A_182 : vector<16xf32>
      %swap3A_184 = arith.constant 3 : i32
      %swap3A_185 = arith.index_cast %swap3A_184 : i32 to index
      %swap3A_186 = arith.index_cast %add3A_175 : i32 to index
      %swap3A_187 = tpu.vector_load %arg8[%swap3A_185, %swap3A_186] {strides = array<i32>} : memref<4x4096xf32, #tpu.memory_space<vmem>>, vector<1x16xf32>,
      %swap3A_188 = vector.shape_cast %swap3A_187 : vector<1x16xf32> to vector<16xf32>
      %swap3A_189 = vector.shape_cast %max3A_183 : vector<16xf32> to vector<1x16xf32>
      tpu.vector_store %arg8[%swap3A_185, %swap3A_186], %swap3A_189 {strides = array<i32>} : memref<4x4096xf32, #tpu.memory_space<vmem>>, vector<1x16xf32>,
      %add3A_190 = arith.constant 64 : i32
      %add3A_191 = arith.addi %mul3A_128, %add3A_190 : i32
      %add3A_192 = arith.constant 0 : i32
      %add3A_193 = arith.addi %add3A_191, %add3A_192 : i32
      %get3A_194 = arith.constant 3 : i32
      %get3A_195 = arith.index_cast %get3A_194 : i32 to index
      %get3A_196 = arith.index_cast %add3A_193 : i32 to index
      %get3A_197 = tpu.vector_load %arg5[%get3A_195, %get3A_196] {strides = array<i32>} : memref<4x4096xf32, #tpu.memory_space<vmem>>, vector<1x16xf32>,
      %get3A_198 = vector.shape_cast %get3A_197 : vector<1x16xf32> to vector<16xf32>
      %mul3A_199 = arith.constant -1.000000e+00 : f32
      %mul3A_200 = vector.broadcast %mul3A_199 : f32 to vector<16xf32>
      %mul3A_201 = arith.mulf %get3A_198, %mul3A_200 : vector<16xf32>
      %exp3A = math.exp %mul3A_201 : vector<16xf32>
      %add3A_202 = arith.constant 1.000000e+00 : f32
      %add3A_203 = vector.broadcast %add3A_202 : f32 to vector<16xf32>
      %add3A_204 = arith.addf %add3A_203, %exp3A : vector<16xf32>
      %div3A = arith.divf %get3A_198, %add3A_204 : vector<16xf32>
      %swap3A_205 = arith.constant 3 : i32
      %swap3A_206 = arith.index_cast %swap3A_205 : i32 to index
      %swap3A_207 = arith.index_cast %add3A_193 : i32 to index
      %swap3A_208 = tpu.vector_load %arg8[%swap3A_206, %swap3A_207] {strides = array<i32>} : memref<4x4096xf32, #tpu.memory_space<vmem>>, vector<1x16xf32>,
      %swap3A_209 = vector.shape_cast %swap3A_208 : vector<1x16xf32> to vector<16xf32>
      %swap3A_210 = vector.shape_cast %div3A : vector<16xf32> to vector<1x16xf32>
      tpu.vector_store %arg8[%swap3A_206, %swap3A_207], %swap3A_210 {strides = array<i32>} : memref<4x4096xf32, #tpu.memory_space<vmem>>, vector<1x16xf32>,
      %add3A_211 = arith.constant 64 : i32
      %add3A_212 = arith.addi %mul3A_128, %add3A_211 : i32
      %add3A_213 = arith.constant 16 : i32
      %add3A_214 = arith.addi %add3A_212, %add3A_213 : i32
      %get3A_215 = arith.constant 3 : i32
      %get3A_216 = arith.index_cast %get3A_215 : i32 to index
      %get3A_217 = arith.index_cast %add3A_214 : i32 to index
      %get3A_218 = tpu.vector_load %arg5[%get3A_216, %get3A_217] {strides = array<i32>} : memref<4x4096xf32, #tpu.memory_space<vmem>>, vector<1x16xf32>,
      %get3A_219 = vector.shape_cast %get3A_218 : vector<1x16xf32> to vector<16xf32>
      %mul3A_220 = arith.constant -1.000000e+00 : f32
      %mul3A_221 = vector.broadcast %mul3A_220 : f32 to vector<16xf32>
      %mul3A_222 = arith.mulf %get3A_219, %mul3A_221 : vector<16xf32>
      %exp3A_223 = math.exp %mul3A_222 : vector<16xf32>
      %add3A_224 = arith.constant 1.000000e+00 : f32
      %add3A_225 = vector.broadcast %add3A_224 : f32 to vector<16xf32>
      %add3A_226 = arith.addf %add3A_225, %exp3A_223 : vector<16xf32>
      %div3A_227 = arith.divf %get3A_219, %add3A_226 : vector<16xf32>
      %swap3A_228 = arith.constant 3 : i32
      %swap3A_229 = arith.index_cast %swap3A_228 : i32 to index
      %swap3A_230 = arith.index_cast %add3A_214 : i32 to index
      %swap3A_231 = tpu.vector_load %arg8[%swap3A_229, %swap3A_230] {strides = array<i32>} : memref<4x4096xf32, #tpu.memory_space<vmem>>, vector<1x16xf32>,
      %swap3A_232 = vector.shape_cast %swap3A_231 : vector<1x16xf32> to vector<16xf32>
      %swap3A_233 = vector.shape_cast %div3A_227 : vector<16xf32> to vector<1x16xf32>
      tpu.vector_store %arg8[%swap3A_229, %swap3A_230], %swap3A_233 {strides = array<i32>} : memref<4x4096xf32, #tpu.memory_space<vmem>>, vector<1x16xf32>,
      %add3A_234 = arith.constant 64 : i32
      %add3A_235 = arith.addi %mul3A_128, %add3A_234 : i32
      %add3A_236 = arith.constant 32 : i32
      %add3A_237 = arith.addi %add3A_235, %add3A_236 : i32
      %get3A_238 = arith.constant 3 : i32
      %get3A_239 = arith.index_cast %get3A_238 : i32 to index
      %get3A_240 = arith.index_cast %add3A_237 : i32 to index
      %get3A_241 = tpu.vector_load %arg5[%get3A_239, %get3A_240] {strides = array<i32>} : memref<4x4096xf32, #tpu.memory_space<vmem>>, vector<1x16xf32>,
      %get3A_242 = vector.shape_cast %get3A_241 : vector<1x16xf32> to vector<16xf32>
      %mul3A_243 = arith.constant -1.000000e+00 : f32
      %mul3A_244 = vector.broadcast %mul3A_243 : f32 to vector<16xf32>
      %mul3A_245 = arith.mulf %get3A_242, %mul3A_244 : vector<16xf32>
      %exp3A_246 = math.exp %mul3A_245 : vector<16xf32>
      %add3A_247 = arith.constant 1.000000e+00 : f32
      %add3A_248 = vector.broadcast %add3A_247 : f32 to vector<16xf32>
      %add3A_249 = arith.addf %add3A_248, %exp3A_246 : vector<16xf32>
      %div3A_250 = arith.divf %get3A_242, %add3A_249 : vector<16xf32>
      %swap3A_251 = arith.constant 3 : i32
      %swap3A_252 = arith.index_cast %swap3A_251 : i32 to index
      %swap3A_253 = arith.index_cast %add3A_237 : i32 to index
      %swap3A_254 = tpu.vector_load %arg8[%swap3A_252, %swap3A_253] {strides = array<i32>} : memref<4x4096xf32, #tpu.memory_space<vmem>>, vector<1x16xf32>,
      %swap3A_255 = vector.shape_cast %swap3A_254 : vector<1x16xf32> to vector<16xf32>
      %swap3A_256 = vector.shape_cast %div3A_250 : vector<16xf32> to vector<1x16xf32>
      tpu.vector_store %arg8[%swap3A_252, %swap3A_253], %swap3A_256 {strides = array<i32>} : memref<4x4096xf32, #tpu.memory_space<vmem>>, vector<1x16xf32>,
      %add3A_257 = arith.constant 64 : i32
      %add3A_258 = arith.addi %mul3A_128, %add3A_257 : i32
      %add3A_259 = arith.constant 48 : i32
      %add3A_260 = arith.addi %add3A_258, %add3A_259 : i32
      %get3A_261 = arith.constant 3 : i32
      %get3A_262 = arith.index_cast %get3A_261 : i32 to index
      %get3A_263 = arith.index_cast %add3A_260 : i32 to index
      %get3A_264 = tpu.vector_load %arg5[%get3A_262, %get3A_263] {strides = array<i32>} : memref<4x4096xf32, #tpu.memory_space<vmem>>, vector<1x16xf32>,
      %get3A_265 = vector.shape_cast %get3A_264 : vector<1x16xf32> to vector<16xf32>
      %mul3A_266 = arith.constant -1.000000e+00 : f32
      %mul3A_267 = vector.broadcast %mul3A_266 : f32 to vector<16xf32>
      %mul3A_268 = arith.mulf %get3A_265, %mul3A_267 : vector<16xf32>
      %exp3A_269 = math.exp %mul3A_268 : vector<16xf32>
      %add3A_270 = arith.constant 1.000000e+00 : f32
      %add3A_271 = vector.broadcast %add3A_270 : f32 to vector<16xf32>
      %add3A_272 = arith.addf %add3A_271, %exp3A_269 : vector<16xf32>
      %div3A_273 = arith.divf %get3A_265, %add3A_272 : vector<16xf32>
      %swap3A_274 = arith.constant 3 : i32
      %swap3A_275 = arith.index_cast %swap3A_274 : i32 to index
      %swap3A_276 = arith.index_cast %add3A_260 : i32 to index
      %swap3A_277 = tpu.vector_load %arg8[%swap3A_275, %swap3A_276] {strides = array<i32>} : memref<4x4096xf32, #tpu.memory_space<vmem>>, vector<1x16xf32>,
      %swap3A_278 = vector.shape_cast %swap3A_277 : vector<1x16xf32> to vector<16xf32>
      %swap3A_279 = vector.shape_cast %div3A_273 : vector<16xf32> to vector<1x16xf32>
      tpu.vector_store %arg8[%swap3A_275, %swap3A_276], %swap3A_279 {strides = array<i32>} : memref<4x4096xf32, #tpu.memory_space<vmem>>, vector<1x16xf32>,
    }
    %scan3A_101 = arith.constant 32 : i32
    %add3A_102 = arith.constant 508 : i32
    %add3A_103 = arith.addi %mul3A_2, %add3A_102 : i32
    %dma_start3A_104 = arith.constant 0 : i32
    %dma_start3A_105 = tpu.memref_slice %arg3[%add3A_103, %dma_start3A_104] : memref<16384x4096xf32, #tpu.memory_space<hbm>> -> memref<4x4096xf32, #tpu.memory_space<hbm>>
    %dma_start3A_106 = arith.constant 0 : i32
    %dma_start3A_107 = tpu.memref_slice %arg3[%add3A_103, %dma_start3A_106] : memref<16384x4096xf32, #tpu.memory_space<hbm>> -> memref<4x4096xf32, #tpu.memory_space<hbm>>
    tpu.enqueue_dma source(%arg8 : memref<4x4096xf32, #tpu.memory_space<vmem>>) target(%dma_start3A_107 : memref<4x4096xf32, #tpu.memory_space<hbm>>) target_semaphore(%arg14 : memref<!tpu.dma_semaphore, #tpu.memory_space<semaphore_mem>>)
    %add3A_108 = arith.constant 500 : i32
    %add3A_109 = arith.addi %mul3A_2, %add3A_108 : i32
    %dma_wait3A_110 = arith.constant 0 : i32
    %dma_wait3A_111 = tpu.memref_slice %arg3[%add3A_109, %dma_wait3A_110] : memref<16384x4096xf32, #tpu.memory_space<hbm>> -> memref<4x4096xf32, #tpu.memory_space<hbm>>
    %dma_wait3A_112 = arith.constant 0 : i32
    %dma_wait3A_113 = tpu.memref_slice %arg3[%add3A_109, %dma_wait3A_112] : memref<16384x4096xf32, #tpu.memory_space<hbm>> -> memref<4x4096xf32, #tpu.memory_space<hbm>>
    tpu.wait_dma2 semaphore(%arg15 : memref<!tpu.dma_semaphore, #tpu.memory_space<semaphore_mem>>) src(%arg9 : memref<4x4096xf32, #tpu.memory_space<vmem>>) dst(%dma_wait3A_113 : memref<4x4096xf32, #tpu.memory_space<hbm>>)
    %add3A_114 = arith.constant 504 : i32
    %add3A_115 = arith.addi %mul3A_2, %add3A_114 : i32
    %dma_wait3A_116 = arith.constant 0 : i32
    %dma_wait3A_117 = tpu.memref_slice %arg3[%add3A_115, %dma_wait3A_116] : memref<16384x4096xf32, #tpu.memory_space<hbm>> -> memref<4x4096xf32, #tpu.memory_space<hbm>>
    %dma_wait3A_118 = arith.constant 0 : i32
    %dma_wait3A_119 = tpu.memref_slice %arg3[%add3A_115, %dma_wait3A_118] : memref<16384x4096xf32, #tpu.memory_space<hbm>> -> memref<4x4096xf32, #tpu.memory_space<hbm>>
    tpu.wait_dma2 semaphore(%arg13 : memref<!tpu.dma_semaphore, #tpu.memory_space<semaphore_mem>>) src(%arg7 : memref<4x4096xf32, #tpu.memory_space<vmem>>) dst(%dma_wait3A_119 : memref<4x4096xf32, #tpu.memory_space<hbm>>)
    %add3A_120 = arith.constant 508 : i32
    %add3A_121 = arith.addi %mul3A_2, %add3A_120 : i32
    %dma_wait3A_122 = arith.constant 0 : i32
    %dma_wait3A_123 = tpu.memref_slice %arg3[%add3A_121, %dma_wait3A_122] : memref<16384x4096xf32, #tpu.memory_space<hbm>> -> memref<4x4096xf32, #tpu.memory_space<hbm>>
    %dma_wait3A_124 = arith.constant 0 : i32
    %dma_wait3A_125 = tpu.memref_slice %arg3[%add3A_121, %dma_wait3A_124] : memref<16384x4096xf32, #tpu.memory_space<hbm>> -> memref<4x4096xf32, #tpu.memory_space<hbm>>
    tpu.wait_dma2 semaphore(%arg14 : memref<!tpu.dma_semaphore, #tpu.memory_space<semaphore_mem>>) src(%arg8 : memref<4x4096xf32, #tpu.memory_space<vmem>>) dst(%dma_wait3A_125 : memref<4x4096xf32, #tpu.memory_space<hbm>>)
    return
  }
}

</mosaic_0001>

<sc_bundles>
// kernel: kernel.3.cloned.1.call-start
scs
__scs_entry_jumppad:
0x0: {  	(pc) =	sbr.rel $0x88, $3  }
0x1: {  	(tag) =	ssettag $0x0;
	lr =	simm.s32 $0x1  }
0x2: {  	[smem:$0x3FA0] =	sst lr;
	_ =	strace $0xD0000000  }
0x3: {  	_ = 	snop  }
0x4: {  	_ = 	snop  }
0x5: {  	_ = 	snop  }
0x6: {  	_ = 	snop  }
0x7: {  	_ = 	snop  }
__scs_overlays_trampoline_lowered:
0x8: {  	[smem:$0x3FAF] =	sst s0  }
0x9: {  	[smem:$0x3FB0] =	sst s1  }
0xa: {  	[smem:$0x3FB1] =	sst s2  }
0xb: {  	[smem:$0x3FB2] =	sst s3  }
0xc: {  	[smem:$0x3FB3] =	sst s4  }
0xd: {  	[smem:$0x3FB4] =	sst s5  }
0xe: {  	[smem:$0x3FB5] =	sst s6  }
0xf: {  	[smem:$0x3FB6] =	sst s7  }
0x10: {  	[smem:$0x3FB7] =	sst s8  }
0x11: {  	[smem:$0x3FB8] =	sst s9;
	s0 =	simm.s32 @!p0 $0x0  }
0x12: {  	s1 =	sld [smem:$0x3F9E];
	s0 =	simm.s32 @p0 $0x1  }
0x13: {  	[smem:$0x3FB9] =	sst s0;
	s0 =	simm.s32 @!p1 $0x0  }
0x14: {  	s2 =	sld [smem:$0x3F9D];
	s0 =	simm.s32 @p1 $0x1  }
0x15: {  	[smem:$0x3FBA] =	sst s0;
	s0 =	simm.s32 @!p2 $0x0  }
0x16: {  	s3 =	sld [smem:$0x3FDB];
	s0 =	simm.s32 @p2 $0x1  }
0x17: {  	s4 =	simm.s32 $0x1BF5;
	[smem:$0x3FBC] =	sst s0  }
0x18: {  	s0 =	sld [smem:$0x3F9F];
	_ =	swait.ge [sflag:s4], $0x0  }
0x19: {  	s7 =	sld [smem:$0x3FA0]  }
0x1a: {  	s8 =	sadd.s32 $0xFFFFE003, lr  }
0x1b: {  	s9 =	sadd.s32 $0xFFFFFEF7, lr;
	s5 =	simm.s32 $0xFFFFFFFF;
	p2 =	slt.u32 s8, $0xFFFFF086  }
0x1c: {  	p1 =	slt.u32 s9, $0xF7A;
	s5 =	simm.s32 @!p2 $0x0  }
0x1d: {  	s5 =	simm.s32 @p1 $0x1;
	p0 =	seq.s32 s7, s2  }
0x1e: {  	s7 =	smul.u32 @!p0 $0xF7A, s2;
	p2 =	seq.s32 @!p0 s5, $0x0  }
0x1f: {  	s9 =	smul.u32 $0xF7A, s1;
	s8 =	simm.s32 @!p0 $0x1BF5;
	p2 =	por !p2, p0  }
0x20: {  	[sflag:s8] =	ssyncset.s32 @!p0 $0xFFFFF086;
	s6 =	sadd.s32 @!p0 s3, s7;
	s7 =	simm.s32 @!p0 $0x108  }
0x21: {  	s3 =	sadd.s32 s3, s9;
	s6 =	sadd.s32 @!p0 $0x88, s6;
	s7 =	simm.s32 @p2 $0x1082  }
0x22: {  	[simem:s7], [sflag:s8] =	dma.local @!p0 [hbm:s6], $0xF7A  }
0x23: {  	s9 =	sor.u32 $0xD0000000, s2;
	s6 =	simm.s32 $0x108;
	_ =	swait.ge @!p0 [sflag:s8], $0x0  }
0x24: {  	s3 =	sadd.s32 $0x88, s3;
	s6 =	simm.s32 @!p1 $0x1082;
	[sflag:s4] =	ssyncset.s32 $0xFFFFF086  }
0x25: {  	[simem:s6], [sflag:s4] =	dma.local [hbm:s3], $0xF7A  }
0x26: {  	[smem:$0x3FA0] =	sst s1;
	(tag) =	ssettag s2;
	_ =	strace s9  }
0x27: {  	s1 =	sld [smem:$0x3FB0]  }
0x28: {  	s2 =	sld [smem:$0x3FB1]  }
0x29: {  	s4 =	sld [smem:$0x3FB3]  }
0x2a: {  	p0 =	seq.s32 s5, $0x0;
	s5 =	sld [smem:$0x3FB4]  }
0x2b: {  	s6 =	sld [smem:$0x3FB5]  }
0x2c: {  	s7 =	sld [smem:$0x3FB6]  }
0x2d: {  	s3 =	simm.s32 $0x108;
	s8 =	sld [smem:$0x3FB7]  }
0x2e: {  	s3 =	simm.s32 @!p0 $0x1082;
	s9 =	sld [smem:$0x3FB8]  }
0x2f: {  	lr =	sadd.s32 s0, s3;
	s0 =	sld [smem:$0x3FAF]  }
0x30: {  	s3 =	sld [smem:$0x3FB2]  }
0x31: {  	[smem:$0x3FBB] =	sst s10  }
0x32: {  	s10 =	sld [smem:$0x3FB9];
	_ =	sdelay $0x3  }
0x33: {  	p0 =	seq.s32 s10, $0x1;
	s10 =	sld [smem:$0x3FBB];
	_ =	sdelay $0x3  }
0x34: {  	[smem:$0x3FBB] =	sst s10  }
0x35: {  	s10 =	sld [smem:$0x3FBA];
	_ =	sdelay $0x3  }
0x36: {  	p1 =	seq.s32 s10, $0x1;
	s10 =	sld [smem:$0x3FBB];
	_ =	sdelay $0x3  }
0x37: {  	[smem:$0x3FBB] =	sst s10  }
0x38: {  	s10 =	sld [smem:$0x3FBC]  }
0x39: {  	_ = 	snop;
	(pc) =	sbr.ind lr, $3  }
0x3a: {  	_ = 	snop  }
0x3b: {  	_ = 	snop  }
0x3c: {  	p2 =	seq.s32 s10, $0x1;
	s10 =	sld [smem:$0x3FBB]  }
0x3d: {  	_ =	shalt  }
0x3e: {  	_ =	shalt  }
0x3f: {  	_ =	shalt  }
0x40: {  	_ =	shalt  }
0x41: {  	_ =	shalt  }
0x42: {  	_ =	shalt  }
0x43: {  	_ =	shalt  }
0x44: {  	_ =	shalt  }
0x45: {  	_ =	shalt  }
0x46: {  	_ =	shalt  }
0x47: {  	_ =	shalt  }
0x48: {  	_ =	shalt  }
0x49: {  	_ =	shalt  }
0x4a: {  	_ =	shalt  }
0x4b: {  	_ =	shalt  }
0x4c: {  	_ =	shalt  }
0x4d: {  	_ =	shalt  }
0x4e: {  	_ =	shalt  }
0x4f: {  	_ =	shalt  }
0x50: {  	_ =	shalt  }
0x51: {  	_ =	shalt  }
0x52: {  	_ =	shalt  }
0x53: {  	_ =	shalt  }
0x54: {  	_ =	shalt  }
0x55: {  	_ =	shalt  }
0x56: {  	_ =	shalt  }
0x57: {  	_ =	shalt  }
0x58: {  	_ =	shalt  }
0x59: {  	_ =	shalt  }
0x5a: {  	_ =	shalt  }
0x5b: {  	_ =	shalt  }
0x5c: {  	_ =	shalt  }
0x5d: {  	_ =	shalt  }
0x5e: {  	_ =	shalt  }
0x5f: {  	_ =	shalt  }
0x60: {  	_ =	shalt  }
0x61: {  	_ =	shalt  }
0x62: {  	_ =	shalt  }
0x63: {  	_ =	shalt  }
0x64: {  	_ =	shalt  }
0x65: {  	_ =	shalt  }
0x66: {  	_ =	shalt  }
0x67: {  	_ =	shalt  }
0x68: {  	_ =	shalt  }
0x69: {  	_ =	shalt  }
0x6a: {  	_ =	shalt  }
0x6b: {  	_ =	shalt  }
0x6c: {  	_ =	shalt  }
0x6d: {  	_ =	shalt  }
0x6e: {  	_ =	shalt  }
0x6f: {  	_ =	shalt  }
0x70: {  	_ =	shalt  }
0x71: {  	_ =	shalt  }
0x72: {  	_ =	shalt  }
0x73: {  	_ =	shalt  }
0x74: {  	_ =	shalt  }
0x75: {  	_ =	shalt  }
0x76: {  	_ =	shalt  }
0x77: {  	_ =	shalt  }
0x78: {  	_ =	shalt  }
0x79: {  	_ =	shalt  }
0x7a: {  	_ =	shalt  }
0x7b: {  	_ =	shalt  }
0x7c: {  	_ =	shalt  }
0x7d: {  	_ =	shalt  }
0x7e: {  	_ =	shalt  }
0x7f: {  	_ =	shalt  }
0x80: {  	_ =	shalt  }
0x81: {  	_ =	shalt  }
0x82: {  	_ =	shalt  }
0x83: {  	_ =	shalt  }
0x84: {  	_ =	shalt  }
0x85: {  	_ =	shalt  }
0x86: {  	_ =	shalt  }
0x87: {  	_ =	shalt  }
.Lfunc_end0:
.L_simem_size_0:
called_computation_lowered:
.L_overlay_start_0:
0x88: {  	s2 =	sld [smem:$0x3FD9]  }
0x89: {  	s3 =	sld [smem:$0x3FFE];
	_ =	sdelay $0x1  }
0x8a: {  	s1 =	srdreg.scid  }
0x8b: {  	s0 =	sand.u32 $0x1, s1  }
0x8c: {  	s18 =	sshll.u32 s0, $0xA;
	s2 =	sadd.s32 s3, s2  }
0x8d: {  	s2 =	sadd.s32 s2, s18  }
0x8e: {  	[smem:$0x3FC7] =	sst s2  }
0x8f: {  	_ = 	snop  }
0x90: {  	s2 =	sld [smem:$0x3FC9]  }
0x91: {  	s19 =	sld [smem:$0x3FD0];
	(tm) =	ssettm $0x1  }
0x92: {  	s4 =	sld [smem:$0x3FFB];
	_ =	sdelay $0x3  }
0x93: {  	_ =	strace s4  }
0x94: {  	s4 =	sld [smem:$0x3FFC];
	_ =	sdelay $0x3  }
0x95: {  	_ =	strace s4  }
0x96: {  	s4 =	sld [smem:$0x3FFD];
	_ =	sdelay $0x3  }
0x97: {  	_ =	strace s4  }
0x98: {  	_ =	strace $0x8FFFFFFF  }
0x99: {  	s20 =	sld [smem:$0x3FDB];
	_ =	sdelay $0x1  }
0x9a: {  	s5 =	simm.s32 $_scs_section_size  }
0x9b: {  	s6 =	simm.s32 $_size__tile_overlayer_lowered;
	s7 =	simm.s32 $_tile_overlayer_lowered  }
0x9c: {  	s23 =	simm.s32 $0x1BFF;
	s22 =	sshll.u32 s7, $0x1;
	s4 =	sadd.s32 s5, s20  }
0x9d: {  	s8 =	simm.s32 $0x0;
	s21 =	sshll.u32 s6, $0x1;
	s6 =	sadd.s32 s22, s4  }
0x9e: {  	[timem:s8], [sflag:s23] =	dma.local [hbm:s6], s21  }
0x9f: {  	_ =	swait.ge [sflag:s23], s21  }
0xa0: {  	s5 =	ssub.s32 $0x0, s21;
	[sflag:s23] =	ssyncset.done $0x0  }
0xa1: {  	[sflag:s23] =	ssyncadd.s32 s5;
	_ =	sdelay $0x1  }
0xa2: {  	s24 =	simm.s32 $0x1B8B  }
0xa3: {  	_ =	swait.ge [sflag:s24], $0x1  }
0xa4: {  	[sflag:s24] =	ssyncset.done $0x0  }
0xa5: {  	s25 =	simm.s32 $0x1B8E;
	[sflag:s24] =	ssyncadd.s32 $0xFFFFFFFF  }
0xa6: {  	s26 =	simm.s32 $execute0_lowered;
	[smem:$0x3FD2] =	sst s25  }
0xa7: {  	s5 =	sshll.u32 s26, $0x1;
	_ =	strace $0x80000046;
	[dreg:$0x1] =	wrdreg $0xFFFFFFFF  }
0xa8: {  	s28 =	simm.s32 $_size_execute0_lowered;
	s4 =	sadd.s32 s4, s5;
	[dreg:$0x0] =	wrdreg $0x0  }
0xa9: {  	s5 =	sshll.u32 s28, $0x1;
	[dreg:$0x2] =	wrdreg s4  }
0xaa: {  	[dreg:$0x3] =	wrdreg s5  }
0xab: {  	[dreg:$0x4] =	wrdreg $0xC0  }
0xac: {  	_ =	task [dreg:s8], $0x5FFFF  }
0xad: {  	[dreg:$0x1] =	wrdreg $0xFFFFFFFF  }
0xae: {  	[dreg:$0x0] =	wrdreg $0x60  }
0xaf: {  	[dreg:$0x2] =	wrdreg s2  }
0xb0: {  	[dreg:$0x3] =	wrdreg s19  }
0xb1: {  	[dreg:$0x4] =	wrdreg $0x9  }
0xb2: {  	_ =	task.clear_ibuf [dreg:s8], $0x5FFFF;
	_ =	strace $0x90000046  }
0xb3: {  	s29 =	simm.s32 $0x9;
	_ =	strace $0x80000048  }
0xb4: {  	_ =	swait.ge [sflag:s29], $0x1  }
0xb5: {  	[sflag:s29] =	ssyncadd.s32 $0xFFFFFFFF  }
0xb6: {  	_ =	strace $0x90000048  }
0xb7: {  	_ =	sfence  }
0xb8: {  	s30 =	sld [smem:$0x0];
	_ =	sdelay $0x2  }
0xb9: {  	s31 =	sshll.u32 s1, $0xD;
	s1 =	sshrl.u32 s1, $0x2  }
0xba: {  	s3 =	sand.u32 $0x4000, s31;
	s1 =	sadd.s32 s1, s30  }
0xbb: {  	s0 =	sor.u32 s3, s0;
	s1 =	sshll.u32 s1, $0x11  }
0xbc: {  	s0 =	sor.u32 s1, s0  }
0xbd: {  	s0 =	sadd.s32 $0x8F2B, s0  }
0xbe: {  	[sflag:s0] =	ssyncadd.remote.s32 $0x1  }
0xbf: {  	_ =	sfence.sel $0xFFFF  }
0xc0: {  	[dreg:$0x0] =	wrdreg $0xFFFFFFFF;
	(pc) =	sbr.abs _section_cstart, $3  }
0xc1: {  	[dreg:$0x1] =	wrdreg $0xFFFFFFFF  }
0xc2: {  	_ =	task.clear_ibuf [dreg:s8], $0x2FFFF;
	_ =	strace $0x9FFFFFFF  }
0xc3: {  	(tm) =	ssettm $0x7FFFFFFF  }
tec
execute0_lowered:
.L_overlay_start_1:
0x0: {  	(tag) =	ssettag $0x1  }
0x1: {  	s0 =	srdreg.scid;
	s2 =	rddreg [dreg:$0x0]  }
0x2: {  	s1 =	stileid.u32;
	s3 =	rddreg [dreg:$0x1]  }
0x3: {  	s5 =	simm.s32 $0x0;
	s15 =	simm.s32 $0x200;
	s16 =	simm.s32 $0x400  }
0x4: {  	s17 =	simm.s32 $0x4000;
	s19 =	simm.s32 $0x1;
	s0 =	sand.u32 $0x1, s0  }
0x5: {  	s20 =	simm.s32 $0xC000;
	s1 =	sshll.u32 s1, $0xA;
	s4 =	sshll.u32 s0, $0x9  }
0x6: {  	s21 =	simm.s32 $0x2;
	s0 =	ssub.s32 $0x2, s0;
	s4 =	sor.u32 s4, s1  }
0x7: {  	s22 =	simm.s32 $0x10000;
	s26 =	sshrl.u32 s0, $0x1;
	s6 =	sshll.u32 s4, $0x9  }
0x8: {  	[smem:$0x7FF] =	sst s5;
	s0 =	ssub.s32 s0, s26;
	s7 =	sadd.s32 s2, s6  }
0x9: {  	_ =	strace $0x80000047;
	s0 =	smax.u32 s0, $0x1;
	[dreg:$0x3] =	wrdreg s7  }
0xa: {  	s23 =	simm.s32 $0x3;
	s28 =	sadd.s32 $0x40, s7;
	[dreg:$0x8] =	wrdreg s0  }
0xb: {  	s30 =	sadd.s32 s6, s3;
	s29 =	sadd.s32 $0x1000, s7;
	[dreg:$0x4] =	wrdreg s28  }
0xc: {  	s24 =	simm.s32 $0x14000;
	s31 =	sadd.s32 $0x3F000, s30;
	[dreg:$0x5] =	wrdreg s29  }
0xd: {  	s10 =	sor.u32 $0x10, s4;
	s1 =	sadd.s32 $0x3F040, s30;
	[dreg:$0x6] =	wrdreg s31  }
0xe: {  	s11 =	sor.u32 $0x8, s4;
	[dreg:$0x7] =	wrdreg s1;
	s1 =	simm.s32 $0x0  }
.LBB2_1:
0xf: {  	[dreg:$0x9] =	wrdreg s1  }
0x10: {  	s0 =	rddreg [dreg:$0x3]  }
0x11: {  	[tilespmem:s5], [sflag:$0x1] =	stream.strided.gather [hbm4b:s0+s15], $0x4000, s16, s15, $0x38;
	[tilespmem:$0x18000] =	vst v63  }
0x12: {  	s28 =	rddreg [dreg:$0x4]  }
0x13: {  	[tilespmem:s17], [sflag:$0x2] =	stream.strided.gather [hbm4b:s28+s15], $0x4000, s16, s15, $0x38;
	[tilespmem:$0x18000] =	vst v63  }
0x14: {  	s29 =	rddreg [dreg:$0x5];
	s31 =	simm.s32 $0x8000;
	s30 =	simm.s32 $0x0  }
0x15: {  	[tilespmem:s31], [sflag:$0x3] =	stream.strided.gather [hbm4b:s29+s15], $0x4000, s16, s15, $0x38;
	[tilespmem:$0x18000] =	vst v63  }
.LBB2_2:
0x16: {  	_ =	swait.ge [sflag:s19], $0x4000  }
0x17: {  	p0 =	seq.s32 s30, $0x0;
	[sflag:s19] =	ssyncset.done $0x0  }
0x18: {  	s0 =	simm.s32 @!p0 $0x4;
	[sflag:s19] =	ssyncadd.s32 $0xFFFFC000  }
0x19: {  	_ =	swait.ge @!p0 [sflag:s0], $0x4000  }
0x1a: {  	[sflag:s0] =	ssyncset.done @!p0 $0x0  }
0x1b: {  	s13 =	simm.s32 $0x0;
	[sflag:s0] =	ssyncadd.s32 @!p0 $0xFFFFC000  }
0x1c: {  	v17 =	vld [tilespmem:s13+$0x70]  }
0x1d: {  	v9 =	vld [tilespmem:s13+$0x40]  }
0x1e: {  	v0 =	vld [tilespmem:s13+$0x0]  }
0x1f: {  	v8 =	vld [tilespmem:s13+$0x50]  }
0x20: {  	v1 =	vld [tilespmem:s13+$0x10]  }
0x21: {  	v3 =	vld [tilespmem:s13+$0x20];
	v2 =	vmul.f32 $-1.442695020e+00, v17  }
0x22: {  	v6 =	vld [tilespmem:s13+$0x60]  }
0x23: {  	s0 =	simm.s32 $0x200;
	v5 =	vld [tilespmem:s13+$0x30];
	v0 =	vmax.f32 v0, $0.0e+00;
	(erf) = vpow2.f32 v2  }
0x24: {  	v4 =	vld [tilespmem:s0+$0x70];
	[tilespmem:s13+$0xC000] =	vst v0  }
0x25: {  	v1 =	vmax.f32 v1, $0.0e+00;
	v7 =	vmul.f32 $-1.442695020e+00, v9;
	v2 =	vld [tilespmem:s0+$0x40]  }
0x26: {  	v3 =	vmax.f32 v3, $0.0e+00;
	v10 =	vmul.f32 $-1.442695020e+00, v8;
	v0 =	vld [tilespmem:s0+$0x50];
	[tilespmem:s13+$0xC010] =	vst v1  }
0x27: {  	v1 =	vld [tilespmem:s0+$0x60];
	[tilespmem:s13+$0xC020] =	vst v3;
	v3 =	vmul.f32 $-1.442695020e+00, v6;
	(erf) = vpow2.f32 v7  }
0x28: {  	(erf) = vpow2.f32 v10  }
0x29: {  	v7 =	vld [tilespmem:s0+$0x0];
	(erf) = vpow2.f32 v3;
	_ =	sdelay $0x1  }
0x2a: {  	v3 =	vmax.f32 v5, $0.0e+00;
	v5 =	vmul.f32 $-1.442695020e+00, v4  }
0x2b: {  	v10 =	vld [tilespmem:s0+$0x10];
	v13 =	vmul.f32 $-1.442695020e+00, v2;
	v14 =	vpop (erf)  }
0x2c: {  	v11 =	vld [tilespmem:s0+$0x20];
	(erf) = vpow2.f32 v5;
	v5 =	vadd.f32 $1.000000000e+00, v14  }
0x2d: {  	s12 =	simm.s32 $0x400;
	v12 =	vld [tilespmem:s0+$0x30];
	[tilespmem:s13+$0xC030] =	vst v3;
	v7 =	vmax.f32 v7, $0.0e+00;
	(erf) = vpow2.f32 v13;
	v14 =	vmul.f32 $-1.442695020e+00, v0  }
0x2e: {  	v3 =	vld [tilespmem:s12+$0x70];
	[tilespmem:s0+$0xC000] =	vst v7;
	(erf) = vrcp.f32 v5  }
0x2f: {  	v7 =	vld [tilespmem:s12+$0x40];
	v13 =	vpop (erf);
	(erf) = vpow2.f32 v14;
	v14 =	vmul.f32 $-1.442695020e+00, v1  }
0x30: {  	v10 =	vmax.f32 v10, $0.0e+00;
	v15 =	vpop (erf)  }
0x31: {  	v11 =	vmax.f32 v11, $0.0e+00;
	v13 =	vadd.f32 $1.000000000e+00, v13;
	v5 =	vld [tilespmem:s12+$0x50];
	[tilespmem:s0+$0xC010] =	vst v10;
	v16 =	vpop (erf);
	(erf) = vpow2.f32 v14  }
0x32: {  	v15 =	vadd.f32 $1.000000000e+00, v15;
	v10 =	vld [tilespmem:s12+$0x60];
	[tilespmem:s0+$0xC020] =	vst v11;
	v11 =	vadd.f32 $1.000000000e+00, v16  }
0x33: {  	v18 =	vld [tilespmem:s12+$0x0];
	v14 =	vmul.f32 $-1.442695020e+00, v3;
	(erf) = vrcp.f32 v13  }
0x34: {  	v20 =	vmul.f32 $-1.442695020e+00, v7;
	(erf) = vrcp.f32 v15  }
0x35: {  	s1 =	smul.u32 $0xC, s30;
	(erf) = vrcp.f32 v11  }
0x36: {  	s31 =	smul.u32 $0x3, s30;
	s29 =	sshll.u32 s30, $0x6;
	v19 =	vmax.f32 v12, $0.0e+00;
	v13 =	vld [tilespmem:s12+$0x10];
	v11 =	vpop (erf)  }
0x37: {  	s28 =	simm.s32 $0x2000;
	s14 =	simm.s32 $0x400;
	s7 =	sadd.s32 s4, s1;
	v12 =	vld [tilespmem:s12+$0x20];
	v16 =	vmul.f32 $-1.442695020e+00, v5;
	(erf) = vpow2.f32 v14;
	v21 =	vadd.f32 $1.000000000e+00, v11;
	v14 =	vpop (erf)  }
0x38: {  	s26 =	simm.s32 $0x0;
	s25 =	simm.s32 $0x200;
	s7 =	sshll.u32 s7, $0x9;
	v15 =	vmul.f32 $-1.442695020e+00, v10;
	v11 =	vld [tilespmem:s12+$0x30];
	[tilespmem:s0+$0xC030] =	vst v19;
	v19 =	vmax.f32 v18, $0.0e+00;
	(erf) = vpow2.f32 v20;
	v20 =	vpop (erf)  }
0x39: {  	s8 =	sand.u32 $0x40, s29;
	s9 =	sand.u32 $0xFFF000, s7;
	s7 =	simm.s32 $0x600;
	v14 =	vadd.f32 $1.000000000e+00, v14;
	(erf) = vrcp.f32 v21;
	v18 =	vpop (erf);
	v17 =	vmul.f32 v20, v17  }
.LBB2_3:
0x3a: {  	(erf) = vpow2.f32 v16;
	v16 =	vadd.f32 $1.000000000e+00, v18;
	v18 =	vpop (erf)  }
0x3b: {  	p1 =	sne.s32 s28, $0xF800;
	[tilespmem:s14+$0xC000] =	vst v19;
	v13 =	vmax.f32 v13, $0.0e+00;
	v20 =	vmovc v4;
	v4 =	vmovc v3;
	v3 =	vld [tilespmem:s7+$0x70];
	v19 =	vmov v5;
	v21 =	vmov v10  }
0x3c: {  	v22 =	vld [tilespmem:s7+$0x40];
	v12 =	vmax.f32 v12, $0.0e+00;
	(erf) = vpow2.f32 v15;
	v15 =	vadd.f32 $1.000000000e+00, v18;
	[tilespmem:s26+$0xC070] =	vst v17;
	v10 =	vpop (erf)  }
0x3d: {  	v5 =	vld [tilespmem:s7+$0x50];
	[tilespmem:s14+$0xC010] =	vst v13;
	v17 =	vmax.f32 v11, $0.0e+00;
	(erf) = vrcp.f32 v14;
	v11 =	vmul.f32 v10, v9;
	v9 =	vpop (erf)  }
0x3e: {  	v10 =	vld [tilespmem:s7+$0x60];
	[tilespmem:s14+$0xC020] =	vst v12;
	(erf) = vrcp.f32 v16;
	v12 =	vmul.f32 v9, v8;
	v8 =	vpop (erf);
	v9 =	vmov v2  }
0x3f: {  	v2 =	vmovc v7;
	v18 =	vld [tilespmem:s7+$0x0];
	(erf) = vrcp.f32 v15;
	[tilespmem:s26+$0xC040] =	vst v11;
	v11 =	vmul.f32 v8, v6;
	v8 =	vmovc v0;
	v0 =	vmov v19  }
.Ltmp0:
0x40: {  	v6 =	vmov v1;
	v1 =	vmov v21;
	v13 =	vld [tilespmem:s7+$0x10];
	v23 =	vmul.f32 $-1.442695020e+00, v3;
	[tilespmem:s26+$0xC050] =	vst v12;
	(pc) =	sbr.rel @p1 .LBB2_3-.Ltmp0, $4  }
0x41: {  	v12 =	vld [tilespmem:s7+$0x20];
	v19 =	vmul.f32 $-1.442695020e+00, v22;
	v15 =	vpop (erf);
	[tilespmem:s26+$0xC060] =	vst v11;
	v7 =	vmov v22;
	s26 =	smov.u32 s25;
	s25 =	smov.u32 s14;
	s14 =	smov.u32 s7  }
0x42: {  	v11 =	vld [tilespmem:s14+$0x30];
	v16 =	vmul.f32 $-1.442695020e+00, v5;
	(erf) = vpow2.f32 v23;
	[tilespmem:s25+$0xC030] =	vst v17;
	v17 =	vadd.f32 $1.000000000e+00, v15;
	v14 =	vpop (erf)  }
0x43: {  	v15 =	vmul.f32 $-1.442695020e+00, v10;
	(erf) = vpow2.f32 v19;
	v14 =	vadd.f32 $1.000000000e+00, v14;
	v21 =	vpop (erf)  }
0x44: {  	s7 =	sshra.s32 s28, $0x2;
	s28 =	sadd.s32 $0x800, s28;
	v19 =	vmax.f32 v18, $0.0e+00;
	v18 =	vpop (erf);
	(erf) = vrcp.f32 v17;
	v17 =	vmul.f32 v21, v20  }
0x45: {  	v20 =	vld [tilespmem:s7+$0x70];
	[tilespmem:s14+$0xC000] =	vst v19  }
0x46: {  	(erf) = vpow2.f32 v16;
	v18 =	vadd.f32 $1.000000000e+00, v18;
	v19 =	vld [tilespmem:s7+$0x40]  }
0x47: {  	v13 =	vmax.f32 v13, $0.0e+00;
	v16 =	vpop (erf);
	[tilespmem:s26+$0xC070] =	vst v17;
	(erf) = vpow2.f32 v15  }
0x48: {  	v15 =	vpop (erf);
	v17 =	vld [tilespmem:s7+$0x50];
	[tilespmem:s14+$0xC010] =	vst v13;
	v13 =	vadd.f32 $1.000000000e+00, v16;
	(erf) = vrcp.f32 v14  }
0x49: {  	v14 =	vpop (erf);
	(erf) = vrcp.f32 v18  }
0x4a: {  	v16 =	vld [tilespmem:s7+$0x60];
	v18 =	vpop (erf);
	(erf) = vrcp.f32 v13  }
0x4b: {  	v21 =	vmul.f32 $-1.442695020e+00, v20;
	v13 =	vmul.f32 $-1.442695020e+00, v19  }
0x4c: {  	v22 =	vpop (erf)  }
0x4d: {  	v9 =	vmul.f32 v15, v9;
	(erf) = vpow2.f32 v21;
	v57 =	vadd.f32 $1.000000000e+00, v22  }
0x4e: {  	v12 =	vmax.f32 v12, $0.0e+00;
	v58 =	vmul.f32 $-1.442695020e+00, v17;
	(erf) = vpow2.f32 v13  }
0x4f: {  	v23 =	vmul.f32 $-1.442695020e+00, v16;
	v13 =	vpop (erf);
	(erf) = vrcp.f32 v57  }
0x50: {  	v59 =	vpop (erf);
	(erf) = vpow2.f32 v58  }
0x51: {  	[tilespmem:s14+$0xC020] =	vst v12;
	v8 =	vmul.f32 v14, v8;
	v12 =	vpop (erf);
	(erf) = vpow2.f32 v23  }
0x52: {  	v60 =	vld [tilespmem:s7+$0x0];
	[tilespmem:s26+$0xC040] =	vst v9;
	v15 =	vpop (erf)  }
0x53: {  	v14 =	vld [tilespmem:s7+$0x10];
	v6 =	vmul.f32 v18, v6;
	[tilespmem:s26+$0xC050] =	vst v8;
	v8 =	vadd.f32 $1.000000000e+00, v13;
	v9 =	vpop (erf)  }
0x54: {  	v61 =	vpop (erf)  }
0x55: {  	v18 =	vld [tilespmem:s7+$0x20];
	[tilespmem:s26+$0xC060] =	vst v6;
	v6 =	vmax.f32 v11, $0.0e+00;
	v11 =	vadd.f32 $1.000000000e+00, v15;
	v13 =	vpop (erf)  }
0x56: {  	v12 =	vadd.f32 $1.000000000e+00, v12;
	v24 =	vpop (erf)  }
0x57: {  	(erf) = vrcp.f32 v8;
	v8 =	vpop (erf)  }
0x58: {  	v4 =	vmul.f32 v59, v4;
	(erf) = vrcp.f32 v12;
	v12 =	vadd.f32 $1.000000000e+00, v24;
	v62 =	vpop (erf)  }
0x59: {  	v15 =	vld [tilespmem:s7+$0x30];
	[tilespmem:s14+$0xC030] =	vst v6;
	v6 =	vmax.f32 v60, $0.0e+00;
	(erf) = vrcp.f32 v11;
	v8 =	vadd.f32 $1.000000000e+00, v8;
	v11 =	vpop (erf)  }
0x5a: {  	[tilespmem:s7+$0xC000] =	vst v6;
	(erf) = vrcp.f32 v12;
	v6 =	vadd.f32 $1.000000000e+00, v11;
	v11 =	vpop (erf)  }
0x5b: {  	[tilespmem:s25+$0xC070] =	vst v4;
	v12 =	vmax.f32 v14, $0.0e+00;
	(erf) = vrcp.f32 v8;
	v4 =	vadd.f32 $1.000000000e+00, v11  }
0x5c: {  	v2 =	vmul.f32 v9, v2;
	v8 =	vmax.f32 v18, $0.0e+00;
	[tilespmem:s7+$0xC010] =	vst v12;
	(erf) = vrcp.f32 v6  }
0x5d: {  	v0 =	vmul.f32 v61, v0;
	[tilespmem:s7+$0xC020] =	vst v8;
	(erf) = vrcp.f32 v4  }
0x5e: {  	v1 =	vmul.f32 v13, v1;
	[tilespmem:s25+$0xC040] =	vst v2  }
0x5f: {  	[tilespmem:s25+$0xC050] =	vst v0  }
0x60: {  	v0 =	vmax.f32 v15, $0.0e+00;
	[tilespmem:s25+$0xC060] =	vst v1;
	v1 =	vmul.f32 v62, v3;
	v2 =	vpop (erf)  }
0x61: {  	[tilespmem:s7+$0xC030] =	vst v0;
	v0 =	vmul.f32 v2, v7;
	v2 =	vpop (erf)  }
0x62: {  	[tilespmem:s14+$0xC070] =	vst v1;
	v1 =	vmul.f32 v2, v5;
	v2 =	vpop (erf)  }
0x63: {  	[tilespmem:s14+$0xC040] =	vst v0;
	v0 =	vmul.f32 v2, v10;
	v2 =	vpop (erf)  }
0x64: {  	[tilespmem:s14+$0xC050] =	vst v1;
	v1 =	vmul.f32 v2, v20;
	v2 =	vpop (erf)  }
0x65: {  	[tilespmem:s14+$0xC060] =	vst v0;
	v0 =	vmul.f32 v2, v19;
	v2 =	vpop (erf)  }
0x66: {  	[tilespmem:s7+$0xC070] =	vst v1;
	v1 =	vmul.f32 v2, v17;
	v2 =	vpop (erf)  }
0x67: {  	[tilespmem:s7+$0xC040] =	vst v0;
	v0 =	vmul.f32 v2, v16  }
0x68: {  	[tilespmem:s7+$0xC050] =	vst v1  }
0x69: {  	[tilespmem:s7+$0xC060] =	vst v0  }
0x6a: {  	v17 =	vld [tilespmem:s13+$0xF0]  }
0x6b: {  	v10 =	vld [tilespmem:s13+$0xC0]  }
0x6c: {  	v0 =	vld [tilespmem:s13+$0x80]  }
0x6d: {  	v8 =	vld [tilespmem:s13+$0xD0]  }
0x6e: {  	v1 =	vld [tilespmem:s13+$0x90]  }
0x6f: {  	v3 =	vld [tilespmem:s13+$0xA0];
	v2 =	vmul.f32 $-1.442695020e+00, v17  }
0x70: {  	v6 =	vld [tilespmem:s13+$0xE0]  }
0x71: {  	v5 =	vld [tilespmem:s13+$0xB0];
	v0 =	vmax.f32 v0, $0.0e+00;
	(erf) = vpow2.f32 v2  }
0x72: {  	v4 =	vld [tilespmem:s0+$0xF0];
	[tilespmem:s13+$0xC080] =	vst v0  }
0x73: {  	v1 =	vmax.f32 v1, $0.0e+00;
	v7 =	vmul.f32 $-1.442695020e+00, v10;
	v2 =	vld [tilespmem:s0+$0xC0]  }
0x74: {  	v3 =	vmax.f32 v3, $0.0e+00;
	v9 =	vmul.f32 $-1.442695020e+00, v8;
	v0 =	vld [tilespmem:s0+$0xD0];
	[tilespmem:s13+$0xC090] =	vst v1  }
0x75: {  	v1 =	vld [tilespmem:s0+$0xE0];
	[tilespmem:s13+$0xC0A0] =	vst v3;
	v3 =	vmul.f32 $-1.442695020e+00, v6;
	(erf) = vpow2.f32 v7  }
0x76: {  	(erf) = vpow2.f32 v9  }
0x77: {  	v7 =	vld [tilespmem:s0+$0x80];
	(erf) = vpow2.f32 v3;
	_ =	sdelay $0x1  }
0x78: {  	v3 =	vmax.f32 v5, $0.0e+00;
	v5 =	vmul.f32 $-1.442695020e+00, v4  }
0x79: {  	v9 =	vld [tilespmem:s0+$0x90];
	v13 =	vmul.f32 $-1.442695020e+00, v2;
	v14 =	vpop (erf)  }
0x7a: {  	v11 =	vld [tilespmem:s0+$0xA0];
	(erf) = vpow2.f32 v5;
	v5 =	vadd.f32 $1.000000000e+00, v14  }
0x7b: {  	v12 =	vld [tilespmem:s0+$0xB0];
	[tilespmem:s13+$0xC0B0] =	vst v3;
	v7 =	vmax.f32 v7, $0.0e+00;
	(erf) = vpow2.f32 v13;
	v14 =	vmul.f32 $-1.442695020e+00, v0  }
0x7c: {  	v3 =	vld [tilespmem:s12+$0xF0];
	[tilespmem:s0+$0xC080] =	vst v7;
	(erf) = vrcp.f32 v5  }
0x7d: {  	v7 =	vld [tilespmem:s12+$0xC0];
	v13 =	vpop (erf);
	(erf) = vpow2.f32 v14;
	v14 =	vmul.f32 $-1.442695020e+00, v1  }
0x7e: {  	v9 =	vmax.f32 v9, $0.0e+00;
	v15 =	vpop (erf)  }
0x7f: {  	v11 =	vmax.f32 v11, $0.0e+00;
	v13 =	vadd.f32 $1.000000000e+00, v13;
	v5 =	vld [tilespmem:s12+$0xD0];
	[tilespmem:s0+$0xC090] =	vst v9;
	v16 =	vpop (erf);
	(erf) = vpow2.f32 v14  }
0x80: {  	v15 =	vadd.f32 $1.000000000e+00, v15;
	v9 =	vld [tilespmem:s12+$0xE0];
	[tilespmem:s0+$0xC0A0] =	vst v11;
	v11 =	vadd.f32 $1.000000000e+00, v16  }
0x81: {  	v18 =	vld [tilespmem:s12+$0x80];
	v14 =	vmul.f32 $-1.442695020e+00, v3;
	(erf) = vrcp.f32 v13  }
0x82: {  	v20 =	vmul.f32 $-1.442695020e+00, v7;
	(erf) = vrcp.f32 v15  }
0x83: {  	(erf) = vrcp.f32 v11  }
0x84: {  	v19 =	vmax.f32 v12, $0.0e+00;
	v13 =	vld [tilespmem:s12+$0x90];
	v11 =	vpop (erf)  }
0x85: {  	v12 =	vld [tilespmem:s12+$0xA0];
	v16 =	vmul.f32 $-1.442695020e+00, v5;
	(erf) = vpow2.f32 v14;
	v63 =	vadd.f32 $1.000000000e+00, v11;
	v14 =	vpop (erf)  }
0x86: {  	v15 =	vmul.f32 $-1.442695020e+00, v9;
	v11 =	vld [tilespmem:s12+$0xB0];
	[tilespmem:s0+$0xC0B0] =	vst v19;
	v19 =	vmax.f32 v18, $0.0e+00;
	(erf) = vpow2.f32 v20;
	v20 =	vpop (erf)  }
0x87: {  	s14 =	simm.s32 $0x2000;
	s7 =	simm.s32 $0x600;
	v14 =	vadd.f32 $1.000000000e+00, v14;
	(erf) = vrcp.f32 v63;
	v18 =	vpop (erf);
	v17 =	vmul.f32 v20, v17  }
.LBB2_5:
0x88: {  	(erf) = vpow2.f32 v16;
	v16 =	vadd.f32 $1.000000000e+00, v18;
	v18 =	vpop (erf)  }
0x89: {  	p1 =	sne.s32 s14, $0xF800;
	[tilespmem:s12+$0xC080] =	vst v19;
	v13 =	vmax.f32 v13, $0.0e+00;
	v20 =	vmovc v4;
	v4 =	vmovc v3;
	v3 =	vld [tilespmem:s7+$0xF0];
	v19 =	vmov v5;
	v21 =	vmov v9  }
0x8a: {  	v22 =	vld [tilespmem:s7+$0xC0];
	v12 =	vmax.f32 v12, $0.0e+00;
	(erf) = vpow2.f32 v15;
	v15 =	vadd.f32 $1.000000000e+00, v18;
	[tilespmem:s13+$0xC0F0] =	vst v17;
	v9 =	vpop (erf)  }
0x8b: {  	v5 =	vld [tilespmem:s7+$0xD0];
	[tilespmem:s12+$0xC090] =	vst v13;
	v17 =	vmax.f32 v11, $0.0e+00;
	(erf) = vrcp.f32 v14;
	v11 =	vmul.f32 v9, v10;
	v10 =	vpop (erf)  }
0x8c: {  	v9 =	vld [tilespmem:s7+$0xE0];
	[tilespmem:s12+$0xC0A0] =	vst v12;
	(erf) = vrcp.f32 v16;
	v12 =	vmul.f32 v10, v8;
	v8 =	vpop (erf);
	v10 =	vmov v2  }
0x8d: {  	v2 =	vmovc v7;
	v18 =	vld [tilespmem:s7+$0x80];
	(erf) = vrcp.f32 v15;
	[tilespmem:s13+$0xC0C0] =	vst v11;
	v11 =	vmul.f32 v8, v6;
	v8 =	vmovc v0;
	v0 =	vmov v19  }
.Ltmp1:
0x8e: {  	v6 =	vmov v1;
	v1 =	vmov v21;
	v13 =	vld [tilespmem:s7+$0x90];
	v23 =	vmul.f32 $-1.442695020e+00, v3;
	[tilespmem:s13+$0xC0D0] =	vst v12;
	(pc) =	sbr.rel @p1 .LBB2_5-.Ltmp1, $4  }
0x8f: {  	v12 =	vld [tilespmem:s7+$0xA0];
	v19 =	vmul.f32 $-1.442695020e+00, v22;
	v15 =	vpop (erf);
	[tilespmem:s13+$0xC0E0] =	vst v11;
	v7 =	vmov v22;
	s13 =	smov.u32 s0;
	s0 =	smov.u32 s12;
	s12 =	smov.u32 s7  }
0x90: {  	v11 =	vld [tilespmem:s12+$0xB0];
	v16 =	vmul.f32 $-1.442695020e+00, v5;
	(erf) = vpow2.f32 v23;
	[tilespmem:s0+$0xC0B0] =	vst v17;
	v17 =	vadd.f32 $1.000000000e+00, v15;
	v14 =	vpop (erf)  }
0x91: {  	v15 =	vmul.f32 $-1.442695020e+00, v9;
	(erf) = vpow2.f32 v19;
	v14 =	vadd.f32 $1.000000000e+00, v14;
	v21 =	vpop (erf)  }
0x92: {  	s7 =	sshra.s32 s14, $0x2;
	s14 =	sadd.s32 $0x800, s14;
	v19 =	vmax.f32 v18, $0.0e+00;
	v18 =	vpop (erf);
	(erf) = vrcp.f32 v17;
	v17 =	vmul.f32 v21, v20  }
0x93: {  	v20 =	vld [tilespmem:s7+$0xF0];
	[tilespmem:s12+$0xC080] =	vst v19  }
0x94: {  	(erf) = vpow2.f32 v16;
	v18 =	vadd.f32 $1.000000000e+00, v18;
	v19 =	vld [tilespmem:s7+$0xC0]  }
0x95: {  	v13 =	vmax.f32 v13, $0.0e+00;
	v16 =	vpop (erf);
	[tilespmem:s13+$0xC0F0] =	vst v17;
	(erf) = vpow2.f32 v15  }
0x96: {  	v15 =	vpop (erf);
	v17 =	vld [tilespmem:s7+$0xD0];
	[tilespmem:s12+$0xC090] =	vst v13;
	v13 =	vadd.f32 $1.000000000e+00, v16;
	(erf) = vrcp.f32 v14  }
0x97: {  	v14 =	vpop (erf);
	(erf) = vrcp.f32 v18  }
0x98: {  	v16 =	vld [tilespmem:s7+$0xE0];
	v18 =	vpop (erf);
	(erf) = vrcp.f32 v13  }
0x99: {  	v21 =	vmul.f32 $-1.442695020e+00, v20;
	v13 =	vmul.f32 $-1.442695020e+00, v19  }
0x9a: {  	v22 =	vpop (erf)  }
0x9b: {  	v10 =	vmul.f32 v15, v10;
	(erf) = vpow2.f32 v21;
	v57 =	vadd.f32 $1.000000000e+00, v22  }
0x9c: {  	v12 =	vmax.f32 v12, $0.0e+00;
	v58 =	vmul.f32 $-1.442695020e+00, v17;
	(erf) = vpow2.f32 v13  }
0x9d: {  	v23 =	vmul.f32 $-1.442695020e+00, v16;
	v13 =	vpop (erf);
	(erf) = vrcp.f32 v57  }
0x9e: {  	v59 =	vpop (erf);
	(erf) = vpow2.f32 v58  }
0x9f: {  	[tilespmem:s12+$0xC0A0] =	vst v12;
	v8 =	vmul.f32 v14, v8;
	v12 =	vpop (erf);
	(erf) = vpow2.f32 v23  }
0xa0: {  	v60 =	vld [tilespmem:s7+$0x80];
	[tilespmem:s13+$0xC0C0] =	vst v10;
	v15 =	vpop (erf)  }
0xa1: {  	v14 =	vld [tilespmem:s7+$0x90];
	v6 =	vmul.f32 v18, v6;
	[tilespmem:s13+$0xC0D0] =	vst v8;
	v8 =	vadd.f32 $1.000000000e+00, v13;
	v10 =	vpop (erf)  }
0xa2: {  	v61 =	vpop (erf)  }
0xa3: {  	v18 =	vld [tilespmem:s7+$0xA0];
	[tilespmem:s13+$0xC0E0] =	vst v6;
	v6 =	vmax.f32 v11, $0.0e+00;
	v11 =	vadd.f32 $1.000000000e+00, v15;
	v13 =	vpop (erf)  }
0xa4: {  	v12 =	vadd.f32 $1.000000000e+00, v12;
	v24 =	vpop (erf)  }
0xa5: {  	(erf) = vrcp.f32 v8;
	v8 =	vpop (erf)  }
0xa6: {  	v4 =	vmul.f32 v59, v4;
	(erf) = vrcp.f32 v12;
	v12 =	vadd.f32 $1.000000000e+00, v24;
	v62 =	vpop (erf)  }
0xa7: {  	v15 =	vld [tilespmem:s7+$0xB0];
	[tilespmem:s12+$0xC0B0] =	vst v6;
	v6 =	vmax.f32 v60, $0.0e+00;
	(erf) = vrcp.f32 v11;
	v8 =	vadd.f32 $1.000000000e+00, v8;
	v11 =	vpop (erf)  }
0xa8: {  	[tilespmem:s7+$0xC080] =	vst v6;
	(erf) = vrcp.f32 v12;
	v6 =	vadd.f32 $1.000000000e+00, v11;
	v11 =	vpop (erf)  }
0xa9: {  	[tilespmem:s0+$0xC0F0] =	vst v4;
	v12 =	vmax.f32 v14, $0.0e+00;
	(erf) = vrcp.f32 v8;
	v4 =	vadd.f32 $1.000000000e+00, v11  }
0xaa: {  	v2 =	vmul.f32 v10, v2;
	v8 =	vmax.f32 v18, $0.0e+00;
	[tilespmem:s7+$0xC090] =	vst v12;
	(erf) = vrcp.f32 v6  }
0xab: {  	v0 =	vmul.f32 v61, v0;
	[tilespmem:s7+$0xC0A0] =	vst v8;
	(erf) = vrcp.f32 v4  }
0xac: {  	v1 =	vmul.f32 v13, v1;
	[tilespmem:s0+$0xC0C0] =	vst v2  }
0xad: {  	[tilespmem:s0+$0xC0D0] =	vst v0  }
0xae: {  	v0 =	vmax.f32 v15, $0.0e+00;
	[tilespmem:s0+$0xC0E0] =	vst v1;
	v1 =	vmul.f32 v62, v3;
	v2 =	vpop (erf)  }
0xaf: {  	[tilespmem:s7+$0xC0B0] =	vst v0;
	v0 =	vmul.f32 v2, v7;
	v2 =	vpop (erf)  }
0xb0: {  	[tilespmem:s12+$0xC0F0] =	vst v1;
	v1 =	vmul.f32 v2, v5;
	v2 =	vpop (erf)  }
0xb1: {  	[tilespmem:s12+$0xC0C0] =	vst v0;
	v0 =	vmul.f32 v2, v9;
	v2 =	vpop (erf)  }
0xb2: {  	[tilespmem:s12+$0xC0D0] =	vst v1;
	v1 =	vmul.f32 v2, v20;
	v2 =	vpop (erf)  }
0xb3: {  	[tilespmem:s12+$0xC0E0] =	vst v0;
	v0 =	vmul.f32 v2, v19;
	v2 =	vpop (erf)  }
0xb4: {  	[tilespmem:s7+$0xC0F0] =	vst v1;
	v1 =	vmul.f32 v2, v17;
	v2 =	vpop (erf)  }
0xb5: {  	[tilespmem:s7+$0xC0C0] =	vst v0;
	v0 =	vmul.f32 v2, v16  }
0xb6: {  	[tilespmem:s7+$0xC0D0] =	vst v1  }
0xb7: {  	[tilespmem:s7+$0xC0E0] =	vst v0;
	s7 =	simm.s32 $0x0  }
0xb8: {  	v17 =	vld [tilespmem:s7+$0x170]  }
0xb9: {  	v9 =	vld [tilespmem:s7+$0x140]  }
0xba: {  	v0 =	vld [tilespmem:s7+$0x100]  }
0xbb: {  	v8 =	vld [tilespmem:s7+$0x150]  }
0xbc: {  	v1 =	vld [tilespmem:s7+$0x110]  }
0xbd: {  	v3 =	vld [tilespmem:s7+$0x120];
	v2 =	vmul.f32 $-1.442695020e+00, v17  }
0xbe: {  	v6 =	vld [tilespmem:s7+$0x160]  }
0xbf: {  	s0 =	simm.s32 $0x200;
	v5 =	vld [tilespmem:s7+$0x130];
	v0 =	vmax.f32 v0, $0.0e+00;
	(erf) = vpow2.f32 v2  }
0xc0: {  	v4 =	vld [tilespmem:s0+$0x170];
	[tilespmem:s7+$0xC100] =	vst v0  }
0xc1: {  	v1 =	vmax.f32 v1, $0.0e+00;
	v7 =	vmul.f32 $-1.442695020e+00, v9;
	v2 =	vld [tilespmem:s0+$0x140]  }
0xc2: {  	v3 =	vmax.f32 v3, $0.0e+00;
	v10 =	vmul.f32 $-1.442695020e+00, v8;
	v0 =	vld [tilespmem:s0+$0x150];
	[tilespmem:s7+$0xC110] =	vst v1  }
0xc3: {  	v1 =	vld [tilespmem:s0+$0x160];
	[tilespmem:s7+$0xC120] =	vst v3;
	v3 =	vmul.f32 $-1.442695020e+00, v6;
	(erf) = vpow2.f32 v7  }
0xc4: {  	(erf) = vpow2.f32 v10  }
0xc5: {  	v7 =	vld [tilespmem:s0+$0x100];
	(erf) = vpow2.f32 v3;
	_ =	sdelay $0x1  }
0xc6: {  	v3 =	vmax.f32 v5, $0.0e+00;
	v5 =	vmul.f32 $-1.442695020e+00, v4  }
0xc7: {  	v10 =	vld [tilespmem:s0+$0x110];
	v13 =	vmul.f32 $-1.442695020e+00, v2;
	v14 =	vpop (erf)  }
0xc8: {  	v11 =	vld [tilespmem:s0+$0x120];
	(erf) = vpow2.f32 v5;
	v5 =	vadd.f32 $1.000000000e+00, v14  }
0xc9: {  	s12 =	simm.s32 $0x400;
	v12 =	vld [tilespmem:s0+$0x130];
	[tilespmem:s7+$0xC130] =	vst v3;
	v7 =	vmax.f32 v7, $0.0e+00;
	(erf) = vpow2.f32 v13;
	v14 =	vmul.f32 $-1.442695020e+00, v0  }
0xca: {  	v3 =	vld [tilespmem:s12+$0x170];
	[tilespmem:s0+$0xC100] =	vst v7;
	(erf) = vrcp.f32 v5  }
0xcb: {  	v7 =	vld [tilespmem:s12+$0x140];
	v13 =	vpop (erf);
	(erf) = vpow2.f32 v14;
	v14 =	vmul.f32 $-1.442695020e+00, v1  }
0xcc: {  	v10 =	vmax.f32 v10, $0.0e+00;
	v15 =	vpop (erf)  }
0xcd: {  	v11 =	vmax.f32 v11, $0.0e+00;
	v13 =	vadd.f32 $1.000000000e+00, v13;
	v5 =	vld [tilespmem:s12+$0x150];
	[tilespmem:s0+$0xC110] =	vst v10;
	v16 =	vpop (erf);
	(erf) = vpow2.f32 v14  }
0xce: {  	v15 =	vadd.f32 $1.000000000e+00, v15;
	v10 =	vld [tilespmem:s12+$0x160];
	[tilespmem:s0+$0xC120] =	vst v11;
	v11 =	vadd.f32 $1.000000000e+00, v16  }
0xcf: {  	v18 =	vld [tilespmem:s12+$0x100];
	v14 =	vmul.f32 $-1.442695020e+00, v3;
	(erf) = vrcp.f32 v13  }
0xd0: {  	v20 =	vmul.f32 $-1.442695020e+00, v7;
	(erf) = vrcp.f32 v15  }
0xd1: {  	(erf) = vrcp.f32 v11  }
0xd2: {  	v19 =	vmax.f32 v12, $0.0e+00;
	v13 =	vld [tilespmem:s12+$0x110];
	v11 =	vpop (erf)  }
0xd3: {  	v12 =	vld [tilespmem:s12+$0x120];
	v16 =	vmul.f32 $-1.442695020e+00, v5;
	(erf) = vpow2.f32 v14;
	v63 =	vadd.f32 $1.000000000e+00, v11;
	v14 =	vpop (erf)  }
0xd4: {  	s28 =	simm.s32 $0x2000;
	s14 =	simm.s32 $0x400;
	v15 =	vmul.f32 $-1.442695020e+00, v10;
	v11 =	vld [tilespmem:s12+$0x130];
	[tilespmem:s0+$0xC130] =	vst v19;
	v19 =	vmax.f32 v18, $0.0e+00;
	(erf) = vpow2.f32 v20;
	v20 =	vpop (erf)  }
0xd5: {  	s26 =	simm.s32 $0x0;
	s25 =	simm.s32 $0x200;
	s13 =	simm.s32 $0x600;
	v14 =	vadd.f32 $1.000000000e+00, v14;
	(erf) = vrcp.f32 v63;
	v18 =	vpop (erf);
	v17 =	vmul.f32 v20, v17  }
.LBB2_7:
0xd6: {  	(erf) = vpow2.f32 v16;
	v16 =	vadd.f32 $1.000000000e+00, v18;
	v18 =	vpop (erf)  }
0xd7: {  	p1 =	sne.s32 s28, $0xF800;
	[tilespmem:s14+$0xC100] =	vst v19;
	v13 =	vmax.f32 v13, $0.0e+00;
	v20 =	vmovc v4;
	v4 =	vmovc v3;
	v3 =	vld [tilespmem:s13+$0x170];
	v19 =	vmov v5;
	v21 =	vmov v10  }
0xd8: {  	v22 =	vld [tilespmem:s13+$0x140];
	v12 =	vmax.f32 v12, $0.0e+00;
	(erf) = vpow2.f32 v15;
	v15 =	vadd.f32 $1.000000000e+00, v18;
	[tilespmem:s26+$0xC170] =	vst v17;
	v10 =	vpop (erf)  }
0xd9: {  	v5 =	vld [tilespmem:s13+$0x150];
	[tilespmem:s14+$0xC110] =	vst v13;
	v17 =	vmax.f32 v11, $0.0e+00;
	(erf) = vrcp.f32 v14;
	v11 =	vmul.f32 v10, v9;
	v9 =	vpop (erf)  }
0xda: {  	v10 =	vld [tilespmem:s13+$0x160];
	[tilespmem:s14+$0xC120] =	vst v12;
	(erf) = vrcp.f32 v16;
	v12 =	vmul.f32 v9, v8;
	v8 =	vpop (erf);
	v9 =	vmov v2  }
0xdb: {  	v2 =	vmovc v7;
	v18 =	vld [tilespmem:s13+$0x100];
	(erf) = vrcp.f32 v15;
	[tilespmem:s26+$0xC140] =	vst v11;
	v11 =	vmul.f32 v8, v6;
	v8 =	vmovc v0;
	v0 =	vmov v19  }
.Ltmp2:
0xdc: {  	v6 =	vmov v1;
	v1 =	vmov v21;
	v13 =	vld [tilespmem:s13+$0x110];
	v23 =	vmul.f32 $-1.442695020e+00, v3;
	[tilespmem:s26+$0xC150] =	vst v12;
	(pc) =	sbr.rel @p1 .LBB2_7-.Ltmp2, $4  }
0xdd: {  	v12 =	vld [tilespmem:s13+$0x120];
	v19 =	vmul.f32 $-1.442695020e+00, v22;
	v15 =	vpop (erf);
	[tilespmem:s26+$0xC160] =	vst v11;
	v7 =	vmov v22;
	s26 =	smov.u32 s25;
	s25 =	smov.u32 s14;
	s14 =	smov.u32 s13  }
0xde: {  	v11 =	vld [tilespmem:s14+$0x130];
	v16 =	vmul.f32 $-1.442695020e+00, v5;
	(erf) = vpow2.f32 v23;
	[tilespmem:s25+$0xC130] =	vst v17;
	v17 =	vadd.f32 $1.000000000e+00, v15;
	v14 =	vpop (erf)  }
0xdf: {  	v15 =	vmul.f32 $-1.442695020e+00, v10;
	(erf) = vpow2.f32 v19;
	v14 =	vadd.f32 $1.000000000e+00, v14;
	v21 =	vpop (erf)  }
0xe0: {  	s13 =	sshra.s32 s28, $0x2;
	s28 =	sadd.s32 $0x800, s28;
	v19 =	vmax.f32 v18, $0.0e+00;
	v18 =	vpop (erf);
	(erf) = vrcp.f32 v17;
	v17 =	vmul.f32 v21, v20  }
0xe1: {  	v20 =	vld [tilespmem:s13+$0x170];
	[tilespmem:s14+$0xC100] =	vst v19  }
0xe2: {  	(erf) = vpow2.f32 v16;
	v18 =	vadd.f32 $1.000000000e+00, v18;
	v19 =	vld [tilespmem:s13+$0x140]  }
0xe3: {  	v13 =	vmax.f32 v13, $0.0e+00;
	v16 =	vpop (erf);
	[tilespmem:s26+$0xC170] =	vst v17;
	(erf) = vpow2.f32 v15  }
0xe4: {  	v15 =	vpop (erf);
	v17 =	vld [tilespmem:s13+$0x150];
	[tilespmem:s14+$0xC110] =	vst v13;
	v13 =	vadd.f32 $1.000000000e+00, v16;
	(erf) = vrcp.f32 v14  }
0xe5: {  	v14 =	vpop (erf);
	(erf) = vrcp.f32 v18  }
0xe6: {  	v16 =	vld [tilespmem:s13+$0x160];
	v18 =	vpop (erf);
	(erf) = vrcp.f32 v13  }
0xe7: {  	v21 =	vmul.f32 $-1.442695020e+00, v20;
	v13 =	vmul.f32 $-1.442695020e+00, v19  }
0xe8: {  	v22 =	vpop (erf)  }
0xe9: {  	v9 =	vmul.f32 v15, v9;
	(erf) = vpow2.f32 v21;
	v57 =	vadd.f32 $1.000000000e+00, v22  }
0xea: {  	v12 =	vmax.f32 v12, $0.0e+00;
	v58 =	vmul.f32 $-1.442695020e+00, v17;
	(erf) = vpow2.f32 v13  }
0xeb: {  	v23 =	vmul.f32 $-1.442695020e+00, v16;
	v13 =	vpop (erf);
	(erf) = vrcp.f32 v57  }
0xec: {  	v59 =	vpop (erf);
	(erf) = vpow2.f32 v58  }
0xed: {  	[tilespmem:s14+$0xC120] =	vst v12;
	v8 =	vmul.f32 v14, v8;
	v12 =	vpop (erf);
	(erf) = vpow2.f32 v23  }
0xee: {  	v60 =	vld [tilespmem:s13+$0x100];
	[tilespmem:s26+$0xC140] =	vst v9;
	v15 =	vpop (erf)  }
0xef: {  	v14 =	vld [tilespmem:s13+$0x110];
	v6 =	vmul.f32 v18, v6;
	[tilespmem:s26+$0xC150] =	vst v8;
	v8 =	vadd.f32 $1.000000000e+00, v13;
	v9 =	vpop (erf)  }
0xf0: {  	v61 =	vpop (erf)  }
0xf1: {  	v18 =	vld [tilespmem:s13+$0x120];
	[tilespmem:s26+$0xC160] =	vst v6;
	v6 =	vmax.f32 v11, $0.0e+00;
	v11 =	vadd.f32 $1.000000000e+00, v15;
	v13 =	vpop (erf)  }
0xf2: {  	v12 =	vadd.f32 $1.000000000e+00, v12;
	v24 =	vpop (erf)  }
0xf3: {  	(erf) = vrcp.f32 v8;
	v8 =	vpop (erf)  }
0xf4: {  	v4 =	vmul.f32 v59, v4;
	(erf) = vrcp.f32 v12;
	v12 =	vadd.f32 $1.000000000e+00, v24;
	v62 =	vpop (erf)  }
0xf5: {  	v15 =	vld [tilespmem:s13+$0x130];
	[tilespmem:s14+$0xC130] =	vst v6;
	v6 =	vmax.f32 v60, $0.0e+00;
	(erf) = vrcp.f32 v11;
	v8 =	vadd.f32 $1.000000000e+00, v8;
	v11 =	vpop (erf)  }
0xf6: {  	[tilespmem:s13+$0xC100] =	vst v6;
	(erf) = vrcp.f32 v12;
	v6 =	vadd.f32 $1.000000000e+00, v11;
	v11 =	vpop (erf)  }
0xf7: {  	[tilespmem:s25+$0xC170] =	vst v4;
	v12 =	vmax.f32 v14, $0.0e+00;
	(erf) = vrcp.f32 v8;
	v4 =	vadd.f32 $1.000000000e+00, v11  }
0xf8: {  	v2 =	vmul.f32 v9, v2;
	v8 =	vmax.f32 v18, $0.0e+00;
	[tilespmem:s13+$0xC110] =	vst v12;
	(erf) = vrcp.f32 v6  }
0xf9: {  	v0 =	vmul.f32 v61, v0;
	[tilespmem:s13+$0xC120] =	vst v8;
	(erf) = vrcp.f32 v4  }
0xfa: {  	v1 =	vmul.f32 v13, v1;
	[tilespmem:s25+$0xC140] =	vst v2  }
0xfb: {  	[tilespmem:s25+$0xC150] =	vst v0  }
0xfc: {  	v0 =	vmax.f32 v15, $0.0e+00;
	[tilespmem:s25+$0xC160] =	vst v1;
	v1 =	vmul.f32 v62, v3;
	v2 =	vpop (erf)  }
0xfd: {  	[tilespmem:s13+$0xC130] =	vst v0;
	v0 =	vmul.f32 v2, v7;
	v2 =	vpop (erf)  }
0xfe: {  	[tilespmem:s14+$0xC170] =	vst v1;
	v1 =	vmul.f32 v2, v5;
	v2 =	vpop (erf)  }
0xff: {  	[tilespmem:s14+$0xC140] =	vst v0;
	v0 =	vmul.f32 v2, v10;
	v2 =	vpop (erf)  }
0x100: {  	[tilespmem:s14+$0xC150] =	vst v1;
	v1 =	vmul.f32 v2, v20;
	v2 =	vpop (erf)  }
0x101: {  	[tilespmem:s14+$0xC160] =	vst v0;
	v0 =	vmul.f32 v2, v19;
	v2 =	vpop (erf)  }
0x102: {  	[tilespmem:s13+$0xC170] =	vst v1;
	v1 =	vmul.f32 v2, v17;
	v2 =	vpop (erf)  }
0x103: {  	[tilespmem:s13+$0xC140] =	vst v0;
	v0 =	vmul.f32 v2, v16  }
0x104: {  	[tilespmem:s13+$0xC150] =	vst v1  }
0x105: {  	[tilespmem:s13+$0xC160] =	vst v0  }
0x106: {  	v17 =	vld [tilespmem:s7+$0x1F0]  }
0x107: {  	v10 =	vld [tilespmem:s7+$0x1C0]  }
0x108: {  	v0 =	vld [tilespmem:s7+$0x180]  }
0x109: {  	v8 =	vld [tilespmem:s7+$0x1D0]  }
0x10a: {  	v1 =	vld [tilespmem:s7+$0x190]  }
0x10b: {  	v3 =	vld [tilespmem:s7+$0x1A0];
	v2 =	vmul.f32 $-1.442695020e+00, v17  }
0x10c: {  	v6 =	vld [tilespmem:s7+$0x1E0]  }
0x10d: {  	v5 =	vld [tilespmem:s7+$0x1B0];
	v0 =	vmax.f32 v0, $0.0e+00;
	(erf) = vpow2.f32 v2  }
0x10e: {  	v4 =	vld [tilespmem:s0+$0x1F0];
	[tilespmem:s7+$0xC180] =	vst v0  }
0x10f: {  	v1 =	vmax.f32 v1, $0.0e+00;
	v7 =	vmul.f32 $-1.442695020e+00, v10;
	v2 =	vld [tilespmem:s0+$0x1C0]  }
0x110: {  	v3 =	vmax.f32 v3, $0.0e+00;
	v9 =	vmul.f32 $-1.442695020e+00, v8;
	v0 =	vld [tilespmem:s0+$0x1D0];
	[tilespmem:s7+$0xC190] =	vst v1  }
0x111: {  	v1 =	vld [tilespmem:s0+$0x1E0];
	[tilespmem:s7+$0xC1A0] =	vst v3;
	v3 =	vmul.f32 $-1.442695020e+00, v6;
	(erf) = vpow2.f32 v7  }
0x112: {  	(erf) = vpow2.f32 v9  }
0x113: {  	v7 =	vld [tilespmem:s0+$0x180];
	(erf) = vpow2.f32 v3;
	_ =	sdelay $0x1  }
0x114: {  	v3 =	vmax.f32 v5, $0.0e+00;
	v5 =	vmul.f32 $-1.442695020e+00, v4  }
0x115: {  	v9 =	vld [tilespmem:s0+$0x190];
	v13 =	vmul.f32 $-1.442695020e+00, v2;
	v14 =	vpop (erf)  }
0x116: {  	v11 =	vld [tilespmem:s0+$0x1A0];
	(erf) = vpow2.f32 v5;
	v5 =	vadd.f32 $1.000000000e+00, v14  }
0x117: {  	v12 =	vld [tilespmem:s0+$0x1B0];
	[tilespmem:s7+$0xC1B0] =	vst v3;
	v7 =	vmax.f32 v7, $0.0e+00;
	(erf) = vpow2.f32 v13;
	v14 =	vmul.f32 $-1.442695020e+00, v0  }
0x118: {  	v3 =	vld [tilespmem:s12+$0x1F0];
	[tilespmem:s0+$0xC180] =	vst v7;
	(erf) = vrcp.f32 v5  }
0x119: {  	v7 =	vld [tilespmem:s12+$0x1C0];
	v13 =	vpop (erf);
	(erf) = vpow2.f32 v14;
	v14 =	vmul.f32 $-1.442695020e+00, v1  }
0x11a: {  	v9 =	vmax.f32 v9, $0.0e+00;
	v15 =	vpop (erf)  }
0x11b: {  	v11 =	vmax.f32 v11, $0.0e+00;
	v13 =	vadd.f32 $1.000000000e+00, v13;
	v5 =	vld [tilespmem:s12+$0x1D0];
	[tilespmem:s0+$0xC190] =	vst v9;
	v16 =	vpop (erf);
	(erf) = vpow2.f32 v14  }
0x11c: {  	v15 =	vadd.f32 $1.000000000e+00, v15;
	v9 =	vld [tilespmem:s12+$0x1E0];
	[tilespmem:s0+$0xC1A0] =	vst v11;
	v11 =	vadd.f32 $1.000000000e+00, v16  }
0x11d: {  	v18 =	vld [tilespmem:s12+$0x180];
	v14 =	vmul.f32 $-1.442695020e+00, v3;
	(erf) = vrcp.f32 v13  }
0x11e: {  	v20 =	vmul.f32 $-1.442695020e+00, v7;
	(erf) = vrcp.f32 v15  }
0x11f: {  	(erf) = vrcp.f32 v11  }
0x120: {  	v19 =	vmax.f32 v12, $0.0e+00;
	v13 =	vld [tilespmem:s12+$0x190];
	v11 =	vpop (erf)  }
0x121: {  	v12 =	vld [tilespmem:s12+$0x1A0];
	v16 =	vmul.f32 $-1.442695020e+00, v5;
	(erf) = vpow2.f32 v14;
	v63 =	vadd.f32 $1.000000000e+00, v11;
	v14 =	vpop (erf)  }
0x122: {  	v15 =	vmul.f32 $-1.442695020e+00, v9;
	v11 =	vld [tilespmem:s12+$0x1B0];
	[tilespmem:s0+$0xC1B0] =	vst v19;
	v19 =	vmax.f32 v18, $0.0e+00;
	(erf) = vpow2.f32 v20;
	v20 =	vpop (erf)  }
0x123: {  	s14 =	simm.s32 $0x2000;
	s13 =	simm.s32 $0x600;
	v14 =	vadd.f32 $1.000000000e+00, v14;
	(erf) = vrcp.f32 v63;
	v18 =	vpop (erf);
	v17 =	vmul.f32 v20, v17  }
.LBB2_9:
0x124: {  	(erf) = vpow2.f32 v16;
	v16 =	vadd.f32 $1.000000000e+00, v18;
	v18 =	vpop (erf)  }
0x125: {  	p1 =	sne.s32 s14, $0xF800;
	[tilespmem:s12+$0xC180] =	vst v19;
	v13 =	vmax.f32 v13, $0.0e+00;
	v20 =	vmovc v4;
	v4 =	vmovc v3;
	v3 =	vld [tilespmem:s13+$0x1F0];
	v19 =	vmov v5;
	v21 =	vmov v9  }
0x126: {  	v22 =	vld [tilespmem:s13+$0x1C0];
	v12 =	vmax.f32 v12, $0.0e+00;
	(erf) = vpow2.f32 v15;
	v15 =	vadd.f32 $1.000000000e+00, v18;
	[tilespmem:s7+$0xC1F0] =	vst v17;
	v9 =	vpop (erf)  }
0x127: {  	v5 =	vld [tilespmem:s13+$0x1D0];
	[tilespmem:s12+$0xC190] =	vst v13;
	v17 =	vmax.f32 v11, $0.0e+00;
	(erf) = vrcp.f32 v14;
	v11 =	vmul.f32 v9, v10;
	v10 =	vpop (erf)  }
0x128: {  	v9 =	vld [tilespmem:s13+$0x1E0];
	[tilespmem:s12+$0xC1A0] =	vst v12;
	(erf) = vrcp.f32 v16;
	v12 =	vmul.f32 v10, v8;
	v8 =	vpop (erf);
	v10 =	vmov v2  }
0x129: {  	v2 =	vmovc v7;
	v18 =	vld [tilespmem:s13+$0x180];
	(erf) = vrcp.f32 v15;
	[tilespmem:s7+$0xC1C0] =	vst v11;
	v11 =	vmul.f32 v8, v6;
	v8 =	vmovc v0;
	v0 =	vmov v19  }
.Ltmp3:
0x12a: {  	v6 =	vmov v1;
	v1 =	vmov v21;
	v13 =	vld [tilespmem:s13+$0x190];
	v23 =	vmul.f32 $-1.442695020e+00, v3;
	[tilespmem:s7+$0xC1D0] =	vst v12;
	(pc) =	sbr.rel @p1 .LBB2_9-.Ltmp3, $4  }
0x12b: {  	v12 =	vld [tilespmem:s13+$0x1A0];
	v19 =	vmul.f32 $-1.442695020e+00, v22;
	v15 =	vpop (erf);
	[tilespmem:s7+$0xC1E0] =	vst v11;
	v7 =	vmov v22;
	s7 =	smov.u32 s0;
	s0 =	smov.u32 s12;
	s12 =	smov.u32 s13  }
0x12c: {  	v11 =	vld [tilespmem:s12+$0x1B0];
	v16 =	vmul.f32 $-1.442695020e+00, v5;
	(erf) = vpow2.f32 v23;
	[tilespmem:s0+$0xC1B0] =	vst v17;
	v17 =	vadd.f32 $1.000000000e+00, v15;
	v14 =	vpop (erf)  }
0x12d: {  	v15 =	vmul.f32 $-1.442695020e+00, v9;
	(erf) = vpow2.f32 v19;
	v14 =	vadd.f32 $1.000000000e+00, v14;
	v21 =	vpop (erf)  }
0x12e: {  	s13 =	sshra.s32 s14, $0x2;
	s14 =	sadd.s32 $0x800, s14;
	v19 =	vmax.f32 v18, $0.0e+00;
	v18 =	vpop (erf);
	(erf) = vrcp.f32 v17;
	v17 =	vmul.f32 v21, v20  }
0x12f: {  	v20 =	vld [tilespmem:s13+$0x1F0];
	[tilespmem:s12+$0xC180] =	vst v19  }
0x130: {  	(erf) = vpow2.f32 v16;
	v18 =	vadd.f32 $1.000000000e+00, v18;
	v19 =	vld [tilespmem:s13+$0x1C0]  }
0x131: {  	v13 =	vmax.f32 v13, $0.0e+00;
	v16 =	vpop (erf);
	[tilespmem:s7+$0xC1F0] =	vst v17;
	(erf) = vpow2.f32 v15  }
0x132: {  	v15 =	vpop (erf);
	v17 =	vld [tilespmem:s13+$0x1D0];
	[tilespmem:s12+$0xC190] =	vst v13;
	v13 =	vadd.f32 $1.000000000e+00, v16;
	(erf) = vrcp.f32 v14  }
0x133: {  	v14 =	vpop (erf);
	(erf) = vrcp.f32 v18  }
0x134: {  	v16 =	vld [tilespmem:s13+$0x1E0];
	v18 =	vpop (erf);
	(erf) = vrcp.f32 v13  }
0x135: {  	v21 =	vmul.f32 $-1.442695020e+00, v20;
	v13 =	vmul.f32 $-1.442695020e+00, v19  }
0x136: {  	v22 =	vpop (erf)  }
0x137: {  	v10 =	vmul.f32 v15, v10;
	(erf) = vpow2.f32 v21;
	v57 =	vadd.f32 $1.000000000e+00, v22  }
0x138: {  	v12 =	vmax.f32 v12, $0.0e+00;
	v58 =	vmul.f32 $-1.442695020e+00, v17;
	(erf) = vpow2.f32 v13  }
0x139: {  	v23 =	vmul.f32 $-1.442695020e+00, v16;
	v13 =	vpop (erf);
	(erf) = vrcp.f32 v57  }
0x13a: {  	v59 =	vpop (erf);
	(erf) = vpow2.f32 v58  }
0x13b: {  	[tilespmem:s12+$0xC1A0] =	vst v12;
	v8 =	vmul.f32 v14, v8;
	v12 =	vpop (erf);
	(erf) = vpow2.f32 v23  }
0x13c: {  	v60 =	vld [tilespmem:s13+$0x180];
	[tilespmem:s7+$0xC1C0] =	vst v10;
	v15 =	vpop (erf)  }
0x13d: {  	v14 =	vld [tilespmem:s13+$0x190];
	v6 =	vmul.f32 v18, v6;
	[tilespmem:s7+$0xC1D0] =	vst v8;
	v8 =	vadd.f32 $1.000000000e+00, v13;
	v10 =	vpop (erf)  }
0x13e: {  	v61 =	vpop (erf)  }
0x13f: {  	v18 =	vld [tilespmem:s13+$0x1A0];
	[tilespmem:s7+$0xC1E0] =	vst v6;
	v6 =	vmax.f32 v11, $0.0e+00;
	v11 =	vadd.f32 $1.000000000e+00, v15;
	v13 =	vpop (erf)  }
0x140: {  	v12 =	vadd.f32 $1.000000000e+00, v12;
	v24 =	vpop (erf)  }
0x141: {  	(erf) = vrcp.f32 v8;
	v8 =	vpop (erf)  }
0x142: {  	v4 =	vmul.f32 v59, v4;
	(erf) = vrcp.f32 v12;
	v12 =	vadd.f32 $1.000000000e+00, v24;
	v62 =	vpop (erf)  }
0x143: {  	v15 =	vld [tilespmem:s13+$0x1B0];
	[tilespmem:s12+$0xC1B0] =	vst v6;
	v6 =	vmax.f32 v60, $0.0e+00;
	(erf) = vrcp.f32 v11;
	v8 =	vadd.f32 $1.000000000e+00, v8;
	v11 =	vpop (erf)  }
0x144: {  	[tilespmem:s13+$0xC180] =	vst v6;
	(erf) = vrcp.f32 v12;
	v6 =	vadd.f32 $1.000000000e+00, v11;
	v11 =	vpop (erf)  }
0x145: {  	[tilespmem:s0+$0xC1F0] =	vst v4;
	v12 =	vmax.f32 v14, $0.0e+00;
	(erf) = vrcp.f32 v8;
	v4 =	vadd.f32 $1.000000000e+00, v11  }
0x146: {  	v2 =	vmul.f32 v10, v2;
	v8 =	vmax.f32 v18, $0.0e+00;
	[tilespmem:s13+$0xC190] =	vst v12;
	(erf) = vrcp.f32 v6  }
0x147: {  	v0 =	vmul.f32 v61, v0;
	[tilespmem:s13+$0xC1A0] =	vst v8;
	(erf) = vrcp.f32 v4  }
0x148: {  	v1 =	vmul.f32 v13, v1;
	[tilespmem:s0+$0xC1C0] =	vst v2  }
0x149: {  	[tilespmem:s0+$0xC1D0] =	vst v0  }
0x14a: {  	v0 =	vmax.f32 v15, $0.0e+00;
	[tilespmem:s0+$0xC1E0] =	vst v1;
	v1 =	vmul.f32 v62, v3;
	v2 =	vpop (erf)  }
0x14b: {  	[tilespmem:s13+$0xC1B0] =	vst v0;
	v0 =	vmul.f32 v2, v7;
	v2 =	vpop (erf)  }
0x14c: {  	[tilespmem:s12+$0xC1F0] =	vst v1;
	v1 =	vmul.f32 v2, v5;
	v2 =	vpop (erf)  }
0x14d: {  	[tilespmem:s12+$0xC1C0] =	vst v0;
	v0 =	vmul.f32 v2, v9;
	v2 =	vpop (erf)  }
0x14e: {  	[tilespmem:s12+$0xC1D0] =	vst v1;
	v1 =	vmul.f32 v2, v20;
	v2 =	vpop (erf)  }
0x14f: {  	[tilespmem:s12+$0xC1E0] =	vst v0;
	v0 =	vmul.f32 v2, v19;
	v2 =	vpop (erf)  }
0x150: {  	[tilespmem:s13+$0xC1F0] =	vst v1;
	v1 =	vmul.f32 v2, v17;
	v2 =	vpop (erf)  }
0x151: {  	s14 =	sadd.s32 $0x3, s31;
	[tilespmem:s13+$0xC1C0] =	vst v0;
	v0 =	vmul.f32 v2, v16  }
0x152: {  	s18 =	sshll.u32 s14, $0xB;
	s7 =	sshll.u32 s14, $0x6;
	s0 =	sadd.s32 s3, s8;
	[tilespmem:s13+$0xC1D0] =	vst v1  }
0x153: {  	s7 =	sand.u32 $0x40, s7;
	[tilespmem:s13+$0xC1E0] =	vst v0;
	s13 =	sadd.s32 s9, s0;
	s9 =	sadd.s32 s6, s18  }
0x154: {  	[hbm4b:s13+s15] =	stream.strided.scatter [tilespmem:s20], [sflag:$0x4], $0x4000, s16, s15, $0x38;
	[tilespmem:$0x18000] =	vst v63  }
0x155: {  	s7 =	sadd.s32 s2, s7;
	s9 =	sand.u32 $0xFFF000, s9  }
0x156: {  	s7 =	sadd.s32 s9, s7  }
0x157: {  	[tilespmem:s5], [sflag:$0x1] =	stream.strided.gather [hbm4b:s7+s15], $0x4000, s16, s15, $0x38;
	[tilespmem:$0x18000] =	vst v63  }
0x158: {  	_ =	swait.ge [sflag:s21], $0x4000  }
0x159: {  	[sflag:s21] =	ssyncset.done $0x0  }
0x15a: {  	s7 =	simm.s32 @!p0 $0x5;
	[sflag:s21] =	ssyncadd.s32 $0xFFFFC000  }
0x15b: {  	_ =	swait.ge @!p0 [sflag:s7], $0x4000  }
0x15c: {  	[sflag:s7] =	ssyncset.done @!p0 $0x0  }
0x15d: {  	[sflag:s7] =	ssyncadd.s32 @!p0 $0xFFFFC000;
	s7 =	simm.s32 $0x0  }
0x15e: {  	v17 =	vld [tilespmem:s7+$0x4070]  }
0x15f: {  	v9 =	vld [tilespmem:s7+$0x4040]  }
0x160: {  	v0 =	vld [tilespmem:s7+$0x4000]  }
0x161: {  	v8 =	vld [tilespmem:s7+$0x4050]  }
0x162: {  	v1 =	vld [tilespmem:s7+$0x4010]  }
0x163: {  	v3 =	vld [tilespmem:s7+$0x4020];
	v2 =	vmul.f32 $-1.442695020e+00, v17  }
0x164: {  	v6 =	vld [tilespmem:s7+$0x4060]  }
0x165: {  	s13 =	simm.s32 $0x200;
	v5 =	vld [tilespmem:s7+$0x4030];
	v0 =	vmax.f32 v0, $0.0e+00;
	(erf) = vpow2.f32 v2  }
0x166: {  	v4 =	vld [tilespmem:s13+$0x4070];
	[tilespmem:s7+$0x10000] =	vst v0  }
0x167: {  	v1 =	vmax.f32 v1, $0.0e+00;
	v7 =	vmul.f32 $-1.442695020e+00, v9;
	v2 =	vld [tilespmem:s13+$0x4040]  }
0x168: {  	v3 =	vmax.f32 v3, $0.0e+00;
	v10 =	vmul.f32 $-1.442695020e+00, v8;
	v0 =	vld [tilespmem:s13+$0x4050];
	[tilespmem:s7+$0x10010] =	vst v1  }
0x169: {  	v1 =	vld [tilespmem:s13+$0x4060];
	[tilespmem:s7+$0x10020] =	vst v3;
	v3 =	vmul.f32 $-1.442695020e+00, v6;
	(erf) = vpow2.f32 v7  }
0x16a: {  	(erf) = vpow2.f32 v10  }
0x16b: {  	v7 =	vld [tilespmem:s13+$0x4000];
	(erf) = vpow2.f32 v3;
	_ =	sdelay $0x1  }
0x16c: {  	v3 =	vmax.f32 v5, $0.0e+00;
	v5 =	vmul.f32 $-1.442695020e+00, v4  }
0x16d: {  	v10 =	vld [tilespmem:s13+$0x4010];
	v13 =	vmul.f32 $-1.442695020e+00, v2;
	v14 =	vpop (erf)  }
0x16e: {  	v11 =	vld [tilespmem:s13+$0x4020];
	(erf) = vpow2.f32 v5;
	v5 =	vadd.f32 $1.000000000e+00, v14  }
0x16f: {  	s14 =	simm.s32 $0x400;
	v12 =	vld [tilespmem:s13+$0x4030];
	[tilespmem:s7+$0x10030] =	vst v3;
	v7 =	vmax.f32 v7, $0.0e+00;
	(erf) = vpow2.f32 v13;
	v14 =	vmul.f32 $-1.442695020e+00, v0  }
0x170: {  	v3 =	vld [tilespmem:s14+$0x4070];
	[tilespmem:s13+$0x10000] =	vst v7;
	(erf) = vrcp.f32 v5  }
0x171: {  	v7 =	vld [tilespmem:s14+$0x4040];
	v13 =	vpop (erf);
	(erf) = vpow2.f32 v14;
	v14 =	vmul.f32 $-1.442695020e+00, v1  }
0x172: {  	v10 =	vmax.f32 v10, $0.0e+00;
	v15 =	vpop (erf)  }
0x173: {  	v11 =	vmax.f32 v11, $0.0e+00;
	v13 =	vadd.f32 $1.000000000e+00, v13;
	v5 =	vld [tilespmem:s14+$0x4050];
	[tilespmem:s13+$0x10010] =	vst v10;
	v16 =	vpop (erf);
	(erf) = vpow2.f32 v14  }
0x174: {  	v15 =	vadd.f32 $1.000000000e+00, v15;
	v10 =	vld [tilespmem:s14+$0x4060];
	[tilespmem:s13+$0x10020] =	vst v11;
	v11 =	vadd.f32 $1.000000000e+00, v16  }
0x175: {  	v18 =	vld [tilespmem:s14+$0x4000];
	v14 =	vmul.f32 $-1.442695020e+00, v3;
	(erf) = vrcp.f32 v13  }
0x176: {  	v20 =	vmul.f32 $-1.442695020e+00, v7;
	(erf) = vrcp.f32 v15  }
0x177: {  	(erf) = vrcp.f32 v11  }
0x178: {  	s25 =	sadd.s32 $0x4, s1;
	s28 =	simm.s32 $0x600;
	v19 =	vmax.f32 v12, $0.0e+00;
	v13 =	vld [tilespmem:s14+$0x4010];
	v11 =	vpop (erf)  }
0x179: {  	s29 =	simm.s32 $0x0;
	s26 =	sadd.s32 s4, s25;
	s12 =	sshll.u32 s25, $0x4;
	v12 =	vld [tilespmem:s14+$0x4020];
	v16 =	vmul.f32 $-1.442695020e+00, v5;
	(erf) = vpow2.f32 v14;
	v63 =	vadd.f32 $1.000000000e+00, v11;
	v14 =	vpop (erf)  }
0x17a: {  	s25 =	simm.s32 $0x400;
	s12 =	sand.u32 $0x40, s12;
	s9 =	sshll.u32 s26, $0x9;
	v15 =	vmul.f32 $-1.442695020e+00, v10;
	v11 =	vld [tilespmem:s14+$0x4030];
	[tilespmem:s13+$0x10030] =	vst v19;
	v19 =	vmax.f32 v18, $0.0e+00;
	(erf) = vpow2.f32 v20;
	v20 =	vpop (erf)  }
0x17b: {  	s18 =	simm.s32 $0x2000;
	s26 =	simm.s32 $0x200;
	s9 =	sand.u32 $0xFFF000, s9;
	v14 =	vadd.f32 $1.000000000e+00, v14;
	(erf) = vrcp.f32 v63;
	v18 =	vpop (erf);
	v17 =	vmul.f32 v20, v17  }
.LBB2_11:
0x17c: {  	(erf) = vpow2.f32 v16;
	v16 =	vadd.f32 $1.000000000e+00, v18;
	v18 =	vpop (erf)  }
0x17d: {  	p1 =	sne.s32 s18, $0xF800;
	[tilespmem:s25+$0x10000] =	vst v19;
	v13 =	vmax.f32 v13, $0.0e+00;
	v20 =	vmovc v4;
	v4 =	vmovc v3;
	v3 =	vld [tilespmem:s28+$0x4070];
	v19 =	vmov v5;
	v21 =	vmov v10  }
0x17e: {  	v22 =	vld [tilespmem:s28+$0x4040];
	v12 =	vmax.f32 v12, $0.0e+00;
	(erf) = vpow2.f32 v15;
	v15 =	vadd.f32 $1.000000000e+00, v18;
	[tilespmem:s29+$0x10070] =	vst v17;
	v10 =	vpop (erf)  }
0x17f: {  	v5 =	vld [tilespmem:s28+$0x4050];
	[tilespmem:s25+$0x10010] =	vst v13;
	v17 =	vmax.f32 v11, $0.0e+00;
	(erf) = vrcp.f32 v14;
	v11 =	vmul.f32 v10, v9;
	v9 =	vpop (erf)  }
0x180: {  	v10 =	vld [tilespmem:s28+$0x4060];
	[tilespmem:s25+$0x10020] =	vst v12;
	(erf) = vrcp.f32 v16;
	v12 =	vmul.f32 v9, v8;
	v8 =	vpop (erf);
	v9 =	vmov v2  }
0x181: {  	v2 =	vmovc v7;
	v18 =	vld [tilespmem:s28+$0x4000];
	(erf) = vrcp.f32 v15;
	[tilespmem:s29+$0x10040] =	vst v11;
	v11 =	vmul.f32 v8, v6;
	v8 =	vmovc v0;
	v0 =	vmov v19  }
.Ltmp4:
0x182: {  	v6 =	vmov v1;
	v1 =	vmov v21;
	v13 =	vld [tilespmem:s28+$0x4010];
	v23 =	vmul.f32 $-1.442695020e+00, v3;
	[tilespmem:s29+$0x10050] =	vst v12;
	(pc) =	sbr.rel @p1 .LBB2_11-.Ltmp4, $4  }
0x183: {  	v12 =	vld [tilespmem:s28+$0x4020];
	v19 =	vmul.f32 $-1.442695020e+00, v22;
	v15 =	vpop (erf);
	[tilespmem:s29+$0x10060] =	vst v11;
	v7 =	vmov v22;
	s29 =	smov.u32 s26;
	s26 =	smov.u32 s25;
	s25 =	smov.u32 s28  }
0x184: {  	v11 =	vld [tilespmem:s25+$0x4030];
	v16 =	vmul.f32 $-1.442695020e+00, v5;
	(erf) = vpow2.f32 v23;
	[tilespmem:s26+$0x10030] =	vst v17;
	v17 =	vadd.f32 $1.000000000e+00, v15;
	v14 =	vpop (erf)  }
0x185: {  	v15 =	vmul.f32 $-1.442695020e+00, v10;
	(erf) = vpow2.f32 v19;
	v14 =	vadd.f32 $1.000000000e+00, v14;
	v21 =	vpop (erf)  }
0x186: {  	s28 =	sshra.s32 s18, $0x2;
	s18 =	sadd.s32 $0x800, s18;
	v19 =	vmax.f32 v18, $0.0e+00;
	v18 =	vpop (erf);
	(erf) = vrcp.f32 v17;
	v17 =	vmul.f32 v21, v20  }
0x187: {  	v20 =	vld [tilespmem:s28+$0x4070];
	[tilespmem:s25+$0x10000] =	vst v19  }
0x188: {  	(erf) = vpow2.f32 v16;
	v18 =	vadd.f32 $1.000000000e+00, v18;
	v19 =	vld [tilespmem:s28+$0x4040]  }
0x189: {  	v13 =	vmax.f32 v13, $0.0e+00;
	v16 =	vpop (erf);
	[tilespmem:s29+$0x10070] =	vst v17;
	(erf) = vpow2.f32 v15  }
0x18a: {  	v15 =	vpop (erf);
	v17 =	vld [tilespmem:s28+$0x4050];
	[tilespmem:s25+$0x10010] =	vst v13;
	v13 =	vadd.f32 $1.000000000e+00, v16;
	(erf) = vrcp.f32 v14  }
0x18b: {  	v14 =	vpop (erf);
	(erf) = vrcp.f32 v18  }
0x18c: {  	v16 =	vld [tilespmem:s28+$0x4060];
	v18 =	vpop (erf);
	(erf) = vrcp.f32 v13  }
0x18d: {  	v21 =	vmul.f32 $-1.442695020e+00, v20;
	v13 =	vmul.f32 $-1.442695020e+00, v19  }
0x18e: {  	v22 =	vpop (erf)  }
0x18f: {  	v9 =	vmul.f32 v15, v9;
	(erf) = vpow2.f32 v21;
	v57 =	vadd.f32 $1.000000000e+00, v22  }
0x190: {  	v12 =	vmax.f32 v12, $0.0e+00;
	v58 =	vmul.f32 $-1.442695020e+00, v17;
	(erf) = vpow2.f32 v13  }
0x191: {  	v23 =	vmul.f32 $-1.442695020e+00, v16;
	v13 =	vpop (erf);
	(erf) = vrcp.f32 v57  }
0x192: {  	v59 =	vpop (erf);
	(erf) = vpow2.f32 v58  }
0x193: {  	[tilespmem:s25+$0x10020] =	vst v12;
	v8 =	vmul.f32 v14, v8;
	v12 =	vpop (erf);
	(erf) = vpow2.f32 v23  }
0x194: {  	v60 =	vld [tilespmem:s28+$0x4000];
	[tilespmem:s29+$0x10040] =	vst v9;
	v15 =	vpop (erf)  }
0x195: {  	v14 =	vld [tilespmem:s28+$0x4010];
	v6 =	vmul.f32 v18, v6;
	[tilespmem:s29+$0x10050] =	vst v8;
	v8 =	vadd.f32 $1.000000000e+00, v13;
	v9 =	vpop (erf)  }
0x196: {  	v61 =	vpop (erf)  }
0x197: {  	v18 =	vld [tilespmem:s28+$0x4020];
	[tilespmem:s29+$0x10060] =	vst v6;
	v6 =	vmax.f32 v11, $0.0e+00;
	v11 =	vadd.f32 $1.000000000e+00, v15;
	v13 =	vpop (erf)  }
0x198: {  	v12 =	vadd.f32 $1.000000000e+00, v12;
	v24 =	vpop (erf)  }
0x199: {  	(erf) = vrcp.f32 v8;
	v8 =	vpop (erf)  }
0x19a: {  	v4 =	vmul.f32 v59, v4;
	(erf) = vrcp.f32 v12;
	v12 =	vadd.f32 $1.000000000e+00, v24;
	v62 =	vpop (erf)  }
0x19b: {  	v15 =	vld [tilespmem:s28+$0x4030];
	[tilespmem:s25+$0x10030] =	vst v6;
	v6 =	vmax.f32 v60, $0.0e+00;
	(erf) = vrcp.f32 v11;
	v8 =	vadd.f32 $1.000000000e+00, v8;
	v11 =	vpop (erf)  }
0x19c: {  	[tilespmem:s28+$0x10000] =	vst v6;
	(erf) = vrcp.f32 v12;
	v6 =	vadd.f32 $1.000000000e+00, v11;
	v11 =	vpop (erf)  }
0x19d: {  	[tilespmem:s26+$0x10070] =	vst v4;
	v12 =	vmax.f32 v14, $0.0e+00;
	(erf) = vrcp.f32 v8;
	v4 =	vadd.f32 $1.000000000e+00, v11  }
0x19e: {  	v2 =	vmul.f32 v9, v2;
	v8 =	vmax.f32 v18, $0.0e+00;
	[tilespmem:s28+$0x10010] =	vst v12;
	(erf) = vrcp.f32 v6  }
0x19f: {  	v0 =	vmul.f32 v61, v0;
	[tilespmem:s28+$0x10020] =	vst v8;
	(erf) = vrcp.f32 v4  }
0x1a0: {  	v1 =	vmul.f32 v13, v1;
	[tilespmem:s26+$0x10040] =	vst v2  }
0x1a1: {  	[tilespmem:s26+$0x10050] =	vst v0  }
0x1a2: {  	v0 =	vmax.f32 v15, $0.0e+00;
	[tilespmem:s26+$0x10060] =	vst v1;
	v1 =	vmul.f32 v62, v3;
	v2 =	vpop (erf)  }
0x1a3: {  	[tilespmem:s28+$0x10030] =	vst v0;
	v0 =	vmul.f32 v2, v7;
	v2 =	vpop (erf)  }
0x1a4: {  	[tilespmem:s25+$0x10070] =	vst v1;
	v1 =	vmul.f32 v2, v5;
	v2 =	vpop (erf)  }
0x1a5: {  	[tilespmem:s25+$0x10040] =	vst v0;
	v0 =	vmul.f32 v2, v10;
	v2 =	vpop (erf)  }
0x1a6: {  	[tilespmem:s25+$0x10050] =	vst v1;
	v1 =	vmul.f32 v2, v20;
	v2 =	vpop (erf)  }
0x1a7: {  	[tilespmem:s25+$0x10060] =	vst v0;
	v0 =	vmul.f32 v2, v19;
	v2 =	vpop (erf)  }
0x1a8: {  	[tilespmem:s28+$0x10070] =	vst v1;
	v1 =	vmul.f32 v2, v17;
	v2 =	vpop (erf)  }
0x1a9: {  	[tilespmem:s28+$0x10040] =	vst v0;
	v0 =	vmul.f32 v2, v16  }
0x1aa: {  	[tilespmem:s28+$0x10050] =	vst v1  }
0x1ab: {  	[tilespmem:s28+$0x10060] =	vst v0  }
0x1ac: {  	v17 =	vld [tilespmem:s7+$0x40F0]  }
0x1ad: {  	v10 =	vld [tilespmem:s7+$0x40C0]  }
0x1ae: {  	v0 =	vld [tilespmem:s7+$0x4080]  }
0x1af: {  	v8 =	vld [tilespmem:s7+$0x40D0]  }
0x1b0: {  	v1 =	vld [tilespmem:s7+$0x4090]  }
0x1b1: {  	v3 =	vld [tilespmem:s7+$0x40A0];
	v2 =	vmul.f32 $-1.442695020e+00, v17  }
0x1b2: {  	v6 =	vld [tilespmem:s7+$0x40E0]  }
0x1b3: {  	v5 =	vld [tilespmem:s7+$0x40B0];
	v0 =	vmax.f32 v0, $0.0e+00;
	(erf) = vpow2.f32 v2  }
0x1b4: {  	v4 =	vld [tilespmem:s13+$0x40F0];
	[tilespmem:s7+$0x10080] =	vst v0  }
0x1b5: {  	v1 =	vmax.f32 v1, $0.0e+00;
	v7 =	vmul.f32 $-1.442695020e+00, v10;
	v2 =	vld [tilespmem:s13+$0x40C0]  }
0x1b6: {  	v3 =	vmax.f32 v3, $0.0e+00;
	v9 =	vmul.f32 $-1.442695020e+00, v8;
	v0 =	vld [tilespmem:s13+$0x40D0];
	[tilespmem:s7+$0x10090] =	vst v1  }
0x1b7: {  	v1 =	vld [tilespmem:s13+$0x40E0];
	[tilespmem:s7+$0x100A0] =	vst v3;
	v3 =	vmul.f32 $-1.442695020e+00, v6;
	(erf) = vpow2.f32 v7  }
0x1b8: {  	(erf) = vpow2.f32 v9  }
0x1b9: {  	v7 =	vld [tilespmem:s13+$0x4080];
	(erf) = vpow2.f32 v3;
	_ =	sdelay $0x1  }
0x1ba: {  	v3 =	vmax.f32 v5, $0.0e+00;
	v5 =	vmul.f32 $-1.442695020e+00, v4  }
0x1bb: {  	v9 =	vld [tilespmem:s13+$0x4090];
	v13 =	vmul.f32 $-1.442695020e+00, v2;
	v14 =	vpop (erf)  }
0x1bc: {  	v11 =	vld [tilespmem:s13+$0x40A0];
	(erf) = vpow2.f32 v5;
	v5 =	vadd.f32 $1.000000000e+00, v14  }
0x1bd: {  	v12 =	vld [tilespmem:s13+$0x40B0];
	[tilespmem:s7+$0x100B0] =	vst v3;
	v7 =	vmax.f32 v7, $0.0e+00;
	(erf) = vpow2.f32 v13;
	v14 =	vmul.f32 $-1.442695020e+00, v0  }
0x1be: {  	v3 =	vld [tilespmem:s14+$0x40F0];
	[tilespmem:s13+$0x10080] =	vst v7;
	(erf) = vrcp.f32 v5  }
0x1bf: {  	v7 =	vld [tilespmem:s14+$0x40C0];
	v13 =	vpop (erf);
	(erf) = vpow2.f32 v14;
	v14 =	vmul.f32 $-1.442695020e+00, v1  }
0x1c0: {  	v9 =	vmax.f32 v9, $0.0e+00;
	v15 =	vpop (erf)  }
0x1c1: {  	v11 =	vmax.f32 v11, $0.0e+00;
	v13 =	vadd.f32 $1.000000000e+00, v13;
	v5 =	vld [tilespmem:s14+$0x40D0];
	[tilespmem:s13+$0x10090] =	vst v9;
	v16 =	vpop (erf);
	(erf) = vpow2.f32 v14  }
0x1c2: {  	v15 =	vadd.f32 $1.000000000e+00, v15;
	v9 =	vld [tilespmem:s14+$0x40E0];
	[tilespmem:s13+$0x100A0] =	vst v11;
	v11 =	vadd.f32 $1.000000000e+00, v16  }
0x1c3: {  	v18 =	vld [tilespmem:s14+$0x4080];
	v14 =	vmul.f32 $-1.442695020e+00, v3;
	(erf) = vrcp.f32 v13  }
0x1c4: {  	v20 =	vmul.f32 $-1.442695020e+00, v7;
	(erf) = vrcp.f32 v15  }
0x1c5: {  	(erf) = vrcp.f32 v11  }
0x1c6: {  	v19 =	vmax.f32 v12, $0.0e+00;
	v13 =	vld [tilespmem:s14+$0x4090];
	v11 =	vpop (erf)  }
0x1c7: {  	v12 =	vld [tilespmem:s14+$0x40A0];
	v16 =	vmul.f32 $-1.442695020e+00, v5;
	(erf) = vpow2.f32 v14;
	v63 =	vadd.f32 $1.000000000e+00, v11;
	v14 =	vpop (erf)  }
0x1c8: {  	v15 =	vmul.f32 $-1.442695020e+00, v9;
	v11 =	vld [tilespmem:s14+$0x40B0];
	[tilespmem:s13+$0x100B0] =	vst v19;
	v19 =	vmax.f32 v18, $0.0e+00;
	(erf) = vpow2.f32 v20;
	v20 =	vpop (erf)  }
0x1c9: {  	s18 =	simm.s32 $0x2000;
	s25 =	simm.s32 $0x600;
	v14 =	vadd.f32 $1.000000000e+00, v14;
	(erf) = vrcp.f32 v63;
	v18 =	vpop (erf);
	v17 =	vmul.f32 v20, v17  }
.LBB2_13:
0x1ca: {  	(erf) = vpow2.f32 v16;
	v16 =	vadd.f32 $1.000000000e+00, v18;
	v18 =	vpop (erf)  }
0x1cb: {  	p1 =	sne.s32 s18, $0xF800;
	[tilespmem:s14+$0x10080] =	vst v19;
	v13 =	vmax.f32 v13, $0.0e+00;
	v20 =	vmovc v4;
	v4 =	vmovc v3;
	v3 =	vld [tilespmem:s25+$0x40F0];
	v19 =	vmov v5;
	v21 =	vmov v9  }
0x1cc: {  	v22 =	vld [tilespmem:s25+$0x40C0];
	v12 =	vmax.f32 v12, $0.0e+00;
	(erf) = vpow2.f32 v15;
	v15 =	vadd.f32 $1.000000000e+00, v18;
	[tilespmem:s7+$0x100F0] =	vst v17;
	v9 =	vpop (erf)  }
0x1cd: {  	v5 =	vld [tilespmem:s25+$0x40D0];
	[tilespmem:s14+$0x10090] =	vst v13;
	v17 =	vmax.f32 v11, $0.0e+00;
	(erf) = vrcp.f32 v14;
	v11 =	vmul.f32 v9, v10;
	v10 =	vpop (erf)  }
0x1ce: {  	v9 =	vld [tilespmem:s25+$0x40E0];
	[tilespmem:s14+$0x100A0] =	vst v12;
	(erf) = vrcp.f32 v16;
	v12 =	vmul.f32 v10, v8;
	v8 =	vpop (erf);
	v10 =	vmov v2  }
0x1cf: {  	v2 =	vmovc v7;
	v18 =	vld [tilespmem:s25+$0x4080];
	(erf) = vrcp.f32 v15;
	[tilespmem:s7+$0x100C0] =	vst v11;
	v11 =	vmul.f32 v8, v6;
	v8 =	vmovc v0;
	v0 =	vmov v19  }
.Ltmp5:
0x1d0: {  	v6 =	vmov v1;
	v1 =	vmov v21;
	v13 =	vld [tilespmem:s25+$0x4090];
	v23 =	vmul.f32 $-1.442695020e+00, v3;
	[tilespmem:s7+$0x100D0] =	vst v12;
	(pc) =	sbr.rel @p1 .LBB2_13-.Ltmp5, $4  }
0x1d1: {  	v12 =	vld [tilespmem:s25+$0x40A0];
	v19 =	vmul.f32 $-1.442695020e+00, v22;
	v15 =	vpop (erf);
	[tilespmem:s7+$0x100E0] =	vst v11;
	v7 =	vmov v22;
	s7 =	smov.u32 s13;
	s13 =	smov.u32 s14;
	s14 =	smov.u32 s25  }
0x1d2: {  	v11 =	vld [tilespmem:s14+$0x40B0];
	v16 =	vmul.f32 $-1.442695020e+00, v5;
	(erf) = vpow2.f32 v23;
	[tilespmem:s13+$0x100B0] =	vst v17;
	v17 =	vadd.f32 $1.000000000e+00, v15;
	v14 =	vpop (erf)  }
0x1d3: {  	v15 =	vmul.f32 $-1.442695020e+00, v9;
	(erf) = vpow2.f32 v19;
	v14 =	vadd.f32 $1.000000000e+00, v14;
	v21 =	vpop (erf)  }
0x1d4: {  	s25 =	sshra.s32 s18, $0x2;
	s18 =	sadd.s32 $0x800, s18;
	v19 =	vmax.f32 v18, $0.0e+00;
	v18 =	vpop (erf);
	(erf) = vrcp.f32 v17;
	v17 =	vmul.f32 v21, v20  }
0x1d5: {  	v20 =	vld [tilespmem:s25+$0x40F0];
	[tilespmem:s14+$0x10080] =	vst v19  }
0x1d6: {  	(erf) = vpow2.f32 v16;
	v18 =	vadd.f32 $1.000000000e+00, v18;
	v19 =	vld [tilespmem:s25+$0x40C0]  }
0x1d7: {  	v13 =	vmax.f32 v13, $0.0e+00;
	v16 =	vpop (erf);
	[tilespmem:s7+$0x100F0] =	vst v17;
	(erf) = vpow2.f32 v15  }
0x1d8: {  	v15 =	vpop (erf);
	v17 =	vld [tilespmem:s25+$0x40D0];
	[tilespmem:s14+$0x10090] =	vst v13;
	v13 =	vadd.f32 $1.000000000e+00, v16;
	(erf) = vrcp.f32 v14  }
0x1d9: {  	v14 =	vpop (erf);
	(erf) = vrcp.f32 v18  }
0x1da: {  	v16 =	vld [tilespmem:s25+$0x40E0];
	v18 =	vpop (erf);
	(erf) = vrcp.f32 v13  }
0x1db: {  	v21 =	vmul.f32 $-1.442695020e+00, v20;
	v13 =	vmul.f32 $-1.442695020e+00, v19  }
0x1dc: {  	v22 =	vpop (erf)  }
0x1dd: {  	v10 =	vmul.f32 v15, v10;
	(erf) = vpow2.f32 v21;
	v57 =	vadd.f32 $1.000000000e+00, v22  }
0x1de: {  	v12 =	vmax.f32 v12, $0.0e+00;
	v58 =	vmul.f32 $-1.442695020e+00, v17;
	(erf) = vpow2.f32 v13  }
0x1df: {  	v23 =	vmul.f32 $-1.442695020e+00, v16;
	v13 =	vpop (erf);
	(erf) = vrcp.f32 v57  }
0x1e0: {  	v59 =	vpop (erf);
	(erf) = vpow2.f32 v58  }
0x1e1: {  	[tilespmem:s14+$0x100A0] =	vst v12;
	v8 =	vmul.f32 v14, v8;
	v12 =	vpop (erf);
	(erf) = vpow2.f32 v23  }
0x1e2: {  	v60 =	vld [tilespmem:s25+$0x4080];
	[tilespmem:s7+$0x100C0] =	vst v10;
	v15 =	vpop (erf)  }
0x1e3: {  	v14 =	vld [tilespmem:s25+$0x4090];
	v6 =	vmul.f32 v18, v6;
	[tilespmem:s7+$0x100D0] =	vst v8;
	v8 =	vadd.f32 $1.000000000e+00, v13;
	v10 =	vpop (erf)  }
0x1e4: {  	v61 =	vpop (erf)  }
0x1e5: {  	v18 =	vld [tilespmem:s25+$0x40A0];
	[tilespmem:s7+$0x100E0] =	vst v6;
	v6 =	vmax.f32 v11, $0.0e+00;
	v11 =	vadd.f32 $1.000000000e+00, v15;
	v13 =	vpop (erf)  }
0x1e6: {  	v12 =	vadd.f32 $1.000000000e+00, v12;
	v24 =	vpop (erf)  }
0x1e7: {  	(erf) = vrcp.f32 v8;
	v8 =	vpop (erf)  }
0x1e8: {  	v4 =	vmul.f32 v59, v4;
	(erf) = vrcp.f32 v12;
	v12 =	vadd.f32 $1.000000000e+00, v24;
	v62 =	vpop (erf)  }
0x1e9: {  	v15 =	vld [tilespmem:s25+$0x40B0];
	[tilespmem:s14+$0x100B0] =	vst v6;
	v6 =	vmax.f32 v60, $0.0e+00;
	(erf) = vrcp.f32 v11;
	v8 =	vadd.f32 $1.000000000e+00, v8;
	v11 =	vpop (erf)  }
0x1ea: {  	[tilespmem:s25+$0x10080] =	vst v6;
	(erf) = vrcp.f32 v12;
	v6 =	vadd.f32 $1.000000000e+00, v11;
	v11 =	vpop (erf)  }
0x1eb: {  	[tilespmem:s13+$0x100F0] =	vst v4;
	v12 =	vmax.f32 v14, $0.0e+00;
	(erf) = vrcp.f32 v8;
	v4 =	vadd.f32 $1.000000000e+00, v11  }
0x1ec: {  	v2 =	vmul.f32 v10, v2;
	v8 =	vmax.f32 v18, $0.0e+00;
	[tilespmem:s25+$0x10090] =	vst v12;
	(erf) = vrcp.f32 v6  }
0x1ed: {  	v0 =	vmul.f32 v61, v0;
	[tilespmem:s25+$0x100A0] =	vst v8;
	(erf) = vrcp.f32 v4  }
0x1ee: {  	v1 =	vmul.f32 v13, v1;
	[tilespmem:s13+$0x100C0] =	vst v2  }
0x1ef: {  	[tilespmem:s13+$0x100D0] =	vst v0  }
0x1f0: {  	v0 =	vmax.f32 v15, $0.0e+00;
	[tilespmem:s13+$0x100E0] =	vst v1;
	v1 =	vmul.f32 v62, v3;
	v2 =	vpop (erf)  }
0x1f1: {  	[tilespmem:s25+$0x100B0] =	vst v0;
	v0 =	vmul.f32 v2, v7;
	v2 =	vpop (erf)  }
0x1f2: {  	[tilespmem:s14+$0x100F0] =	vst v1;
	v1 =	vmul.f32 v2, v5;
	v2 =	vpop (erf)  }
0x1f3: {  	[tilespmem:s14+$0x100C0] =	vst v0;
	v0 =	vmul.f32 v2, v9;
	v2 =	vpop (erf)  }
0x1f4: {  	[tilespmem:s14+$0x100D0] =	vst v1;
	v1 =	vmul.f32 v2, v20;
	v2 =	vpop (erf)  }
0x1f5: {  	[tilespmem:s14+$0x100E0] =	vst v0;
	v0 =	vmul.f32 v2, v19;
	v2 =	vpop (erf)  }
0x1f6: {  	[tilespmem:s25+$0x100F0] =	vst v1;
	v1 =	vmul.f32 v2, v17;
	v2 =	vpop (erf)  }
0x1f7: {  	[tilespmem:s25+$0x100C0] =	vst v0;
	v0 =	vmul.f32 v2, v16  }
0x1f8: {  	[tilespmem:s25+$0x100D0] =	vst v1  }
0x1f9: {  	s7 =	simm.s32 $0x0;
	[tilespmem:s25+$0x100E0] =	vst v0  }
0x1fa: {  	v17 =	vld [tilespmem:s7+$0x4170]  }
0x1fb: {  	v9 =	vld [tilespmem:s7+$0x4140]  }
0x1fc: {  	v0 =	vld [tilespmem:s7+$0x4100]  }
0x1fd: {  	v8 =	vld [tilespmem:s7+$0x4150]  }
0x1fe: {  	v1 =	vld [tilespmem:s7+$0x4110]  }
0x1ff: {  	v3 =	vld [tilespmem:s7+$0x4120];
	v2 =	vmul.f32 $-1.442695020e+00, v17  }
0x200: {  	v6 =	vld [tilespmem:s7+$0x4160]  }
0x201: {  	s13 =	simm.s32 $0x200;
	v5 =	vld [tilespmem:s7+$0x4130];
	v0 =	vmax.f32 v0, $0.0e+00;
	(erf) = vpow2.f32 v2  }
0x202: {  	v4 =	vld [tilespmem:s13+$0x4170];
	[tilespmem:s7+$0x10100] =	vst v0  }
0x203: {  	v1 =	vmax.f32 v1, $0.0e+00;
	v7 =	vmul.f32 $-1.442695020e+00, v9;
	v2 =	vld [tilespmem:s13+$0x4140]  }
0x204: {  	v3 =	vmax.f32 v3, $0.0e+00;
	v10 =	vmul.f32 $-1.442695020e+00, v8;
	v0 =	vld [tilespmem:s13+$0x4150];
	[tilespmem:s7+$0x10110] =	vst v1  }
0x205: {  	v1 =	vld [tilespmem:s13+$0x4160];
	[tilespmem:s7+$0x10120] =	vst v3;
	v3 =	vmul.f32 $-1.442695020e+00, v6;
	(erf) = vpow2.f32 v7  }
0x206: {  	(erf) = vpow2.f32 v10  }
0x207: {  	v7 =	vld [tilespmem:s13+$0x4100];
	(erf) = vpow2.f32 v3;
	_ =	sdelay $0x1  }
0x208: {  	v3 =	vmax.f32 v5, $0.0e+00;
	v5 =	vmul.f32 $-1.442695020e+00, v4  }
0x209: {  	v10 =	vld [tilespmem:s13+$0x4110];
	v13 =	vmul.f32 $-1.442695020e+00, v2;
	v14 =	vpop (erf)  }
0x20a: {  	v11 =	vld [tilespmem:s13+$0x4120];
	(erf) = vpow2.f32 v5;
	v5 =	vadd.f32 $1.000000000e+00, v14  }
0x20b: {  	s14 =	simm.s32 $0x400;
	v12 =	vld [tilespmem:s13+$0x4130];
	[tilespmem:s7+$0x10130] =	vst v3;
	v7 =	vmax.f32 v7, $0.0e+00;
	(erf) = vpow2.f32 v13;
	v14 =	vmul.f32 $-1.442695020e+00, v0  }
0x20c: {  	v3 =	vld [tilespmem:s14+$0x4170];
	[tilespmem:s13+$0x10100] =	vst v7;
	(erf) = vrcp.f32 v5  }
0x20d: {  	v7 =	vld [tilespmem:s14+$0x4140];
	v13 =	vpop (erf);
	(erf) = vpow2.f32 v14;
	v14 =	vmul.f32 $-1.442695020e+00, v1  }
0x20e: {  	v10 =	vmax.f32 v10, $0.0e+00;
	v15 =	vpop (erf)  }
0x20f: {  	v11 =	vmax.f32 v11, $0.0e+00;
	v13 =	vadd.f32 $1.000000000e+00, v13;
	v5 =	vld [tilespmem:s14+$0x4150];
	[tilespmem:s13+$0x10110] =	vst v10;
	v16 =	vpop (erf);
	(erf) = vpow2.f32 v14  }
0x210: {  	v15 =	vadd.f32 $1.000000000e+00, v15;
	v10 =	vld [tilespmem:s14+$0x4160];
	[tilespmem:s13+$0x10120] =	vst v11;
	v11 =	vadd.f32 $1.000000000e+00, v16  }
0x211: {  	v18 =	vld [tilespmem:s14+$0x4100];
	v14 =	vmul.f32 $-1.442695020e+00, v3;
	(erf) = vrcp.f32 v13  }
0x212: {  	v20 =	vmul.f32 $-1.442695020e+00, v7;
	(erf) = vrcp.f32 v15  }
0x213: {  	(erf) = vrcp.f32 v11  }
0x214: {  	v19 =	vmax.f32 v12, $0.0e+00;
	v13 =	vld [tilespmem:s14+$0x4110];
	v11 =	vpop (erf)  }
0x215: {  	v12 =	vld [tilespmem:s14+$0x4120];
	v16 =	vmul.f32 $-1.442695020e+00, v5;
	(erf) = vpow2.f32 v14;
	v63 =	vadd.f32 $1.000000000e+00, v11;
	v14 =	vpop (erf)  }
0x216: {  	s28 =	simm.s32 $0x600;
	s18 =	simm.s32 $0x2000;
	v15 =	vmul.f32 $-1.442695020e+00, v10;
	v11 =	vld [tilespmem:s14+$0x4130];
	[tilespmem:s13+$0x10130] =	vst v19;
	v19 =	vmax.f32 v18, $0.0e+00;
	(erf) = vpow2.f32 v20;
	v20 =	vpop (erf)  }
0x217: {  	s29 =	simm.s32 $0x0;
	s26 =	simm.s32 $0x200;
	s25 =	simm.s32 $0x400;
	v14 =	vadd.f32 $1.000000000e+00, v14;
	(erf) = vrcp.f32 v63;
	v18 =	vpop (erf);
	v17 =	vmul.f32 v20, v17  }
.LBB2_15:
0x218: {  	(erf) = vpow2.f32 v16;
	v16 =	vadd.f32 $1.000000000e+00, v18;
	v18 =	vpop (erf)  }
0x219: {  	p1 =	sne.s32 s18, $0xF800;
	[tilespmem:s25+$0x10100] =	vst v19;
	v13 =	vmax.f32 v13, $0.0e+00;
	v20 =	vmovc v4;
	v4 =	vmovc v3;
	v3 =	vld [tilespmem:s28+$0x4170];
	v19 =	vmov v5;
	v21 =	vmov v10  }
0x21a: {  	v22 =	vld [tilespmem:s28+$0x4140];
	v12 =	vmax.f32 v12, $0.0e+00;
	(erf) = vpow2.f32 v15;
	v15 =	vadd.f32 $1.000000000e+00, v18;
	[tilespmem:s29+$0x10170] =	vst v17;
	v10 =	vpop (erf)  }
0x21b: {  	v5 =	vld [tilespmem:s28+$0x4150];
	[tilespmem:s25+$0x10110] =	vst v13;
	v17 =	vmax.f32 v11, $0.0e+00;
	(erf) = vrcp.f32 v14;
	v11 =	vmul.f32 v10, v9;
	v9 =	vpop (erf)  }
0x21c: {  	v10 =	vld [tilespmem:s28+$0x4160];
	[tilespmem:s25+$0x10120] =	vst v12;
	(erf) = vrcp.f32 v16;
	v12 =	vmul.f32 v9, v8;
	v8 =	vpop (erf);
	v9 =	vmov v2  }
0x21d: {  	v2 =	vmovc v7;
	v18 =	vld [tilespmem:s28+$0x4100];
	(erf) = vrcp.f32 v15;
	[tilespmem:s29+$0x10140] =	vst v11;
	v11 =	vmul.f32 v8, v6;
	v8 =	vmovc v0;
	v0 =	vmov v19  }
.Ltmp6:
0x21e: {  	v6 =	vmov v1;
	v1 =	vmov v21;
	v13 =	vld [tilespmem:s28+$0x4110];
	v23 =	vmul.f32 $-1.442695020e+00, v3;
	[tilespmem:s29+$0x10150] =	vst v12;
	(pc) =	sbr.rel @p1 .LBB2_15-.Ltmp6, $4  }
0x21f: {  	v12 =	vld [tilespmem:s28+$0x4120];
	v19 =	vmul.f32 $-1.442695020e+00, v22;
	v15 =	vpop (erf);
	[tilespmem:s29+$0x10160] =	vst v11;
	v7 =	vmov v22;
	s29 =	smov.u32 s26;
	s26 =	smov.u32 s25;
	s25 =	smov.u32 s28  }
0x220: {  	v11 =	vld [tilespmem:s25+$0x4130];
	v16 =	vmul.f32 $-1.442695020e+00, v5;
	(erf) = vpow2.f32 v23;
	[tilespmem:s26+$0x10130] =	vst v17;
	v17 =	vadd.f32 $1.000000000e+00, v15;
	v14 =	vpop (erf)  }
0x221: {  	v15 =	vmul.f32 $-1.442695020e+00, v10;
	(erf) = vpow2.f32 v19;
	v14 =	vadd.f32 $1.000000000e+00, v14;
	v21 =	vpop (erf)  }
0x222: {  	s28 =	sshra.s32 s18, $0x2;
	s18 =	sadd.s32 $0x800, s18;
	v19 =	vmax.f32 v18, $0.0e+00;
	v18 =	vpop (erf);
	(erf) = vrcp.f32 v17;
	v17 =	vmul.f32 v21, v20  }
0x223: {  	v20 =	vld [tilespmem:s28+$0x4170];
	[tilespmem:s25+$0x10100] =	vst v19  }
0x224: {  	(erf) = vpow2.f32 v16;
	v18 =	vadd.f32 $1.000000000e+00, v18;
	v19 =	vld [tilespmem:s28+$0x4140]  }
0x225: {  	v13 =	vmax.f32 v13, $0.0e+00;
	v16 =	vpop (erf);
	[tilespmem:s29+$0x10170] =	vst v17;
	(erf) = vpow2.f32 v15  }
0x226: {  	v15 =	vpop (erf);
	v17 =	vld [tilespmem:s28+$0x4150];
	[tilespmem:s25+$0x10110] =	vst v13;
	v13 =	vadd.f32 $1.000000000e+00, v16;
	(erf) = vrcp.f32 v14  }
0x227: {  	v14 =	vpop (erf);
	(erf) = vrcp.f32 v18  }
0x228: {  	v16 =	vld [tilespmem:s28+$0x4160];
	v18 =	vpop (erf);
	(erf) = vrcp.f32 v13  }
0x229: {  	v21 =	vmul.f32 $-1.442695020e+00, v20;
	v13 =	vmul.f32 $-1.442695020e+00, v19  }
0x22a: {  	v22 =	vpop (erf)  }
0x22b: {  	v9 =	vmul.f32 v15, v9;
	(erf) = vpow2.f32 v21;
	v57 =	vadd.f32 $1.000000000e+00, v22  }
0x22c: {  	v12 =	vmax.f32 v12, $0.0e+00;
	v58 =	vmul.f32 $-1.442695020e+00, v17;
	(erf) = vpow2.f32 v13  }
0x22d: {  	v23 =	vmul.f32 $-1.442695020e+00, v16;
	v13 =	vpop (erf);
	(erf) = vrcp.f32 v57  }
0x22e: {  	v59 =	vpop (erf);
	(erf) = vpow2.f32 v58  }
0x22f: {  	[tilespmem:s25+$0x10120] =	vst v12;
	v8 =	vmul.f32 v14, v8;
	v12 =	vpop (erf);
	(erf) = vpow2.f32 v23  }
0x230: {  	v60 =	vld [tilespmem:s28+$0x4100];
	[tilespmem:s29+$0x10140] =	vst v9;
	v15 =	vpop (erf)  }
0x231: {  	v14 =	vld [tilespmem:s28+$0x4110];
	v6 =	vmul.f32 v18, v6;
	[tilespmem:s29+$0x10150] =	vst v8;
	v8 =	vadd.f32 $1.000000000e+00, v13;
	v9 =	vpop (erf)  }
0x232: {  	v61 =	vpop (erf)  }
0x233: {  	v18 =	vld [tilespmem:s28+$0x4120];
	[tilespmem:s29+$0x10160] =	vst v6;
	v6 =	vmax.f32 v11, $0.0e+00;
	v11 =	vadd.f32 $1.000000000e+00, v15;
	v13 =	vpop (erf)  }
0x234: {  	v12 =	vadd.f32 $1.000000000e+00, v12;
	v24 =	vpop (erf)  }
0x235: {  	(erf) = vrcp.f32 v8;
	v8 =	vpop (erf)  }
0x236: {  	v4 =	vmul.f32 v59, v4;
	(erf) = vrcp.f32 v12;
	v12 =	vadd.f32 $1.000000000e+00, v24;
	v62 =	vpop (erf)  }
0x237: {  	v15 =	vld [tilespmem:s28+$0x4130];
	[tilespmem:s25+$0x10130] =	vst v6;
	v6 =	vmax.f32 v60, $0.0e+00;
	(erf) = vrcp.f32 v11;
	v8 =	vadd.f32 $1.000000000e+00, v8;
	v11 =	vpop (erf)  }
0x238: {  	[tilespmem:s28+$0x10100] =	vst v6;
	(erf) = vrcp.f32 v12;
	v6 =	vadd.f32 $1.000000000e+00, v11;
	v11 =	vpop (erf)  }
0x239: {  	[tilespmem:s26+$0x10170] =	vst v4;
	v12 =	vmax.f32 v14, $0.0e+00;
	(erf) = vrcp.f32 v8;
	v4 =	vadd.f32 $1.000000000e+00, v11  }
0x23a: {  	v2 =	vmul.f32 v9, v2;
	v8 =	vmax.f32 v18, $0.0e+00;
	[tilespmem:s28+$0x10110] =	vst v12;
	(erf) = vrcp.f32 v6  }
0x23b: {  	v0 =	vmul.f32 v61, v0;
	[tilespmem:s28+$0x10120] =	vst v8;
	(erf) = vrcp.f32 v4  }
0x23c: {  	v1 =	vmul.f32 v13, v1;
	[tilespmem:s26+$0x10140] =	vst v2  }
0x23d: {  	[tilespmem:s26+$0x10150] =	vst v0  }
0x23e: {  	v0 =	vmax.f32 v15, $0.0e+00;
	[tilespmem:s26+$0x10160] =	vst v1;
	v1 =	vmul.f32 v62, v3;
	v2 =	vpop (erf)  }
0x23f: {  	[tilespmem:s28+$0x10130] =	vst v0;
	v0 =	vmul.f32 v2, v7;
	v2 =	vpop (erf)  }
0x240: {  	[tilespmem:s25+$0x10170] =	vst v1;
	v1 =	vmul.f32 v2, v5;
	v2 =	vpop (erf)  }
0x241: {  	[tilespmem:s25+$0x10140] =	vst v0;
	v0 =	vmul.f32 v2, v10;
	v2 =	vpop (erf)  }
0x242: {  	[tilespmem:s25+$0x10150] =	vst v1;
	v1 =	vmul.f32 v2, v20;
	v2 =	vpop (erf)  }
0x243: {  	[tilespmem:s25+$0x10160] =	vst v0;
	v0 =	vmul.f32 v2, v19;
	v2 =	vpop (erf)  }
0x244: {  	[tilespmem:s28+$0x10170] =	vst v1;
	v1 =	vmul.f32 v2, v17;
	v2 =	vpop (erf)  }
0x245: {  	[tilespmem:s28+$0x10140] =	vst v0;
	v0 =	vmul.f32 v2, v16  }
0x246: {  	[tilespmem:s28+$0x10150] =	vst v1  }
0x247: {  	[tilespmem:s28+$0x10160] =	vst v0  }
0x248: {  	v17 =	vld [tilespmem:s7+$0x41F0]  }
0x249: {  	v10 =	vld [tilespmem:s7+$0x41C0]  }
0x24a: {  	v0 =	vld [tilespmem:s7+$0x4180]  }
0x24b: {  	v8 =	vld [tilespmem:s7+$0x41D0]  }
0x24c: {  	v1 =	vld [tilespmem:s7+$0x4190]  }
0x24d: {  	v3 =	vld [tilespmem:s7+$0x41A0];
	v2 =	vmul.f32 $-1.442695020e+00, v17  }
0x24e: {  	v6 =	vld [tilespmem:s7+$0x41E0]  }
0x24f: {  	v5 =	vld [tilespmem:s7+$0x41B0];
	v0 =	vmax.f32 v0, $0.0e+00;
	(erf) = vpow2.f32 v2  }
0x250: {  	v4 =	vld [tilespmem:s13+$0x41F0];
	[tilespmem:s7+$0x10180] =	vst v0  }
0x251: {  	v1 =	vmax.f32 v1, $0.0e+00;
	v7 =	vmul.f32 $-1.442695020e+00, v10;
	v2 =	vld [tilespmem:s13+$0x41C0]  }
0x252: {  	v3 =	vmax.f32 v3, $0.0e+00;
	v9 =	vmul.f32 $-1.442695020e+00, v8;
	v0 =	vld [tilespmem:s13+$0x41D0];
	[tilespmem:s7+$0x10190] =	vst v1  }
0x253: {  	v1 =	vld [tilespmem:s13+$0x41E0];
	[tilespmem:s7+$0x101A0] =	vst v3;
	v3 =	vmul.f32 $-1.442695020e+00, v6;
	(erf) = vpow2.f32 v7  }
0x254: {  	(erf) = vpow2.f32 v9  }
0x255: {  	v7 =	vld [tilespmem:s13+$0x4180];
	(erf) = vpow2.f32 v3;
	_ =	sdelay $0x1  }
0x256: {  	v3 =	vmax.f32 v5, $0.0e+00;
	v5 =	vmul.f32 $-1.442695020e+00, v4  }
0x257: {  	v9 =	vld [tilespmem:s13+$0x4190];
	v13 =	vmul.f32 $-1.442695020e+00, v2;
	v14 =	vpop (erf)  }
0x258: {  	v11 =	vld [tilespmem:s13+$0x41A0];
	(erf) = vpow2.f32 v5;
	v5 =	vadd.f32 $1.000000000e+00, v14  }
0x259: {  	v12 =	vld [tilespmem:s13+$0x41B0];
	[tilespmem:s7+$0x101B0] =	vst v3;
	v7 =	vmax.f32 v7, $0.0e+00;
	(erf) = vpow2.f32 v13;
	v14 =	vmul.f32 $-1.442695020e+00, v0  }
0x25a: {  	v3 =	vld [tilespmem:s14+$0x41F0];
	[tilespmem:s13+$0x10180] =	vst v7;
	(erf) = vrcp.f32 v5  }
0x25b: {  	v7 =	vld [tilespmem:s14+$0x41C0];
	v13 =	vpop (erf);
	(erf) = vpow2.f32 v14;
	v14 =	vmul.f32 $-1.442695020e+00, v1  }
0x25c: {  	v9 =	vmax.f32 v9, $0.0e+00;
	v15 =	vpop (erf)  }
0x25d: {  	v11 =	vmax.f32 v11, $0.0e+00;
	v13 =	vadd.f32 $1.000000000e+00, v13;
	v5 =	vld [tilespmem:s14+$0x41D0];
	[tilespmem:s13+$0x10190] =	vst v9;
	v16 =	vpop (erf);
	(erf) = vpow2.f32 v14  }
0x25e: {  	v15 =	vadd.f32 $1.000000000e+00, v15;
	v9 =	vld [tilespmem:s14+$0x41E0];
	[tilespmem:s13+$0x101A0] =	vst v11;
	v11 =	vadd.f32 $1.000000000e+00, v16  }
0x25f: {  	v18 =	vld [tilespmem:s14+$0x4180];
	v14 =	vmul.f32 $-1.442695020e+00, v3;
	(erf) = vrcp.f32 v13  }
0x260: {  	v20 =	vmul.f32 $-1.442695020e+00, v7;
	(erf) = vrcp.f32 v15  }
0x261: {  	(erf) = vrcp.f32 v11  }
0x262: {  	v19 =	vmax.f32 v12, $0.0e+00;
	v13 =	vld [tilespmem:s14+$0x4190];
	v11 =	vpop (erf)  }
0x263: {  	v12 =	vld [tilespmem:s14+$0x41A0];
	v16 =	vmul.f32 $-1.442695020e+00, v5;
	(erf) = vpow2.f32 v14;
	v63 =	vadd.f32 $1.000000000e+00, v11;
	v14 =	vpop (erf)  }
0x264: {  	v15 =	vmul.f32 $-1.442695020e+00, v9;
	v11 =	vld [tilespmem:s14+$0x41B0];
	[tilespmem:s13+$0x101B0] =	vst v19;
	v19 =	vmax.f32 v18, $0.0e+00;
	(erf) = vpow2.f32 v20;
	v20 =	vpop (erf)  }
0x265: {  	s18 =	simm.s32 $0x2000;
	s25 =	simm.s32 $0x600;
	v14 =	vadd.f32 $1.000000000e+00, v14;
	(erf) = vrcp.f32 v63;
	v18 =	vpop (erf);
	v17 =	vmul.f32 v20, v17  }
.LBB2_17:
0x266: {  	(erf) = vpow2.f32 v16;
	v16 =	vadd.f32 $1.000000000e+00, v18;
	v18 =	vpop (erf)  }
0x267: {  	p1 =	sne.s32 s18, $0xF800;
	[tilespmem:s14+$0x10180] =	vst v19;
	v13 =	vmax.f32 v13, $0.0e+00;
	v20 =	vmovc v4;
	v4 =	vmovc v3;
	v3 =	vld [tilespmem:s25+$0x41F0];
	v19 =	vmov v5;
	v21 =	vmov v9  }
0x268: {  	v22 =	vld [tilespmem:s25+$0x41C0];
	v12 =	vmax.f32 v12, $0.0e+00;
	(erf) = vpow2.f32 v15;
	v15 =	vadd.f32 $1.000000000e+00, v18;
	[tilespmem:s7+$0x101F0] =	vst v17;
	v9 =	vpop (erf)  }
0x269: {  	v5 =	vld [tilespmem:s25+$0x41D0];
	[tilespmem:s14+$0x10190] =	vst v13;
	v17 =	vmax.f32 v11, $0.0e+00;
	(erf) = vrcp.f32 v14;
	v11 =	vmul.f32 v9, v10;
	v10 =	vpop (erf)  }
0x26a: {  	v9 =	vld [tilespmem:s25+$0x41E0];
	[tilespmem:s14+$0x101A0] =	vst v12;
	(erf) = vrcp.f32 v16;
	v12 =	vmul.f32 v10, v8;
	v8 =	vpop (erf);
	v10 =	vmov v2  }
0x26b: {  	v2 =	vmovc v7;
	v18 =	vld [tilespmem:s25+$0x4180];
	(erf) = vrcp.f32 v15;
	[tilespmem:s7+$0x101C0] =	vst v11;
	v11 =	vmul.f32 v8, v6;
	v8 =	vmovc v0;
	v0 =	vmov v19  }
.Ltmp7:
0x26c: {  	v6 =	vmov v1;
	v1 =	vmov v21;
	v13 =	vld [tilespmem:s25+$0x4190];
	v23 =	vmul.f32 $-1.442695020e+00, v3;
	[tilespmem:s7+$0x101D0] =	vst v12;
	(pc) =	sbr.rel @p1 .LBB2_17-.Ltmp7, $4  }
0x26d: {  	v12 =	vld [tilespmem:s25+$0x41A0];
	v19 =	vmul.f32 $-1.442695020e+00, v22;
	v15 =	vpop (erf);
	[tilespmem:s7+$0x101E0] =	vst v11;
	v7 =	vmov v22;
	s7 =	smov.u32 s13;
	s13 =	smov.u32 s14;
	s14 =	smov.u32 s25  }
0x26e: {  	v11 =	vld [tilespmem:s14+$0x41B0];
	v16 =	vmul.f32 $-1.442695020e+00, v5;
	(erf) = vpow2.f32 v23;
	[tilespmem:s13+$0x101B0] =	vst v17;
	v17 =	vadd.f32 $1.000000000e+00, v15;
	v14 =	vpop (erf)  }
0x26f: {  	v15 =	vmul.f32 $-1.442695020e+00, v9;
	(erf) = vpow2.f32 v19;
	v14 =	vadd.f32 $1.000000000e+00, v14;
	v21 =	vpop (erf)  }
0x270: {  	s25 =	sshra.s32 s18, $0x2;
	s18 =	sadd.s32 $0x800, s18;
	v19 =	vmax.f32 v18, $0.0e+00;
	v18 =	vpop (erf);
	(erf) = vrcp.f32 v17;
	v17 =	vmul.f32 v21, v20  }
0x271: {  	v20 =	vld [tilespmem:s25+$0x41F0];
	[tilespmem:s14+$0x10180] =	vst v19  }
0x272: {  	(erf) = vpow2.f32 v16;
	v18 =	vadd.f32 $1.000000000e+00, v18;
	v19 =	vld [tilespmem:s25+$0x41C0]  }
0x273: {  	v13 =	vmax.f32 v13, $0.0e+00;
	v16 =	vpop (erf);
	[tilespmem:s7+$0x101F0] =	vst v17;
	(erf) = vpow2.f32 v15  }
0x274: {  	v15 =	vpop (erf);
	v17 =	vld [tilespmem:s25+$0x41D0];
	[tilespmem:s14+$0x10190] =	vst v13;
	v13 =	vadd.f32 $1.000000000e+00, v16;
	(erf) = vrcp.f32 v14  }
0x275: {  	v14 =	vpop (erf);
	(erf) = vrcp.f32 v18  }
0x276: {  	v16 =	vld [tilespmem:s25+$0x41E0];
	v18 =	vpop (erf);
	(erf) = vrcp.f32 v13  }
0x277: {  	v21 =	vmul.f32 $-1.442695020e+00, v20;
	v13 =	vmul.f32 $-1.442695020e+00, v19  }
0x278: {  	v22 =	vpop (erf)  }
0x279: {  	v10 =	vmul.f32 v15, v10;
	(erf) = vpow2.f32 v21;
	v57 =	vadd.f32 $1.000000000e+00, v22  }
0x27a: {  	v12 =	vmax.f32 v12, $0.0e+00;
	v58 =	vmul.f32 $-1.442695020e+00, v17;
	(erf) = vpow2.f32 v13  }
0x27b: {  	v23 =	vmul.f32 $-1.442695020e+00, v16;
	v13 =	vpop (erf);
	(erf) = vrcp.f32 v57  }
0x27c: {  	v59 =	vpop (erf);
	(erf) = vpow2.f32 v58  }
0x27d: {  	[tilespmem:s14+$0x101A0] =	vst v12;
	v8 =	vmul.f32 v14, v8;
	v12 =	vpop (erf);
	(erf) = vpow2.f32 v23  }
0x27e: {  	v60 =	vld [tilespmem:s25+$0x4180];
	[tilespmem:s7+$0x101C0] =	vst v10;
	v15 =	vpop (erf)  }
0x27f: {  	v14 =	vld [tilespmem:s25+$0x4190];
	v6 =	vmul.f32 v18, v6;
	[tilespmem:s7+$0x101D0] =	vst v8;
	v8 =	vadd.f32 $1.000000000e+00, v13;
	v10 =	vpop (erf)  }
0x280: {  	v61 =	vpop (erf)  }
0x281: {  	v18 =	vld [tilespmem:s25+$0x41A0];
	[tilespmem:s7+$0x101E0] =	vst v6;
	v6 =	vmax.f32 v11, $0.0e+00;
	v11 =	vadd.f32 $1.000000000e+00, v15;
	v13 =	vpop (erf)  }
0x282: {  	v12 =	vadd.f32 $1.000000000e+00, v12;
	v24 =	vpop (erf)  }
0x283: {  	(erf) = vrcp.f32 v8;
	v8 =	vpop (erf)  }
0x284: {  	v4 =	vmul.f32 v59, v4;
	(erf) = vrcp.f32 v12;
	v12 =	vadd.f32 $1.000000000e+00, v24;
	v62 =	vpop (erf)  }
0x285: {  	v15 =	vld [tilespmem:s25+$0x41B0];
	[tilespmem:s14+$0x101B0] =	vst v6;
	v6 =	vmax.f32 v60, $0.0e+00;
	(erf) = vrcp.f32 v11;
	v8 =	vadd.f32 $1.000000000e+00, v8;
	v11 =	vpop (erf)  }
0x286: {  	[tilespmem:s25+$0x10180] =	vst v6;
	(erf) = vrcp.f32 v12;
	v6 =	vadd.f32 $1.000000000e+00, v11;
	v11 =	vpop (erf)  }
0x287: {  	[tilespmem:s13+$0x101F0] =	vst v4;
	v12 =	vmax.f32 v14, $0.0e+00;
	(erf) = vrcp.f32 v8;
	v4 =	vadd.f32 $1.000000000e+00, v11  }
0x288: {  	v2 =	vmul.f32 v10, v2;
	v8 =	vmax.f32 v18, $0.0e+00;
	[tilespmem:s25+$0x10190] =	vst v12;
	(erf) = vrcp.f32 v6  }
0x289: {  	v0 =	vmul.f32 v61, v0;
	[tilespmem:s25+$0x101A0] =	vst v8;
	(erf) = vrcp.f32 v4  }
0x28a: {  	v1 =	vmul.f32 v13, v1;
	[tilespmem:s13+$0x101C0] =	vst v2  }
0x28b: {  	[tilespmem:s13+$0x101D0] =	vst v0  }
0x28c: {  	v0 =	vmax.f32 v15, $0.0e+00;
	[tilespmem:s13+$0x101E0] =	vst v1;
	v1 =	vmul.f32 v62, v3;
	v2 =	vpop (erf)  }
0x28d: {  	[tilespmem:s25+$0x101B0] =	vst v0;
	v0 =	vmul.f32 v2, v7;
	v2 =	vpop (erf)  }
0x28e: {  	[tilespmem:s14+$0x101F0] =	vst v1;
	v1 =	vmul.f32 v2, v5;
	v2 =	vpop (erf)  }
0x28f: {  	[tilespmem:s14+$0x101C0] =	vst v0;
	v0 =	vmul.f32 v2, v9;
	v2 =	vpop (erf)  }
0x290: {  	[tilespmem:s14+$0x101D0] =	vst v1;
	v1 =	vmul.f32 v2, v20;
	v2 =	vpop (erf)  }
0x291: {  	[tilespmem:s14+$0x101E0] =	vst v0;
	v0 =	vmul.f32 v2, v19;
	v2 =	vpop (erf)  }
0x292: {  	[tilespmem:s25+$0x101F0] =	vst v1;
	v1 =	vmul.f32 v2, v17;
	v2 =	vpop (erf)  }
0x293: {  	[tilespmem:s25+$0x101C0] =	vst v0;
	v0 =	vmul.f32 v2, v16  }
0x294: {  	s26 =	sadd.s32 s3, s12;
	[tilespmem:s25+$0x101D0] =	vst v1  }
0x295: {  	s28 =	sadd.s32 s1, s10;
	s7 =	sadd.s32 s9, s26;
	[tilespmem:s25+$0x101E0] =	vst v0  }
0x296: {  	[hbm4b:s7+s15] =	stream.strided.scatter [tilespmem:s22], [sflag:$0x5], $0x4000, s16, s15, $0x38;
	[tilespmem:$0x18000] =	vst v63  }
0x297: {  	s7 =	sshll.u32 s28, $0x9  }
0x298: {  	s8 =	sadd.s32 s2, s8;
	s7 =	sand.u32 $0xFFF000, s7  }
0x299: {  	s7 =	sadd.s32 s7, s8  }
0x29a: {  	[tilespmem:s17], [sflag:$0x2] =	stream.strided.gather [hbm4b:s7+s15], $0x4000, s16, s15, $0x38;
	[tilespmem:$0x18000] =	vst v63  }
0x29b: {  	_ =	swait.ge [sflag:s23], $0x4000  }
0x29c: {  	[sflag:s23] =	ssyncset.done $0x0  }
0x29d: {  	s7 =	simm.s32 @!p0 $0x6;
	[sflag:s23] =	ssyncadd.s32 $0xFFFFC000  }
0x29e: {  	_ =	swait.ge @!p0 [sflag:s7], $0x4000  }
0x29f: {  	[sflag:s7] =	ssyncset.done @!p0 $0x0  }
0x2a0: {  	[sflag:s7] =	ssyncadd.s32 @!p0 $0xFFFFC000;
	s7 =	simm.s32 $0x0  }
0x2a1: {  	v17 =	vld [tilespmem:s7+$0x8070]  }
0x2a2: {  	v9 =	vld [tilespmem:s7+$0x8040]  }
0x2a3: {  	v0 =	vld [tilespmem:s7+$0x8000]  }
0x2a4: {  	v8 =	vld [tilespmem:s7+$0x8050]  }
0x2a5: {  	v1 =	vld [tilespmem:s7+$0x8010]  }
0x2a6: {  	v3 =	vld [tilespmem:s7+$0x8020];
	v2 =	vmul.f32 $-1.442695020e+00, v17  }
0x2a7: {  	v6 =	vld [tilespmem:s7+$0x8060]  }
0x2a8: {  	s8 =	simm.s32 $0x200;
	v5 =	vld [tilespmem:s7+$0x8030];
	v0 =	vmax.f32 v0, $0.0e+00;
	(erf) = vpow2.f32 v2  }
0x2a9: {  	v4 =	vld [tilespmem:s8+$0x8070];
	[tilespmem:s7+$0x14000] =	vst v0  }
0x2aa: {  	v1 =	vmax.f32 v1, $0.0e+00;
	v7 =	vmul.f32 $-1.442695020e+00, v9;
	v2 =	vld [tilespmem:s8+$0x8040]  }
0x2ab: {  	v3 =	vmax.f32 v3, $0.0e+00;
	v10 =	vmul.f32 $-1.442695020e+00, v8;
	v0 =	vld [tilespmem:s8+$0x8050];
	[tilespmem:s7+$0x14010] =	vst v1  }
0x2ac: {  	v1 =	vld [tilespmem:s8+$0x8060];
	[tilespmem:s7+$0x14020] =	vst v3;
	v3 =	vmul.f32 $-1.442695020e+00, v6;
	(erf) = vpow2.f32 v7  }
0x2ad: {  	(erf) = vpow2.f32 v10  }
0x2ae: {  	v7 =	vld [tilespmem:s8+$0x8000];
	(erf) = vpow2.f32 v3;
	_ =	sdelay $0x1  }
0x2af: {  	v3 =	vmax.f32 v5, $0.0e+00;
	v5 =	vmul.f32 $-1.442695020e+00, v4  }
0x2b0: {  	v10 =	vld [tilespmem:s8+$0x8010];
	v13 =	vmul.f32 $-1.442695020e+00, v2;
	v14 =	vpop (erf)  }
0x2b1: {  	v11 =	vld [tilespmem:s8+$0x8020];
	(erf) = vpow2.f32 v5;
	v5 =	vadd.f32 $1.000000000e+00, v14  }
0x2b2: {  	s9 =	simm.s32 $0x400;
	v12 =	vld [tilespmem:s8+$0x8030];
	[tilespmem:s7+$0x14030] =	vst v3;
	v7 =	vmax.f32 v7, $0.0e+00;
	(erf) = vpow2.f32 v13;
	v14 =	vmul.f32 $-1.442695020e+00, v0  }
0x2b3: {  	v3 =	vld [tilespmem:s9+$0x8070];
	[tilespmem:s8+$0x14000] =	vst v7;
	(erf) = vrcp.f32 v5  }
0x2b4: {  	v7 =	vld [tilespmem:s9+$0x8040];
	v13 =	vpop (erf);
	(erf) = vpow2.f32 v14;
	v14 =	vmul.f32 $-1.442695020e+00, v1  }
0x2b5: {  	v10 =	vmax.f32 v10, $0.0e+00;
	v15 =	vpop (erf)  }
0x2b6: {  	v11 =	vmax.f32 v11, $0.0e+00;
	v13 =	vadd.f32 $1.000000000e+00, v13;
	v5 =	vld [tilespmem:s9+$0x8050];
	[tilespmem:s8+$0x14010] =	vst v10;
	v16 =	vpop (erf);
	(erf) = vpow2.f32 v14  }
0x2b7: {  	v15 =	vadd.f32 $1.000000000e+00, v15;
	v10 =	vld [tilespmem:s9+$0x8060];
	[tilespmem:s8+$0x14020] =	vst v11;
	v11 =	vadd.f32 $1.000000000e+00, v16  }
0x2b8: {  	v18 =	vld [tilespmem:s9+$0x8000];
	v14 =	vmul.f32 $-1.442695020e+00, v3;
	(erf) = vrcp.f32 v13  }
0x2b9: {  	v20 =	vmul.f32 $-1.442695020e+00, v7;
	(erf) = vrcp.f32 v15  }
0x2ba: {  	(erf) = vrcp.f32 v11  }
0x2bb: {  	s29 =	sadd.s32 s1, s11;
	v19 =	vmax.f32 v12, $0.0e+00;
	v13 =	vld [tilespmem:s9+$0x8010];
	v11 =	vpop (erf)  }
0x2bc: {  	s12 =	simm.s32 $0x600;
	s1 =	sshll.u32 s29, $0x9;
	v12 =	vld [tilespmem:s9+$0x8020];
	v16 =	vmul.f32 $-1.442695020e+00, v5;
	(erf) = vpow2.f32 v14;
	v63 =	vadd.f32 $1.000000000e+00, v11;
	v14 =	vpop (erf)  }
0x2bd: {  	s18 =	simm.s32 $0x2000;
	s1 =	sand.u32 $0xFFF000, s1;
	v15 =	vmul.f32 $-1.442695020e+00, v10;
	v11 =	vld [tilespmem:s9+$0x8030];
	[tilespmem:s8+$0x14030] =	vst v19;
	v19 =	vmax.f32 v18, $0.0e+00;
	(erf) = vpow2.f32 v20;
	v20 =	vpop (erf)  }
0x2be: {  	s13 =	simm.s32 $0x400;
	s14 =	simm.s32 $0x200;
	s25 =	simm.s32 $0x0;
	v14 =	vadd.f32 $1.000000000e+00, v14;
	(erf) = vrcp.f32 v63;
	v18 =	vpop (erf);
	v17 =	vmul.f32 v20, v17  }
.LBB2_19:
0x2bf: {  	(erf) = vpow2.f32 v16;
	v16 =	vadd.f32 $1.000000000e+00, v18;
	v18 =	vpop (erf)  }
0x2c0: {  	p0 =	sne.s32 s18, $0xF800;
	[tilespmem:s13+$0x14000] =	vst v19;
	v13 =	vmax.f32 v13, $0.0e+00;
	v20 =	vmovc v4;
	v4 =	vmovc v3;
	v3 =	vld [tilespmem:s12+$0x8070];
	v19 =	vmov v5;
	v21 =	vmov v10  }
0x2c1: {  	v22 =	vld [tilespmem:s12+$0x8040];
	v12 =	vmax.f32 v12, $0.0e+00;
	(erf) = vpow2.f32 v15;
	v15 =	vadd.f32 $1.000000000e+00, v18;
	[tilespmem:s25+$0x14070] =	vst v17;
	v10 =	vpop (erf)  }
0x2c2: {  	v5 =	vld [tilespmem:s12+$0x8050];
	[tilespmem:s13+$0x14010] =	vst v13;
	v17 =	vmax.f32 v11, $0.0e+00;
	(erf) = vrcp.f32 v14;
	v11 =	vmul.f32 v10, v9;
	v9 =	vpop (erf)  }
0x2c3: {  	v10 =	vld [tilespmem:s12+$0x8060];
	[tilespmem:s13+$0x14020] =	vst v12;
	(erf) = vrcp.f32 v16;
	v12 =	vmul.f32 v9, v8;
	v8 =	vpop (erf);
	v9 =	vmov v2  }
0x2c4: {  	v2 =	vmovc v7;
	v18 =	vld [tilespmem:s12+$0x8000];
	(erf) = vrcp.f32 v15;
	[tilespmem:s25+$0x14040] =	vst v11;
	v11 =	vmul.f32 v8, v6;
	v8 =	vmovc v0;
	v0 =	vmov v19  }
.Ltmp8:
0x2c5: {  	v6 =	vmov v1;
	v1 =	vmov v21;
	v13 =	vld [tilespmem:s12+$0x8010];
	v23 =	vmul.f32 $-1.442695020e+00, v3;
	[tilespmem:s25+$0x14050] =	vst v12;
	(pc) =	sbr.rel @p0 .LBB2_19-.Ltmp8, $4  }
0x2c6: {  	v12 =	vld [tilespmem:s12+$0x8020];
	v19 =	vmul.f32 $-1.442695020e+00, v22;
	v15 =	vpop (erf);
	[tilespmem:s25+$0x14060] =	vst v11;
	v7 =	vmov v22;
	s25 =	smov.u32 s14;
	s14 =	smov.u32 s13;
	s13 =	smov.u32 s12  }
0x2c7: {  	v11 =	vld [tilespmem:s13+$0x8030];
	v16 =	vmul.f32 $-1.442695020e+00, v5;
	(erf) = vpow2.f32 v23;
	[tilespmem:s14+$0x14030] =	vst v17;
	v17 =	vadd.f32 $1.000000000e+00, v15;
	v14 =	vpop (erf)  }
0x2c8: {  	v15 =	vmul.f32 $-1.442695020e+00, v10;
	(erf) = vpow2.f32 v19;
	v14 =	vadd.f32 $1.000000000e+00, v14;
	v21 =	vpop (erf)  }
0x2c9: {  	s12 =	sshra.s32 s18, $0x2;
	s18 =	sadd.s32 $0x800, s18;
	v19 =	vmax.f32 v18, $0.0e+00;
	v18 =	vpop (erf);
	(erf) = vrcp.f32 v17;
	v17 =	vmul.f32 v21, v20  }
0x2ca: {  	v20 =	vld [tilespmem:s12+$0x8070];
	[tilespmem:s13+$0x14000] =	vst v19  }
0x2cb: {  	(erf) = vpow2.f32 v16;
	v18 =	vadd.f32 $1.000000000e+00, v18;
	v19 =	vld [tilespmem:s12+$0x8040]  }
0x2cc: {  	v13 =	vmax.f32 v13, $0.0e+00;
	v16 =	vpop (erf);
	[tilespmem:s25+$0x14070] =	vst v17;
	(erf) = vpow2.f32 v15  }
0x2cd: {  	v15 =	vpop (erf);
	v17 =	vld [tilespmem:s12+$0x8050];
	[tilespmem:s13+$0x14010] =	vst v13;
	v13 =	vadd.f32 $1.000000000e+00, v16;
	(erf) = vrcp.f32 v14  }
0x2ce: {  	v14 =	vpop (erf);
	(erf) = vrcp.f32 v18  }
0x2cf: {  	v16 =	vld [tilespmem:s12+$0x8060];
	v18 =	vpop (erf);
	(erf) = vrcp.f32 v13  }
0x2d0: {  	v21 =	vmul.f32 $-1.442695020e+00, v20;
	v13 =	vmul.f32 $-1.442695020e+00, v19  }
0x2d1: {  	v22 =	vpop (erf)  }
0x2d2: {  	v9 =	vmul.f32 v15, v9;
	(erf) = vpow2.f32 v21;
	v57 =	vadd.f32 $1.000000000e+00, v22  }
0x2d3: {  	v12 =	vmax.f32 v12, $0.0e+00;
	v58 =	vmul.f32 $-1.442695020e+00, v17;
	(erf) = vpow2.f32 v13  }
0x2d4: {  	v23 =	vmul.f32 $-1.442695020e+00, v16;
	v13 =	vpop (erf);
	(erf) = vrcp.f32 v57  }
0x2d5: {  	v59 =	vpop (erf);
	(erf) = vpow2.f32 v58  }
0x2d6: {  	[tilespmem:s13+$0x14020] =	vst v12;
	v8 =	vmul.f32 v14, v8;
	v12 =	vpop (erf);
	(erf) = vpow2.f32 v23  }
0x2d7: {  	v60 =	vld [tilespmem:s12+$0x8000];
	[tilespmem:s25+$0x14040] =	vst v9;
	v15 =	vpop (erf)  }
0x2d8: {  	v14 =	vld [tilespmem:s12+$0x8010];
	v6 =	vmul.f32 v18, v6;
	[tilespmem:s25+$0x14050] =	vst v8;
	v8 =	vadd.f32 $1.000000000e+00, v13;
	v9 =	vpop (erf)  }
0x2d9: {  	v61 =	vpop (erf)  }
0x2da: {  	v18 =	vld [tilespmem:s12+$0x8020];
	[tilespmem:s25+$0x14060] =	vst v6;
	v6 =	vmax.f32 v11, $0.0e+00;
	v11 =	vadd.f32 $1.000000000e+00, v15;
	v13 =	vpop (erf)  }
0x2db: {  	v12 =	vadd.f32 $1.000000000e+00, v12;
	v24 =	vpop (erf)  }
0x2dc: {  	(erf) = vrcp.f32 v8;
	v8 =	vpop (erf)  }
0x2dd: {  	v4 =	vmul.f32 v59, v4;
	(erf) = vrcp.f32 v12;
	v12 =	vadd.f32 $1.000000000e+00, v24;
	v62 =	vpop (erf)  }
0x2de: {  	v15 =	vld [tilespmem:s12+$0x8030];
	[tilespmem:s13+$0x14030] =	vst v6;
	v6 =	vmax.f32 v60, $0.0e+00;
	(erf) = vrcp.f32 v11;
	v8 =	vadd.f32 $1.000000000e+00, v8;
	v11 =	vpop (erf)  }
0x2df: {  	[tilespmem:s12+$0x14000] =	vst v6;
	(erf) = vrcp.f32 v12;
	v6 =	vadd.f32 $1.000000000e+00, v11;
	v11 =	vpop (erf)  }
0x2e0: {  	[tilespmem:s14+$0x14070] =	vst v4;
	v12 =	vmax.f32 v14, $0.0e+00;
	(erf) = vrcp.f32 v8;
	v4 =	vadd.f32 $1.000000000e+00, v11  }
0x2e1: {  	v2 =	vmul.f32 v9, v2;
	v8 =	vmax.f32 v18, $0.0e+00;
	[tilespmem:s12+$0x14010] =	vst v12;
	(erf) = vrcp.f32 v6  }
0x2e2: {  	v0 =	vmul.f32 v61, v0;
	[tilespmem:s12+$0x14020] =	vst v8;
	(erf) = vrcp.f32 v4  }
0x2e3: {  	v1 =	vmul.f32 v13, v1;
	[tilespmem:s14+$0x14040] =	vst v2  }
0x2e4: {  	[tilespmem:s14+$0x14050] =	vst v0  }
0x2e5: {  	v0 =	vmax.f32 v15, $0.0e+00;
	[tilespmem:s14+$0x14060] =	vst v1;
	v1 =	vmul.f32 v62, v3;
	v2 =	vpop (erf)  }
0x2e6: {  	[tilespmem:s12+$0x14030] =	vst v0;
	v0 =	vmul.f32 v2, v7;
	v2 =	vpop (erf)  }
0x2e7: {  	[tilespmem:s13+$0x14070] =	vst v1;
	v1 =	vmul.f32 v2, v5;
	v2 =	vpop (erf)  }
0x2e8: {  	[tilespmem:s13+$0x14040] =	vst v0;
	v0 =	vmul.f32 v2, v10;
	v2 =	vpop (erf)  }
0x2e9: {  	[tilespmem:s13+$0x14050] =	vst v1;
	v1 =	vmul.f32 v2, v20;
	v2 =	vpop (erf)  }
0x2ea: {  	[tilespmem:s13+$0x14060] =	vst v0;
	v0 =	vmul.f32 v2, v19;
	v2 =	vpop (erf)  }
0x2eb: {  	[tilespmem:s12+$0x14070] =	vst v1;
	v1 =	vmul.f32 v2, v17;
	v2 =	vpop (erf)  }
0x2ec: {  	[tilespmem:s12+$0x14040] =	vst v0;
	v0 =	vmul.f32 v2, v16  }
0x2ed: {  	[tilespmem:s12+$0x14050] =	vst v1  }
0x2ee: {  	[tilespmem:s12+$0x14060] =	vst v0  }
0x2ef: {  	v17 =	vld [tilespmem:s7+$0x80F0]  }
0x2f0: {  	v10 =	vld [tilespmem:s7+$0x80C0]  }
0x2f1: {  	v0 =	vld [tilespmem:s7+$0x8080]  }
0x2f2: {  	v8 =	vld [tilespmem:s7+$0x80D0]  }
0x2f3: {  	v1 =	vld [tilespmem:s7+$0x8090]  }
0x2f4: {  	v3 =	vld [tilespmem:s7+$0x80A0];
	v2 =	vmul.f32 $-1.442695020e+00, v17  }
0x2f5: {  	v6 =	vld [tilespmem:s7+$0x80E0]  }
0x2f6: {  	v5 =	vld [tilespmem:s7+$0x80B0];
	v0 =	vmax.f32 v0, $0.0e+00;
	(erf) = vpow2.f32 v2  }
0x2f7: {  	v4 =	vld [tilespmem:s8+$0x80F0];
	[tilespmem:s7+$0x14080] =	vst v0  }
0x2f8: {  	v1 =	vmax.f32 v1, $0.0e+00;
	v7 =	vmul.f32 $-1.442695020e+00, v10;
	v2 =	vld [tilespmem:s8+$0x80C0]  }
0x2f9: {  	v3 =	vmax.f32 v3, $0.0e+00;
	v9 =	vmul.f32 $-1.442695020e+00, v8;
	v0 =	vld [tilespmem:s8+$0x80D0];
	[tilespmem:s7+$0x14090] =	vst v1  }
0x2fa: {  	v1 =	vld [tilespmem:s8+$0x80E0];
	[tilespmem:s7+$0x140A0] =	vst v3;
	v3 =	vmul.f32 $-1.442695020e+00, v6;
	(erf) = vpow2.f32 v7  }
0x2fb: {  	(erf) = vpow2.f32 v9  }
0x2fc: {  	v7 =	vld [tilespmem:s8+$0x8080];
	(erf) = vpow2.f32 v3;
	_ =	sdelay $0x1  }
0x2fd: {  	v3 =	vmax.f32 v5, $0.0e+00;
	v5 =	vmul.f32 $-1.442695020e+00, v4  }
0x2fe: {  	v9 =	vld [tilespmem:s8+$0x8090];
	v13 =	vmul.f32 $-1.442695020e+00, v2;
	v14 =	vpop (erf)  }
0x2ff: {  	v11 =	vld [tilespmem:s8+$0x80A0];
	(erf) = vpow2.f32 v5;
	v5 =	vadd.f32 $1.000000000e+00, v14  }
0x300: {  	v12 =	vld [tilespmem:s8+$0x80B0];
	[tilespmem:s7+$0x140B0] =	vst v3;
	v7 =	vmax.f32 v7, $0.0e+00;
	(erf) = vpow2.f32 v13;
	v14 =	vmul.f32 $-1.442695020e+00, v0  }
0x301: {  	v3 =	vld [tilespmem:s9+$0x80F0];
	[tilespmem:s8+$0x14080] =	vst v7;
	(erf) = vrcp.f32 v5  }
0x302: {  	v7 =	vld [tilespmem:s9+$0x80C0];
	v13 =	vpop (erf);
	(erf) = vpow2.f32 v14;
	v14 =	vmul.f32 $-1.442695020e+00, v1  }
0x303: {  	v9 =	vmax.f32 v9, $0.0e+00;
	v15 =	vpop (erf)  }
0x304: {  	v11 =	vmax.f32 v11, $0.0e+00;
	v13 =	vadd.f32 $1.000000000e+00, v13;
	v5 =	vld [tilespmem:s9+$0x80D0];
	[tilespmem:s8+$0x14090] =	vst v9;
	v16 =	vpop (erf);
	(erf) = vpow2.f32 v14  }
0x305: {  	v15 =	vadd.f32 $1.000000000e+00, v15;
	v9 =	vld [tilespmem:s9+$0x80E0];
	[tilespmem:s8+$0x140A0] =	vst v11;
	v11 =	vadd.f32 $1.000000000e+00, v16  }
0x306: {  	v18 =	vld [tilespmem:s9+$0x8080];
	v14 =	vmul.f32 $-1.442695020e+00, v3;
	(erf) = vrcp.f32 v13  }
0x307: {  	v20 =	vmul.f32 $-1.442695020e+00, v7;
	(erf) = vrcp.f32 v15  }
0x308: {  	(erf) = vrcp.f32 v11  }
0x309: {  	v19 =	vmax.f32 v12, $0.0e+00;
	v13 =	vld [tilespmem:s9+$0x8090];
	v11 =	vpop (erf)  }
0x30a: {  	v12 =	vld [tilespmem:s9+$0x80A0];
	v16 =	vmul.f32 $-1.442695020e+00, v5;
	(erf) = vpow2.f32 v14;
	v63 =	vadd.f32 $1.000000000e+00, v11;
	v14 =	vpop (erf)  }
0x30b: {  	v15 =	vmul.f32 $-1.442695020e+00, v9;
	v11 =	vld [tilespmem:s9+$0x80B0];
	[tilespmem:s8+$0x140B0] =	vst v19;
	v19 =	vmax.f32 v18, $0.0e+00;
	(erf) = vpow2.f32 v20;
	v20 =	vpop (erf)  }
0x30c: {  	s13 =	simm.s32 $0x2000;
	s12 =	simm.s32 $0x600;
	v14 =	vadd.f32 $1.000000000e+00, v14;
	(erf) = vrcp.f32 v63;
	v18 =	vpop (erf);
	v17 =	vmul.f32 v20, v17  }
.LBB2_21:
0x30d: {  	(erf) = vpow2.f32 v16;
	v16 =	vadd.f32 $1.000000000e+00, v18;
	v18 =	vpop (erf)  }
0x30e: {  	p0 =	sne.s32 s13, $0xF800;
	[tilespmem:s9+$0x14080] =	vst v19;
	v13 =	vmax.f32 v13, $0.0e+00;
	v20 =	vmovc v4;
	v4 =	vmovc v3;
	v3 =	vld [tilespmem:s12+$0x80F0];
	v19 =	vmov v5;
	v21 =	vmov v9  }
0x30f: {  	v22 =	vld [tilespmem:s12+$0x80C0];
	v12 =	vmax.f32 v12, $0.0e+00;
	(erf) = vpow2.f32 v15;
	v15 =	vadd.f32 $1.000000000e+00, v18;
	[tilespmem:s7+$0x140F0] =	vst v17;
	v9 =	vpop (erf)  }
0x310: {  	v5 =	vld [tilespmem:s12+$0x80D0];
	[tilespmem:s9+$0x14090] =	vst v13;
	v17 =	vmax.f32 v11, $0.0e+00;
	(erf) = vrcp.f32 v14;
	v11 =	vmul.f32 v9, v10;
	v10 =	vpop (erf)  }
0x311: {  	v9 =	vld [tilespmem:s12+$0x80E0];
	[tilespmem:s9+$0x140A0] =	vst v12;
	(erf) = vrcp.f32 v16;
	v12 =	vmul.f32 v10, v8;
	v8 =	vpop (erf);
	v10 =	vmov v2  }
0x312: {  	v2 =	vmovc v7;
	v18 =	vld [tilespmem:s12+$0x8080];
	(erf) = vrcp.f32 v15;
	[tilespmem:s7+$0x140C0] =	vst v11;
	v11 =	vmul.f32 v8, v6;
	v8 =	vmovc v0;
	v0 =	vmov v19  }
.Ltmp9:
0x313: {  	v6 =	vmov v1;
	v1 =	vmov v21;
	v13 =	vld [tilespmem:s12+$0x8090];
	v23 =	vmul.f32 $-1.442695020e+00, v3;
	[tilespmem:s7+$0x140D0] =	vst v12;
	(pc) =	sbr.rel @p0 .LBB2_21-.Ltmp9, $4  }
0x314: {  	v12 =	vld [tilespmem:s12+$0x80A0];
	v19 =	vmul.f32 $-1.442695020e+00, v22;
	v15 =	vpop (erf);
	[tilespmem:s7+$0x140E0] =	vst v11;
	v7 =	vmov v22;
	s7 =	smov.u32 s8;
	s8 =	smov.u32 s9;
	s9 =	smov.u32 s12  }
0x315: {  	v11 =	vld [tilespmem:s9+$0x80B0];
	v16 =	vmul.f32 $-1.442695020e+00, v5;
	(erf) = vpow2.f32 v23;
	[tilespmem:s8+$0x140B0] =	vst v17;
	v17 =	vadd.f32 $1.000000000e+00, v15;
	v14 =	vpop (erf)  }
0x316: {  	v15 =	vmul.f32 $-1.442695020e+00, v9;
	(erf) = vpow2.f32 v19;
	v14 =	vadd.f32 $1.000000000e+00, v14;
	v21 =	vpop (erf)  }
0x317: {  	s12 =	sshra.s32 s13, $0x2;
	s13 =	sadd.s32 $0x800, s13;
	v19 =	vmax.f32 v18, $0.0e+00;
	v18 =	vpop (erf);
	(erf) = vrcp.f32 v17;
	v17 =	vmul.f32 v21, v20  }
0x318: {  	v20 =	vld [tilespmem:s12+$0x80F0];
	[tilespmem:s9+$0x14080] =	vst v19  }
0x319: {  	(erf) = vpow2.f32 v16;
	v18 =	vadd.f32 $1.000000000e+00, v18;
	v19 =	vld [tilespmem:s12+$0x80C0]  }
0x31a: {  	v13 =	vmax.f32 v13, $0.0e+00;
	v16 =	vpop (erf);
	[tilespmem:s7+$0x140F0] =	vst v17;
	(erf) = vpow2.f32 v15  }
0x31b: {  	v15 =	vpop (erf);
	v17 =	vld [tilespmem:s12+$0x80D0];
	[tilespmem:s9+$0x14090] =	vst v13;
	v13 =	vadd.f32 $1.000000000e+00, v16;
	(erf) = vrcp.f32 v14  }
0x31c: {  	v14 =	vpop (erf);
	(erf) = vrcp.f32 v18  }
0x31d: {  	v16 =	vld [tilespmem:s12+$0x80E0];
	v18 =	vpop (erf);
	(erf) = vrcp.f32 v13  }
0x31e: {  	v21 =	vmul.f32 $-1.442695020e+00, v20;
	v13 =	vmul.f32 $-1.442695020e+00, v19  }
0x31f: {  	v22 =	vpop (erf)  }
0x320: {  	v10 =	vmul.f32 v15, v10;
	(erf) = vpow2.f32 v21;
	v57 =	vadd.f32 $1.000000000e+00, v22  }
0x321: {  	v12 =	vmax.f32 v12, $0.0e+00;
	v58 =	vmul.f32 $-1.442695020e+00, v17;
	(erf) = vpow2.f32 v13  }
0x322: {  	v23 =	vmul.f32 $-1.442695020e+00, v16;
	v13 =	vpop (erf);
	(erf) = vrcp.f32 v57  }
0x323: {  	v59 =	vpop (erf);
	(erf) = vpow2.f32 v58  }
0x324: {  	[tilespmem:s9+$0x140A0] =	vst v12;
	v8 =	vmul.f32 v14, v8;
	v12 =	vpop (erf);
	(erf) = vpow2.f32 v23  }
0x325: {  	v60 =	vld [tilespmem:s12+$0x8080];
	[tilespmem:s7+$0x140C0] =	vst v10;
	v15 =	vpop (erf)  }
0x326: {  	v14 =	vld [tilespmem:s12+$0x8090];
	v6 =	vmul.f32 v18, v6;
	[tilespmem:s7+$0x140D0] =	vst v8;
	v8 =	vadd.f32 $1.000000000e+00, v13;
	v10 =	vpop (erf)  }
0x327: {  	v61 =	vpop (erf)  }
0x328: {  	v18 =	vld [tilespmem:s12+$0x80A0];
	[tilespmem:s7+$0x140E0] =	vst v6;
	v6 =	vmax.f32 v11, $0.0e+00;
	v11 =	vadd.f32 $1.000000000e+00, v15;
	v13 =	vpop (erf)  }
0x329: {  	v12 =	vadd.f32 $1.000000000e+00, v12;
	v24 =	vpop (erf)  }
0x32a: {  	(erf) = vrcp.f32 v8;
	v8 =	vpop (erf)  }
0x32b: {  	v4 =	vmul.f32 v59, v4;
	(erf) = vrcp.f32 v12;
	v12 =	vadd.f32 $1.000000000e+00, v24;
	v62 =	vpop (erf)  }
0x32c: {  	v15 =	vld [tilespmem:s12+$0x80B0];
	[tilespmem:s9+$0x140B0] =	vst v6;
	v6 =	vmax.f32 v60, $0.0e+00;
	(erf) = vrcp.f32 v11;
	v8 =	vadd.f32 $1.000000000e+00, v8;
	v11 =	vpop (erf)  }
0x32d: {  	[tilespmem:s12+$0x14080] =	vst v6;
	(erf) = vrcp.f32 v12;
	v6 =	vadd.f32 $1.000000000e+00, v11;
	v11 =	vpop (erf)  }
0x32e: {  	[tilespmem:s8+$0x140F0] =	vst v4;
	v12 =	vmax.f32 v14, $0.0e+00;
	(erf) = vrcp.f32 v8;
	v4 =	vadd.f32 $1.000000000e+00, v11  }
0x32f: {  	v2 =	vmul.f32 v10, v2;
	v8 =	vmax.f32 v18, $0.0e+00;
	[tilespmem:s12+$0x14090] =	vst v12;
	(erf) = vrcp.f32 v6  }
0x330: {  	v0 =	vmul.f32 v61, v0;
	[tilespmem:s12+$0x140A0] =	vst v8;
	(erf) = vrcp.f32 v4  }
0x331: {  	v1 =	vmul.f32 v13, v1;
	[tilespmem:s8+$0x140C0] =	vst v2  }
0x332: {  	[tilespmem:s8+$0x140D0] =	vst v0  }
0x333: {  	v0 =	vmax.f32 v15, $0.0e+00;
	[tilespmem:s8+$0x140E0] =	vst v1;
	v1 =	vmul.f32 v62, v3;
	v2 =	vpop (erf)  }
0x334: {  	[tilespmem:s12+$0x140B0] =	vst v0;
	v0 =	vmul.f32 v2, v7;
	v2 =	vpop (erf)  }
0x335: {  	[tilespmem:s9+$0x140F0] =	vst v1;
	v1 =	vmul.f32 v2, v5;
	v2 =	vpop (erf)  }
0x336: {  	[tilespmem:s9+$0x140C0] =	vst v0;
	v0 =	vmul.f32 v2, v9;
	v2 =	vpop (erf)  }
0x337: {  	[tilespmem:s9+$0x140D0] =	vst v1;
	v1 =	vmul.f32 v2, v20;
	v2 =	vpop (erf)  }
0x338: {  	[tilespmem:s9+$0x140E0] =	vst v0;
	v0 =	vmul.f32 v2, v19;
	v2 =	vpop (erf)  }
0x339: {  	[tilespmem:s12+$0x140F0] =	vst v1;
	v1 =	vmul.f32 v2, v17;
	v2 =	vpop (erf)  }
0x33a: {  	[tilespmem:s12+$0x140C0] =	vst v0;
	v0 =	vmul.f32 v2, v16  }
0x33b: {  	[tilespmem:s12+$0x140D0] =	vst v1  }
0x33c: {  	s7 =	simm.s32 $0x0;
	[tilespmem:s12+$0x140E0] =	vst v0  }
0x33d: {  	v17 =	vld [tilespmem:s7+$0x8170]  }
0x33e: {  	v9 =	vld [tilespmem:s7+$0x8140]  }
0x33f: {  	v0 =	vld [tilespmem:s7+$0x8100]  }
0x340: {  	v8 =	vld [tilespmem:s7+$0x8150]  }
0x341: {  	v1 =	vld [tilespmem:s7+$0x8110]  }
0x342: {  	v3 =	vld [tilespmem:s7+$0x8120];
	v2 =	vmul.f32 $-1.442695020e+00, v17  }
0x343: {  	v6 =	vld [tilespmem:s7+$0x8160]  }
0x344: {  	s8 =	simm.s32 $0x200;
	v5 =	vld [tilespmem:s7+$0x8130];
	v0 =	vmax.f32 v0, $0.0e+00;
	(erf) = vpow2.f32 v2  }
0x345: {  	v4 =	vld [tilespmem:s8+$0x8170];
	[tilespmem:s7+$0x14100] =	vst v0  }
0x346: {  	v1 =	vmax.f32 v1, $0.0e+00;
	v7 =	vmul.f32 $-1.442695020e+00, v9;
	v2 =	vld [tilespmem:s8+$0x8140]  }
0x347: {  	v3 =	vmax.f32 v3, $0.0e+00;
	v10 =	vmul.f32 $-1.442695020e+00, v8;
	v0 =	vld [tilespmem:s8+$0x8150];
	[tilespmem:s7+$0x14110] =	vst v1  }
0x348: {  	v1 =	vld [tilespmem:s8+$0x8160];
	[tilespmem:s7+$0x14120] =	vst v3;
	v3 =	vmul.f32 $-1.442695020e+00, v6;
	(erf) = vpow2.f32 v7  }
0x349: {  	(erf) = vpow2.f32 v10  }
0x34a: {  	v7 =	vld [tilespmem:s8+$0x8100];
	(erf) = vpow2.f32 v3;
	_ =	sdelay $0x1  }
0x34b: {  	v3 =	vmax.f32 v5, $0.0e+00;
	v5 =	vmul.f32 $-1.442695020e+00, v4  }
0x34c: {  	v10 =	vld [tilespmem:s8+$0x8110];
	v13 =	vmul.f32 $-1.442695020e+00, v2;
	v14 =	vpop (erf)  }
0x34d: {  	v11 =	vld [tilespmem:s8+$0x8120];
	(erf) = vpow2.f32 v5;
	v5 =	vadd.f32 $1.000000000e+00, v14  }
0x34e: {  	s9 =	simm.s32 $0x400;
	v12 =	vld [tilespmem:s8+$0x8130];
	[tilespmem:s7+$0x14130] =	vst v3;
	v7 =	vmax.f32 v7, $0.0e+00;
	(erf) = vpow2.f32 v13;
	v14 =	vmul.f32 $-1.442695020e+00, v0  }
0x34f: {  	v3 =	vld [tilespmem:s9+$0x8170];
	[tilespmem:s8+$0x14100] =	vst v7;
	(erf) = vrcp.f32 v5  }
0x350: {  	v7 =	vld [tilespmem:s9+$0x8140];
	v13 =	vpop (erf);
	(erf) = vpow2.f32 v14;
	v14 =	vmul.f32 $-1.442695020e+00, v1  }
0x351: {  	v10 =	vmax.f32 v10, $0.0e+00;
	v15 =	vpop (erf)  }
0x352: {  	v11 =	vmax.f32 v11, $0.0e+00;
	v13 =	vadd.f32 $1.000000000e+00, v13;
	v5 =	vld [tilespmem:s9+$0x8150];
	[tilespmem:s8+$0x14110] =	vst v10;
	v16 =	vpop (erf);
	(erf) = vpow2.f32 v14  }
0x353: {  	v15 =	vadd.f32 $1.000000000e+00, v15;
	v10 =	vld [tilespmem:s9+$0x8160];
	[tilespmem:s8+$0x14120] =	vst v11;
	v11 =	vadd.f32 $1.000000000e+00, v16  }
0x354: {  	v18 =	vld [tilespmem:s9+$0x8100];
	v14 =	vmul.f32 $-1.442695020e+00, v3;
	(erf) = vrcp.f32 v13  }
0x355: {  	v20 =	vmul.f32 $-1.442695020e+00, v7;
	(erf) = vrcp.f32 v15  }
0x356: {  	(erf) = vrcp.f32 v11  }
0x357: {  	v19 =	vmax.f32 v12, $0.0e+00;
	v13 =	vld [tilespmem:s9+$0x8110];
	v11 =	vpop (erf)  }
0x358: {  	v12 =	vld [tilespmem:s9+$0x8120];
	v16 =	vmul.f32 $-1.442695020e+00, v5;
	(erf) = vpow2.f32 v14;
	v63 =	vadd.f32 $1.000000000e+00, v11;
	v14 =	vpop (erf)  }
0x359: {  	s18 =	simm.s32 $0x2000;
	s13 =	simm.s32 $0x400;
	v15 =	vmul.f32 $-1.442695020e+00, v10;
	v11 =	vld [tilespmem:s9+$0x8130];
	[tilespmem:s8+$0x14130] =	vst v19;
	v19 =	vmax.f32 v18, $0.0e+00;
	(erf) = vpow2.f32 v20;
	v20 =	vpop (erf)  }
0x35a: {  	s25 =	simm.s32 $0x0;
	s14 =	simm.s32 $0x200;
	s12 =	simm.s32 $0x600;
	v14 =	vadd.f32 $1.000000000e+00, v14;
	(erf) = vrcp.f32 v63;
	v18 =	vpop (erf);
	v17 =	vmul.f32 v20, v17  }
.LBB2_23:
0x35b: {  	(erf) = vpow2.f32 v16;
	v16 =	vadd.f32 $1.000000000e+00, v18;
	v18 =	vpop (erf)  }
0x35c: {  	p0 =	sne.s32 s18, $0xF800;
	[tilespmem:s13+$0x14100] =	vst v19;
	v13 =	vmax.f32 v13, $0.0e+00;
	v20 =	vmovc v4;
	v4 =	vmovc v3;
	v3 =	vld [tilespmem:s12+$0x8170];
	v19 =	vmov v5;
	v21 =	vmov v10  }
0x35d: {  	v22 =	vld [tilespmem:s12+$0x8140];
	v12 =	vmax.f32 v12, $0.0e+00;
	(erf) = vpow2.f32 v15;
	v15 =	vadd.f32 $1.000000000e+00, v18;
	[tilespmem:s25+$0x14170] =	vst v17;
	v10 =	vpop (erf)  }
0x35e: {  	v5 =	vld [tilespmem:s12+$0x8150];
	[tilespmem:s13+$0x14110] =	vst v13;
	v17 =	vmax.f32 v11, $0.0e+00;
	(erf) = vrcp.f32 v14;
	v11 =	vmul.f32 v10, v9;
	v9 =	vpop (erf)  }
0x35f: {  	v10 =	vld [tilespmem:s12+$0x8160];
	[tilespmem:s13+$0x14120] =	vst v12;
	(erf) = vrcp.f32 v16;
	v12 =	vmul.f32 v9, v8;
	v8 =	vpop (erf);
	v9 =	vmov v2  }
0x360: {  	v2 =	vmovc v7;
	v18 =	vld [tilespmem:s12+$0x8100];
	(erf) = vrcp.f32 v15;
	[tilespmem:s25+$0x14140] =	vst v11;
	v11 =	vmul.f32 v8, v6;
	v8 =	vmovc v0;
	v0 =	vmov v19  }
.Ltmp10:
0x361: {  	v6 =	vmov v1;
	v1 =	vmov v21;
	v13 =	vld [tilespmem:s12+$0x8110];
	v23 =	vmul.f32 $-1.442695020e+00, v3;
	[tilespmem:s25+$0x14150] =	vst v12;
	(pc) =	sbr.rel @p0 .LBB2_23-.Ltmp10, $4  }
0x362: {  	v12 =	vld [tilespmem:s12+$0x8120];
	v19 =	vmul.f32 $-1.442695020e+00, v22;
	v15 =	vpop (erf);
	[tilespmem:s25+$0x14160] =	vst v11;
	v7 =	vmov v22;
	s25 =	smov.u32 s14;
	s14 =	smov.u32 s13;
	s13 =	smov.u32 s12  }
0x363: {  	v11 =	vld [tilespmem:s13+$0x8130];
	v16 =	vmul.f32 $-1.442695020e+00, v5;
	(erf) = vpow2.f32 v23;
	[tilespmem:s14+$0x14130] =	vst v17;
	v17 =	vadd.f32 $1.000000000e+00, v15;
	v14 =	vpop (erf)  }
0x364: {  	v15 =	vmul.f32 $-1.442695020e+00, v10;
	(erf) = vpow2.f32 v19;
	v14 =	vadd.f32 $1.000000000e+00, v14;
	v21 =	vpop (erf)  }
0x365: {  	s12 =	sshra.s32 s18, $0x2;
	s18 =	sadd.s32 $0x800, s18;
	v19 =	vmax.f32 v18, $0.0e+00;
	v18 =	vpop (erf);
	(erf) = vrcp.f32 v17;
	v17 =	vmul.f32 v21, v20  }
0x366: {  	v20 =	vld [tilespmem:s12+$0x8170];
	[tilespmem:s13+$0x14100] =	vst v19  }
0x367: {  	(erf) = vpow2.f32 v16;
	v18 =	vadd.f32 $1.000000000e+00, v18;
	v19 =	vld [tilespmem:s12+$0x8140]  }
0x368: {  	v13 =	vmax.f32 v13, $0.0e+00;
	v16 =	vpop (erf);
	[tilespmem:s25+$0x14170] =	vst v17;
	(erf) = vpow2.f32 v15  }
0x369: {  	v15 =	vpop (erf);
	v17 =	vld [tilespmem:s12+$0x8150];
	[tilespmem:s13+$0x14110] =	vst v13;
	v13 =	vadd.f32 $1.000000000e+00, v16;
	(erf) = vrcp.f32 v14  }
0x36a: {  	v14 =	vpop (erf);
	(erf) = vrcp.f32 v18  }
0x36b: {  	v16 =	vld [tilespmem:s12+$0x8160];
	v18 =	vpop (erf);
	(erf) = vrcp.f32 v13  }
0x36c: {  	v21 =	vmul.f32 $-1.442695020e+00, v20;
	v13 =	vmul.f32 $-1.442695020e+00, v19  }
0x36d: {  	v22 =	vpop (erf)  }
0x36e: {  	v9 =	vmul.f32 v15, v9;
	(erf) = vpow2.f32 v21;
	v57 =	vadd.f32 $1.000000000e+00, v22  }
0x36f: {  	v12 =	vmax.f32 v12, $0.0e+00;
	v58 =	vmul.f32 $-1.442695020e+00, v17;
	(erf) = vpow2.f32 v13  }
0x370: {  	v23 =	vmul.f32 $-1.442695020e+00, v16;
	v13 =	vpop (erf);
	(erf) = vrcp.f32 v57  }
0x371: {  	v59 =	vpop (erf);
	(erf) = vpow2.f32 v58  }
0x372: {  	[tilespmem:s13+$0x14120] =	vst v12;
	v8 =	vmul.f32 v14, v8;
	v12 =	vpop (erf);
	(erf) = vpow2.f32 v23  }
0x373: {  	v60 =	vld [tilespmem:s12+$0x8100];
	[tilespmem:s25+$0x14140] =	vst v9;
	v15 =	vpop (erf)  }
0x374: {  	v14 =	vld [tilespmem:s12+$0x8110];
	v6 =	vmul.f32 v18, v6;
	[tilespmem:s25+$0x14150] =	vst v8;
	v8 =	vadd.f32 $1.000000000e+00, v13;
	v9 =	vpop (erf)  }
0x375: {  	v61 =	vpop (erf)  }
0x376: {  	v18 =	vld [tilespmem:s12+$0x8120];
	[tilespmem:s25+$0x14160] =	vst v6;
	v6 =	vmax.f32 v11, $0.0e+00;
	v11 =	vadd.f32 $1.000000000e+00, v15;
	v13 =	vpop (erf)  }
0x377: {  	v12 =	vadd.f32 $1.000000000e+00, v12;
	v24 =	vpop (erf)  }
0x378: {  	(erf) = vrcp.f32 v8;
	v8 =	vpop (erf)  }
0x379: {  	v4 =	vmul.f32 v59, v4;
	(erf) = vrcp.f32 v12;
	v12 =	vadd.f32 $1.000000000e+00, v24;
	v62 =	vpop (erf)  }
0x37a: {  	v15 =	vld [tilespmem:s12+$0x8130];
	[tilespmem:s13+$0x14130] =	vst v6;
	v6 =	vmax.f32 v60, $0.0e+00;
	(erf) = vrcp.f32 v11;
	v8 =	vadd.f32 $1.000000000e+00, v8;
	v11 =	vpop (erf)  }
0x37b: {  	[tilespmem:s12+$0x14100] =	vst v6;
	(erf) = vrcp.f32 v12;
	v6 =	vadd.f32 $1.000000000e+00, v11;
	v11 =	vpop (erf)  }
0x37c: {  	[tilespmem:s14+$0x14170] =	vst v4;
	v12 =	vmax.f32 v14, $0.0e+00;
	(erf) = vrcp.f32 v8;
	v4 =	vadd.f32 $1.000000000e+00, v11  }
0x37d: {  	v2 =	vmul.f32 v9, v2;
	v8 =	vmax.f32 v18, $0.0e+00;
	[tilespmem:s12+$0x14110] =	vst v12;
	(erf) = vrcp.f32 v6  }
0x37e: {  	v0 =	vmul.f32 v61, v0;
	[tilespmem:s12+$0x14120] =	vst v8;
	(erf) = vrcp.f32 v4  }
0x37f: {  	v1 =	vmul.f32 v13, v1;
	[tilespmem:s14+$0x14140] =	vst v2  }
0x380: {  	[tilespmem:s14+$0x14150] =	vst v0  }
0x381: {  	v0 =	vmax.f32 v15, $0.0e+00;
	[tilespmem:s14+$0x14160] =	vst v1;
	v1 =	vmul.f32 v62, v3;
	v2 =	vpop (erf)  }
0x382: {  	[tilespmem:s12+$0x14130] =	vst v0;
	v0 =	vmul.f32 v2, v7;
	v2 =	vpop (erf)  }
0x383: {  	[tilespmem:s13+$0x14170] =	vst v1;
	v1 =	vmul.f32 v2, v5;
	v2 =	vpop (erf)  }
0x384: {  	[tilespmem:s13+$0x14140] =	vst v0;
	v0 =	vmul.f32 v2, v10;
	v2 =	vpop (erf)  }
0x385: {  	[tilespmem:s13+$0x14150] =	vst v1;
	v1 =	vmul.f32 v2, v20;
	v2 =	vpop (erf)  }
0x386: {  	[tilespmem:s13+$0x14160] =	vst v0;
	v0 =	vmul.f32 v2, v19;
	v2 =	vpop (erf)  }
0x387: {  	[tilespmem:s12+$0x14170] =	vst v1;
	v1 =	vmul.f32 v2, v17;
	v2 =	vpop (erf)  }
0x388: {  	[tilespmem:s12+$0x14140] =	vst v0;
	v0 =	vmul.f32 v2, v16  }
0x389: {  	[tilespmem:s12+$0x14150] =	vst v1  }
0x38a: {  	[tilespmem:s12+$0x14160] =	vst v0  }
0x38b: {  	v17 =	vld [tilespmem:s7+$0x81F0]  }
0x38c: {  	v10 =	vld [tilespmem:s7+$0x81C0]  }
0x38d: {  	v0 =	vld [tilespmem:s7+$0x8180]  }
0x38e: {  	v8 =	vld [tilespmem:s7+$0x81D0]  }
0x38f: {  	v1 =	vld [tilespmem:s7+$0x8190]  }
0x390: {  	v3 =	vld [tilespmem:s7+$0x81A0];
	v2 =	vmul.f32 $-1.442695020e+00, v17  }
0x391: {  	v6 =	vld [tilespmem:s7+$0x81E0]  }
0x392: {  	v5 =	vld [tilespmem:s7+$0x81B0];
	v0 =	vmax.f32 v0, $0.0e+00;
	(erf) = vpow2.f32 v2  }
0x393: {  	v4 =	vld [tilespmem:s8+$0x81F0];
	[tilespmem:s7+$0x14180] =	vst v0  }
0x394: {  	v1 =	vmax.f32 v1, $0.0e+00;
	v7 =	vmul.f32 $-1.442695020e+00, v10;
	v2 =	vld [tilespmem:s8+$0x81C0]  }
0x395: {  	v3 =	vmax.f32 v3, $0.0e+00;
	v9 =	vmul.f32 $-1.442695020e+00, v8;
	v0 =	vld [tilespmem:s8+$0x81D0];
	[tilespmem:s7+$0x14190] =	vst v1  }
0x396: {  	v1 =	vld [tilespmem:s8+$0x81E0];
	[tilespmem:s7+$0x141A0] =	vst v3;
	v3 =	vmul.f32 $-1.442695020e+00, v6;
	(erf) = vpow2.f32 v7  }
0x397: {  	(erf) = vpow2.f32 v9  }
0x398: {  	v7 =	vld [tilespmem:s8+$0x8180];
	(erf) = vpow2.f32 v3;
	_ =	sdelay $0x1  }
0x399: {  	v3 =	vmax.f32 v5, $0.0e+00;
	v5 =	vmul.f32 $-1.442695020e+00, v4  }
0x39a: {  	v9 =	vld [tilespmem:s8+$0x8190];
	v13 =	vmul.f32 $-1.442695020e+00, v2;
	v14 =	vpop (erf)  }
0x39b: {  	v11 =	vld [tilespmem:s8+$0x81A0];
	(erf) = vpow2.f32 v5;
	v5 =	vadd.f32 $1.000000000e+00, v14  }
0x39c: {  	v12 =	vld [tilespmem:s8+$0x81B0];
	[tilespmem:s7+$0x141B0] =	vst v3;
	v7 =	vmax.f32 v7, $0.0e+00;
	(erf) = vpow2.f32 v13;
	v14 =	vmul.f32 $-1.442695020e+00, v0  }
0x39d: {  	v3 =	vld [tilespmem:s9+$0x81F0];
	[tilespmem:s8+$0x14180] =	vst v7;
	(erf) = vrcp.f32 v5  }
0x39e: {  	v7 =	vld [tilespmem:s9+$0x81C0];
	v13 =	vpop (erf);
	(erf) = vpow2.f32 v14;
	v14 =	vmul.f32 $-1.442695020e+00, v1  }
0x39f: {  	v9 =	vmax.f32 v9, $0.0e+00;
	v15 =	vpop (erf)  }
0x3a0: {  	v11 =	vmax.f32 v11, $0.0e+00;
	v13 =	vadd.f32 $1.000000000e+00, v13;
	v5 =	vld [tilespmem:s9+$0x81D0];
	[tilespmem:s8+$0x14190] =	vst v9;
	v16 =	vpop (erf);
	(erf) = vpow2.f32 v14  }
0x3a1: {  	v15 =	vadd.f32 $1.000000000e+00, v15;
	v9 =	vld [tilespmem:s9+$0x81E0];
	[tilespmem:s8+$0x141A0] =	vst v11;
	v11 =	vadd.f32 $1.000000000e+00, v16  }
0x3a2: {  	v18 =	vld [tilespmem:s9+$0x8180];
	v14 =	vmul.f32 $-1.442695020e+00, v3;
	(erf) = vrcp.f32 v13  }
0x3a3: {  	v20 =	vmul.f32 $-1.442695020e+00, v7;
	(erf) = vrcp.f32 v15  }
0x3a4: {  	(erf) = vrcp.f32 v11  }
0x3a5: {  	v19 =	vmax.f32 v12, $0.0e+00;
	v13 =	vld [tilespmem:s9+$0x8190];
	v11 =	vpop (erf)  }
0x3a6: {  	v12 =	vld [tilespmem:s9+$0x81A0];
	v16 =	vmul.f32 $-1.442695020e+00, v5;
	(erf) = vpow2.f32 v14;
	v63 =	vadd.f32 $1.000000000e+00, v11;
	v14 =	vpop (erf)  }
0x3a7: {  	v15 =	vmul.f32 $-1.442695020e+00, v9;
	v11 =	vld [tilespmem:s9+$0x81B0];
	[tilespmem:s8+$0x141B0] =	vst v19;
	v19 =	vmax.f32 v18, $0.0e+00;
	(erf) = vpow2.f32 v20;
	v20 =	vpop (erf)  }
0x3a8: {  	s13 =	simm.s32 $0x2000;
	s12 =	simm.s32 $0x600;
	v14 =	vadd.f32 $1.000000000e+00, v14;
	(erf) = vrcp.f32 v63;
	v18 =	vpop (erf);
	v17 =	vmul.f32 v20, v17  }
.LBB2_25:
0x3a9: {  	(erf) = vpow2.f32 v16;
	v16 =	vadd.f32 $1.000000000e+00, v18;
	v18 =	vpop (erf)  }
0x3aa: {  	p0 =	sne.s32 s13, $0xF800;
	[tilespmem:s9+$0x14180] =	vst v19;
	v13 =	vmax.f32 v13, $0.0e+00;
	v20 =	vmovc v4;
	v4 =	vmovc v3;
	v3 =	vld [tilespmem:s12+$0x81F0];
	v19 =	vmov v5;
	v21 =	vmov v9  }
0x3ab: {  	v22 =	vld [tilespmem:s12+$0x81C0];
	v12 =	vmax.f32 v12, $0.0e+00;
	(erf) = vpow2.f32 v15;
	v15 =	vadd.f32 $1.000000000e+00, v18;
	[tilespmem:s7+$0x141F0] =	vst v17;
	v9 =	vpop (erf)  }
0x3ac: {  	v5 =	vld [tilespmem:s12+$0x81D0];
	[tilespmem:s9+$0x14190] =	vst v13;
	v17 =	vmax.f32 v11, $0.0e+00;
	(erf) = vrcp.f32 v14;
	v11 =	vmul.f32 v9, v10;
	v10 =	vpop (erf)  }
0x3ad: {  	v9 =	vld [tilespmem:s12+$0x81E0];
	[tilespmem:s9+$0x141A0] =	vst v12;
	(erf) = vrcp.f32 v16;
	v12 =	vmul.f32 v10, v8;
	v8 =	vpop (erf);
	v10 =	vmov v2  }
0x3ae: {  	v2 =	vmovc v7;
	v18 =	vld [tilespmem:s12+$0x8180];
	(erf) = vrcp.f32 v15;
	[tilespmem:s7+$0x141C0] =	vst v11;
	v11 =	vmul.f32 v8, v6;
	v8 =	vmovc v0;
	v0 =	vmov v19  }
.Ltmp11:
0x3af: {  	v6 =	vmov v1;
	v1 =	vmov v21;
	v13 =	vld [tilespmem:s12+$0x8190];
	v23 =	vmul.f32 $-1.442695020e+00, v3;
	[tilespmem:s7+$0x141D0] =	vst v12;
	(pc) =	sbr.rel @p0 .LBB2_25-.Ltmp11, $4  }
0x3b0: {  	v12 =	vld [tilespmem:s12+$0x81A0];
	v19 =	vmul.f32 $-1.442695020e+00, v22;
	v15 =	vpop (erf);
	[tilespmem:s7+$0x141E0] =	vst v11;
	v7 =	vmov v22;
	s7 =	smov.u32 s8;
	s8 =	smov.u32 s9;
	s9 =	smov.u32 s12  }
0x3b1: {  	v11 =	vld [tilespmem:s9+$0x81B0];
	v16 =	vmul.f32 $-1.442695020e+00, v5;
	(erf) = vpow2.f32 v23;
	[tilespmem:s8+$0x141B0] =	vst v17;
	v17 =	vadd.f32 $1.000000000e+00, v15;
	v14 =	vpop (erf)  }
0x3b2: {  	v15 =	vmul.f32 $-1.442695020e+00, v9;
	(erf) = vpow2.f32 v19;
	v14 =	vadd.f32 $1.000000000e+00, v14;
	v21 =	vpop (erf)  }
0x3b3: {  	s12 =	sshra.s32 s13, $0x2;
	s13 =	sadd.s32 $0x800, s13;
	v19 =	vmax.f32 v18, $0.0e+00;
	v18 =	vpop (erf);
	(erf) = vrcp.f32 v17;
	v17 =	vmul.f32 v21, v20  }
0x3b4: {  	v20 =	vld [tilespmem:s12+$0x81F0];
	[tilespmem:s9+$0x14180] =	vst v19  }
0x3b5: {  	v19 =	vld [tilespmem:s12+$0x81C0]  }
0x3b6: {  	v13 =	vmax.f32 v13, $0.0e+00;
	(erf) = vpow2.f32 v16;
	v52 =	vpop (erf);
	[tilespmem:s7+$0x141F0] =	vst v17  }
0x3b7: {  	v18 =	vadd.f32 $1.000000000e+00, v18;
	(erf) = vpow2.f32 v15;
	v53 =	vpop (erf);
	v17 =	vld [tilespmem:s12+$0x81D0];
	[tilespmem:s9+$0x14190] =	vst v13  }
0x3b8: {  	v54 =	vadd.f32 $1.000000000e+00, v52;
	(erf) = vrcp.f32 v14;
	v55 =	vpop (erf);
	v16 =	vld [tilespmem:s12+$0x81E0]  }
0x3b9: {  	(erf) = vrcp.f32 v18;
	v56 =	vpop (erf);
	v21 =	vmul.f32 $-1.442695020e+00, v20  }
0x3ba: {  	(erf) = vrcp.f32 v54;
	v57 =	vmul.f32 $-1.442695020e+00, v19;
	v22 =	vpop (erf)  }
0x3bb: {  	(erf) = vpow2.f32 v21;
	v58 =	vadd.f32 $1.000000000e+00, v22  }
0x3bc: {  	v59 =	vmul.f32 $-1.442695020e+00, v17;
	(erf) = vpow2.f32 v57  }
0x3bd: {  	v60 =	vpop (erf);
	v23 =	vmul.f32 $-1.442695020e+00, v16;
	(erf) = vrcp.f32 v58  }
0x3be: {  	v61 =	vpop (erf);
	(erf) = vpow2.f32 v59  }
0x3bf: {  	v62 =	vpop (erf);
	(erf) = vpow2.f32 v23  }
0x3c0: {  	v12 =	vmax.f32 v12, $0.0e+00;
	v63 =	vpop (erf)  }
0x3c1: {  	v10 =	vmul.f32 v53, v10;
	[tilespmem:s9+$0x141A0] =	vst v12;
	v29 =	vpop (erf)  }
0x3c2: {  	v8 =	vmul.f32 v55, v8;
	v28 =	vld [tilespmem:s12+$0x8180];
	v31 =	vpop (erf)  }
0x3c3: {  	[tilespmem:s7+$0x141C0] =	vst v10;
	v32 =	vadd.f32 $1.000000000e+00, v60;
	v33 =	vpop (erf)  }
0x3c4: {  	v6 =	vmul.f32 v56, v6;
	v30 =	vld [tilespmem:s12+$0x8190];
	[tilespmem:s7+$0x141D0] =	vst v8;
	v12 =	vadd.f32 $1.000000000e+00, v62;
	v24 =	vpop (erf)  }
0x3c5: {  	v35 =	vmax.f32 v11, $0.0e+00;
	v34 =	vld [tilespmem:s12+$0x81A0];
	v36 =	vadd.f32 $1.000000000e+00, v63;
	(erf) = vrcp.f32 v32;
	v37 =	vpop (erf)  }
0x3c6: {  	[tilespmem:s7+$0x141E0] =	vst v6;
	v4 =	vmul.f32 v61, v4;
	(erf) = vrcp.f32 v12;
	v39 =	vadd.f32 $1.000000000e+00, v24;
	v40 =	vpop (erf)  }
0x3c7: {  	v38 =	vld [tilespmem:s12+$0x81B0];
	[tilespmem:s9+$0x141B0] =	vst v35;
	v41 =	vmax.f32 v28, $0.0e+00;
	(erf) = vrcp.f32 v36;
	v8 =	vadd.f32 $1.000000000e+00, v37;
	v42 =	vpop (erf)  }
0x3c8: {  	[tilespmem:s12+$0x14180] =	vst v41;
	(erf) = vrcp.f32 v39;
	v43 =	vadd.f32 $1.000000000e+00, v42;
	v44 =	vpop (erf)  }
0x3c9: {  	v45 =	vmax.f32 v30, $0.0e+00;
	[tilespmem:s8+$0x141F0] =	vst v4;
	(erf) = vrcp.f32 v8;
	v46 =	vadd.f32 $1.000000000e+00, v44  }
0x3ca: {  	v47 =	vmax.f32 v34, $0.0e+00;
	[tilespmem:s12+$0x14190] =	vst v45;
	v2 =	vmul.f32 v29, v2;
	(erf) = vrcp.f32 v43  }
0x3cb: {  	[tilespmem:s12+$0x141A0] =	vst v47;
	v0 =	vmul.f32 v31, v0;
	(erf) = vrcp.f32 v46  }
0x3cc: {  	[tilespmem:s8+$0x141C0] =	vst v2;
	v1 =	vmul.f32 v33, v1  }
0x3cd: {  	[tilespmem:s8+$0x141D0] =	vst v0  }
0x3ce: {  	v48 =	vmax.f32 v38, $0.0e+00;
	[tilespmem:s8+$0x141E0] =	vst v1;
	v49 =	vmul.f32 v40, v3;
	v50 =	vpop (erf)  }
0x3cf: {  	[tilespmem:s12+$0x141B0] =	vst v48;
	v51 =	vmul.f32 v50, v7;
	v52 =	vpop (erf)  }
0x3d0: {  	[tilespmem:s9+$0x141F0] =	vst v49;
	v53 =	vmul.f32 v52, v5;
	v54 =	vpop (erf)  }
0x3d1: {  	[tilespmem:s9+$0x141C0] =	vst v51;
	v55 =	vmul.f32 v54, v9;
	v56 =	vpop (erf)  }
0x3d2: {  	[tilespmem:s9+$0x141D0] =	vst v53;
	v57 =	vmul.f32 v56, v20;
	v58 =	vpop (erf)  }
0x3d3: {  	p0 =	seq.s32 s30, $0x29;
	[tilespmem:s9+$0x141E0] =	vst v55;
	v59 =	vmul.f32 v58, v19;
	v60 =	vpop (erf)  }
.Ltmp12:
0x3d4: {  	[tilespmem:s12+$0x141F0] =	vst v57;
	v61 =	vmul.f32 v60, v17;
	v62 =	vpop (erf);
	(pc) =	sbr.rel @p0 .LBB2_28-.Ltmp12, $4  }
0x3d5: {  	[tilespmem:s12+$0x141C0] =	vst v59;
	v63 =	vmul.f32 v62, v16  }
0x3d6: {  	[tilespmem:s12+$0x141D0] =	vst v61  }
0x3d7: {  	s0 =	sadd.s32 s1, s0;
	[tilespmem:s12+$0x141E0] =	vst v63  }
0x3d8: {  	[hbm4b:s0+s15] =	stream.strided.scatter [tilespmem:s24], [sflag:$0x6], $0x4000, s16, s15, $0x38;
	[tilespmem:$0x18000] =	vst v63  }
0x3d9: {  	s0 =	sadd.s32 $0x5, s31  }
.Ltmp13:
0x3da: {  	s1 =	sshll.u32 s0, $0xB;
	s0 =	sshll.u32 s0, $0x6;
	(pc) =	sbr.rel .LBB2_2-.Ltmp13, $4  }
0x3db: {  	s1 =	sadd.s32 s6, s1;
	s0 =	sand.u32 $0x40, s0  }
0x3dc: {  	s1 =	sand.u32 $0xFFF000, s1;
	s0 =	sadd.s32 s2, s0  }
0x3dd: {  	s31 =	simm.s32 $0x8000;
	s30 =	sadd.s32 $0x1, s30;
	s0 =	sadd.s32 s1, s0  }
0x3de: {  	[tilespmem:s31], [sflag:$0x3] =	stream.strided.gather [hbm4b:s0+s15], $0x4000, s16, s15, $0x38;
	[tilespmem:$0x18000] =	vst v63  }
.LBB2_28:
0x3df: {  	_ =	swait.ge [sflag:s19], $0x4000  }
0x3e0: {  	[sflag:s19] =	ssyncset.done $0x0  }
0x3e1: {  	s18 =	simm.s32 $0x4;
	[sflag:s19] =	ssyncadd.s32 $0xFFFFC000  }
0x3e2: {  	_ =	swait.ge [sflag:s18], $0x4000  }
0x3e3: {  	[sflag:s18] =	ssyncset.done $0x0  }
0x3e4: {  	s7 =	simm.s32 $0x0;
	[sflag:s18] =	ssyncadd.s32 $0xFFFFC000  }
0x3e5: {  	v17 =	vld [tilespmem:s7+$0x70]  }
0x3e6: {  	v9 =	vld [tilespmem:s7+$0x40]  }
0x3e7: {  	v0 =	vld [tilespmem:s7+$0x0]  }
0x3e8: {  	v8 =	vld [tilespmem:s7+$0x50]  }
0x3e9: {  	v1 =	vld [tilespmem:s7+$0x10]  }
0x3ea: {  	v3 =	vld [tilespmem:s7+$0x20];
	v2 =	vmul.f32 $-1.442695020e+00, v17  }
0x3eb: {  	v6 =	vld [tilespmem:s7+$0x60]  }
0x3ec: {  	s0 =	simm.s32 $0x200;
	v5 =	vld [tilespmem:s7+$0x30];
	v0 =	vmax.f32 v0, $0.0e+00;
	(erf) = vpow2.f32 v2  }
0x3ed: {  	v4 =	vld [tilespmem:s0+$0x70];
	[tilespmem:s7+$0xC000] =	vst v0  }
0x3ee: {  	v1 =	vmax.f32 v1, $0.0e+00;
	v7 =	vmul.f32 $-1.442695020e+00, v9;
	v2 =	vld [tilespmem:s0+$0x40]  }
0x3ef: {  	v3 =	vmax.f32 v3, $0.0e+00;
	v10 =	vmul.f32 $-1.442695020e+00, v8;
	v0 =	vld [tilespmem:s0+$0x50];
	[tilespmem:s7+$0xC010] =	vst v1  }
0x3f0: {  	v1 =	vld [tilespmem:s0+$0x60];
	[tilespmem:s7+$0xC020] =	vst v3;
	v3 =	vmul.f32 $-1.442695020e+00, v6;
	(erf) = vpow2.f32 v7  }
0x3f1: {  	(erf) = vpow2.f32 v10  }
0x3f2: {  	v7 =	vld [tilespmem:s0+$0x0];
	(erf) = vpow2.f32 v3;
	_ =	sdelay $0x1  }
0x3f3: {  	v3 =	vmax.f32 v5, $0.0e+00;
	v5 =	vmul.f32 $-1.442695020e+00, v4  }
0x3f4: {  	v10 =	vld [tilespmem:s0+$0x10];
	v13 =	vmul.f32 $-1.442695020e+00, v2;
	v14 =	vpop (erf)  }
0x3f5: {  	v11 =	vld [tilespmem:s0+$0x20];
	(erf) = vpow2.f32 v5;
	v5 =	vadd.f32 $1.000000000e+00, v14  }
0x3f6: {  	s1 =	simm.s32 $0x400;
	v12 =	vld [tilespmem:s0+$0x30];
	[tilespmem:s7+$0xC030] =	vst v3;
	v7 =	vmax.f32 v7, $0.0e+00;
	(erf) = vpow2.f32 v13;
	v14 =	vmul.f32 $-1.442695020e+00, v0  }
0x3f7: {  	v3 =	vld [tilespmem:s1+$0x70];
	[tilespmem:s0+$0xC000] =	vst v7;
	(erf) = vrcp.f32 v5  }
0x3f8: {  	v7 =	vld [tilespmem:s1+$0x40];
	v13 =	vpop (erf);
	(erf) = vpow2.f32 v14;
	v14 =	vmul.f32 $-1.442695020e+00, v1  }
0x3f9: {  	v10 =	vmax.f32 v10, $0.0e+00;
	v15 =	vpop (erf)  }
0x3fa: {  	v11 =	vmax.f32 v11, $0.0e+00;
	v13 =	vadd.f32 $1.000000000e+00, v13;
	v5 =	vld [tilespmem:s1+$0x50];
	[tilespmem:s0+$0xC010] =	vst v10;
	v16 =	vpop (erf);
	(erf) = vpow2.f32 v14  }
0x3fb: {  	v15 =	vadd.f32 $1.000000000e+00, v15;
	v10 =	vld [tilespmem:s1+$0x60];
	[tilespmem:s0+$0xC020] =	vst v11;
	v11 =	vadd.f32 $1.000000000e+00, v16  }
0x3fc: {  	v18 =	vld [tilespmem:s1+$0x0];
	v14 =	vmul.f32 $-1.442695020e+00, v3;
	(erf) = vrcp.f32 v13  }
0x3fd: {  	v20 =	vmul.f32 $-1.442695020e+00, v7;
	(erf) = vrcp.f32 v15  }
0x3fe: {  	(erf) = vrcp.f32 v11  }
0x3ff: {  	v19 =	vmax.f32 v12, $0.0e+00;
	v13 =	vld [tilespmem:s1+$0x10];
	v11 =	vpop (erf)  }
0x400: {  	v12 =	vld [tilespmem:s1+$0x20];
	v16 =	vmul.f32 $-1.442695020e+00, v5;
	(erf) = vpow2.f32 v14;
	v21 =	vadd.f32 $1.000000000e+00, v11;
	v14 =	vpop (erf)  }
0x401: {  	s8 =	simm.s32 $0x600;
	s14 =	simm.s32 $0x2000;
	v15 =	vmul.f32 $-1.442695020e+00, v10;
	v11 =	vld [tilespmem:s1+$0x30];
	[tilespmem:s0+$0xC030] =	vst v19;
	v19 =	vmax.f32 v18, $0.0e+00;
	(erf) = vpow2.f32 v20;
	v20 =	vpop (erf)  }
0x402: {  	s9 =	simm.s32 $0x400;
	s13 =	simm.s32 $0x0;
	s12 =	simm.s32 $0x200;
	v14 =	vadd.f32 $1.000000000e+00, v14;
	(erf) = vrcp.f32 v21;
	v18 =	vpop (erf);
	v17 =	vmul.f32 v20, v17  }
.LBB2_29:
0x403: {  	(erf) = vpow2.f32 v16;
	v16 =	vadd.f32 $1.000000000e+00, v18;
	v18 =	vpop (erf)  }
0x404: {  	p0 =	sne.s32 s14, $0xF800;
	[tilespmem:s9+$0xC000] =	vst v19;
	v13 =	vmax.f32 v13, $0.0e+00;
	v20 =	vmovc v4;
	v4 =	vmovc v3;
	v3 =	vld [tilespmem:s8+$0x70];
	v19 =	vmov v5;
	v21 =	vmov v10  }
0x405: {  	v22 =	vld [tilespmem:s8+$0x40];
	v12 =	vmax.f32 v12, $0.0e+00;
	(erf) = vpow2.f32 v15;
	v15 =	vadd.f32 $1.000000000e+00, v18;
	[tilespmem:s13+$0xC070] =	vst v17;
	v10 =	vpop (erf)  }
0x406: {  	v5 =	vld [tilespmem:s8+$0x50];
	[tilespmem:s9+$0xC010] =	vst v13;
	v17 =	vmax.f32 v11, $0.0e+00;
	(erf) = vrcp.f32 v14;
	v11 =	vmul.f32 v10, v9;
	v9 =	vpop (erf)  }
0x407: {  	v10 =	vld [tilespmem:s8+$0x60];
	[tilespmem:s9+$0xC020] =	vst v12;
	(erf) = vrcp.f32 v16;
	v12 =	vmul.f32 v9, v8;
	v8 =	vpop (erf);
	v9 =	vmov v2  }
0x408: {  	v2 =	vmovc v7;
	v18 =	vld [tilespmem:s8+$0x0];
	(erf) = vrcp.f32 v15;
	[tilespmem:s13+$0xC040] =	vst v11;
	v11 =	vmul.f32 v8, v6;
	v8 =	vmovc v0;
	v0 =	vmov v19  }
.Ltmp14:
0x409: {  	v6 =	vmov v1;
	v1 =	vmov v21;
	v13 =	vld [tilespmem:s8+$0x10];
	v23 =	vmul.f32 $-1.442695020e+00, v3;
	[tilespmem:s13+$0xC050] =	vst v12;
	(pc) =	sbr.rel @p0 .LBB2_29-.Ltmp14, $4  }
0x40a: {  	v12 =	vld [tilespmem:s8+$0x20];
	v19 =	vmul.f32 $-1.442695020e+00, v22;
	v15 =	vpop (erf);
	[tilespmem:s13+$0xC060] =	vst v11;
	v7 =	vmov v22;
	s13 =	smov.u32 s12;
	s12 =	smov.u32 s9;
	s9 =	smov.u32 s8  }
0x40b: {  	v11 =	vld [tilespmem:s9+$0x30];
	v16 =	vmul.f32 $-1.442695020e+00, v5;
	(erf) = vpow2.f32 v23;
	[tilespmem:s12+$0xC030] =	vst v17;
	v17 =	vadd.f32 $1.000000000e+00, v15;
	v14 =	vpop (erf)  }
0x40c: {  	v15 =	vmul.f32 $-1.442695020e+00, v10;
	(erf) = vpow2.f32 v19;
	v14 =	vadd.f32 $1.000000000e+00, v14;
	v21 =	vpop (erf)  }
0x40d: {  	s8 =	sshra.s32 s14, $0x2;
	s14 =	sadd.s32 $0x800, s14;
	v19 =	vmax.f32 v18, $0.0e+00;
	v18 =	vpop (erf);
	(erf) = vrcp.f32 v17;
	v17 =	vmul.f32 v21, v20  }
0x40e: {  	v20 =	vld [tilespmem:s8+$0x70];
	[tilespmem:s9+$0xC000] =	vst v19  }
0x40f: {  	(erf) = vpow2.f32 v16;
	v18 =	vadd.f32 $1.000000000e+00, v18;
	v19 =	vld [tilespmem:s8+$0x40]  }
0x410: {  	v13 =	vmax.f32 v13, $0.0e+00;
	v16 =	vpop (erf);
	[tilespmem:s13+$0xC070] =	vst v17;
	(erf) = vpow2.f32 v15  }
0x411: {  	v15 =	vpop (erf);
	v17 =	vld [tilespmem:s8+$0x50];
	[tilespmem:s9+$0xC010] =	vst v13;
	v13 =	vadd.f32 $1.000000000e+00, v16;
	(erf) = vrcp.f32 v14  }
0x412: {  	v14 =	vpop (erf);
	(erf) = vrcp.f32 v18  }
0x413: {  	v16 =	vld [tilespmem:s8+$0x60];
	v18 =	vpop (erf);
	(erf) = vrcp.f32 v13  }
0x414: {  	v21 =	vmul.f32 $-1.442695020e+00, v20;
	v13 =	vmul.f32 $-1.442695020e+00, v19  }
0x415: {  	v22 =	vpop (erf)  }
0x416: {  	v9 =	vmul.f32 v15, v9;
	(erf) = vpow2.f32 v21;
	v57 =	vadd.f32 $1.000000000e+00, v22  }
0x417: {  	v12 =	vmax.f32 v12, $0.0e+00;
	v58 =	vmul.f32 $-1.442695020e+00, v17;
	(erf) = vpow2.f32 v13  }
0x418: {  	v23 =	vmul.f32 $-1.442695020e+00, v16;
	v13 =	vpop (erf);
	(erf) = vrcp.f32 v57  }
0x419: {  	v59 =	vpop (erf);
	(erf) = vpow2.f32 v58  }
0x41a: {  	[tilespmem:s9+$0xC020] =	vst v12;
	v8 =	vmul.f32 v14, v8;
	v12 =	vpop (erf);
	(erf) = vpow2.f32 v23  }
0x41b: {  	v60 =	vld [tilespmem:s8+$0x0];
	[tilespmem:s13+$0xC040] =	vst v9;
	v15 =	vpop (erf)  }
0x41c: {  	v14 =	vld [tilespmem:s8+$0x10];
	v6 =	vmul.f32 v18, v6;
	[tilespmem:s13+$0xC050] =	vst v8;
	v8 =	vadd.f32 $1.000000000e+00, v13;
	v9 =	vpop (erf)  }
0x41d: {  	v61 =	vpop (erf)  }
0x41e: {  	v18 =	vld [tilespmem:s8+$0x20];
	[tilespmem:s13+$0xC060] =	vst v6;
	v6 =	vmax.f32 v11, $0.0e+00;
	v11 =	vadd.f32 $1.000000000e+00, v15;
	v13 =	vpop (erf)  }
0x41f: {  	v12 =	vadd.f32 $1.000000000e+00, v12;
	v24 =	vpop (erf)  }
0x420: {  	(erf) = vrcp.f32 v8;
	v8 =	vpop (erf)  }
0x421: {  	v4 =	vmul.f32 v59, v4;
	(erf) = vrcp.f32 v12;
	v12 =	vadd.f32 $1.000000000e+00, v24;
	v62 =	vpop (erf)  }
0x422: {  	v15 =	vld [tilespmem:s8+$0x30];
	[tilespmem:s9+$0xC030] =	vst v6;
	v6 =	vmax.f32 v60, $0.0e+00;
	(erf) = vrcp.f32 v11;
	v8 =	vadd.f32 $1.000000000e+00, v8;
	v11 =	vpop (erf)  }
0x423: {  	[tilespmem:s8+$0xC000] =	vst v6;
	(erf) = vrcp.f32 v12;
	v6 =	vadd.f32 $1.000000000e+00, v11;
	v11 =	vpop (erf)  }
0x424: {  	[tilespmem:s12+$0xC070] =	vst v4;
	v12 =	vmax.f32 v14, $0.0e+00;
	(erf) = vrcp.f32 v8;
	v4 =	vadd.f32 $1.000000000e+00, v11  }
0x425: {  	v2 =	vmul.f32 v9, v2;
	v8 =	vmax.f32 v18, $0.0e+00;
	[tilespmem:s8+$0xC010] =	vst v12;
	(erf) = vrcp.f32 v6  }
0x426: {  	v0 =	vmul.f32 v61, v0;
	[tilespmem:s8+$0xC020] =	vst v8;
	(erf) = vrcp.f32 v4  }
0x427: {  	v1 =	vmul.f32 v13, v1;
	[tilespmem:s12+$0xC040] =	vst v2  }
0x428: {  	[tilespmem:s12+$0xC050] =	vst v0  }
0x429: {  	v0 =	vmax.f32 v15, $0.0e+00;
	[tilespmem:s12+$0xC060] =	vst v1;
	v1 =	vmul.f32 v62, v3;
	v2 =	vpop (erf)  }
0x42a: {  	[tilespmem:s8+$0xC030] =	vst v0;
	v0 =	vmul.f32 v2, v7;
	v2 =	vpop (erf)  }
0x42b: {  	[tilespmem:s9+$0xC070] =	vst v1;
	v1 =	vmul.f32 v2, v5;
	v2 =	vpop (erf)  }
0x42c: {  	[tilespmem:s9+$0xC040] =	vst v0;
	v0 =	vmul.f32 v2, v10;
	v2 =	vpop (erf)  }
0x42d: {  	[tilespmem:s9+$0xC050] =	vst v1;
	v1 =	vmul.f32 v2, v20;
	v2 =	vpop (erf)  }
0x42e: {  	[tilespmem:s9+$0xC060] =	vst v0;
	v0 =	vmul.f32 v2, v19;
	v2 =	vpop (erf)  }
0x42f: {  	[tilespmem:s8+$0xC070] =	vst v1;
	v1 =	vmul.f32 v2, v17;
	v2 =	vpop (erf)  }
0x430: {  	[tilespmem:s8+$0xC040] =	vst v0;
	v0 =	vmul.f32 v2, v16  }
0x431: {  	[tilespmem:s8+$0xC050] =	vst v1  }
0x432: {  	[tilespmem:s8+$0xC060] =	vst v0  }
0x433: {  	v17 =	vld [tilespmem:s7+$0xF0]  }
0x434: {  	v10 =	vld [tilespmem:s7+$0xC0]  }
0x435: {  	v0 =	vld [tilespmem:s7+$0x80]  }
0x436: {  	v8 =	vld [tilespmem:s7+$0xD0]  }
0x437: {  	v1 =	vld [tilespmem:s7+$0x90]  }
0x438: {  	v3 =	vld [tilespmem:s7+$0xA0];
	v2 =	vmul.f32 $-1.442695020e+00, v17  }
0x439: {  	v6 =	vld [tilespmem:s7+$0xE0]  }
0x43a: {  	v5 =	vld [tilespmem:s7+$0xB0];
	v0 =	vmax.f32 v0, $0.0e+00;
	(erf) = vpow2.f32 v2  }
0x43b: {  	v4 =	vld [tilespmem:s0+$0xF0];
	[tilespmem:s7+$0xC080] =	vst v0  }
0x43c: {  	v1 =	vmax.f32 v1, $0.0e+00;
	v7 =	vmul.f32 $-1.442695020e+00, v10;
	v2 =	vld [tilespmem:s0+$0xC0]  }
0x43d: {  	v3 =	vmax.f32 v3, $0.0e+00;
	v9 =	vmul.f32 $-1.442695020e+00, v8;
	v0 =	vld [tilespmem:s0+$0xD0];
	[tilespmem:s7+$0xC090] =	vst v1  }
0x43e: {  	v1 =	vld [tilespmem:s0+$0xE0];
	[tilespmem:s7+$0xC0A0] =	vst v3;
	v3 =	vmul.f32 $-1.442695020e+00, v6;
	(erf) = vpow2.f32 v7  }
0x43f: {  	(erf) = vpow2.f32 v9  }
0x440: {  	v7 =	vld [tilespmem:s0+$0x80];
	(erf) = vpow2.f32 v3;
	_ =	sdelay $0x1  }
0x441: {  	v3 =	vmax.f32 v5, $0.0e+00;
	v5 =	vmul.f32 $-1.442695020e+00, v4  }
0x442: {  	v9 =	vld [tilespmem:s0+$0x90];
	v13 =	vmul.f32 $-1.442695020e+00, v2;
	v14 =	vpop (erf)  }
0x443: {  	v11 =	vld [tilespmem:s0+$0xA0];
	(erf) = vpow2.f32 v5;
	v5 =	vadd.f32 $1.000000000e+00, v14  }
0x444: {  	v12 =	vld [tilespmem:s0+$0xB0];
	[tilespmem:s7+$0xC0B0] =	vst v3;
	v7 =	vmax.f32 v7, $0.0e+00;
	(erf) = vpow2.f32 v13;
	v14 =	vmul.f32 $-1.442695020e+00, v0  }
0x445: {  	v3 =	vld [tilespmem:s1+$0xF0];
	[tilespmem:s0+$0xC080] =	vst v7;
	(erf) = vrcp.f32 v5  }
0x446: {  	v7 =	vld [tilespmem:s1+$0xC0];
	v13 =	vpop (erf);
	(erf) = vpow2.f32 v14;
	v14 =	vmul.f32 $-1.442695020e+00, v1  }
0x447: {  	v9 =	vmax.f32 v9, $0.0e+00;
	v15 =	vpop (erf)  }
0x448: {  	v11 =	vmax.f32 v11, $0.0e+00;
	v13 =	vadd.f32 $1.000000000e+00, v13;
	v5 =	vld [tilespmem:s1+$0xD0];
	[tilespmem:s0+$0xC090] =	vst v9;
	v16 =	vpop (erf);
	(erf) = vpow2.f32 v14  }
0x449: {  	v15 =	vadd.f32 $1.000000000e+00, v15;
	v9 =	vld [tilespmem:s1+$0xE0];
	[tilespmem:s0+$0xC0A0] =	vst v11;
	v11 =	vadd.f32 $1.000000000e+00, v16  }
0x44a: {  	v18 =	vld [tilespmem:s1+$0x80];
	v14 =	vmul.f32 $-1.442695020e+00, v3;
	(erf) = vrcp.f32 v13  }
0x44b: {  	v20 =	vmul.f32 $-1.442695020e+00, v7;
	(erf) = vrcp.f32 v15  }
0x44c: {  	(erf) = vrcp.f32 v11  }
0x44d: {  	v19 =	vmax.f32 v12, $0.0e+00;
	v13 =	vld [tilespmem:s1+$0x90];
	v11 =	vpop (erf)  }
0x44e: {  	v12 =	vld [tilespmem:s1+$0xA0];
	v16 =	vmul.f32 $-1.442695020e+00, v5;
	(erf) = vpow2.f32 v14;
	v63 =	vadd.f32 $1.000000000e+00, v11;
	v14 =	vpop (erf)  }
0x44f: {  	v15 =	vmul.f32 $-1.442695020e+00, v9;
	v11 =	vld [tilespmem:s1+$0xB0];
	[tilespmem:s0+$0xC0B0] =	vst v19;
	v19 =	vmax.f32 v18, $0.0e+00;
	(erf) = vpow2.f32 v20;
	v20 =	vpop (erf)  }
0x450: {  	s25 =	simm.s32 $0x5;
	s9 =	simm.s32 $0x2000;
	s8 =	simm.s32 $0x600;
	v14 =	vadd.f32 $1.000000000e+00, v14;
	(erf) = vrcp.f32 v63;
	v18 =	vpop (erf);
	v17 =	vmul.f32 v20, v17  }
.LBB2_31:
0x451: {  	(erf) = vpow2.f32 v16;
	v16 =	vadd.f32 $1.000000000e+00, v18;
	v18 =	vpop (erf)  }
0x452: {  	p0 =	sne.s32 s9, $0xF800;
	[tilespmem:s1+$0xC080] =	vst v19;
	v13 =	vmax.f32 v13, $0.0e+00;
	v20 =	vmovc v4;
	v4 =	vmovc v3;
	v3 =	vld [tilespmem:s8+$0xF0];
	v19 =	vmov v5;
	v21 =	vmov v9  }
0x453: {  	v22 =	vld [tilespmem:s8+$0xC0];
	v12 =	vmax.f32 v12, $0.0e+00;
	(erf) = vpow2.f32 v15;
	v15 =	vadd.f32 $1.000000000e+00, v18;
	[tilespmem:s7+$0xC0F0] =	vst v17;
	v9 =	vpop (erf)  }
0x454: {  	v5 =	vld [tilespmem:s8+$0xD0];
	[tilespmem:s1+$0xC090] =	vst v13;
	v17 =	vmax.f32 v11, $0.0e+00;
	(erf) = vrcp.f32 v14;
	v11 =	vmul.f32 v9, v10;
	v10 =	vpop (erf)  }
0x455: {  	v9 =	vld [tilespmem:s8+$0xE0];
	[tilespmem:s1+$0xC0A0] =	vst v12;
	(erf) = vrcp.f32 v16;
	v12 =	vmul.f32 v10, v8;
	v8 =	vpop (erf);
	v10 =	vmov v2  }
0x456: {  	v2 =	vmovc v7;
	v18 =	vld [tilespmem:s8+$0x80];
	(erf) = vrcp.f32 v15;
	[tilespmem:s7+$0xC0C0] =	vst v11;
	v11 =	vmul.f32 v8, v6;
	v8 =	vmovc v0;
	v0 =	vmov v19  }
.Ltmp15:
0x457: {  	v6 =	vmov v1;
	v1 =	vmov v21;
	v13 =	vld [tilespmem:s8+$0x90];
	v23 =	vmul.f32 $-1.442695020e+00, v3;
	[tilespmem:s7+$0xC0D0] =	vst v12;
	(pc) =	sbr.rel @p0 .LBB2_31-.Ltmp15, $4  }
0x458: {  	v12 =	vld [tilespmem:s8+$0xA0];
	v19 =	vmul.f32 $-1.442695020e+00, v22;
	v15 =	vpop (erf);
	[tilespmem:s7+$0xC0E0] =	vst v11;
	v7 =	vmov v22;
	s7 =	smov.u32 s0;
	s0 =	smov.u32 s1;
	s1 =	smov.u32 s8  }
0x459: {  	v11 =	vld [tilespmem:s1+$0xB0];
	v16 =	vmul.f32 $-1.442695020e+00, v5;
	(erf) = vpow2.f32 v23;
	[tilespmem:s0+$0xC0B0] =	vst v17;
	v17 =	vadd.f32 $1.000000000e+00, v15;
	v14 =	vpop (erf)  }
0x45a: {  	v15 =	vmul.f32 $-1.442695020e+00, v9;
	(erf) = vpow2.f32 v19;
	v14 =	vadd.f32 $1.000000000e+00, v14;
	v21 =	vpop (erf)  }
0x45b: {  	s8 =	sshra.s32 s9, $0x2;
	s9 =	sadd.s32 $0x800, s9;
	v19 =	vmax.f32 v18, $0.0e+00;
	v18 =	vpop (erf);
	(erf) = vrcp.f32 v17;
	v17 =	vmul.f32 v21, v20  }
0x45c: {  	v20 =	vld [tilespmem:s8+$0xF0];
	[tilespmem:s1+$0xC080] =	vst v19  }
0x45d: {  	(erf) = vpow2.f32 v16;
	v18 =	vadd.f32 $1.000000000e+00, v18;
	v19 =	vld [tilespmem:s8+$0xC0]  }
0x45e: {  	v13 =	vmax.f32 v13, $0.0e+00;
	v16 =	vpop (erf);
	[tilespmem:s7+$0xC0F0] =	vst v17;
	(erf) = vpow2.f32 v15  }
0x45f: {  	v15 =	vpop (erf);
	v17 =	vld [tilespmem:s8+$0xD0];
	[tilespmem:s1+$0xC090] =	vst v13;
	v13 =	vadd.f32 $1.000000000e+00, v16;
	(erf) = vrcp.f32 v14  }
0x460: {  	v14 =	vpop (erf);
	(erf) = vrcp.f32 v18  }
0x461: {  	v16 =	vld [tilespmem:s8+$0xE0];
	v18 =	vpop (erf);
	(erf) = vrcp.f32 v13  }
0x462: {  	v21 =	vmul.f32 $-1.442695020e+00, v20;
	v13 =	vmul.f32 $-1.442695020e+00, v19  }
0x463: {  	v22 =	vpop (erf)  }
0x464: {  	v10 =	vmul.f32 v15, v10;
	(erf) = vpow2.f32 v21;
	v57 =	vadd.f32 $1.000000000e+00, v22  }
0x465: {  	v12 =	vmax.f32 v12, $0.0e+00;
	v58 =	vmul.f32 $-1.442695020e+00, v17;
	(erf) = vpow2.f32 v13  }
0x466: {  	v23 =	vmul.f32 $-1.442695020e+00, v16;
	v13 =	vpop (erf);
	(erf) = vrcp.f32 v57  }
0x467: {  	v59 =	vpop (erf);
	(erf) = vpow2.f32 v58  }
0x468: {  	[tilespmem:s1+$0xC0A0] =	vst v12;
	v8 =	vmul.f32 v14, v8;
	v12 =	vpop (erf);
	(erf) = vpow2.f32 v23  }
0x469: {  	v60 =	vld [tilespmem:s8+$0x80];
	[tilespmem:s7+$0xC0C0] =	vst v10;
	v15 =	vpop (erf)  }
0x46a: {  	v14 =	vld [tilespmem:s8+$0x90];
	v6 =	vmul.f32 v18, v6;
	[tilespmem:s7+$0xC0D0] =	vst v8;
	v8 =	vadd.f32 $1.000000000e+00, v13;
	v10 =	vpop (erf)  }
0x46b: {  	v61 =	vpop (erf)  }
0x46c: {  	v18 =	vld [tilespmem:s8+$0xA0];
	[tilespmem:s7+$0xC0E0] =	vst v6;
	v6 =	vmax.f32 v11, $0.0e+00;
	v11 =	vadd.f32 $1.000000000e+00, v15;
	v13 =	vpop (erf)  }
0x46d: {  	v12 =	vadd.f32 $1.000000000e+00, v12;
	v24 =	vpop (erf)  }
0x46e: {  	(erf) = vrcp.f32 v8;
	v8 =	vpop (erf)  }
0x46f: {  	v4 =	vmul.f32 v59, v4;
	(erf) = vrcp.f32 v12;
	v12 =	vadd.f32 $1.000000000e+00, v24;
	v62 =	vpop (erf)  }
0x470: {  	v15 =	vld [tilespmem:s8+$0xB0];
	[tilespmem:s1+$0xC0B0] =	vst v6;
	v6 =	vmax.f32 v60, $0.0e+00;
	(erf) = vrcp.f32 v11;
	v8 =	vadd.f32 $1.000000000e+00, v8;
	v11 =	vpop (erf)  }
0x471: {  	[tilespmem:s8+$0xC080] =	vst v6;
	(erf) = vrcp.f32 v12;
	v6 =	vadd.f32 $1.000000000e+00, v11;
	v11 =	vpop (erf)  }
0x472: {  	[tilespmem:s0+$0xC0F0] =	vst v4;
	v12 =	vmax.f32 v14, $0.0e+00;
	(erf) = vrcp.f32 v8;
	v4 =	vadd.f32 $1.000000000e+00, v11  }
0x473: {  	v2 =	vmul.f32 v10, v2;
	v8 =	vmax.f32 v18, $0.0e+00;
	[tilespmem:s8+$0xC090] =	vst v12;
	(erf) = vrcp.f32 v6  }
0x474: {  	v0 =	vmul.f32 v61, v0;
	[tilespmem:s8+$0xC0A0] =	vst v8;
	(erf) = vrcp.f32 v4  }
0x475: {  	v1 =	vmul.f32 v13, v1;
	[tilespmem:s0+$0xC0C0] =	vst v2  }
0x476: {  	[tilespmem:s0+$0xC0D0] =	vst v0  }
0x477: {  	v0 =	vmax.f32 v15, $0.0e+00;
	[tilespmem:s0+$0xC0E0] =	vst v1;
	v1 =	vmul.f32 v62, v3;
	v2 =	vpop (erf)  }
0x478: {  	[tilespmem:s8+$0xC0B0] =	vst v0;
	v0 =	vmul.f32 v2, v7;
	v2 =	vpop (erf)  }
0x479: {  	[tilespmem:s1+$0xC0F0] =	vst v1;
	v1 =	vmul.f32 v2, v5;
	v2 =	vpop (erf)  }
0x47a: {  	[tilespmem:s1+$0xC0C0] =	vst v0;
	v0 =	vmul.f32 v2, v9;
	v2 =	vpop (erf)  }
0x47b: {  	[tilespmem:s1+$0xC0D0] =	vst v1;
	v1 =	vmul.f32 v2, v20;
	v2 =	vpop (erf)  }
0x47c: {  	[tilespmem:s1+$0xC0E0] =	vst v0;
	v0 =	vmul.f32 v2, v19;
	v2 =	vpop (erf)  }
0x47d: {  	[tilespmem:s8+$0xC0F0] =	vst v1;
	v1 =	vmul.f32 v2, v17;
	v2 =	vpop (erf)  }
0x47e: {  	[tilespmem:s8+$0xC0C0] =	vst v0;
	v0 =	vmul.f32 v2, v16  }
0x47f: {  	[tilespmem:s8+$0xC0D0] =	vst v1  }
0x480: {  	s7 =	simm.s32 $0x0;
	[tilespmem:s8+$0xC0E0] =	vst v0  }
0x481: {  	v17 =	vld [tilespmem:s7+$0x170]  }
0x482: {  	v9 =	vld [tilespmem:s7+$0x140]  }
0x483: {  	v0 =	vld [tilespmem:s7+$0x100]  }
0x484: {  	v8 =	vld [tilespmem:s7+$0x150]  }
0x485: {  	v1 =	vld [tilespmem:s7+$0x110]  }
0x486: {  	v3 =	vld [tilespmem:s7+$0x120];
	v2 =	vmul.f32 $-1.442695020e+00, v17  }
0x487: {  	v6 =	vld [tilespmem:s7+$0x160]  }
0x488: {  	s0 =	simm.s32 $0x200;
	v5 =	vld [tilespmem:s7+$0x130];
	v0 =	vmax.f32 v0, $0.0e+00;
	(erf) = vpow2.f32 v2  }
0x489: {  	v4 =	vld [tilespmem:s0+$0x170];
	[tilespmem:s7+$0xC100] =	vst v0  }
0x48a: {  	v1 =	vmax.f32 v1, $0.0e+00;
	v7 =	vmul.f32 $-1.442695020e+00, v9;
	v2 =	vld [tilespmem:s0+$0x140]  }
0x48b: {  	v3 =	vmax.f32 v3, $0.0e+00;
	v10 =	vmul.f32 $-1.442695020e+00, v8;
	v0 =	vld [tilespmem:s0+$0x150];
	[tilespmem:s7+$0xC110] =	vst v1  }
0x48c: {  	v1 =	vld [tilespmem:s0+$0x160];
	[tilespmem:s7+$0xC120] =	vst v3;
	v3 =	vmul.f32 $-1.442695020e+00, v6;
	(erf) = vpow2.f32 v7  }
0x48d: {  	(erf) = vpow2.f32 v10  }
0x48e: {  	v7 =	vld [tilespmem:s0+$0x100];
	(erf) = vpow2.f32 v3;
	_ =	sdelay $0x1  }
0x48f: {  	v3 =	vmax.f32 v5, $0.0e+00;
	v5 =	vmul.f32 $-1.442695020e+00, v4  }
0x490: {  	v10 =	vld [tilespmem:s0+$0x110];
	v13 =	vmul.f32 $-1.442695020e+00, v2;
	v14 =	vpop (erf)  }
0x491: {  	v11 =	vld [tilespmem:s0+$0x120];
	(erf) = vpow2.f32 v5;
	v5 =	vadd.f32 $1.000000000e+00, v14  }
0x492: {  	s1 =	simm.s32 $0x400;
	v12 =	vld [tilespmem:s0+$0x130];
	[tilespmem:s7+$0xC130] =	vst v3;
	v7 =	vmax.f32 v7, $0.0e+00;
	(erf) = vpow2.f32 v13;
	v14 =	vmul.f32 $-1.442695020e+00, v0  }
0x493: {  	v3 =	vld [tilespmem:s1+$0x170];
	[tilespmem:s0+$0xC100] =	vst v7;
	(erf) = vrcp.f32 v5  }
0x494: {  	v7 =	vld [tilespmem:s1+$0x140];
	v13 =	vpop (erf);
	(erf) = vpow2.f32 v14;
	v14 =	vmul.f32 $-1.442695020e+00, v1  }
0x495: {  	v10 =	vmax.f32 v10, $0.0e+00;
	v15 =	vpop (erf)  }
0x496: {  	v11 =	vmax.f32 v11, $0.0e+00;
	v13 =	vadd.f32 $1.000000000e+00, v13;
	v5 =	vld [tilespmem:s1+$0x150];
	[tilespmem:s0+$0xC110] =	vst v10;
	v16 =	vpop (erf);
	(erf) = vpow2.f32 v14  }
0x497: {  	v15 =	vadd.f32 $1.000000000e+00, v15;
	v10 =	vld [tilespmem:s1+$0x160];
	[tilespmem:s0+$0xC120] =	vst v11;
	v11 =	vadd.f32 $1.000000000e+00, v16  }
0x498: {  	v18 =	vld [tilespmem:s1+$0x100];
	v14 =	vmul.f32 $-1.442695020e+00, v3;
	(erf) = vrcp.f32 v13  }
0x499: {  	v20 =	vmul.f32 $-1.442695020e+00, v7;
	(erf) = vrcp.f32 v15  }
0x49a: {  	(erf) = vrcp.f32 v11  }
0x49b: {  	v19 =	vmax.f32 v12, $0.0e+00;
	v13 =	vld [tilespmem:s1+$0x110];
	v11 =	vpop (erf)  }
0x49c: {  	v12 =	vld [tilespmem:s1+$0x120];
	v16 =	vmul.f32 $-1.442695020e+00, v5;
	(erf) = vpow2.f32 v14;
	v63 =	vadd.f32 $1.000000000e+00, v11;
	v14 =	vpop (erf)  }
0x49d: {  	s14 =	simm.s32 $0x2000;
	s9 =	simm.s32 $0x400;
	v15 =	vmul.f32 $-1.442695020e+00, v10;
	v11 =	vld [tilespmem:s1+$0x130];
	[tilespmem:s0+$0xC130] =	vst v19;
	v19 =	vmax.f32 v18, $0.0e+00;
	(erf) = vpow2.f32 v20;
	v20 =	vpop (erf)  }
0x49e: {  	s13 =	simm.s32 $0x0;
	s12 =	simm.s32 $0x200;
	s8 =	simm.s32 $0x600;
	v14 =	vadd.f32 $1.000000000e+00, v14;
	(erf) = vrcp.f32 v63;
	v18 =	vpop (erf);
	v17 =	vmul.f32 v20, v17  }
.LBB2_33:
0x49f: {  	(erf) = vpow2.f32 v16;
	v16 =	vadd.f32 $1.000000000e+00, v18;
	v18 =	vpop (erf)  }
0x4a0: {  	p0 =	sne.s32 s14, $0xF800;
	[tilespmem:s9+$0xC100] =	vst v19;
	v13 =	vmax.f32 v13, $0.0e+00;
	v20 =	vmovc v4;
	v4 =	vmovc v3;
	v3 =	vld [tilespmem:s8+$0x170];
	v19 =	vmov v5;
	v21 =	vmov v10  }
0x4a1: {  	v22 =	vld [tilespmem:s8+$0x140];
	v12 =	vmax.f32 v12, $0.0e+00;
	(erf) = vpow2.f32 v15;
	v15 =	vadd.f32 $1.000000000e+00, v18;
	[tilespmem:s13+$0xC170] =	vst v17;
	v10 =	vpop (erf)  }
0x4a2: {  	v5 =	vld [tilespmem:s8+$0x150];
	[tilespmem:s9+$0xC110] =	vst v13;
	v17 =	vmax.f32 v11, $0.0e+00;
	(erf) = vrcp.f32 v14;
	v11 =	vmul.f32 v10, v9;
	v9 =	vpop (erf)  }
0x4a3: {  	v10 =	vld [tilespmem:s8+$0x160];
	[tilespmem:s9+$0xC120] =	vst v12;
	(erf) = vrcp.f32 v16;
	v12 =	vmul.f32 v9, v8;
	v8 =	vpop (erf);
	v9 =	vmov v2  }
0x4a4: {  	v2 =	vmovc v7;
	v18 =	vld [tilespmem:s8+$0x100];
	(erf) = vrcp.f32 v15;
	[tilespmem:s13+$0xC140] =	vst v11;
	v11 =	vmul.f32 v8, v6;
	v8 =	vmovc v0;
	v0 =	vmov v19  }
.Ltmp16:
0x4a5: {  	v6 =	vmov v1;
	v1 =	vmov v21;
	v13 =	vld [tilespmem:s8+$0x110];
	v23 =	vmul.f32 $-1.442695020e+00, v3;
	[tilespmem:s13+$0xC150] =	vst v12;
	(pc) =	sbr.rel @p0 .LBB2_33-.Ltmp16, $4  }
0x4a6: {  	v12 =	vld [tilespmem:s8+$0x120];
	v19 =	vmul.f32 $-1.442695020e+00, v22;
	v15 =	vpop (erf);
	[tilespmem:s13+$0xC160] =	vst v11;
	v7 =	vmov v22;
	s13 =	smov.u32 s12;
	s12 =	smov.u32 s9;
	s9 =	smov.u32 s8  }
0x4a7: {  	v11 =	vld [tilespmem:s9+$0x130];
	v16 =	vmul.f32 $-1.442695020e+00, v5;
	(erf) = vpow2.f32 v23;
	[tilespmem:s12+$0xC130] =	vst v17;
	v17 =	vadd.f32 $1.000000000e+00, v15;
	v14 =	vpop (erf)  }
0x4a8: {  	v15 =	vmul.f32 $-1.442695020e+00, v10;
	(erf) = vpow2.f32 v19;
	v14 =	vadd.f32 $1.000000000e+00, v14;
	v21 =	vpop (erf)  }
0x4a9: {  	s8 =	sshra.s32 s14, $0x2;
	s14 =	sadd.s32 $0x800, s14;
	v19 =	vmax.f32 v18, $0.0e+00;
	v18 =	vpop (erf);
	(erf) = vrcp.f32 v17;
	v17 =	vmul.f32 v21, v20  }
0x4aa: {  	v20 =	vld [tilespmem:s8+$0x170];
	[tilespmem:s9+$0xC100] =	vst v19  }
0x4ab: {  	(erf) = vpow2.f32 v16;
	v18 =	vadd.f32 $1.000000000e+00, v18;
	v19 =	vld [tilespmem:s8+$0x140]  }
0x4ac: {  	v13 =	vmax.f32 v13, $0.0e+00;
	v16 =	vpop (erf);
	[tilespmem:s13+$0xC170] =	vst v17;
	(erf) = vpow2.f32 v15  }
0x4ad: {  	v15 =	vpop (erf);
	v17 =	vld [tilespmem:s8+$0x150];
	[tilespmem:s9+$0xC110] =	vst v13;
	v13 =	vadd.f32 $1.000000000e+00, v16;
	(erf) = vrcp.f32 v14  }
0x4ae: {  	v14 =	vpop (erf);
	(erf) = vrcp.f32 v18  }
0x4af: {  	v16 =	vld [tilespmem:s8+$0x160];
	v18 =	vpop (erf);
	(erf) = vrcp.f32 v13  }
0x4b0: {  	v21 =	vmul.f32 $-1.442695020e+00, v20;
	v13 =	vmul.f32 $-1.442695020e+00, v19  }
0x4b1: {  	v22 =	vpop (erf)  }
0x4b2: {  	v9 =	vmul.f32 v15, v9;
	(erf) = vpow2.f32 v21;
	v57 =	vadd.f32 $1.000000000e+00, v22  }
0x4b3: {  	v12 =	vmax.f32 v12, $0.0e+00;
	v58 =	vmul.f32 $-1.442695020e+00, v17;
	(erf) = vpow2.f32 v13  }
0x4b4: {  	v23 =	vmul.f32 $-1.442695020e+00, v16;
	v13 =	vpop (erf);
	(erf) = vrcp.f32 v57  }
0x4b5: {  	v59 =	vpop (erf);
	(erf) = vpow2.f32 v58  }
0x4b6: {  	[tilespmem:s9+$0xC120] =	vst v12;
	v8 =	vmul.f32 v14, v8;
	v12 =	vpop (erf);
	(erf) = vpow2.f32 v23  }
0x4b7: {  	v60 =	vld [tilespmem:s8+$0x100];
	[tilespmem:s13+$0xC140] =	vst v9;
	v15 =	vpop (erf)  }
0x4b8: {  	v14 =	vld [tilespmem:s8+$0x110];
	v6 =	vmul.f32 v18, v6;
	[tilespmem:s13+$0xC150] =	vst v8;
	v8 =	vadd.f32 $1.000000000e+00, v13;
	v9 =	vpop (erf)  }
0x4b9: {  	v61 =	vpop (erf)  }
0x4ba: {  	v18 =	vld [tilespmem:s8+$0x120];
	[tilespmem:s13+$0xC160] =	vst v6;
	v6 =	vmax.f32 v11, $0.0e+00;
	v11 =	vadd.f32 $1.000000000e+00, v15;
	v13 =	vpop (erf)  }
0x4bb: {  	v12 =	vadd.f32 $1.000000000e+00, v12;
	v24 =	vpop (erf)  }
0x4bc: {  	(erf) = vrcp.f32 v8;
	v8 =	vpop (erf)  }
0x4bd: {  	v4 =	vmul.f32 v59, v4;
	(erf) = vrcp.f32 v12;
	v12 =	vadd.f32 $1.000000000e+00, v24;
	v62 =	vpop (erf)  }
0x4be: {  	v15 =	vld [tilespmem:s8+$0x130];
	[tilespmem:s9+$0xC130] =	vst v6;
	v6 =	vmax.f32 v60, $0.0e+00;
	(erf) = vrcp.f32 v11;
	v8 =	vadd.f32 $1.000000000e+00, v8;
	v11 =	vpop (erf)  }
0x4bf: {  	[tilespmem:s8+$0xC100] =	vst v6;
	(erf) = vrcp.f32 v12;
	v6 =	vadd.f32 $1.000000000e+00, v11;
	v11 =	vpop (erf)  }
0x4c0: {  	[tilespmem:s12+$0xC170] =	vst v4;
	v12 =	vmax.f32 v14, $0.0e+00;
	(erf) = vrcp.f32 v8;
	v4 =	vadd.f32 $1.000000000e+00, v11  }
0x4c1: {  	v2 =	vmul.f32 v9, v2;
	v8 =	vmax.f32 v18, $0.0e+00;
	[tilespmem:s8+$0xC110] =	vst v12;
	(erf) = vrcp.f32 v6  }
0x4c2: {  	v0 =	vmul.f32 v61, v0;
	[tilespmem:s8+$0xC120] =	vst v8;
	(erf) = vrcp.f32 v4  }
0x4c3: {  	v1 =	vmul.f32 v13, v1;
	[tilespmem:s12+$0xC140] =	vst v2  }
0x4c4: {  	[tilespmem:s12+$0xC150] =	vst v0  }
0x4c5: {  	v0 =	vmax.f32 v15, $0.0e+00;
	[tilespmem:s12+$0xC160] =	vst v1;
	v1 =	vmul.f32 v62, v3;
	v2 =	vpop (erf)  }
0x4c6: {  	[tilespmem:s8+$0xC130] =	vst v0;
	v0 =	vmul.f32 v2, v7;
	v2 =	vpop (erf)  }
0x4c7: {  	[tilespmem:s9+$0xC170] =	vst v1;
	v1 =	vmul.f32 v2, v5;
	v2 =	vpop (erf)  }
0x4c8: {  	[tilespmem:s9+$0xC140] =	vst v0;
	v0 =	vmul.f32 v2, v10;
	v2 =	vpop (erf)  }
0x4c9: {  	[tilespmem:s9+$0xC150] =	vst v1;
	v1 =	vmul.f32 v2, v20;
	v2 =	vpop (erf)  }
0x4ca: {  	[tilespmem:s9+$0xC160] =	vst v0;
	v0 =	vmul.f32 v2, v19;
	v2 =	vpop (erf)  }
0x4cb: {  	[tilespmem:s8+$0xC170] =	vst v1;
	v1 =	vmul.f32 v2, v17;
	v2 =	vpop (erf)  }
0x4cc: {  	[tilespmem:s8+$0xC140] =	vst v0;
	v0 =	vmul.f32 v2, v16  }
0x4cd: {  	[tilespmem:s8+$0xC150] =	vst v1  }
0x4ce: {  	[tilespmem:s8+$0xC160] =	vst v0  }
0x4cf: {  	v17 =	vld [tilespmem:s7+$0x1F0]  }
0x4d0: {  	v10 =	vld [tilespmem:s7+$0x1C0]  }
0x4d1: {  	v0 =	vld [tilespmem:s7+$0x180]  }
0x4d2: {  	v8 =	vld [tilespmem:s7+$0x1D0]  }
0x4d3: {  	v1 =	vld [tilespmem:s7+$0x190]  }
0x4d4: {  	v3 =	vld [tilespmem:s7+$0x1A0];
	v2 =	vmul.f32 $-1.442695020e+00, v17  }
0x4d5: {  	v6 =	vld [tilespmem:s7+$0x1E0]  }
0x4d6: {  	v5 =	vld [tilespmem:s7+$0x1B0];
	v0 =	vmax.f32 v0, $0.0e+00;
	(erf) = vpow2.f32 v2  }
0x4d7: {  	v4 =	vld [tilespmem:s0+$0x1F0];
	[tilespmem:s7+$0xC180] =	vst v0  }
0x4d8: {  	v1 =	vmax.f32 v1, $0.0e+00;
	v7 =	vmul.f32 $-1.442695020e+00, v10;
	v2 =	vld [tilespmem:s0+$0x1C0]  }
0x4d9: {  	v3 =	vmax.f32 v3, $0.0e+00;
	v9 =	vmul.f32 $-1.442695020e+00, v8;
	v0 =	vld [tilespmem:s0+$0x1D0];
	[tilespmem:s7+$0xC190] =	vst v1  }
0x4da: {  	v1 =	vld [tilespmem:s0+$0x1E0];
	[tilespmem:s7+$0xC1A0] =	vst v3;
	v3 =	vmul.f32 $-1.442695020e+00, v6;
	(erf) = vpow2.f32 v7  }
0x4db: {  	(erf) = vpow2.f32 v9  }
0x4dc: {  	v7 =	vld [tilespmem:s0+$0x180];
	(erf) = vpow2.f32 v3;
	_ =	sdelay $0x1  }
0x4dd: {  	v3 =	vmax.f32 v5, $0.0e+00;
	v5 =	vmul.f32 $-1.442695020e+00, v4  }
0x4de: {  	v9 =	vld [tilespmem:s0+$0x190];
	v13 =	vmul.f32 $-1.442695020e+00, v2;
	v14 =	vpop (erf)  }
0x4df: {  	v11 =	vld [tilespmem:s0+$0x1A0];
	(erf) = vpow2.f32 v5;
	v5 =	vadd.f32 $1.000000000e+00, v14  }
0x4e0: {  	v12 =	vld [tilespmem:s0+$0x1B0];
	[tilespmem:s7+$0xC1B0] =	vst v3;
	v7 =	vmax.f32 v7, $0.0e+00;
	(erf) = vpow2.f32 v13;
	v14 =	vmul.f32 $-1.442695020e+00, v0  }
0x4e1: {  	v3 =	vld [tilespmem:s1+$0x1F0];
	[tilespmem:s0+$0xC180] =	vst v7;
	(erf) = vrcp.f32 v5  }
0x4e2: {  	v7 =	vld [tilespmem:s1+$0x1C0];
	v13 =	vpop (erf);
	(erf) = vpow2.f32 v14;
	v14 =	vmul.f32 $-1.442695020e+00, v1  }
0x4e3: {  	v9 =	vmax.f32 v9, $0.0e+00;
	v15 =	vpop (erf)  }
0x4e4: {  	v11 =	vmax.f32 v11, $0.0e+00;
	v13 =	vadd.f32 $1.000000000e+00, v13;
	v5 =	vld [tilespmem:s1+$0x1D0];
	[tilespmem:s0+$0xC190] =	vst v9;
	v16 =	vpop (erf);
	(erf) = vpow2.f32 v14  }
0x4e5: {  	v15 =	vadd.f32 $1.000000000e+00, v15;
	v9 =	vld [tilespmem:s1+$0x1E0];
	[tilespmem:s0+$0xC1A0] =	vst v11;
	v11 =	vadd.f32 $1.000000000e+00, v16  }
0x4e6: {  	v18 =	vld [tilespmem:s1+$0x180];
	v14 =	vmul.f32 $-1.442695020e+00, v3;
	(erf) = vrcp.f32 v13  }
0x4e7: {  	v20 =	vmul.f32 $-1.442695020e+00, v7;
	(erf) = vrcp.f32 v15  }
0x4e8: {  	(erf) = vrcp.f32 v11  }
0x4e9: {  	v19 =	vmax.f32 v12, $0.0e+00;
	v13 =	vld [tilespmem:s1+$0x190];
	v11 =	vpop (erf)  }
0x4ea: {  	v12 =	vld [tilespmem:s1+$0x1A0];
	v16 =	vmul.f32 $-1.442695020e+00, v5;
	(erf) = vpow2.f32 v14;
	v63 =	vadd.f32 $1.000000000e+00, v11;
	v14 =	vpop (erf)  }
0x4eb: {  	v15 =	vmul.f32 $-1.442695020e+00, v9;
	v11 =	vld [tilespmem:s1+$0x1B0];
	[tilespmem:s0+$0xC1B0] =	vst v19;
	v19 =	vmax.f32 v18, $0.0e+00;
	(erf) = vpow2.f32 v20;
	v20 =	vpop (erf)  }
0x4ec: {  	s9 =	simm.s32 $0x2000;
	s8 =	simm.s32 $0x600;
	v14 =	vadd.f32 $1.000000000e+00, v14;
	(erf) = vrcp.f32 v63;
	v18 =	vpop (erf);
	v17 =	vmul.f32 v20, v17  }
.LBB2_35:
0x4ed: {  	(erf) = vpow2.f32 v16;
	v16 =	vadd.f32 $1.000000000e+00, v18;
	v18 =	vpop (erf)  }
0x4ee: {  	p0 =	sne.s32 s9, $0xF800;
	[tilespmem:s1+$0xC180] =	vst v19;
	v13 =	vmax.f32 v13, $0.0e+00;
	v20 =	vmovc v4;
	v4 =	vmovc v3;
	v3 =	vld [tilespmem:s8+$0x1F0];
	v19 =	vmov v5;
	v21 =	vmov v9  }
0x4ef: {  	v22 =	vld [tilespmem:s8+$0x1C0];
	v12 =	vmax.f32 v12, $0.0e+00;
	(erf) = vpow2.f32 v15;
	v15 =	vadd.f32 $1.000000000e+00, v18;
	[tilespmem:s7+$0xC1F0] =	vst v17;
	v9 =	vpop (erf)  }
0x4f0: {  	v5 =	vld [tilespmem:s8+$0x1D0];
	[tilespmem:s1+$0xC190] =	vst v13;
	v17 =	vmax.f32 v11, $0.0e+00;
	(erf) = vrcp.f32 v14;
	v11 =	vmul.f32 v9, v10;
	v10 =	vpop (erf)  }
0x4f1: {  	v9 =	vld [tilespmem:s8+$0x1E0];
	[tilespmem:s1+$0xC1A0] =	vst v12;
	(erf) = vrcp.f32 v16;
	v12 =	vmul.f32 v10, v8;
	v8 =	vpop (erf);
	v10 =	vmov v2  }
0x4f2: {  	v2 =	vmovc v7;
	v18 =	vld [tilespmem:s8+$0x180];
	(erf) = vrcp.f32 v15;
	[tilespmem:s7+$0xC1C0] =	vst v11;
	v11 =	vmul.f32 v8, v6;
	v8 =	vmovc v0;
	v0 =	vmov v19  }
.Ltmp17:
0x4f3: {  	v6 =	vmov v1;
	v1 =	vmov v21;
	v13 =	vld [tilespmem:s8+$0x190];
	v23 =	vmul.f32 $-1.442695020e+00, v3;
	[tilespmem:s7+$0xC1D0] =	vst v12;
	(pc) =	sbr.rel @p0 .LBB2_35-.Ltmp17, $4  }
0x4f4: {  	v12 =	vld [tilespmem:s8+$0x1A0];
	v19 =	vmul.f32 $-1.442695020e+00, v22;
	v15 =	vpop (erf);
	[tilespmem:s7+$0xC1E0] =	vst v11;
	v7 =	vmov v22;
	s7 =	smov.u32 s0;
	s0 =	smov.u32 s1;
	s1 =	smov.u32 s8  }
0x4f5: {  	v11 =	vld [tilespmem:s1+$0x1B0];
	v16 =	vmul.f32 $-1.442695020e+00, v5;
	(erf) = vpow2.f32 v23;
	[tilespmem:s0+$0xC1B0] =	vst v17;
	v17 =	vadd.f32 $1.000000000e+00, v15;
	v14 =	vpop (erf)  }
0x4f6: {  	v15 =	vmul.f32 $-1.442695020e+00, v9;
	(erf) = vpow2.f32 v19;
	v14 =	vadd.f32 $1.000000000e+00, v14;
	v21 =	vpop (erf)  }
0x4f7: {  	s8 =	sshra.s32 s9, $0x2;
	s9 =	sadd.s32 $0x800, s9;
	v19 =	vmax.f32 v18, $0.0e+00;
	v18 =	vpop (erf);
	(erf) = vrcp.f32 v17;
	v17 =	vmul.f32 v21, v20  }
0x4f8: {  	v20 =	vld [tilespmem:s8+$0x1F0];
	[tilespmem:s1+$0xC180] =	vst v19  }
0x4f9: {  	(erf) = vpow2.f32 v16;
	v18 =	vadd.f32 $1.000000000e+00, v18;
	v19 =	vld [tilespmem:s8+$0x1C0]  }
0x4fa: {  	v13 =	vmax.f32 v13, $0.0e+00;
	v16 =	vpop (erf);
	[tilespmem:s7+$0xC1F0] =	vst v17;
	(erf) = vpow2.f32 v15  }
0x4fb: {  	v15 =	vpop (erf);
	v17 =	vld [tilespmem:s8+$0x1D0];
	[tilespmem:s1+$0xC190] =	vst v13;
	v13 =	vadd.f32 $1.000000000e+00, v16;
	(erf) = vrcp.f32 v14  }
0x4fc: {  	v14 =	vpop (erf);
	(erf) = vrcp.f32 v18  }
0x4fd: {  	v16 =	vld [tilespmem:s8+$0x1E0];
	v18 =	vpop (erf);
	(erf) = vrcp.f32 v13  }
0x4fe: {  	v21 =	vmul.f32 $-1.442695020e+00, v20;
	v13 =	vmul.f32 $-1.442695020e+00, v19  }
0x4ff: {  	v22 =	vpop (erf)  }
0x500: {  	v10 =	vmul.f32 v15, v10;
	(erf) = vpow2.f32 v21;
	v57 =	vadd.f32 $1.000000000e+00, v22  }
0x501: {  	v12 =	vmax.f32 v12, $0.0e+00;
	v58 =	vmul.f32 $-1.442695020e+00, v17;
	(erf) = vpow2.f32 v13  }
0x502: {  	v23 =	vmul.f32 $-1.442695020e+00, v16;
	v13 =	vpop (erf);
	(erf) = vrcp.f32 v57  }
0x503: {  	v59 =	vpop (erf);
	(erf) = vpow2.f32 v58  }
0x504: {  	[tilespmem:s1+$0xC1A0] =	vst v12;
	v8 =	vmul.f32 v14, v8;
	v12 =	vpop (erf);
	(erf) = vpow2.f32 v23  }
0x505: {  	v60 =	vld [tilespmem:s8+$0x180];
	[tilespmem:s7+$0xC1C0] =	vst v10;
	v15 =	vpop (erf)  }
0x506: {  	v14 =	vld [tilespmem:s8+$0x190];
	v6 =	vmul.f32 v18, v6;
	[tilespmem:s7+$0xC1D0] =	vst v8;
	v8 =	vadd.f32 $1.000000000e+00, v13;
	v10 =	vpop (erf)  }
0x507: {  	v61 =	vpop (erf)  }
0x508: {  	v18 =	vld [tilespmem:s8+$0x1A0];
	[tilespmem:s7+$0xC1E0] =	vst v6;
	v6 =	vmax.f32 v11, $0.0e+00;
	v11 =	vadd.f32 $1.000000000e+00, v15;
	v13 =	vpop (erf)  }
0x509: {  	v12 =	vadd.f32 $1.000000000e+00, v12;
	v24 =	vpop (erf)  }
0x50a: {  	(erf) = vrcp.f32 v8;
	v8 =	vpop (erf)  }
0x50b: {  	v4 =	vmul.f32 v59, v4;
	(erf) = vrcp.f32 v12;
	v12 =	vadd.f32 $1.000000000e+00, v24;
	v62 =	vpop (erf)  }
0x50c: {  	v15 =	vld [tilespmem:s8+$0x1B0];
	[tilespmem:s1+$0xC1B0] =	vst v6;
	v6 =	vmax.f32 v60, $0.0e+00;
	(erf) = vrcp.f32 v11;
	v8 =	vadd.f32 $1.000000000e+00, v8;
	v11 =	vpop (erf)  }
0x50d: {  	[tilespmem:s8+$0xC180] =	vst v6;
	(erf) = vrcp.f32 v12;
	v6 =	vadd.f32 $1.000000000e+00, v11;
	v11 =	vpop (erf)  }
0x50e: {  	[tilespmem:s0+$0xC1F0] =	vst v4;
	v12 =	vmax.f32 v14, $0.0e+00;
	(erf) = vrcp.f32 v8;
	v4 =	vadd.f32 $1.000000000e+00, v11  }
0x50f: {  	v2 =	vmul.f32 v10, v2;
	v8 =	vmax.f32 v18, $0.0e+00;
	[tilespmem:s8+$0xC190] =	vst v12;
	(erf) = vrcp.f32 v6  }
0x510: {  	v0 =	vmul.f32 v61, v0;
	[tilespmem:s8+$0xC1A0] =	vst v8;
	(erf) = vrcp.f32 v4  }
0x511: {  	v1 =	vmul.f32 v13, v1;
	[tilespmem:s0+$0xC1C0] =	vst v2  }
0x512: {  	[tilespmem:s0+$0xC1D0] =	vst v0  }
0x513: {  	v0 =	vmax.f32 v15, $0.0e+00;
	[tilespmem:s0+$0xC1E0] =	vst v1;
	v1 =	vmul.f32 v62, v3;
	v2 =	vpop (erf)  }
0x514: {  	[tilespmem:s8+$0xC1B0] =	vst v0;
	v0 =	vmul.f32 v2, v7;
	v2 =	vpop (erf)  }
0x515: {  	[tilespmem:s1+$0xC1F0] =	vst v1;
	v1 =	vmul.f32 v2, v5;
	v2 =	vpop (erf)  }
0x516: {  	[tilespmem:s1+$0xC1C0] =	vst v0;
	v0 =	vmul.f32 v2, v9;
	v2 =	vpop (erf)  }
0x517: {  	[tilespmem:s1+$0xC1D0] =	vst v1;
	v1 =	vmul.f32 v2, v20;
	v2 =	vpop (erf)  }
0x518: {  	[tilespmem:s1+$0xC1E0] =	vst v0;
	v0 =	vmul.f32 v2, v19;
	v2 =	vpop (erf)  }
0x519: {  	[tilespmem:s8+$0xC1F0] =	vst v1;
	v1 =	vmul.f32 v2, v17;
	v2 =	vpop (erf)  }
0x51a: {  	[tilespmem:s8+$0xC1C0] =	vst v0;
	v0 =	vmul.f32 v2, v16  }
0x51b: {  	[tilespmem:s8+$0xC1D0] =	vst v1  }
0x51c: {  	s31 =	rddreg [dreg:$0x6];
	[tilespmem:s8+$0xC1E0] =	vst v0  }
0x51d: {  	[hbm4b:s31+s15] =	stream.strided.scatter [tilespmem:s20], [sflag:$0x4], $0x4000, s16, s15, $0x38;
	[tilespmem:$0x18000] =	vst v63  }
0x51e: {  	_ =	swait.ge [sflag:s21], $0x4000  }
0x51f: {  	[sflag:s21] =	ssyncset.done $0x0  }
0x520: {  	[sflag:s21] =	ssyncadd.s32 $0xFFFFC000  }
0x521: {  	_ =	swait.ge [sflag:s25], $0x4000  }
0x522: {  	[sflag:s25] =	ssyncset.done $0x0  }
0x523: {  	s7 =	simm.s32 $0x0;
	[sflag:s25] =	ssyncadd.s32 $0xFFFFC000  }
0x524: {  	v17 =	vld [tilespmem:s7+$0x4070]  }
0x525: {  	v9 =	vld [tilespmem:s7+$0x4040]  }
0x526: {  	v0 =	vld [tilespmem:s7+$0x4000]  }
0x527: {  	v8 =	vld [tilespmem:s7+$0x4050]  }
0x528: {  	v1 =	vld [tilespmem:s7+$0x4010]  }
0x529: {  	v3 =	vld [tilespmem:s7+$0x4020];
	v2 =	vmul.f32 $-1.442695020e+00, v17  }
0x52a: {  	v6 =	vld [tilespmem:s7+$0x4060]  }
0x52b: {  	s0 =	simm.s32 $0x200;
	v5 =	vld [tilespmem:s7+$0x4030];
	v0 =	vmax.f32 v0, $0.0e+00;
	(erf) = vpow2.f32 v2  }
0x52c: {  	v4 =	vld [tilespmem:s0+$0x4070];
	[tilespmem:s7+$0x10000] =	vst v0  }
0x52d: {  	v1 =	vmax.f32 v1, $0.0e+00;
	v7 =	vmul.f32 $-1.442695020e+00, v9;
	v2 =	vld [tilespmem:s0+$0x4040]  }
0x52e: {  	v3 =	vmax.f32 v3, $0.0e+00;
	v10 =	vmul.f32 $-1.442695020e+00, v8;
	v0 =	vld [tilespmem:s0+$0x4050];
	[tilespmem:s7+$0x10010] =	vst v1  }
0x52f: {  	v1 =	vld [tilespmem:s0+$0x4060];
	[tilespmem:s7+$0x10020] =	vst v3;
	v3 =	vmul.f32 $-1.442695020e+00, v6;
	(erf) = vpow2.f32 v7  }
0x530: {  	(erf) = vpow2.f32 v10  }
0x531: {  	v7 =	vld [tilespmem:s0+$0x4000];
	(erf) = vpow2.f32 v3;
	_ =	sdelay $0x1  }
0x532: {  	v3 =	vmax.f32 v5, $0.0e+00;
	v5 =	vmul.f32 $-1.442695020e+00, v4  }
0x533: {  	v10 =	vld [tilespmem:s0+$0x4010];
	v13 =	vmul.f32 $-1.442695020e+00, v2;
	v14 =	vpop (erf)  }
0x534: {  	v11 =	vld [tilespmem:s0+$0x4020];
	(erf) = vpow2.f32 v5;
	v5 =	vadd.f32 $1.000000000e+00, v14  }
0x535: {  	s1 =	simm.s32 $0x400;
	v12 =	vld [tilespmem:s0+$0x4030];
	[tilespmem:s7+$0x10030] =	vst v3;
	v7 =	vmax.f32 v7, $0.0e+00;
	(erf) = vpow2.f32 v13;
	v14 =	vmul.f32 $-1.442695020e+00, v0  }
0x536: {  	v3 =	vld [tilespmem:s1+$0x4070];
	[tilespmem:s0+$0x10000] =	vst v7;
	(erf) = vrcp.f32 v5  }
0x537: {  	v7 =	vld [tilespmem:s1+$0x4040];
	v13 =	vpop (erf);
	(erf) = vpow2.f32 v14;
	v14 =	vmul.f32 $-1.442695020e+00, v1  }
0x538: {  	v10 =	vmax.f32 v10, $0.0e+00;
	v15 =	vpop (erf)  }
0x539: {  	v11 =	vmax.f32 v11, $0.0e+00;
	v13 =	vadd.f32 $1.000000000e+00, v13;
	v5 =	vld [tilespmem:s1+$0x4050];
	[tilespmem:s0+$0x10010] =	vst v10;
	v16 =	vpop (erf);
	(erf) = vpow2.f32 v14  }
0x53a: {  	v15 =	vadd.f32 $1.000000000e+00, v15;
	v10 =	vld [tilespmem:s1+$0x4060];
	[tilespmem:s0+$0x10020] =	vst v11;
	v11 =	vadd.f32 $1.000000000e+00, v16  }
0x53b: {  	v18 =	vld [tilespmem:s1+$0x4000];
	v14 =	vmul.f32 $-1.442695020e+00, v3;
	(erf) = vrcp.f32 v13  }
0x53c: {  	v20 =	vmul.f32 $-1.442695020e+00, v7;
	(erf) = vrcp.f32 v15  }
0x53d: {  	(erf) = vrcp.f32 v11  }
0x53e: {  	v19 =	vmax.f32 v12, $0.0e+00;
	v13 =	vld [tilespmem:s1+$0x4010];
	v11 =	vpop (erf)  }
0x53f: {  	v12 =	vld [tilespmem:s1+$0x4020];
	v16 =	vmul.f32 $-1.442695020e+00, v5;
	(erf) = vpow2.f32 v14;
	v63 =	vadd.f32 $1.000000000e+00, v11;
	v14 =	vpop (erf)  }
0x540: {  	s14 =	simm.s32 $0x2000;
	s9 =	simm.s32 $0x400;
	v15 =	vmul.f32 $-1.442695020e+00, v10;
	v11 =	vld [tilespmem:s1+$0x4030];
	[tilespmem:s0+$0x10030] =	vst v19;
	v19 =	vmax.f32 v18, $0.0e+00;
	(erf) = vpow2.f32 v20;
	v20 =	vpop (erf)  }
0x541: {  	s13 =	simm.s32 $0x0;
	s12 =	simm.s32 $0x200;
	s8 =	simm.s32 $0x600;
	v14 =	vadd.f32 $1.000000000e+00, v14;
	(erf) = vrcp.f32 v63;
	v18 =	vpop (erf);
	v17 =	vmul.f32 v20, v17  }
.LBB2_37:
0x542: {  	(erf) = vpow2.f32 v16;
	v16 =	vadd.f32 $1.000000000e+00, v18;
	v18 =	vpop (erf)  }
0x543: {  	p0 =	sne.s32 s14, $0xF800;
	[tilespmem:s9+$0x10000] =	vst v19;
	v13 =	vmax.f32 v13, $0.0e+00;
	v20 =	vmovc v4;
	v4 =	vmovc v3;
	v3 =	vld [tilespmem:s8+$0x4070];
	v19 =	vmov v5;
	v21 =	vmov v10  }
0x544: {  	v22 =	vld [tilespmem:s8+$0x4040];
	v12 =	vmax.f32 v12, $0.0e+00;
	(erf) = vpow2.f32 v15;
	v15 =	vadd.f32 $1.000000000e+00, v18;
	[tilespmem:s13+$0x10070] =	vst v17;
	v10 =	vpop (erf)  }
0x545: {  	v5 =	vld [tilespmem:s8+$0x4050];
	[tilespmem:s9+$0x10010] =	vst v13;
	v17 =	vmax.f32 v11, $0.0e+00;
	(erf) = vrcp.f32 v14;
	v11 =	vmul.f32 v10, v9;
	v9 =	vpop (erf)  }
0x546: {  	v10 =	vld [tilespmem:s8+$0x4060];
	[tilespmem:s9+$0x10020] =	vst v12;
	(erf) = vrcp.f32 v16;
	v12 =	vmul.f32 v9, v8;
	v8 =	vpop (erf);
	v9 =	vmov v2  }
0x547: {  	v2 =	vmovc v7;
	v18 =	vld [tilespmem:s8+$0x4000];
	(erf) = vrcp.f32 v15;
	[tilespmem:s13+$0x10040] =	vst v11;
	v11 =	vmul.f32 v8, v6;
	v8 =	vmovc v0;
	v0 =	vmov v19  }
.Ltmp18:
0x548: {  	v6 =	vmov v1;
	v1 =	vmov v21;
	v13 =	vld [tilespmem:s8+$0x4010];
	v23 =	vmul.f32 $-1.442695020e+00, v3;
	[tilespmem:s13+$0x10050] =	vst v12;
	(pc) =	sbr.rel @p0 .LBB2_37-.Ltmp18, $4  }
0x549: {  	v12 =	vld [tilespmem:s8+$0x4020];
	v19 =	vmul.f32 $-1.442695020e+00, v22;
	v15 =	vpop (erf);
	[tilespmem:s13+$0x10060] =	vst v11;
	v7 =	vmov v22;
	s13 =	smov.u32 s12;
	s12 =	smov.u32 s9;
	s9 =	smov.u32 s8  }
0x54a: {  	v11 =	vld [tilespmem:s9+$0x4030];
	v16 =	vmul.f32 $-1.442695020e+00, v5;
	(erf) = vpow2.f32 v23;
	[tilespmem:s12+$0x10030] =	vst v17;
	v17 =	vadd.f32 $1.000000000e+00, v15;
	v14 =	vpop (erf)  }
0x54b: {  	v15 =	vmul.f32 $-1.442695020e+00, v10;
	(erf) = vpow2.f32 v19;
	v14 =	vadd.f32 $1.000000000e+00, v14;
	v21 =	vpop (erf)  }
0x54c: {  	s8 =	sshra.s32 s14, $0x2;
	s14 =	sadd.s32 $0x800, s14;
	v19 =	vmax.f32 v18, $0.0e+00;
	v18 =	vpop (erf);
	(erf) = vrcp.f32 v17;
	v17 =	vmul.f32 v21, v20  }
0x54d: {  	v20 =	vld [tilespmem:s8+$0x4070];
	[tilespmem:s9+$0x10000] =	vst v19  }
0x54e: {  	(erf) = vpow2.f32 v16;
	v18 =	vadd.f32 $1.000000000e+00, v18;
	v19 =	vld [tilespmem:s8+$0x4040]  }
0x54f: {  	v13 =	vmax.f32 v13, $0.0e+00;
	v16 =	vpop (erf);
	[tilespmem:s13+$0x10070] =	vst v17;
	(erf) = vpow2.f32 v15  }
0x550: {  	v15 =	vpop (erf);
	v17 =	vld [tilespmem:s8+$0x4050];
	[tilespmem:s9+$0x10010] =	vst v13;
	v13 =	vadd.f32 $1.000000000e+00, v16;
	(erf) = vrcp.f32 v14  }
0x551: {  	v14 =	vpop (erf);
	(erf) = vrcp.f32 v18  }
0x552: {  	v16 =	vld [tilespmem:s8+$0x4060];
	v18 =	vpop (erf);
	(erf) = vrcp.f32 v13  }
0x553: {  	v21 =	vmul.f32 $-1.442695020e+00, v20;
	v13 =	vmul.f32 $-1.442695020e+00, v19  }
0x554: {  	v22 =	vpop (erf)  }
0x555: {  	v9 =	vmul.f32 v15, v9;
	(erf) = vpow2.f32 v21;
	v57 =	vadd.f32 $1.000000000e+00, v22  }
0x556: {  	v12 =	vmax.f32 v12, $0.0e+00;
	v58 =	vmul.f32 $-1.442695020e+00, v17;
	(erf) = vpow2.f32 v13  }
0x557: {  	v23 =	vmul.f32 $-1.442695020e+00, v16;
	v13 =	vpop (erf);
	(erf) = vrcp.f32 v57  }
0x558: {  	v59 =	vpop (erf);
	(erf) = vpow2.f32 v58  }
0x559: {  	[tilespmem:s9+$0x10020] =	vst v12;
	v8 =	vmul.f32 v14, v8;
	v12 =	vpop (erf);
	(erf) = vpow2.f32 v23  }
0x55a: {  	v60 =	vld [tilespmem:s8+$0x4000];
	[tilespmem:s13+$0x10040] =	vst v9;
	v15 =	vpop (erf)  }
0x55b: {  	v14 =	vld [tilespmem:s8+$0x4010];
	v6 =	vmul.f32 v18, v6;
	[tilespmem:s13+$0x10050] =	vst v8;
	v8 =	vadd.f32 $1.000000000e+00, v13;
	v9 =	vpop (erf)  }
0x55c: {  	v61 =	vpop (erf)  }
0x55d: {  	v18 =	vld [tilespmem:s8+$0x4020];
	[tilespmem:s13+$0x10060] =	vst v6;
	v6 =	vmax.f32 v11, $0.0e+00;
	v11 =	vadd.f32 $1.000000000e+00, v15;
	v13 =	vpop (erf)  }
0x55e: {  	v12 =	vadd.f32 $1.000000000e+00, v12;
	v24 =	vpop (erf)  }
0x55f: {  	(erf) = vrcp.f32 v8;
	v8 =	vpop (erf)  }
0x560: {  	v4 =	vmul.f32 v59, v4;
	(erf) = vrcp.f32 v12;
	v12 =	vadd.f32 $1.000000000e+00, v24;
	v62 =	vpop (erf)  }
0x561: {  	v15 =	vld [tilespmem:s8+$0x4030];
	[tilespmem:s9+$0x10030] =	vst v6;
	v6 =	vmax.f32 v60, $0.0e+00;
	(erf) = vrcp.f32 v11;
	v8 =	vadd.f32 $1.000000000e+00, v8;
	v11 =	vpop (erf)  }
0x562: {  	[tilespmem:s8+$0x10000] =	vst v6;
	(erf) = vrcp.f32 v12;
	v6 =	vadd.f32 $1.000000000e+00, v11;
	v11 =	vpop (erf)  }
0x563: {  	[tilespmem:s12+$0x10070] =	vst v4;
	v12 =	vmax.f32 v14, $0.0e+00;
	(erf) = vrcp.f32 v8;
	v4 =	vadd.f32 $1.000000000e+00, v11  }
0x564: {  	v2 =	vmul.f32 v9, v2;
	v8 =	vmax.f32 v18, $0.0e+00;
	[tilespmem:s8+$0x10010] =	vst v12;
	(erf) = vrcp.f32 v6  }
0x565: {  	v0 =	vmul.f32 v61, v0;
	[tilespmem:s8+$0x10020] =	vst v8;
	(erf) = vrcp.f32 v4  }
0x566: {  	v1 =	vmul.f32 v13, v1;
	[tilespmem:s12+$0x10040] =	vst v2  }
0x567: {  	[tilespmem:s12+$0x10050] =	vst v0  }
0x568: {  	v0 =	vmax.f32 v15, $0.0e+00;
	[tilespmem:s12+$0x10060] =	vst v1;
	v1 =	vmul.f32 v62, v3;
	v2 =	vpop (erf)  }
0x569: {  	[tilespmem:s8+$0x10030] =	vst v0;
	v0 =	vmul.f32 v2, v7;
	v2 =	vpop (erf)  }
0x56a: {  	[tilespmem:s9+$0x10070] =	vst v1;
	v1 =	vmul.f32 v2, v5;
	v2 =	vpop (erf)  }
0x56b: {  	[tilespmem:s9+$0x10040] =	vst v0;
	v0 =	vmul.f32 v2, v10;
	v2 =	vpop (erf)  }
0x56c: {  	[tilespmem:s9+$0x10050] =	vst v1;
	v1 =	vmul.f32 v2, v20;
	v2 =	vpop (erf)  }
0x56d: {  	[tilespmem:s9+$0x10060] =	vst v0;
	v0 =	vmul.f32 v2, v19;
	v2 =	vpop (erf)  }
0x56e: {  	[tilespmem:s8+$0x10070] =	vst v1;
	v1 =	vmul.f32 v2, v17;
	v2 =	vpop (erf)  }
0x56f: {  	[tilespmem:s8+$0x10040] =	vst v0;
	v0 =	vmul.f32 v2, v16  }
0x570: {  	[tilespmem:s8+$0x10050] =	vst v1  }
0x571: {  	[tilespmem:s8+$0x10060] =	vst v0  }
0x572: {  	v17 =	vld [tilespmem:s7+$0x40F0]  }
0x573: {  	v10 =	vld [tilespmem:s7+$0x40C0]  }
0x574: {  	v0 =	vld [tilespmem:s7+$0x4080]  }
0x575: {  	v8 =	vld [tilespmem:s7+$0x40D0]  }
0x576: {  	v1 =	vld [tilespmem:s7+$0x4090]  }
0x577: {  	v3 =	vld [tilespmem:s7+$0x40A0];
	v2 =	vmul.f32 $-1.442695020e+00, v17  }
0x578: {  	v6 =	vld [tilespmem:s7+$0x40E0]  }
0x579: {  	v5 =	vld [tilespmem:s7+$0x40B0];
	v0 =	vmax.f32 v0, $0.0e+00;
	(erf) = vpow2.f32 v2  }
0x57a: {  	v4 =	vld [tilespmem:s0+$0x40F0];
	[tilespmem:s7+$0x10080] =	vst v0  }
0x57b: {  	v1 =	vmax.f32 v1, $0.0e+00;
	v7 =	vmul.f32 $-1.442695020e+00, v10;
	v2 =	vld [tilespmem:s0+$0x40C0]  }
0x57c: {  	v3 =	vmax.f32 v3, $0.0e+00;
	v9 =	vmul.f32 $-1.442695020e+00, v8;
	v0 =	vld [tilespmem:s0+$0x40D0];
	[tilespmem:s7+$0x10090] =	vst v1  }
0x57d: {  	v1 =	vld [tilespmem:s0+$0x40E0];
	[tilespmem:s7+$0x100A0] =	vst v3;
	v3 =	vmul.f32 $-1.442695020e+00, v6;
	(erf) = vpow2.f32 v7  }
0x57e: {  	(erf) = vpow2.f32 v9  }
0x57f: {  	v7 =	vld [tilespmem:s0+$0x4080];
	(erf) = vpow2.f32 v3;
	_ =	sdelay $0x1  }
0x580: {  	v3 =	vmax.f32 v5, $0.0e+00;
	v5 =	vmul.f32 $-1.442695020e+00, v4  }
0x581: {  	v9 =	vld [tilespmem:s0+$0x4090];
	v13 =	vmul.f32 $-1.442695020e+00, v2;
	v14 =	vpop (erf)  }
0x582: {  	v11 =	vld [tilespmem:s0+$0x40A0];
	(erf) = vpow2.f32 v5;
	v5 =	vadd.f32 $1.000000000e+00, v14  }
0x583: {  	v12 =	vld [tilespmem:s0+$0x40B0];
	[tilespmem:s7+$0x100B0] =	vst v3;
	v7 =	vmax.f32 v7, $0.0e+00;
	(erf) = vpow2.f32 v13;
	v14 =	vmul.f32 $-1.442695020e+00, v0  }
0x584: {  	v3 =	vld [tilespmem:s1+$0x40F0];
	[tilespmem:s0+$0x10080] =	vst v7;
	(erf) = vrcp.f32 v5  }
0x585: {  	v7 =	vld [tilespmem:s1+$0x40C0];
	v13 =	vpop (erf);
	(erf) = vpow2.f32 v14;
	v14 =	vmul.f32 $-1.442695020e+00, v1  }
0x586: {  	v9 =	vmax.f32 v9, $0.0e+00;
	v15 =	vpop (erf)  }
0x587: {  	v11 =	vmax.f32 v11, $0.0e+00;
	v13 =	vadd.f32 $1.000000000e+00, v13;
	v5 =	vld [tilespmem:s1+$0x40D0];
	[tilespmem:s0+$0x10090] =	vst v9;
	v16 =	vpop (erf);
	(erf) = vpow2.f32 v14  }
0x588: {  	v15 =	vadd.f32 $1.000000000e+00, v15;
	v9 =	vld [tilespmem:s1+$0x40E0];
	[tilespmem:s0+$0x100A0] =	vst v11;
	v11 =	vadd.f32 $1.000000000e+00, v16  }
0x589: {  	v18 =	vld [tilespmem:s1+$0x4080];
	v14 =	vmul.f32 $-1.442695020e+00, v3;
	(erf) = vrcp.f32 v13  }
0x58a: {  	v20 =	vmul.f32 $-1.442695020e+00, v7;
	(erf) = vrcp.f32 v15  }
0x58b: {  	(erf) = vrcp.f32 v11  }
0x58c: {  	v19 =	vmax.f32 v12, $0.0e+00;
	v13 =	vld [tilespmem:s1+$0x4090];
	v11 =	vpop (erf)  }
0x58d: {  	v12 =	vld [tilespmem:s1+$0x40A0];
	v16 =	vmul.f32 $-1.442695020e+00, v5;
	(erf) = vpow2.f32 v14;
	v63 =	vadd.f32 $1.000000000e+00, v11;
	v14 =	vpop (erf)  }
0x58e: {  	v15 =	vmul.f32 $-1.442695020e+00, v9;
	v11 =	vld [tilespmem:s1+$0x40B0];
	[tilespmem:s0+$0x100B0] =	vst v19;
	v19 =	vmax.f32 v18, $0.0e+00;
	(erf) = vpow2.f32 v20;
	v20 =	vpop (erf)  }
0x58f: {  	s9 =	simm.s32 $0x2000;
	s8 =	simm.s32 $0x600;
	v14 =	vadd.f32 $1.000000000e+00, v14;
	(erf) = vrcp.f32 v63;
	v18 =	vpop (erf);
	v17 =	vmul.f32 v20, v17  }
.LBB2_39:
0x590: {  	(erf) = vpow2.f32 v16;
	v16 =	vadd.f32 $1.000000000e+00, v18;
	v18 =	vpop (erf)  }
0x591: {  	p0 =	sne.s32 s9, $0xF800;
	[tilespmem:s1+$0x10080] =	vst v19;
	v13 =	vmax.f32 v13, $0.0e+00;
	v20 =	vmovc v4;
	v4 =	vmovc v3;
	v3 =	vld [tilespmem:s8+$0x40F0];
	v19 =	vmov v5;
	v21 =	vmov v9  }
0x592: {  	v22 =	vld [tilespmem:s8+$0x40C0];
	v12 =	vmax.f32 v12, $0.0e+00;
	(erf) = vpow2.f32 v15;
	v15 =	vadd.f32 $1.000000000e+00, v18;
	[tilespmem:s7+$0x100F0] =	vst v17;
	v9 =	vpop (erf)  }
0x593: {  	v5 =	vld [tilespmem:s8+$0x40D0];
	[tilespmem:s1+$0x10090] =	vst v13;
	v17 =	vmax.f32 v11, $0.0e+00;
	(erf) = vrcp.f32 v14;
	v11 =	vmul.f32 v9, v10;
	v10 =	vpop (erf)  }
0x594: {  	v9 =	vld [tilespmem:s8+$0x40E0];
	[tilespmem:s1+$0x100A0] =	vst v12;
	(erf) = vrcp.f32 v16;
	v12 =	vmul.f32 v10, v8;
	v8 =	vpop (erf);
	v10 =	vmov v2  }
0x595: {  	v2 =	vmovc v7;
	v18 =	vld [tilespmem:s8+$0x4080];
	(erf) = vrcp.f32 v15;
	[tilespmem:s7+$0x100C0] =	vst v11;
	v11 =	vmul.f32 v8, v6;
	v8 =	vmovc v0;
	v0 =	vmov v19  }
.Ltmp19:
0x596: {  	v6 =	vmov v1;
	v1 =	vmov v21;
	v13 =	vld [tilespmem:s8+$0x4090];
	v23 =	vmul.f32 $-1.442695020e+00, v3;
	[tilespmem:s7+$0x100D0] =	vst v12;
	(pc) =	sbr.rel @p0 .LBB2_39-.Ltmp19, $4  }
0x597: {  	v12 =	vld [tilespmem:s8+$0x40A0];
	v19 =	vmul.f32 $-1.442695020e+00, v22;
	v15 =	vpop (erf);
	[tilespmem:s7+$0x100E0] =	vst v11;
	v7 =	vmov v22;
	s7 =	smov.u32 s0;
	s0 =	smov.u32 s1;
	s1 =	smov.u32 s8  }
0x598: {  	v11 =	vld [tilespmem:s1+$0x40B0];
	v16 =	vmul.f32 $-1.442695020e+00, v5;
	(erf) = vpow2.f32 v23;
	[tilespmem:s0+$0x100B0] =	vst v17;
	v17 =	vadd.f32 $1.000000000e+00, v15;
	v14 =	vpop (erf)  }
0x599: {  	v15 =	vmul.f32 $-1.442695020e+00, v9;
	(erf) = vpow2.f32 v19;
	v14 =	vadd.f32 $1.000000000e+00, v14;
	v21 =	vpop (erf)  }
0x59a: {  	s8 =	sshra.s32 s9, $0x2;
	s9 =	sadd.s32 $0x800, s9;
	v19 =	vmax.f32 v18, $0.0e+00;
	v18 =	vpop (erf);
	(erf) = vrcp.f32 v17;
	v17 =	vmul.f32 v21, v20  }
0x59b: {  	v20 =	vld [tilespmem:s8+$0x40F0];
	[tilespmem:s1+$0x10080] =	vst v19  }
0x59c: {  	(erf) = vpow2.f32 v16;
	v18 =	vadd.f32 $1.000000000e+00, v18;
	v19 =	vld [tilespmem:s8+$0x40C0]  }
0x59d: {  	v13 =	vmax.f32 v13, $0.0e+00;
	v16 =	vpop (erf);
	[tilespmem:s7+$0x100F0] =	vst v17;
	(erf) = vpow2.f32 v15  }
0x59e: {  	v15 =	vpop (erf);
	v17 =	vld [tilespmem:s8+$0x40D0];
	[tilespmem:s1+$0x10090] =	vst v13;
	v13 =	vadd.f32 $1.000000000e+00, v16;
	(erf) = vrcp.f32 v14  }
0x59f: {  	v14 =	vpop (erf);
	(erf) = vrcp.f32 v18  }
0x5a0: {  	v16 =	vld [tilespmem:s8+$0x40E0];
	v18 =	vpop (erf);
	(erf) = vrcp.f32 v13  }
0x5a1: {  	v21 =	vmul.f32 $-1.442695020e+00, v20;
	v13 =	vmul.f32 $-1.442695020e+00, v19  }
0x5a2: {  	v22 =	vpop (erf)  }
0x5a3: {  	v10 =	vmul.f32 v15, v10;
	(erf) = vpow2.f32 v21;
	v57 =	vadd.f32 $1.000000000e+00, v22  }
0x5a4: {  	v12 =	vmax.f32 v12, $0.0e+00;
	v58 =	vmul.f32 $-1.442695020e+00, v17;
	(erf) = vpow2.f32 v13  }
0x5a5: {  	v23 =	vmul.f32 $-1.442695020e+00, v16;
	v13 =	vpop (erf);
	(erf) = vrcp.f32 v57  }
0x5a6: {  	v59 =	vpop (erf);
	(erf) = vpow2.f32 v58  }
0x5a7: {  	[tilespmem:s1+$0x100A0] =	vst v12;
	v8 =	vmul.f32 v14, v8;
	v12 =	vpop (erf);
	(erf) = vpow2.f32 v23  }
0x5a8: {  	v60 =	vld [tilespmem:s8+$0x4080];
	[tilespmem:s7+$0x100C0] =	vst v10;
	v15 =	vpop (erf)  }
0x5a9: {  	v14 =	vld [tilespmem:s8+$0x4090];
	v6 =	vmul.f32 v18, v6;
	[tilespmem:s7+$0x100D0] =	vst v8;
	v8 =	vadd.f32 $1.000000000e+00, v13;
	v10 =	vpop (erf)  }
0x5aa: {  	v61 =	vpop (erf)  }
0x5ab: {  	v18 =	vld [tilespmem:s8+$0x40A0];
	[tilespmem:s7+$0x100E0] =	vst v6;
	v6 =	vmax.f32 v11, $0.0e+00;
	v11 =	vadd.f32 $1.000000000e+00, v15;
	v13 =	vpop (erf)  }
0x5ac: {  	v12 =	vadd.f32 $1.000000000e+00, v12;
	v24 =	vpop (erf)  }
0x5ad: {  	(erf) = vrcp.f32 v8;
	v8 =	vpop (erf)  }
0x5ae: {  	v4 =	vmul.f32 v59, v4;
	(erf) = vrcp.f32 v12;
	v12 =	vadd.f32 $1.000000000e+00, v24;
	v62 =	vpop (erf)  }
0x5af: {  	v15 =	vld [tilespmem:s8+$0x40B0];
	[tilespmem:s1+$0x100B0] =	vst v6;
	v6 =	vmax.f32 v60, $0.0e+00;
	(erf) = vrcp.f32 v11;
	v8 =	vadd.f32 $1.000000000e+00, v8;
	v11 =	vpop (erf)  }
0x5b0: {  	[tilespmem:s8+$0x10080] =	vst v6;
	(erf) = vrcp.f32 v12;
	v6 =	vadd.f32 $1.000000000e+00, v11;
	v11 =	vpop (erf)  }
0x5b1: {  	[tilespmem:s0+$0x100F0] =	vst v4;
	v12 =	vmax.f32 v14, $0.0e+00;
	(erf) = vrcp.f32 v8;
	v4 =	vadd.f32 $1.000000000e+00, v11  }
0x5b2: {  	v2 =	vmul.f32 v10, v2;
	v8 =	vmax.f32 v18, $0.0e+00;
	[tilespmem:s8+$0x10090] =	vst v12;
	(erf) = vrcp.f32 v6  }
0x5b3: {  	v0 =	vmul.f32 v61, v0;
	[tilespmem:s8+$0x100A0] =	vst v8;
	(erf) = vrcp.f32 v4  }
0x5b4: {  	v1 =	vmul.f32 v13, v1;
	[tilespmem:s0+$0x100C0] =	vst v2  }
0x5b5: {  	[tilespmem:s0+$0x100D0] =	vst v0  }
0x5b6: {  	v0 =	vmax.f32 v15, $0.0e+00;
	[tilespmem:s0+$0x100E0] =	vst v1;
	v1 =	vmul.f32 v62, v3;
	v2 =	vpop (erf)  }
0x5b7: {  	[tilespmem:s8+$0x100B0] =	vst v0;
	v0 =	vmul.f32 v2, v7;
	v2 =	vpop (erf)  }
0x5b8: {  	[tilespmem:s1+$0x100F0] =	vst v1;
	v1 =	vmul.f32 v2, v5;
	v2 =	vpop (erf)  }
0x5b9: {  	[tilespmem:s1+$0x100C0] =	vst v0;
	v0 =	vmul.f32 v2, v9;
	v2 =	vpop (erf)  }
0x5ba: {  	[tilespmem:s1+$0x100D0] =	vst v1;
	v1 =	vmul.f32 v2, v20;
	v2 =	vpop (erf)  }
0x5bb: {  	[tilespmem:s1+$0x100E0] =	vst v0;
	v0 =	vmul.f32 v2, v19;
	v2 =	vpop (erf)  }
0x5bc: {  	[tilespmem:s8+$0x100F0] =	vst v1;
	v1 =	vmul.f32 v2, v17;
	v2 =	vpop (erf)  }
0x5bd: {  	[tilespmem:s8+$0x100C0] =	vst v0;
	v0 =	vmul.f32 v2, v16  }
0x5be: {  	[tilespmem:s8+$0x100D0] =	vst v1  }
0x5bf: {  	s7 =	simm.s32 $0x0;
	[tilespmem:s8+$0x100E0] =	vst v0  }
0x5c0: {  	v17 =	vld [tilespmem:s7+$0x4170]  }
0x5c1: {  	v9 =	vld [tilespmem:s7+$0x4140]  }
0x5c2: {  	v0 =	vld [tilespmem:s7+$0x4100]  }
0x5c3: {  	v8 =	vld [tilespmem:s7+$0x4150]  }
0x5c4: {  	v1 =	vld [tilespmem:s7+$0x4110]  }
0x5c5: {  	v3 =	vld [tilespmem:s7+$0x4120];
	v2 =	vmul.f32 $-1.442695020e+00, v17  }
0x5c6: {  	v6 =	vld [tilespmem:s7+$0x4160]  }
0x5c7: {  	s0 =	simm.s32 $0x200;
	v5 =	vld [tilespmem:s7+$0x4130];
	v0 =	vmax.f32 v0, $0.0e+00;
	(erf) = vpow2.f32 v2  }
0x5c8: {  	v4 =	vld [tilespmem:s0+$0x4170];
	[tilespmem:s7+$0x10100] =	vst v0  }
0x5c9: {  	v1 =	vmax.f32 v1, $0.0e+00;
	v7 =	vmul.f32 $-1.442695020e+00, v9;
	v2 =	vld [tilespmem:s0+$0x4140]  }
0x5ca: {  	v3 =	vmax.f32 v3, $0.0e+00;
	v10 =	vmul.f32 $-1.442695020e+00, v8;
	v0 =	vld [tilespmem:s0+$0x4150];
	[tilespmem:s7+$0x10110] =	vst v1  }
0x5cb: {  	v1 =	vld [tilespmem:s0+$0x4160];
	[tilespmem:s7+$0x10120] =	vst v3;
	v3 =	vmul.f32 $-1.442695020e+00, v6;
	(erf) = vpow2.f32 v7  }
0x5cc: {  	(erf) = vpow2.f32 v10  }
0x5cd: {  	v7 =	vld [tilespmem:s0+$0x4100];
	(erf) = vpow2.f32 v3;
	_ =	sdelay $0x1  }
0x5ce: {  	v3 =	vmax.f32 v5, $0.0e+00;
	v5 =	vmul.f32 $-1.442695020e+00, v4  }
0x5cf: {  	v10 =	vld [tilespmem:s0+$0x4110];
	v13 =	vmul.f32 $-1.442695020e+00, v2;
	v14 =	vpop (erf)  }
0x5d0: {  	v11 =	vld [tilespmem:s0+$0x4120];
	(erf) = vpow2.f32 v5;
	v5 =	vadd.f32 $1.000000000e+00, v14  }
0x5d1: {  	s1 =	simm.s32 $0x400;
	v12 =	vld [tilespmem:s0+$0x4130];
	[tilespmem:s7+$0x10130] =	vst v3;
	v7 =	vmax.f32 v7, $0.0e+00;
	(erf) = vpow2.f32 v13;
	v14 =	vmul.f32 $-1.442695020e+00, v0  }
0x5d2: {  	v3 =	vld [tilespmem:s1+$0x4170];
	[tilespmem:s0+$0x10100] =	vst v7;
	(erf) = vrcp.f32 v5  }
0x5d3: {  	v7 =	vld [tilespmem:s1+$0x4140];
	v13 =	vpop (erf);
	(erf) = vpow2.f32 v14;
	v14 =	vmul.f32 $-1.442695020e+00, v1  }
0x5d4: {  	v10 =	vmax.f32 v10, $0.0e+00;
	v15 =	vpop (erf)  }
0x5d5: {  	v11 =	vmax.f32 v11, $0.0e+00;
	v13 =	vadd.f32 $1.000000000e+00, v13;
	v5 =	vld [tilespmem:s1+$0x4150];
	[tilespmem:s0+$0x10110] =	vst v10;
	v16 =	vpop (erf);
	(erf) = vpow2.f32 v14  }
0x5d6: {  	v15 =	vadd.f32 $1.000000000e+00, v15;
	v10 =	vld [tilespmem:s1+$0x4160];
	[tilespmem:s0+$0x10120] =	vst v11;
	v11 =	vadd.f32 $1.000000000e+00, v16  }
0x5d7: {  	v18 =	vld [tilespmem:s1+$0x4100];
	v14 =	vmul.f32 $-1.442695020e+00, v3;
	(erf) = vrcp.f32 v13  }
0x5d8: {  	v20 =	vmul.f32 $-1.442695020e+00, v7;
	(erf) = vrcp.f32 v15  }
0x5d9: {  	(erf) = vrcp.f32 v11  }
0x5da: {  	v19 =	vmax.f32 v12, $0.0e+00;
	v13 =	vld [tilespmem:s1+$0x4110];
	v11 =	vpop (erf)  }
0x5db: {  	v12 =	vld [tilespmem:s1+$0x4120];
	v16 =	vmul.f32 $-1.442695020e+00, v5;
	(erf) = vpow2.f32 v14;
	v63 =	vadd.f32 $1.000000000e+00, v11;
	v14 =	vpop (erf)  }
0x5dc: {  	s14 =	simm.s32 $0x2000;
	s9 =	simm.s32 $0x400;
	v15 =	vmul.f32 $-1.442695020e+00, v10;
	v11 =	vld [tilespmem:s1+$0x4130];
	[tilespmem:s0+$0x10130] =	vst v19;
	v19 =	vmax.f32 v18, $0.0e+00;
	(erf) = vpow2.f32 v20;
	v20 =	vpop (erf)  }
0x5dd: {  	s13 =	simm.s32 $0x0;
	s12 =	simm.s32 $0x200;
	s8 =	simm.s32 $0x600;
	v14 =	vadd.f32 $1.000000000e+00, v14;
	(erf) = vrcp.f32 v63;
	v18 =	vpop (erf);
	v17 =	vmul.f32 v20, v17  }
.LBB2_41:
0x5de: {  	(erf) = vpow2.f32 v16;
	v16 =	vadd.f32 $1.000000000e+00, v18;
	v18 =	vpop (erf)  }
0x5df: {  	p0 =	sne.s32 s14, $0xF800;
	[tilespmem:s9+$0x10100] =	vst v19;
	v13 =	vmax.f32 v13, $0.0e+00;
	v20 =	vmovc v4;
	v4 =	vmovc v3;
	v3 =	vld [tilespmem:s8+$0x4170];
	v19 =	vmov v5;
	v21 =	vmov v10  }
0x5e0: {  	v22 =	vld [tilespmem:s8+$0x4140];
	v12 =	vmax.f32 v12, $0.0e+00;
	(erf) = vpow2.f32 v15;
	v15 =	vadd.f32 $1.000000000e+00, v18;
	[tilespmem:s13+$0x10170] =	vst v17;
	v10 =	vpop (erf)  }
0x5e1: {  	v5 =	vld [tilespmem:s8+$0x4150];
	[tilespmem:s9+$0x10110] =	vst v13;
	v17 =	vmax.f32 v11, $0.0e+00;
	(erf) = vrcp.f32 v14;
	v11 =	vmul.f32 v10, v9;
	v9 =	vpop (erf)  }
0x5e2: {  	v10 =	vld [tilespmem:s8+$0x4160];
	[tilespmem:s9+$0x10120] =	vst v12;
	(erf) = vrcp.f32 v16;
	v12 =	vmul.f32 v9, v8;
	v8 =	vpop (erf);
	v9 =	vmov v2  }
0x5e3: {  	v2 =	vmovc v7;
	v18 =	vld [tilespmem:s8+$0x4100];
	(erf) = vrcp.f32 v15;
	[tilespmem:s13+$0x10140] =	vst v11;
	v11 =	vmul.f32 v8, v6;
	v8 =	vmovc v0;
	v0 =	vmov v19  }
.Ltmp20:
0x5e4: {  	v6 =	vmov v1;
	v1 =	vmov v21;
	v13 =	vld [tilespmem:s8+$0x4110];
	v23 =	vmul.f32 $-1.442695020e+00, v3;
	[tilespmem:s13+$0x10150] =	vst v12;
	(pc) =	sbr.rel @p0 .LBB2_41-.Ltmp20, $4  }
0x5e5: {  	v12 =	vld [tilespmem:s8+$0x4120];
	v19 =	vmul.f32 $-1.442695020e+00, v22;
	v15 =	vpop (erf);
	[tilespmem:s13+$0x10160] =	vst v11;
	v7 =	vmov v22;
	s13 =	smov.u32 s12;
	s12 =	smov.u32 s9;
	s9 =	smov.u32 s8  }
0x5e6: {  	v11 =	vld [tilespmem:s9+$0x4130];
	v16 =	vmul.f32 $-1.442695020e+00, v5;
	(erf) = vpow2.f32 v23;
	[tilespmem:s12+$0x10130] =	vst v17;
	v17 =	vadd.f32 $1.000000000e+00, v15;
	v14 =	vpop (erf)  }
0x5e7: {  	v15 =	vmul.f32 $-1.442695020e+00, v10;
	(erf) = vpow2.f32 v19;
	v14 =	vadd.f32 $1.000000000e+00, v14;
	v21 =	vpop (erf)  }
0x5e8: {  	s8 =	sshra.s32 s14, $0x2;
	s14 =	sadd.s32 $0x800, s14;
	v19 =	vmax.f32 v18, $0.0e+00;
	v18 =	vpop (erf);
	(erf) = vrcp.f32 v17;
	v17 =	vmul.f32 v21, v20  }
0x5e9: {  	v20 =	vld [tilespmem:s8+$0x4170];
	[tilespmem:s9+$0x10100] =	vst v19  }
0x5ea: {  	(erf) = vpow2.f32 v16;
	v18 =	vadd.f32 $1.000000000e+00, v18;
	v19 =	vld [tilespmem:s8+$0x4140]  }
0x5eb: {  	v13 =	vmax.f32 v13, $0.0e+00;
	v16 =	vpop (erf);
	[tilespmem:s13+$0x10170] =	vst v17;
	(erf) = vpow2.f32 v15  }
0x5ec: {  	v15 =	vpop (erf);
	v17 =	vld [tilespmem:s8+$0x4150];
	[tilespmem:s9+$0x10110] =	vst v13;
	v13 =	vadd.f32 $1.000000000e+00, v16;
	(erf) = vrcp.f32 v14  }
0x5ed: {  	v14 =	vpop (erf);
	(erf) = vrcp.f32 v18  }
0x5ee: {  	v16 =	vld [tilespmem:s8+$0x4160];
	v18 =	vpop (erf);
	(erf) = vrcp.f32 v13  }
0x5ef: {  	v21 =	vmul.f32 $-1.442695020e+00, v20;
	v13 =	vmul.f32 $-1.442695020e+00, v19  }
0x5f0: {  	v22 =	vpop (erf)  }
0x5f1: {  	v9 =	vmul.f32 v15, v9;
	(erf) = vpow2.f32 v21;
	v57 =	vadd.f32 $1.000000000e+00, v22  }
0x5f2: {  	v12 =	vmax.f32 v12, $0.0e+00;
	v58 =	vmul.f32 $-1.442695020e+00, v17;
	(erf) = vpow2.f32 v13  }
0x5f3: {  	v23 =	vmul.f32 $-1.442695020e+00, v16;
	v13 =	vpop (erf);
	(erf) = vrcp.f32 v57  }
0x5f4: {  	v59 =	vpop (erf);
	(erf) = vpow2.f32 v58  }
0x5f5: {  	[tilespmem:s9+$0x10120] =	vst v12;
	v8 =	vmul.f32 v14, v8;
	v12 =	vpop (erf);
	(erf) = vpow2.f32 v23  }
0x5f6: {  	v60 =	vld [tilespmem:s8+$0x4100];
	[tilespmem:s13+$0x10140] =	vst v9;
	v15 =	vpop (erf)  }
0x5f7: {  	v14 =	vld [tilespmem:s8+$0x4110];
	v6 =	vmul.f32 v18, v6;
	[tilespmem:s13+$0x10150] =	vst v8;
	v8 =	vadd.f32 $1.000000000e+00, v13;
	v9 =	vpop (erf)  }
0x5f8: {  	v61 =	vpop (erf)  }
0x5f9: {  	v18 =	vld [tilespmem:s8+$0x4120];
	[tilespmem:s13+$0x10160] =	vst v6;
	v6 =	vmax.f32 v11, $0.0e+00;
	v11 =	vadd.f32 $1.000000000e+00, v15;
	v13 =	vpop (erf)  }
0x5fa: {  	v12 =	vadd.f32 $1.000000000e+00, v12;
	v24 =	vpop (erf)  }
0x5fb: {  	(erf) = vrcp.f32 v8;
	v8 =	vpop (erf)  }
0x5fc: {  	v4 =	vmul.f32 v59, v4;
	(erf) = vrcp.f32 v12;
	v12 =	vadd.f32 $1.000000000e+00, v24;
	v62 =	vpop (erf)  }
0x5fd: {  	v15 =	vld [tilespmem:s8+$0x4130];
	[tilespmem:s9+$0x10130] =	vst v6;
	v6 =	vmax.f32 v60, $0.0e+00;
	(erf) = vrcp.f32 v11;
	v8 =	vadd.f32 $1.000000000e+00, v8;
	v11 =	vpop (erf)  }
0x5fe: {  	[tilespmem:s8+$0x10100] =	vst v6;
	(erf) = vrcp.f32 v12;
	v6 =	vadd.f32 $1.000000000e+00, v11;
	v11 =	vpop (erf)  }
0x5ff: {  	[tilespmem:s12+$0x10170] =	vst v4;
	v12 =	vmax.f32 v14, $0.0e+00;
	(erf) = vrcp.f32 v8;
	v4 =	vadd.f32 $1.000000000e+00, v11  }
0x600: {  	v2 =	vmul.f32 v9, v2;
	v8 =	vmax.f32 v18, $0.0e+00;
	[tilespmem:s8+$0x10110] =	vst v12;
	(erf) = vrcp.f32 v6  }
0x601: {  	v0 =	vmul.f32 v61, v0;
	[tilespmem:s8+$0x10120] =	vst v8;
	(erf) = vrcp.f32 v4  }
0x602: {  	v1 =	vmul.f32 v13, v1;
	[tilespmem:s12+$0x10140] =	vst v2  }
0x603: {  	[tilespmem:s12+$0x10150] =	vst v0  }
0x604: {  	v0 =	vmax.f32 v15, $0.0e+00;
	[tilespmem:s12+$0x10160] =	vst v1;
	v1 =	vmul.f32 v62, v3;
	v2 =	vpop (erf)  }
0x605: {  	[tilespmem:s8+$0x10130] =	vst v0;
	v0 =	vmul.f32 v2, v7;
	v2 =	vpop (erf)  }
0x606: {  	[tilespmem:s9+$0x10170] =	vst v1;
	v1 =	vmul.f32 v2, v5;
	v2 =	vpop (erf)  }
0x607: {  	[tilespmem:s9+$0x10140] =	vst v0;
	v0 =	vmul.f32 v2, v10;
	v2 =	vpop (erf)  }
0x608: {  	[tilespmem:s9+$0x10150] =	vst v1;
	v1 =	vmul.f32 v2, v20;
	v2 =	vpop (erf)  }
0x609: {  	[tilespmem:s9+$0x10160] =	vst v0;
	v0 =	vmul.f32 v2, v19;
	v2 =	vpop (erf)  }
0x60a: {  	[tilespmem:s8+$0x10170] =	vst v1;
	v1 =	vmul.f32 v2, v17;
	v2 =	vpop (erf)  }
0x60b: {  	[tilespmem:s8+$0x10140] =	vst v0;
	v0 =	vmul.f32 v2, v16  }
0x60c: {  	[tilespmem:s8+$0x10150] =	vst v1  }
0x60d: {  	[tilespmem:s8+$0x10160] =	vst v0  }
0x60e: {  	v17 =	vld [tilespmem:s7+$0x41F0]  }
0x60f: {  	v10 =	vld [tilespmem:s7+$0x41C0]  }
0x610: {  	v0 =	vld [tilespmem:s7+$0x4180]  }
0x611: {  	v8 =	vld [tilespmem:s7+$0x41D0]  }
0x612: {  	v1 =	vld [tilespmem:s7+$0x4190]  }
0x613: {  	v3 =	vld [tilespmem:s7+$0x41A0];
	v2 =	vmul.f32 $-1.442695020e+00, v17  }
0x614: {  	v6 =	vld [tilespmem:s7+$0x41E0]  }
0x615: {  	v5 =	vld [tilespmem:s7+$0x41B0];
	v0 =	vmax.f32 v0, $0.0e+00;
	(erf) = vpow2.f32 v2  }
0x616: {  	v4 =	vld [tilespmem:s0+$0x41F0];
	[tilespmem:s7+$0x10180] =	vst v0  }
0x617: {  	v1 =	vmax.f32 v1, $0.0e+00;
	v7 =	vmul.f32 $-1.442695020e+00, v10;
	v2 =	vld [tilespmem:s0+$0x41C0]  }
0x618: {  	v3 =	vmax.f32 v3, $0.0e+00;
	v9 =	vmul.f32 $-1.442695020e+00, v8;
	v0 =	vld [tilespmem:s0+$0x41D0];
	[tilespmem:s7+$0x10190] =	vst v1  }
0x619: {  	v1 =	vld [tilespmem:s0+$0x41E0];
	[tilespmem:s7+$0x101A0] =	vst v3;
	v3 =	vmul.f32 $-1.442695020e+00, v6;
	(erf) = vpow2.f32 v7  }
0x61a: {  	(erf) = vpow2.f32 v9  }
0x61b: {  	v7 =	vld [tilespmem:s0+$0x4180];
	(erf) = vpow2.f32 v3;
	_ =	sdelay $0x1  }
0x61c: {  	v3 =	vmax.f32 v5, $0.0e+00;
	v5 =	vmul.f32 $-1.442695020e+00, v4  }
0x61d: {  	v9 =	vld [tilespmem:s0+$0x4190];
	v13 =	vmul.f32 $-1.442695020e+00, v2;
	v14 =	vpop (erf)  }
0x61e: {  	v11 =	vld [tilespmem:s0+$0x41A0];
	(erf) = vpow2.f32 v5;
	v5 =	vadd.f32 $1.000000000e+00, v14  }
0x61f: {  	v12 =	vld [tilespmem:s0+$0x41B0];
	[tilespmem:s7+$0x101B0] =	vst v3;
	v7 =	vmax.f32 v7, $0.0e+00;
	(erf) = vpow2.f32 v13;
	v14 =	vmul.f32 $-1.442695020e+00, v0  }
0x620: {  	v3 =	vld [tilespmem:s1+$0x41F0];
	[tilespmem:s0+$0x10180] =	vst v7;
	(erf) = vrcp.f32 v5  }
0x621: {  	v7 =	vld [tilespmem:s1+$0x41C0];
	v13 =	vpop (erf);
	(erf) = vpow2.f32 v14;
	v14 =	vmul.f32 $-1.442695020e+00, v1  }
0x622: {  	v9 =	vmax.f32 v9, $0.0e+00;
	v15 =	vpop (erf)  }
0x623: {  	v11 =	vmax.f32 v11, $0.0e+00;
	v13 =	vadd.f32 $1.000000000e+00, v13;
	v5 =	vld [tilespmem:s1+$0x41D0];
	[tilespmem:s0+$0x10190] =	vst v9;
	v16 =	vpop (erf);
	(erf) = vpow2.f32 v14  }
0x624: {  	v15 =	vadd.f32 $1.000000000e+00, v15;
	v9 =	vld [tilespmem:s1+$0x41E0];
	[tilespmem:s0+$0x101A0] =	vst v11;
	v11 =	vadd.f32 $1.000000000e+00, v16  }
0x625: {  	v18 =	vld [tilespmem:s1+$0x4180];
	v14 =	vmul.f32 $-1.442695020e+00, v3;
	(erf) = vrcp.f32 v13  }
0x626: {  	v20 =	vmul.f32 $-1.442695020e+00, v7;
	(erf) = vrcp.f32 v15  }
0x627: {  	(erf) = vrcp.f32 v11  }
0x628: {  	v19 =	vmax.f32 v12, $0.0e+00;
	v13 =	vld [tilespmem:s1+$0x4190];
	v11 =	vpop (erf)  }
0x629: {  	v12 =	vld [tilespmem:s1+$0x41A0];
	v16 =	vmul.f32 $-1.442695020e+00, v5;
	(erf) = vpow2.f32 v14;
	v63 =	vadd.f32 $1.000000000e+00, v11;
	v14 =	vpop (erf)  }
0x62a: {  	v15 =	vmul.f32 $-1.442695020e+00, v9;
	v11 =	vld [tilespmem:s1+$0x41B0];
	[tilespmem:s0+$0x101B0] =	vst v19;
	v19 =	vmax.f32 v18, $0.0e+00;
	(erf) = vpow2.f32 v20;
	v20 =	vpop (erf)  }
0x62b: {  	s9 =	simm.s32 $0x2000;
	s8 =	simm.s32 $0x600;
	v14 =	vadd.f32 $1.000000000e+00, v14;
	(erf) = vrcp.f32 v63;
	v18 =	vpop (erf);
	v17 =	vmul.f32 v20, v17  }
.LBB2_43:
0x62c: {  	(erf) = vpow2.f32 v16;
	v16 =	vadd.f32 $1.000000000e+00, v18;
	v18 =	vpop (erf)  }
0x62d: {  	p0 =	sne.s32 s9, $0xF800;
	[tilespmem:s1+$0x10180] =	vst v19;
	v13 =	vmax.f32 v13, $0.0e+00;
	v20 =	vmovc v4;
	v4 =	vmovc v3;
	v3 =	vld [tilespmem:s8+$0x41F0];
	v19 =	vmov v5;
	v21 =	vmov v9  }
0x62e: {  	v22 =	vld [tilespmem:s8+$0x41C0];
	v12 =	vmax.f32 v12, $0.0e+00;
	(erf) = vpow2.f32 v15;
	v15 =	vadd.f32 $1.000000000e+00, v18;
	[tilespmem:s7+$0x101F0] =	vst v17;
	v9 =	vpop (erf)  }
0x62f: {  	v5 =	vld [tilespmem:s8+$0x41D0];
	[tilespmem:s1+$0x10190] =	vst v13;
	v17 =	vmax.f32 v11, $0.0e+00;
	(erf) = vrcp.f32 v14;
	v11 =	vmul.f32 v9, v10;
	v10 =	vpop (erf)  }
0x630: {  	v9 =	vld [tilespmem:s8+$0x41E0];
	[tilespmem:s1+$0x101A0] =	vst v12;
	(erf) = vrcp.f32 v16;
	v12 =	vmul.f32 v10, v8;
	v8 =	vpop (erf);
	v10 =	vmov v2  }
0x631: {  	v2 =	vmovc v7;
	v18 =	vld [tilespmem:s8+$0x4180];
	(erf) = vrcp.f32 v15;
	[tilespmem:s7+$0x101C0] =	vst v11;
	v11 =	vmul.f32 v8, v6;
	v8 =	vmovc v0;
	v0 =	vmov v19  }
.Ltmp21:
0x632: {  	v6 =	vmov v1;
	v1 =	vmov v21;
	v13 =	vld [tilespmem:s8+$0x4190];
	v23 =	vmul.f32 $-1.442695020e+00, v3;
	[tilespmem:s7+$0x101D0] =	vst v12;
	(pc) =	sbr.rel @p0 .LBB2_43-.Ltmp21, $4  }
0x633: {  	v12 =	vld [tilespmem:s8+$0x41A0];
	v19 =	vmul.f32 $-1.442695020e+00, v22;
	v15 =	vpop (erf);
	[tilespmem:s7+$0x101E0] =	vst v11;
	v7 =	vmov v22;
	s7 =	smov.u32 s0;
	s0 =	smov.u32 s1;
	s1 =	smov.u32 s8  }
0x634: {  	v11 =	vld [tilespmem:s1+$0x41B0];
	v16 =	vmul.f32 $-1.442695020e+00, v5;
	(erf) = vpow2.f32 v23;
	[tilespmem:s0+$0x101B0] =	vst v17;
	v17 =	vadd.f32 $1.000000000e+00, v15;
	v14 =	vpop (erf)  }
0x635: {  	v15 =	vmul.f32 $-1.442695020e+00, v9;
	(erf) = vpow2.f32 v19;
	v14 =	vadd.f32 $1.000000000e+00, v14;
	v21 =	vpop (erf)  }
0x636: {  	s8 =	sshra.s32 s9, $0x2;
	s9 =	sadd.s32 $0x800, s9;
	v19 =	vmax.f32 v18, $0.0e+00;
	v18 =	vpop (erf);
	(erf) = vrcp.f32 v17;
	v17 =	vmul.f32 v21, v20  }
0x637: {  	v20 =	vld [tilespmem:s8+$0x41F0];
	[tilespmem:s1+$0x10180] =	vst v19  }
0x638: {  	v19 =	vld [tilespmem:s8+$0x41C0]  }
0x639: {  	v13 =	vmax.f32 v13, $0.0e+00;
	(erf) = vpow2.f32 v16;
	v52 =	vpop (erf);
	[tilespmem:s7+$0x101F0] =	vst v17  }
0x63a: {  	v18 =	vadd.f32 $1.000000000e+00, v18;
	(erf) = vpow2.f32 v15;
	v53 =	vpop (erf);
	v17 =	vld [tilespmem:s8+$0x41D0];
	[tilespmem:s1+$0x10190] =	vst v13  }
0x63b: {  	v54 =	vadd.f32 $1.000000000e+00, v52;
	(erf) = vrcp.f32 v14;
	v55 =	vpop (erf);
	v16 =	vld [tilespmem:s8+$0x41E0]  }
0x63c: {  	(erf) = vrcp.f32 v18;
	v56 =	vpop (erf);
	v21 =	vmul.f32 $-1.442695020e+00, v20  }
0x63d: {  	(erf) = vrcp.f32 v54;
	v57 =	vmul.f32 $-1.442695020e+00, v19;
	v22 =	vpop (erf)  }
0x63e: {  	(erf) = vpow2.f32 v21;
	v58 =	vadd.f32 $1.000000000e+00, v22  }
0x63f: {  	v59 =	vmul.f32 $-1.442695020e+00, v17;
	(erf) = vpow2.f32 v57  }
0x640: {  	v60 =	vpop (erf);
	v23 =	vmul.f32 $-1.442695020e+00, v16;
	(erf) = vrcp.f32 v58  }
0x641: {  	v61 =	vpop (erf);
	(erf) = vpow2.f32 v59  }
0x642: {  	v62 =	vpop (erf);
	(erf) = vpow2.f32 v23  }
0x643: {  	v12 =	vmax.f32 v12, $0.0e+00;
	v63 =	vpop (erf)  }
0x644: {  	v10 =	vmul.f32 v53, v10;
	[tilespmem:s1+$0x101A0] =	vst v12;
	v29 =	vpop (erf)  }
0x645: {  	v8 =	vmul.f32 v55, v8;
	v28 =	vld [tilespmem:s8+$0x4180];
	v31 =	vpop (erf)  }
0x646: {  	[tilespmem:s7+$0x101C0] =	vst v10;
	v32 =	vadd.f32 $1.000000000e+00, v60;
	v33 =	vpop (erf)  }
0x647: {  	v6 =	vmul.f32 v56, v6;
	v30 =	vld [tilespmem:s8+$0x4190];
	[tilespmem:s7+$0x101D0] =	vst v8;
	v12 =	vadd.f32 $1.000000000e+00, v62;
	v24 =	vpop (erf)  }
0x648: {  	v35 =	vmax.f32 v11, $0.0e+00;
	v34 =	vld [tilespmem:s8+$0x41A0];
	v36 =	vadd.f32 $1.000000000e+00, v63;
	(erf) = vrcp.f32 v32;
	v37 =	vpop (erf)  }
0x649: {  	[tilespmem:s7+$0x101E0] =	vst v6;
	v4 =	vmul.f32 v61, v4;
	(erf) = vrcp.f32 v12;
	v39 =	vadd.f32 $1.000000000e+00, v24;
	v40 =	vpop (erf)  }
0x64a: {  	v38 =	vld [tilespmem:s8+$0x41B0];
	[tilespmem:s1+$0x101B0] =	vst v35;
	v41 =	vmax.f32 v28, $0.0e+00;
	(erf) = vrcp.f32 v36;
	v8 =	vadd.f32 $1.000000000e+00, v37;
	v42 =	vpop (erf)  }
0x64b: {  	[tilespmem:s8+$0x10180] =	vst v41;
	(erf) = vrcp.f32 v39;
	v43 =	vadd.f32 $1.000000000e+00, v42;
	v44 =	vpop (erf)  }
0x64c: {  	v45 =	vmax.f32 v30, $0.0e+00;
	[tilespmem:s0+$0x101F0] =	vst v4;
	(erf) = vrcp.f32 v8;
	v46 =	vadd.f32 $1.000000000e+00, v44  }
0x64d: {  	v47 =	vmax.f32 v34, $0.0e+00;
	[tilespmem:s8+$0x10190] =	vst v45;
	v2 =	vmul.f32 v29, v2;
	(erf) = vrcp.f32 v43  }
0x64e: {  	[tilespmem:s8+$0x101A0] =	vst v47;
	v0 =	vmul.f32 v31, v0;
	(erf) = vrcp.f32 v46  }
0x64f: {  	[tilespmem:s0+$0x101C0] =	vst v2;
	v1 =	vmul.f32 v33, v1  }
0x650: {  	[tilespmem:s0+$0x101D0] =	vst v0  }
0x651: {  	v48 =	vmax.f32 v38, $0.0e+00;
	[tilespmem:s0+$0x101E0] =	vst v1;
	v49 =	vmul.f32 v40, v3;
	v50 =	vpop (erf)  }
0x652: {  	[tilespmem:s8+$0x101B0] =	vst v48;
	v51 =	vmul.f32 v50, v7;
	v52 =	vpop (erf)  }
0x653: {  	[tilespmem:s1+$0x101F0] =	vst v49;
	v53 =	vmul.f32 v52, v5;
	v54 =	vpop (erf)  }
0x654: {  	[tilespmem:s1+$0x101C0] =	vst v51;
	v55 =	vmul.f32 v54, v9;
	v56 =	vpop (erf)  }
0x655: {  	[tilespmem:s1+$0x101D0] =	vst v53;
	v57 =	vmul.f32 v56, v20;
	v58 =	vpop (erf)  }
0x656: {  	[tilespmem:s1+$0x101E0] =	vst v55;
	v59 =	vmul.f32 v58, v19;
	v60 =	vpop (erf)  }
0x657: {  	[tilespmem:s8+$0x101F0] =	vst v57;
	v61 =	vmul.f32 v60, v17;
	v62 =	vpop (erf)  }
0x658: {  	[tilespmem:s8+$0x101C0] =	vst v59;
	v63 =	vmul.f32 v62, v16  }
0x659: {  	[tilespmem:s8+$0x101D0] =	vst v61  }
0x65a: {  	s28 =	rddreg [dreg:$0x7];
	s29 =	simm.s32 $0x6;
	[tilespmem:s8+$0x101E0] =	vst v63  }
0x65b: {  	[hbm4b:s28+s15] =	stream.strided.scatter [tilespmem:s22], [sflag:$0x5], $0x4000, s16, s15, $0x38;
	[tilespmem:$0x18000] =	vst v63  }
0x65c: {  	_ =	swait.ge [sflag:s29], $0x4000  }
0x65d: {  	[sflag:s29] =	ssyncset.done $0x0  }
0x65e: {  	[sflag:s29] =	ssyncadd.s32 $0xFFFFC000  }
0x65f: {  	_ =	swait.ge [sflag:s18], $0x4000  }
0x660: {  	[sflag:s18] =	ssyncset.done $0x0  }
0x661: {  	[sflag:s18] =	ssyncadd.s32 $0xFFFFC000  }
0x662: {  	_ =	swait.ge [sflag:s25], $0x4000  }
0x663: {  	s30 =	rddreg [dreg:$0x9]  }
0x664: {  	s31 =	rddreg [dreg:$0x8];
	s1 =	sadd.s32 $0x1, s30  }
0x665: {  	p0 =	sne.s32 s1, s31  }
.Ltmp22:
0x666: {  	_ = 	snop;
	(pc) =	sbr.rel @p0 .LBB2_1-.Ltmp22, $3  }
0x667: {  	_ =	sdelay $0x1  }
0x668: {  	[sflag:s25] =	ssyncset.done $0x0  }
0x669: {  	[sflag:s25] =	ssyncadd.s32 $0xFFFFC000  }
0x66a: {  	_ =	sfence.sel $0x180000  }
0x66b: {  	[bflag:$0x0] =	sbarrier.arrive $0xFFFF  }
0x66c: {  	_ =	strace $0x90000047  }
0x66d: {  	s0 =	stileid.u32;
	[bflag:$0x2] =	sbarrier.arrive $0xFFFF  }
0x66e: {  	p0 =	sne.s32 s0, $0x0;
	s0 =	rddreg [dreg:$0x2]  }
0x66f: {  	s0 =	sadd.s32 @!p0 $0x100000, s0  }
0x670: {  	[sflag:s0] =	ssyncadd.tile.s32 @!p0 $0x1;
	_ =	shalt  }
.Lfunc_end2:
_tile_overlayer_lowered:
.L_overlay_start_2:
0x671: {  	(tag) =	ssettag $0x2  }
0x672: {  	s0 =	rddreg [dreg:$0x0];
	s2 =	stileid.u32  }
0x673: {  	s1 =	rddreg [dreg:$0x1];
	p0 =	sne.s32 s2, $0x0  }
0x674: {  	s3 =	rddreg [dreg:$0x2];
	[bflag:$0x3] =	sbarrier.arrive $0xFFFF;
	s2 =	simm.s32 @!p0 $0x1C07  }
0x675: {  	[timem:s3], [sflag:s2] =	dma.local @!p0 [hbm:s0], s1  }
0x676: {  	s0 =	simm.s32 @!p0 $0x7  }
0x677: {  	_ =	swait.ge @!p0 [sflag:s0], s1  }
0x678: {  	s1 =	ssub.s32 @!p0 $0x0, s1;
	[sflag:s0] =	ssyncset.done @!p0 $0x0  }
0x679: {  	[sflag:s0] =	ssyncadd.s32 @!p0 s1  }
0x67a: {  	[bflag:$0x3] =	sbarrier.arrive $0xFFFF  }
0x67b: {  	_ =	shalt  }

</sc_bundles>
